<compile_context>
chip_gen: v7x
topology: tpu7x:2x2x1
jax: 0.10.2.dev20260603
libtpu: 0.0.44.dev20260713+nightly
codegen_flags: <defaults>
</compile_context>

<pallas_src>
import jax
import jax.numpy as jnp
from jax import lax
from jax.experimental import pallas as pl
from jax.experimental.pallas import tpu as pltpu
from jax.experimental.pallas import tpu_sc as plsc

D = 128
K = 100000
NC, NS, L = 2, 16, 16
NW = NC * NS
NQ = D // L
GROUPS = K // L
G_PER_W = GROUPS // NW
ROWS_PER_W = G_PER_W * L
BLK_G = 15
NBLK = G_PER_W // BLK_G
BLK_ROWS = BLK_G * L
BLK_WORDS = BLK_ROWS * D
GRP_WORDS = L * D
TAIL_W = GROUPS - G_PER_W * NW
TAIL_BASE = NW * ROWS_PER_W


def _worker_id():
    return lax.axis_index("s") * NC + lax.axis_index("c")


def _rsqrt_near_one(x):
    y = 1.5 - 0.5 * x
    return y * (1.5 - 0.5 * x * y * y)


def _combine(a, b, s, iota):
    m = (iota & s) != 0
    x = jnp.where(m, b, a)
    y = jnp.where(m, a, b)
    y = y.at[iota ^ s].get(mode="promise_in_bounds", unique_indices=False)
    return x + y


def _group_sims(cbuf, zc, base):
    iota = lax.iota(jnp.int32, L)
    pend = {}
    for r in range(L):
        ro = base + r * D
        c = cbuf[pl.ds(ro, L)]
        acc = c * zc[0]
        for q in range(1, NQ):
            c = cbuf[pl.ds(ro + q * L, L)]
            acc = acc + c * zc[q]
        node = acc
        s = 1
        while s in pend:
            node = _combine(pend.pop(s), node, s, iota)
            s *= 2
        pend[s] = node
    return pend[L]


def _update_best(best_s, best_i, sim, row_start):
    gidx = jnp.full((L,), row_start, jnp.int32) + lax.iota(jnp.int32, L)
    upd = sim > best_s
    return jnp.where(upd, sim, best_s), jnp.where(upd, gidx, best_i)


def _scan_body(z_hbm, c_hbm, sims_hbm, idxs_hbm,
               z_v, buf0, buf1, tailbuf, bs_v, bi_v, sem0, sem1, semt):
    wid = _worker_id()
    row0 = wid * ROWS_PER_W
    word0 = row0 * D

    pltpu.sync_copy(z_hbm, z_v)
    zc = [z_v[pl.ds(q * L, L)] for q in range(NQ)]

    tail_desc = pltpu.make_async_copy(
        c_hbm.at[pl.ds((TAIL_BASE + wid * L) * D, GRP_WORDS)], tailbuf, semt)

    @pl.when(wid < TAIL_W)
    def _start_tail():
        tail_desc.start()

    pltpu.async_copy(c_hbm.at[pl.ds(word0, BLK_WORDS)], buf0, sem0)

    bs_v[...] = jnp.full((L,), -3.0, jnp.float32)
    bi_v[...] = jnp.zeros((L,), jnp.int32)

    def compute_block(cbuf, blk_row0):
        def jbody(j, carry):
            bs, bi = carry
            sim = _group_sims(cbuf, zc, j * GRP_WORDS)
            return _update_best(bs, bi, sim, blk_row0 + j * L)

        bs, bi = lax.fori_loop(0, BLK_G, jbody, (bs_v[...], bi_v[...]))
        bs_v[...] = bs
        bi_v[...] = bi

    def bbody(b, carry):
        even = (b % 2) == 0

        @pl.when(even)
        def _even():
            pltpu.make_async_copy(
                c_hbm.at[pl.ds(0, BLK_WORDS)], buf0, sem0).wait()

            @pl.when(b + 1 < NBLK)
            def _():
                pltpu.make_async_copy(
                    c_hbm.at[pl.ds(word0 + (b + 1) * BLK_WORDS, BLK_WORDS)],
                    buf1, sem1).start()

            compute_block(buf0, row0 + b * BLK_ROWS)

        @pl.when(jnp.logical_not(even))
        def _odd():
            pltpu.make_async_copy(
                c_hbm.at[pl.ds(0, BLK_WORDS)], buf1, sem1).wait()

            @pl.when(b + 1 < NBLK)
            def _():
                pltpu.make_async_copy(
                    c_hbm.at[pl.ds(word0 + (b + 1) * BLK_WORDS, BLK_WORDS)],
                    buf0, sem0).start()

            compute_block(buf1, row0 + b * BLK_ROWS)

        return carry

    lax.fori_loop(0, NBLK, bbody, 0)

    @pl.when(wid < TAIL_W)
    def _finish_tail():
        tail_desc.wait()
        sim = _group_sims(tailbuf, zc, 0)
        bs, bi = _update_best(bs_v[...], bi_v[...], sim,
                              TAIL_BASE + wid * L)
        bs_v[...] = bs
        bi_v[...] = bi

    pltpu.sync_copy(bs_v, sims_hbm.at[pl.ds(wid * L, L)])
    pltpu.sync_copy(bi_v, idxs_hbm.at[pl.ds(wid * L, L)])


def _merge_body(sims_hbm, idxs_hbm, out_hbm, sv, iv, res_v):
    wid = _worker_id()

    @pl.when(wid == 0)
    def _():
        pltpu.sync_copy(sims_hbm, sv)
        pltpu.sync_copy(idxs_hbm, iv)
        bs = sv[pl.ds(0, L)]
        bi = iv[pl.ds(0, L)]
        for k in range(1, NW):
            s = sv[pl.ds(k * L, L)]
            i = iv[pl.ds(k * L, L)]
            better = (s > bs) | ((s == bs) & (i < bi))
            bs = jnp.where(better, s, bs)
            bi = jnp.where(better, i, bi)
        m = jnp.max(bs)
        cand = jnp.where(bs == jnp.full((L,), m, jnp.float32), bi,
                         jnp.full((L,), jnp.int32(2**31 - 1), jnp.int32))
        res_v[...] = jnp.full((L,), jnp.min(cand), jnp.int32)
        pltpu.sync_copy(res_v, out_hbm)


@jax.jit
def _router(z, centroids):
    cflat = centroids.reshape(-1)
    mesh = plsc.VectorSubcoreMesh(core_axis_name="c", subcore_axis_name="s")
    params = pltpu.CompilerParams(needs_layout_passes=False)
    sims, idxs = pl.kernel(
        _scan_body,
        out_type=[jax.ShapeDtypeStruct((NW * L,), jnp.float32),
                  jax.ShapeDtypeStruct((NW * L,), jnp.int32)],
        mesh=mesh,
        scratch_types=[
            pltpu.VMEM((D,), jnp.float32),
            pltpu.VMEM((BLK_WORDS,), jnp.float32),
            pltpu.VMEM((BLK_WORDS,), jnp.float32),
            pltpu.VMEM((GRP_WORDS,), jnp.float32),
            pltpu.VMEM((L,), jnp.float32),
            pltpu.VMEM((L,), jnp.int32),
            pltpu.SemaphoreType.DMA,
            pltpu.SemaphoreType.DMA,
            pltpu.SemaphoreType.DMA,
        ],
        compiler_params=params,
    )(z, cflat)
    out = pl.kernel(
        _merge_body,
        out_type=jax.ShapeDtypeStruct((L,), jnp.int32),
        mesh=mesh,
        scratch_types=[
            pltpu.VMEM((NW * L,), jnp.float32),
            pltpu.VMEM((NW * L,), jnp.int32),
            pltpu.VMEM((L,), jnp.int32),
        ],
        compiler_params=params,
    )(sims, idxs)
    return out[0]


def kernel(z, centroids):
    return _router(z, centroids)

# --- scband reference (transcript-rebuilt; emitter-appended) ---
"""Pipeline reference for scband-nearest-centroid-router-30279519437305 (READ-ONLY COPY).

The authoritative reference and input builder live on the scoring server;
editing this copy changes nothing except your own understanding.
"""

import jax, jax.numpy as jnp
import numpy as np

EMB_DIM = 128
NUM_CLUSTERS = 100000

def setup_inputs(seed: int = 0) -> dict:
    key = jax.random.key(seed)
    k_z, k_c = jax.random.split(key)
    z = jax.random.normal(k_z, (EMB_DIM,), dtype=jnp.float32)
    raw = jax.random.normal(k_c, (NUM_CLUSTERS, EMB_DIM), dtype=jnp.float32)
    # F.normalize(..., dim=1) with eps=1e-12
    norms = jnp.linalg.norm(raw, axis=1, keepdims=True)
    centroids = raw / jnp.maximum(norms, 1e-12)
    return {"z": z, "centroids": centroids}

def reference(z, centroids):
    # torch.nn.functional.cosine_similarity(z.unsqueeze(0), centroids, dim=1)
    # z: [D] -> broadcast [1, D] against centroids [K, D]
    a = z[None, :]
    dot = jnp.sum(a * centroids, axis=1)
    na = jnp.linalg.norm(a, axis=1)
    nb = jnp.linalg.norm(centroids, axis=1)
    denom = jnp.maximum(na * nb, 1e-8)
    sims = dot / denom
    return jnp.argmax(sims)

if __name__ == "__main__":
    import jax
    _d = setup_inputs()
    print(jax.jit(kernel)(*tuple(_d.values())))

</pallas_src>

<mosaic_0001>
#map = affine_map<(d0, d1) -> (0)>
module attributes {stable_mosaic.version = 14 : i64} {
  func.func @_scan_body(%arg0: i32, %arg1: i32, %arg2: memref<128xf32, #tpu.memory_space<hbm>>, %arg3: memref<12800000xf32, #tpu.memory_space<hbm>>, %arg4: memref<512xf32, #tpu.memory_space<hbm>>, %arg5: memref<512xi32, #tpu.memory_space<hbm>>, %arg6: memref<128xf32, #tpu.memory_space<vmem>>, %arg7: memref<30720xf32, #tpu.memory_space<vmem>>, %arg8: memref<30720xf32, #tpu.memory_space<vmem>>, %arg9: memref<2048xf32, #tpu.memory_space<vmem>>, %arg10: memref<16xf32, #tpu.memory_space<vmem>>, %arg11: memref<16xi32, #tpu.memory_space<vmem>>, %arg12: memref<!tpu.dma_semaphore, #tpu.memory_space<semaphore_mem>>, %arg13: memref<!tpu.dma_semaphore, #tpu.memory_space<semaphore_mem>>, %arg14: memref<!tpu.dma_semaphore, #tpu.memory_space<semaphore_mem>>) attributes {dimension_semantics = [#tpu.dimension_semantics<core_parallel>, #tpu.dimension_semantics<subcore_parallel>], iteration_bounds = array<i64: 2, 16>, scalar_prefetch = 0 : i64, scratch_operands = 9 : i64, tpu.core_type = #tpu.core_type<sc_vector_subcore>, window_params = [{transform_indices = #map}, {transform_indices = #map}, {transform_indices = #map}, {transform_indices = #map}]} {
    %mul3A = arith.constant 2 : i32
    %mul3A_0 = arith.muli %arg1, %mul3A : i32
    %add3A = arith.addi %mul3A_0, %arg0 : i32
    %mul3A_1 = arith.constant 3120 : i32
    %mul3A_2 = arith.muli %add3A, %mul3A_1 : i32
    %mul3A_3 = arith.constant 128 : i32
    %mul3A_4 = arith.muli %mul3A_2, %mul3A_3 : i32
    "tpu.region"() ({
      %run_scoped3A = tpu.sem_alloc : memref<!tpu.dma_semaphore, #tpu.memory_space<semaphore_mem>>
      tpu.enqueue_dma source(%arg2 : memref<128xf32, #tpu.memory_space<hbm>>) target(%arg6 : memref<128xf32, #tpu.memory_space<vmem>>) target_semaphore(%run_scoped3A : memref<!tpu.dma_semaphore, #tpu.memory_space<semaphore_mem>>)
      tpu.wait_dma2 semaphore(%run_scoped3A : memref<!tpu.dma_semaphore, #tpu.memory_space<semaphore_mem>>) src(%arg2 : memref<128xf32, #tpu.memory_space<hbm>>) dst(%arg6 : memref<128xf32, #tpu.memory_space<vmem>>)
      tpu.yield
    }) : () -> ()
    %get3A = arith.constant 0 : index
    %get3A_5 = tpu.vector_load %arg6[%get3A] {strides = array<i32>} : memref<128xf32, #tpu.memory_space<vmem>>, vector<16xf32>,
    %get3A_6 = arith.constant 16 : index
    %get3A_7 = tpu.vector_load %arg6[%get3A_6] {strides = array<i32>} : memref<128xf32, #tpu.memory_space<vmem>>, vector<16xf32>,
    %get3A_8 = arith.constant 32 : index
    %get3A_9 = tpu.vector_load %arg6[%get3A_8] {strides = array<i32>} : memref<128xf32, #tpu.memory_space<vmem>>, vector<16xf32>,
    %get3A_10 = arith.constant 48 : index
    %get3A_11 = tpu.vector_load %arg6[%get3A_10] {strides = array<i32>} : memref<128xf32, #tpu.memory_space<vmem>>, vector<16xf32>,
    %get3A_12 = arith.constant 64 : index
    %get3A_13 = tpu.vector_load %arg6[%get3A_12] {strides = array<i32>} : memref<128xf32, #tpu.memory_space<vmem>>, vector<16xf32>,
    %get3A_14 = arith.constant 80 : index
    %get3A_15 = tpu.vector_load %arg6[%get3A_14] {strides = array<i32>} : memref<128xf32, #tpu.memory_space<vmem>>, vector<16xf32>,
    %get3A_16 = arith.constant 96 : index
    %get3A_17 = tpu.vector_load %arg6[%get3A_16] {strides = array<i32>} : memref<128xf32, #tpu.memory_space<vmem>>, vector<16xf32>,
    %get3A_18 = arith.constant 112 : index
    %get3A_19 = tpu.vector_load %arg6[%get3A_18] {strides = array<i32>} : memref<128xf32, #tpu.memory_space<vmem>>, vector<16xf32>,
    %mul3A_20 = arith.constant 16 : i32
    %mul3A_21 = arith.muli %add3A, %mul3A_20 : i32
    %add3A_22 = arith.constant 99840 : i32
    %add3A_23 = arith.addi %add3A_22, %mul3A_21 : i32
    %mul3A_24 = arith.constant 128 : i32
    %mul3A_25 = arith.muli %add3A_23, %mul3A_24 : i32
    %lt3A = arith.constant 10 : i32
    %lt3A_26 = arith.cmpi slt, %add3A, %lt3A : i32
    %convert_element_type3A = arith.extui %lt3A_26 : i1 to i32
    %cond3A = arith.constant 0 : i32
    %cond3A_27 = arith.cmpi ne, %convert_element_type3A, %cond3A : i32
    scf.if %cond3A_27 {
      %dma_start3A_49 = tpu.memref_slice %arg3[%mul3A_25] : memref<12800000xf32, #tpu.memory_space<hbm>> -> memref<2048xf32, #tpu.memory_space<hbm>>
      %dma_start3A_50 = tpu.memref_slice %arg3[%mul3A_25] : memref<12800000xf32, #tpu.memory_space<hbm>> -> memref<2048xf32, #tpu.memory_space<hbm>>
      tpu.enqueue_dma source(%dma_start3A_50 : memref<2048xf32, #tpu.memory_space<hbm>>) target(%arg9 : memref<2048xf32, #tpu.memory_space<vmem>>) target_semaphore(%arg14 : memref<!tpu.dma_semaphore, #tpu.memory_space<semaphore_mem>>)
    } else {
    }
    %dma_start3A = tpu.memref_slice %arg3[%mul3A_4] : memref<12800000xf32, #tpu.memory_space<hbm>> -> memref<30720xf32, #tpu.memory_space<hbm>>
    %dma_start3A_28 = tpu.memref_slice %arg3[%mul3A_4] : memref<12800000xf32, #tpu.memory_space<hbm>> -> memref<30720xf32, #tpu.memory_space<hbm>>
    tpu.enqueue_dma source(%dma_start3A_28 : memref<30720xf32, #tpu.memory_space<hbm>>) target(%arg7 : memref<30720xf32, #tpu.memory_space<vmem>>) target_semaphore(%arg12 : memref<!tpu.dma_semaphore, #tpu.memory_space<semaphore_mem>>)
    %broadcast_in_dim3A = arith.constant -3.000000e+00 : f32
    %broadcast_in_dim3A_29 = vector.broadcast %broadcast_in_dim3A : f32 to vector<16xf32>
    %swap3A = arith.constant 0 : index
    %swap3A_30 = tpu.vector_load %arg10[%swap3A] {strides = array<i32>} : memref<16xf32, #tpu.memory_space<vmem>>, vector<16xf32>,
    tpu.vector_store %arg10[%swap3A], %broadcast_in_dim3A_29 {strides = array<i32>} : memref<16xf32, #tpu.memory_space<vmem>>, vector<16xf32>,
    %broadcast_in_dim3A_31 = arith.constant 0 : i32
    %broadcast_in_dim3A_32 = vector.broadcast %broadcast_in_dim3A_31 : i32 to vector<16xi32>
    %swap3A_33 = arith.constant 0 : index
    %swap3A_34 = tpu.vector_load %arg11[%swap3A_33] {strides = array<i32>} : memref<16xi32, #tpu.memory_space<vmem>>, vector<16xi32>,
    tpu.vector_store %arg11[%swap3A_33], %broadcast_in_dim3A_32 {strides = array<i32>} : memref<16xi32, #tpu.memory_space<vmem>>, vector<16xi32>,
    %scan3A = arith.constant 0 : i32
    %scan3A_35 = arith.constant 0 : i32
    %scan3A_36 = arith.constant 13 : i32
    %scan3A_37 = arith.addi %scan3A_35, %scan3A_36 : i32
    %scan3A_38 = arith.constant 1 : i32
    scf.for %scan3A_49 = %scan3A_35 to %scan3A_37 step %scan3A_38  : i32 {
      %jit3A = arith.constant 2 : i32
      %eq3A = arith.constant 0 : i32
      %eq3A_50 = arith.cmpi eq, %jit3A, %eq3A : i32
      %jit3A_51 = arith.constant 1 : i32
      %select_n3A = arith.select %eq3A_50, %jit3A_51, %jit3A : i32
      %rem3A = arith.remsi %scan3A_49, %select_n3A : i32
      %ne3A = arith.constant 0 : i32
      %ne3A_52 = arith.cmpi ne, %rem3A, %ne3A : i32
      %lt3A_53 = arith.constant 0 : i32
      %lt3A_54 = arith.cmpi slt, %rem3A, %lt3A_53 : i32
      %lt3A_55 = arith.constant 0 : i32
      %lt3A_56 = arith.cmpi slt, %select_n3A, %lt3A_55 : i32
      %ne3A_57 = arith.xori %lt3A_54, %lt3A_56 : i1
      %and3A = arith.andi %ne3A_57, %ne3A_52 : i1
      %add3A_58 = arith.addi %rem3A, %select_n3A : i32
      %select_n3A_59 = arith.select %and3A, %add3A_58, %rem3A : i32
      %eq3A_60 = arith.constant 0 : i32
      %eq3A_61 = arith.cmpi eq, %select_n3A_59, %eq3A_60 : i32
      %convert_element_type3A_62 = arith.extui %eq3A_61 : i1 to i32
      %cond3A_63 = arith.constant 0 : i32
      %cond3A_64 = arith.cmpi ne, %convert_element_type3A_62, %cond3A_63 : i32
      scf.if %cond3A_64 {
        %dma_wait3A = arith.constant 0 : i32
        %dma_wait3A_69 = tpu.memref_slice %arg3[%dma_wait3A] : memref<12800000xf32, #tpu.memory_space<hbm>> -> memref<30720xf32, #tpu.memory_space<hbm>>
        %dma_wait3A_70 = arith.constant 0 : i32
        %dma_wait3A_71 = tpu.memref_slice %arg3[%dma_wait3A_70] : memref<12800000xf32, #tpu.memory_space<hbm>> -> memref<30720xf32, #tpu.memory_space<hbm>>
        tpu.wait_dma2 semaphore(%arg12 : memref<!tpu.dma_semaphore, #tpu.memory_space<semaphore_mem>>) src(%dma_wait3A_71 : memref<30720xf32, #tpu.memory_space<hbm>>) dst(%arg7 : memref<30720xf32, #tpu.memory_space<vmem>>)
        %add3A_72 = arith.constant 1 : i32
        %add3A_73 = arith.addi %scan3A_49, %add3A_72 : i32
        %lt3A_74 = arith.constant 13 : i32
        %lt3A_75 = arith.cmpi slt, %add3A_73, %lt3A_74 : i32
        %convert_element_type3A_76 = arith.extui %lt3A_75 : i1 to i32
        %cond3A_77 = arith.constant 0 : i32
        %cond3A_78 = arith.cmpi ne, %convert_element_type3A_76, %cond3A_77 : i32
        scf.if %cond3A_78 {
          %add3A_96 = arith.constant 1 : i32
          %add3A_97 = arith.addi %scan3A_49, %add3A_96 : i32
          %mul3A_98 = arith.constant 30720 : i32
          %mul3A_99 = arith.muli %add3A_97, %mul3A_98 : i32
          %add3A_100 = arith.addi %mul3A_4, %mul3A_99 : i32
          %dma_start3A_101 = tpu.memref_slice %arg3[%add3A_100] : memref<12800000xf32, #tpu.memory_space<hbm>> -> memref<30720xf32, #tpu.memory_space<hbm>>
          %dma_start3A_102 = tpu.memref_slice %arg3[%add3A_100] : memref<12800000xf32, #tpu.memory_space<hbm>> -> memref<30720xf32, #tpu.memory_space<hbm>>
          tpu.enqueue_dma source(%dma_start3A_102 : memref<30720xf32, #tpu.memory_space<hbm>>) target(%arg8 : memref<30720xf32, #tpu.memory_space<vmem>>) target_semaphore(%arg13 : memref<!tpu.dma_semaphore, #tpu.memory_space<semaphore_mem>>)
        } else {
        }
        %mul3A_79 = arith.constant 240 : i32
        %mul3A_80 = arith.muli %scan3A_49, %mul3A_79 : i32
        %add3A_81 = arith.addi %mul3A_2, %mul3A_80 : i32
        %get3A_82 = arith.constant 0 : index
        %get3A_83 = tpu.vector_load %arg10[%get3A_82] {strides = array<i32>} : memref<16xf32, #tpu.memory_space<vmem>>, vector<16xf32>,
        %get3A_84 = arith.constant 0 : index
        %get3A_85 = tpu.vector_load %arg11[%get3A_84] {strides = array<i32>} : memref<16xi32, #tpu.memory_space<vmem>>, vector<16xi32>,
        %scan3A_86 = arith.constant 0 : i32
        %scan3A_87 = arith.constant 15 : i32
        %scan3A_88 = arith.addi %scan3A_86, %scan3A_87 : i32
        %scan3A_89 = arith.constant 1 : i32
        %scan3A_90:2 = scf.for %scan3A_96 = %scan3A_86 to %scan3A_88 step %scan3A_89 iter_args(%scan3A_97 = %get3A_83, %scan3A_98 = %get3A_85) -> (vector<16xf32>, vector<16xi32>)  : i32 {
          %mul3A_99 = arith.constant 2048 : i32
          %mul3A_100 = arith.muli %scan3A_96, %mul3A_99 : i32
          %iota3A = tpu.iota {dimensions = array<i32: 0>} : vector<16xi32>
          %add3A_101 = arith.constant 0 : i32
          %add3A_102 = arith.addi %mul3A_100, %add3A_101 : i32
          %get3A_103 = arith.index_cast %add3A_102 : i32 to index
          %get3A_104 = tpu.vector_load %arg7[%get3A_103] {strides = array<i32>} : memref<30720xf32, #tpu.memory_space<vmem>>, vector<16xf32>,
          %mul3A_105 = arith.mulf %get3A_104, %get3A_5 : vector<16xf32>
          %add3A_106 = arith.constant 16 : i32
          %add3A_107 = arith.addi %add3A_102, %add3A_106 : i32
          %get3A_108 = arith.index_cast %add3A_107 : i32 to index
          %get3A_109 = tpu.vector_load %arg7[%get3A_108] {strides = array<i32>} : memref<30720xf32, #tpu.memory_space<vmem>>, vector<16xf32>,
          %mul3A_110 = arith.mulf %get3A_109, %get3A_7 : vector<16xf32>
          %add3A_111 = arith.addf %mul3A_105, %mul3A_110 : vector<16xf32>
          %add3A_112 = arith.constant 32 : i32
          %add3A_113 = arith.addi %add3A_102, %add3A_112 : i32
          %get3A_114 = arith.index_cast %add3A_113 : i32 to index
          %get3A_115 = tpu.vector_load %arg7[%get3A_114] {strides = array<i32>} : memref<30720xf32, #tpu.memory_space<vmem>>, vector<16xf32>,
          %mul3A_116 = arith.mulf %get3A_115, %get3A_9 : vector<16xf32>
          %add3A_117 = arith.addf %add3A_111, %mul3A_116 : vector<16xf32>
          %add3A_118 = arith.constant 48 : i32
          %add3A_119 = arith.addi %add3A_102, %add3A_118 : i32
          %get3A_120 = arith.index_cast %add3A_119 : i32 to index
          %get3A_121 = tpu.vector_load %arg7[%get3A_120] {strides = array<i32>} : memref<30720xf32, #tpu.memory_space<vmem>>, vector<16xf32>,
          %mul3A_122 = arith.mulf %get3A_121, %get3A_11 : vector<16xf32>
          %add3A_123 = arith.addf %add3A_117, %mul3A_122 : vector<16xf32>
          %add3A_124 = arith.constant 64 : i32
          %add3A_125 = arith.addi %add3A_102, %add3A_124 : i32
          %get3A_126 = arith.index_cast %add3A_125 : i32 to index
          %get3A_127 = tpu.vector_load %arg7[%get3A_126] {strides = array<i32>} : memref<30720xf32, #tpu.memory_space<vmem>>, vector<16xf32>,
          %mul3A_128 = arith.mulf %get3A_127, %get3A_13 : vector<16xf32>
          %add3A_129 = arith.addf %add3A_123, %mul3A_128 : vector<16xf32>
          %add3A_130 = arith.constant 80 : i32
          %add3A_131 = arith.addi %add3A_102, %add3A_130 : i32
          %get3A_132 = arith.index_cast %add3A_131 : i32 to index
          %get3A_133 = tpu.vector_load %arg7[%get3A_132] {strides = array<i32>} : memref<30720xf32, #tpu.memory_space<vmem>>, vector<16xf32>,
          %mul3A_134 = arith.mulf %get3A_133, %get3A_15 : vector<16xf32>
          %add3A_135 = arith.addf %add3A_129, %mul3A_134 : vector<16xf32>
          %add3A_136 = arith.constant 96 : i32
          %add3A_137 = arith.addi %add3A_102, %add3A_136 : i32
          %get3A_138 = arith.index_cast %add3A_137 : i32 to index
          %get3A_139 = tpu.vector_load %arg7[%get3A_138] {strides = array<i32>} : memref<30720xf32, #tpu.memory_space<vmem>>, vector<16xf32>,
          %mul3A_140 = arith.mulf %get3A_139, %get3A_17 : vector<16xf32>
          %add3A_141 = arith.addf %add3A_135, %mul3A_140 : vector<16xf32>
          %add3A_142 = arith.constant 112 : i32
          %add3A_143 = arith.addi %add3A_102, %add3A_142 : i32
          %get3A_144 = arith.index_cast %add3A_143 : i32 to index
          %get3A_145 = tpu.vector_load %arg7[%get3A_144] {strides = array<i32>} : memref<30720xf32, #tpu.memory_space<vmem>>, vector<16xf32>,
          %mul3A_146 = arith.mulf %get3A_145, %get3A_19 : vector<16xf32>
          %add3A_147 = arith.addf %add3A_141, %mul3A_146 : vector<16xf32>
          %add3A_148 = arith.constant 128 : i32
          %add3A_149 = arith.addi %mul3A_100, %add3A_148 : i32
          %get3A_150 = arith.index_cast %add3A_149 : i32 to index
          %get3A_151 = tpu.vector_load %arg7[%get3A_150] {strides = array<i32>} : memref<30720xf32, #tpu.memory_space<vmem>>, vector<16xf32>,
          %mul3A_152 = arith.mulf %get3A_151, %get3A_5 : vector<16xf32>
          %add3A_153 = arith.constant 16 : i32
          %add3A_154 = arith.addi %add3A_149, %add3A_153 : i32
          %get3A_155 = arith.index_cast %add3A_154 : i32 to index
          %get3A_156 = tpu.vector_load %arg7[%get3A_155] {strides = array<i32>} : memref<30720xf32, #tpu.memory_space<vmem>>, vector<16xf32>,
          %mul3A_157 = arith.mulf %get3A_156, %get3A_7 : vector<16xf32>
          %add3A_158 = arith.addf %mul3A_152, %mul3A_157 : vector<16xf32>
          %add3A_159 = arith.constant 32 : i32
          %add3A_160 = arith.addi %add3A_149, %add3A_159 : i32
          %get3A_161 = arith.index_cast %add3A_160 : i32 to index
          %get3A_162 = tpu.vector_load %arg7[%get3A_161] {strides = array<i32>} : memref<30720xf32, #tpu.memory_space<vmem>>, vector<16xf32>,
          %mul3A_163 = arith.mulf %get3A_162, %get3A_9 : vector<16xf32>
          %add3A_164 = arith.addf %add3A_158, %mul3A_163 : vector<16xf32>
          %add3A_165 = arith.constant 48 : i32
          %add3A_166 = arith.addi %add3A_149, %add3A_165 : i32
          %get3A_167 = arith.index_cast %add3A_166 : i32 to index
          %get3A_168 = tpu.vector_load %arg7[%get3A_167] {strides = array<i32>} : memref<30720xf32, #tpu.memory_space<vmem>>, vector<16xf32>,
          %mul3A_169 = arith.mulf %get3A_168, %get3A_11 : vector<16xf32>
          %add3A_170 = arith.addf %add3A_164, %mul3A_169 : vector<16xf32>
          %add3A_171 = arith.constant 64 : i32
          %add3A_172 = arith.addi %add3A_149, %add3A_171 : i32
          %get3A_173 = arith.index_cast %add3A_172 : i32 to index
          %get3A_174 = tpu.vector_load %arg7[%get3A_173] {strides = array<i32>} : memref<30720xf32, #tpu.memory_space<vmem>>, vector<16xf32>,
          %mul3A_175 = arith.mulf %get3A_174, %get3A_13 : vector<16xf32>
          %add3A_176 = arith.addf %add3A_170, %mul3A_175 : vector<16xf32>
          %add3A_177 = arith.constant 80 : i32
          %add3A_178 = arith.addi %add3A_149, %add3A_177 : i32
          %get3A_179 = arith.index_cast %add3A_178 : i32 to index
          %get3A_180 = tpu.vector_load %arg7[%get3A_179] {strides = array<i32>} : memref<30720xf32, #tpu.memory_space<vmem>>, vector<16xf32>,
          %mul3A_181 = arith.mulf %get3A_180, %get3A_15 : vector<16xf32>
          %add3A_182 = arith.addf %add3A_176, %mul3A_181 : vector<16xf32>
          %add3A_183 = arith.constant 96 : i32
          %add3A_184 = arith.addi %add3A_149, %add3A_183 : i32
          %get3A_185 = arith.index_cast %add3A_184 : i32 to index
          %get3A_186 = tpu.vector_load %arg7[%get3A_185] {strides = array<i32>} : memref<30720xf32, #tpu.memory_space<vmem>>, vector<16xf32>,
          %mul3A_187 = arith.mulf %get3A_186, %get3A_17 : vector<16xf32>
          %add3A_188 = arith.addf %add3A_182, %mul3A_187 : vector<16xf32>
          %add3A_189 = arith.constant 112 : i32
          %add3A_190 = arith.addi %add3A_149, %add3A_189 : i32
          %get3A_191 = arith.index_cast %add3A_190 : i32 to index
          %get3A_192 = tpu.vector_load %arg7[%get3A_191] {strides = array<i32>} : memref<30720xf32, #tpu.memory_space<vmem>>, vector<16xf32>,
          %mul3A_193 = arith.mulf %get3A_192, %get3A_19 : vector<16xf32>
          %add3A_194 = arith.addf %add3A_188, %mul3A_193 : vector<16xf32>
          %and3A_195 = arith.constant 1 : i32
          %and3A_196 = vector.broadcast %and3A_195 : i32 to vector<16xi32>
          %and3A_197 = arith.andi %iota3A, %and3A_196 : vector<16xi32>
          %ne3A_198 = arith.constant 0 : i32
          %ne3A_199 = vector.broadcast %ne3A_198 : i32 to vector<16xi32>
          %ne3A_200 = arith.cmpi ne, %and3A_197, %ne3A_199 : vector<16xi32>
          %select_n3A_201 = arith.select %ne3A_200, %add3A_194, %add3A_147 : vector<16xi1>, vector<16xf32>
          %select_n3A_202 = arith.select %ne3A_200, %add3A_147, %add3A_194 : vector<16xi1>, vector<16xf32>
          %xor3A = arith.constant 1 : i32
          %xor3A_203 = vector.broadcast %xor3A : i32 to vector<16xi32>
          %xor3A_204 = arith.xori %iota3A, %xor3A_203 : vector<16xi32>
          %lt3A_205 = arith.constant 0 : i32
          %lt3A_206 = vector.broadcast %lt3A_205 : i32 to vector<16xi32>
          %lt3A_207 = arith.cmpi slt, %xor3A_204, %lt3A_206 : vector<16xi32>
          %add3A_208 = arith.constant 16 : i32
          %add3A_209 = vector.broadcast %add3A_208 : i32 to vector<16xi32>
          %add3A_210 = arith.addi %xor3A_204, %add3A_209 : vector<16xi32>
          %select_n3A_211 = arith.select %lt3A_207, %add3A_210, %xor3A_204 : vector<16xi1>, vector<16xi32>
          %broadcast_in_dim3A_212 = vector.shape_cast %select_n3A_211 : vector<16xi32> to vector<16x1xi32>
          %gather3A = vector.shape_cast %broadcast_in_dim3A_212 : vector<16x1xi32> to vector<16xi32>
          %gather3A_213 = tpu.dynamic_gather %select_n3A_202[%gather3A] in [0] : vector<16xf32>, vector<16xi32> -> vector<16xf32>
          %add3A_214 = arith.addf %select_n3A_201, %gather3A_213 : vector<16xf32>
          %add3A_215 = arith.constant 256 : i32
          %add3A_216 = arith.addi %mul3A_100, %add3A_215 : i32
          %get3A_217 = arith.index_cast %add3A_216 : i32 to index
          %get3A_218 = tpu.vector_load %arg7[%get3A_217] {strides = array<i32>} : memref<30720xf32, #tpu.memory_space<vmem>>, vector<16xf32>,
          %mul3A_219 = arith.mulf %get3A_218, %get3A_5 : vector<16xf32>
          %add3A_220 = arith.constant 16 : i32
          %add3A_221 = arith.addi %add3A_216, %add3A_220 : i32
          %get3A_222 = arith.index_cast %add3A_221 : i32 to index
          %get3A_223 = tpu.vector_load %arg7[%get3A_222] {strides = array<i32>} : memref<30720xf32, #tpu.memory_space<vmem>>, vector<16xf32>,
          %mul3A_224 = arith.mulf %get3A_223, %get3A_7 : vector<16xf32>
          %add3A_225 = arith.addf %mul3A_219, %mul3A_224 : vector<16xf32>
          %add3A_226 = arith.constant 32 : i32
          %add3A_227 = arith.addi %add3A_216, %add3A_226 : i32
          %get3A_228 = arith.index_cast %add3A_227 : i32 to index
          %get3A_229 = tpu.vector_load %arg7[%get3A_228] {strides = array<i32>} : memref<30720xf32, #tpu.memory_space<vmem>>, vector<16xf32>,
          %mul3A_230 = arith.mulf %get3A_229, %get3A_9 : vector<16xf32>
          %add3A_231 = arith.addf %add3A_225, %mul3A_230 : vector<16xf32>
          %add3A_232 = arith.constant 48 : i32
          %add3A_233 = arith.addi %add3A_216, %add3A_232 : i32
          %get3A_234 = arith.index_cast %add3A_233 : i32 to index
          %get3A_235 = tpu.vector_load %arg7[%get3A_234] {strides = array<i32>} : memref<30720xf32, #tpu.memory_space<vmem>>, vector<16xf32>,
          %mul3A_236 = arith.mulf %get3A_235, %get3A_11 : vector<16xf32>
          %add3A_237 = arith.addf %add3A_231, %mul3A_236 : vector<16xf32>
          %add3A_238 = arith.constant 64 : i32
          %add3A_239 = arith.addi %add3A_216, %add3A_238 : i32
          %get3A_240 = arith.index_cast %add3A_239 : i32 to index
          %get3A_241 = tpu.vector_load %arg7[%get3A_240] {strides = array<i32>} : memref<30720xf32, #tpu.memory_space<vmem>>, vector<16xf32>,
          %mul3A_242 = arith.mulf %get3A_241, %get3A_13 : vector<16xf32>
          %add3A_243 = arith.addf %add3A_237, %mul3A_242 : vector<16xf32>
          %add3A_244 = arith.constant 80 : i32
          %add3A_245 = arith.addi %add3A_216, %add3A_244 : i32
          %get3A_246 = arith.index_cast %add3A_245 : i32 to index
          %get3A_247 = tpu.vector_load %arg7[%get3A_246] {strides = array<i32>} : memref<30720xf32, #tpu.memory_space<vmem>>, vector<16xf32>,
          %mul3A_248 = arith.mulf %get3A_247, %get3A_15 : vector<16xf32>
          %add3A_249 = arith.addf %add3A_243, %mul3A_248 : vector<16xf32>
          %add3A_250 = arith.constant 96 : i32
          %add3A_251 = arith.addi %add3A_216, %add3A_250 : i32
          %get3A_252 = arith.index_cast %add3A_251 : i32 to index
          %get3A_253 = tpu.vector_load %arg7[%get3A_252] {strides = array<i32>} : memref<30720xf32, #tpu.memory_space<vmem>>, vector<16xf32>,
          %mul3A_254 = arith.mulf %get3A_253, %get3A_17 : vector<16xf32>
          %add3A_255 = arith.addf %add3A_249, %mul3A_254 : vector<16xf32>
          %add3A_256 = arith.constant 112 : i32
          %add3A_257 = arith.addi %add3A_216, %add3A_256 : i32
          %get3A_258 = arith.index_cast %add3A_257 : i32 to index
          %get3A_259 = tpu.vector_load %arg7[%get3A_258] {strides = array<i32>} : memref<30720xf32, #tpu.memory_space<vmem>>, vector<16xf32>,
          %mul3A_260 = arith.mulf %get3A_259, %get3A_19 : vector<16xf32>
          %add3A_261 = arith.addf %add3A_255, %mul3A_260 : vector<16xf32>
          %add3A_262 = arith.constant 384 : i32
          %add3A_263 = arith.addi %mul3A_100, %add3A_262 : i32
          %get3A_264 = arith.index_cast %add3A_263 : i32 to index
          %get3A_265 = tpu.vector_load %arg7[%get3A_264] {strides = array<i32>} : memref<30720xf32, #tpu.memory_space<vmem>>, vector<16xf32>,
          %mul3A_266 = arith.mulf %get3A_265, %get3A_5 : vector<16xf32>
          %add3A_267 = arith.constant 16 : i32
          %add3A_268 = arith.addi %add3A_263, %add3A_267 : i32
          %get3A_269 = arith.index_cast %add3A_268 : i32 to index
          %get3A_270 = tpu.vector_load %arg7[%get3A_269] {strides = array<i32>} : memref<30720xf32, #tpu.memory_space<vmem>>, vector<16xf32>,
          %mul3A_271 = arith.mulf %get3A_270, %get3A_7 : vector<16xf32>
          %add3A_272 = arith.addf %mul3A_266, %mul3A_271 : vector<16xf32>
          %add3A_273 = arith.constant 32 : i32
          %add3A_274 = arith.addi %add3A_263, %add3A_273 : i32
          %get3A_275 = arith.index_cast %add3A_274 : i32 to index
          %get3A_276 = tpu.vector_load %arg7[%get3A_275] {strides = array<i32>} : memref<30720xf32, #tpu.memory_space<vmem>>, vector<16xf32>,
          %mul3A_277 = arith.mulf %get3A_276, %get3A_9 : vector<16xf32>
          %add3A_278 = arith.addf %add3A_272, %mul3A_277 : vector<16xf32>
          %add3A_279 = arith.constant 48 : i32
          %add3A_280 = arith.addi %add3A_263, %add3A_279 : i32
          %get3A_281 = arith.index_cast %add3A_280 : i32 to index
          %get3A_282 = tpu.vector_load %arg7[%get3A_281] {strides = array<i32>} : memref<30720xf32, #tpu.memory_space<vmem>>, vector<16xf32>,
          %mul3A_283 = arith.mulf %get3A_282, %get3A_11 : vector<16xf32>
          %add3A_284 = arith.addf %add3A_278, %mul3A_283 : vector<16xf32>
          %add3A_285 = arith.constant 64 : i32
          %add3A_286 = arith.addi %add3A_263, %add3A_285 : i32
          %get3A_287 = arith.index_cast %add3A_286 : i32 to index
          %get3A_288 = tpu.vector_load %arg7[%get3A_287] {strides = array<i32>} : memref<30720xf32, #tpu.memory_space<vmem>>, vector<16xf32>,
          %mul3A_289 = arith.mulf %get3A_288, %get3A_13 : vector<16xf32>
          %add3A_290 = arith.addf %add3A_284, %mul3A_289 : vector<16xf32>
          %add3A_291 = arith.constant 80 : i32
          %add3A_292 = arith.addi %add3A_263, %add3A_291 : i32
          %get3A_293 = arith.index_cast %add3A_292 : i32 to index
          %get3A_294 = tpu.vector_load %arg7[%get3A_293] {strides = array<i32>} : memref<30720xf32, #tpu.memory_space<vmem>>, vector<16xf32>,
          %mul3A_295 = arith.mulf %get3A_294, %get3A_15 : vector<16xf32>
          %add3A_296 = arith.addf %add3A_290, %mul3A_295 : vector<16xf32>
          %add3A_297 = arith.constant 96 : i32
          %add3A_298 = arith.addi %add3A_263, %add3A_297 : i32
          %get3A_299 = arith.index_cast %add3A_298 : i32 to index
          %get3A_300 = tpu.vector_load %arg7[%get3A_299] {strides = array<i32>} : memref<30720xf32, #tpu.memory_space<vmem>>, vector<16xf32>,
          %mul3A_301 = arith.mulf %get3A_300, %get3A_17 : vector<16xf32>
          %add3A_302 = arith.addf %add3A_296, %mul3A_301 : vector<16xf32>
          %add3A_303 = arith.constant 112 : i32
          %add3A_304 = arith.addi %add3A_263, %add3A_303 : i32
          %get3A_305 = arith.index_cast %add3A_304 : i32 to index
          %get3A_306 = tpu.vector_load %arg7[%get3A_305] {strides = array<i32>} : memref<30720xf32, #tpu.memory_space<vmem>>, vector<16xf32>,
          %mul3A_307 = arith.mulf %get3A_306, %get3A_19 : vector<16xf32>
          %add3A_308 = arith.addf %add3A_302, %mul3A_307 : vector<16xf32>
          %and3A_309 = arith.constant 1 : i32
          %and3A_310 = vector.broadcast %and3A_309 : i32 to vector<16xi32>
          %and3A_311 = arith.andi %iota3A, %and3A_310 : vector<16xi32>
          %ne3A_312 = arith.constant 0 : i32
          %ne3A_313 = vector.broadcast %ne3A_312 : i32 to vector<16xi32>
          %ne3A_314 = arith.cmpi ne, %and3A_311, %ne3A_313 : vector<16xi32>
          %select_n3A_315 = arith.select %ne3A_314, %add3A_308, %add3A_261 : vector<16xi1>, vector<16xf32>
          %select_n3A_316 = arith.select %ne3A_314, %add3A_261, %add3A_308 : vector<16xi1>, vector<16xf32>
          %xor3A_317 = arith.constant 1 : i32
          %xor3A_318 = vector.broadcast %xor3A_317 : i32 to vector<16xi32>
          %xor3A_319 = arith.xori %iota3A, %xor3A_318 : vector<16xi32>
          %lt3A_320 = arith.constant 0 : i32
          %lt3A_321 = vector.broadcast %lt3A_320 : i32 to vector<16xi32>
          %lt3A_322 = arith.cmpi slt, %xor3A_319, %lt3A_321 : vector<16xi32>
          %add3A_323 = arith.constant 16 : i32
          %add3A_324 = vector.broadcast %add3A_323 : i32 to vector<16xi32>
          %add3A_325 = arith.addi %xor3A_319, %add3A_324 : vector<16xi32>
          %select_n3A_326 = arith.select %lt3A_322, %add3A_325, %xor3A_319 : vector<16xi1>, vector<16xi32>
          %broadcast_in_dim3A_327 = vector.shape_cast %select_n3A_326 : vector<16xi32> to vector<16x1xi32>
          %gather3A_328 = vector.shape_cast %broadcast_in_dim3A_327 : vector<16x1xi32> to vector<16xi32>
          %gather3A_329 = tpu.dynamic_gather %select_n3A_316[%gather3A_328] in [0] : vector<16xf32>, vector<16xi32> -> vector<16xf32>
          %add3A_330 = arith.addf %select_n3A_315, %gather3A_329 : vector<16xf32>
          %and3A_331 = arith.constant 2 : i32
          %and3A_332 = vector.broadcast %and3A_331 : i32 to vector<16xi32>
          %and3A_333 = arith.andi %iota3A, %and3A_332 : vector<16xi32>
          %ne3A_334 = arith.constant 0 : i32
          %ne3A_335 = vector.broadcast %ne3A_334 : i32 to vector<16xi32>
          %ne3A_336 = arith.cmpi ne, %and3A_333, %ne3A_335 : vector<16xi32>
          %select_n3A_337 = arith.select %ne3A_336, %add3A_330, %add3A_214 : vector<16xi1>, vector<16xf32>
          %select_n3A_338 = arith.select %ne3A_336, %add3A_214, %add3A_330 : vector<16xi1>, vector<16xf32>
          %xor3A_339 = arith.constant 2 : i32
          %xor3A_340 = vector.broadcast %xor3A_339 : i32 to vector<16xi32>
          %xor3A_341 = arith.xori %iota3A, %xor3A_340 : vector<16xi32>
          %lt3A_342 = arith.constant 0 : i32
          %lt3A_343 = vector.broadcast %lt3A_342 : i32 to vector<16xi32>
          %lt3A_344 = arith.cmpi slt, %xor3A_341, %lt3A_343 : vector<16xi32>
          %add3A_345 = arith.constant 16 : i32
          %add3A_346 = vector.broadcast %add3A_345 : i32 to vector<16xi32>
          %add3A_347 = arith.addi %xor3A_341, %add3A_346 : vector<16xi32>
          %select_n3A_348 = arith.select %lt3A_344, %add3A_347, %xor3A_341 : vector<16xi1>, vector<16xi32>
          %broadcast_in_dim3A_349 = vector.shape_cast %select_n3A_348 : vector<16xi32> to vector<16x1xi32>
          %gather3A_350 = vector.shape_cast %broadcast_in_dim3A_349 : vector<16x1xi32> to vector<16xi32>
          %gather3A_351 = tpu.dynamic_gather %select_n3A_338[%gather3A_350] in [0] : vector<16xf32>, vector<16xi32> -> vector<16xf32>
          %add3A_352 = arith.addf %select_n3A_337, %gather3A_351 : vector<16xf32>
          %add3A_353 = arith.constant 512 : i32
          %add3A_354 = arith.addi %mul3A_100, %add3A_353 : i32
          %get3A_355 = arith.index_cast %add3A_354 : i32 to index
          %get3A_356 = tpu.vector_load %arg7[%get3A_355] {strides = array<i32>} : memref<30720xf32, #tpu.memory_space<vmem>>, vector<16xf32>,
          %mul3A_357 = arith.mulf %get3A_356, %get3A_5 : vector<16xf32>
          %add3A_358 = arith.constant 16 : i32
          %add3A_359 = arith.addi %add3A_354, %add3A_358 : i32
          %get3A_360 = arith.index_cast %add3A_359 : i32 to index
          %get3A_361 = tpu.vector_load %arg7[%get3A_360] {strides = array<i32>} : memref<30720xf32, #tpu.memory_space<vmem>>, vector<16xf32>,
          %mul3A_362 = arith.mulf %get3A_361, %get3A_7 : vector<16xf32>
          %add3A_363 = arith.addf %mul3A_357, %mul3A_362 : vector<16xf32>
          %add3A_364 = arith.constant 32 : i32
          %add3A_365 = arith.addi %add3A_354, %add3A_364 : i32
          %get3A_366 = arith.index_cast %add3A_365 : i32 to index
          %get3A_367 = tpu.vector_load %arg7[%get3A_366] {strides = array<i32>} : memref<30720xf32, #tpu.memory_space<vmem>>, vector<16xf32>,
          %mul3A_368 = arith.mulf %get3A_367, %get3A_9 : vector<16xf32>
          %add3A_369 = arith.addf %add3A_363, %mul3A_368 : vector<16xf32>
          %add3A_370 = arith.constant 48 : i32
          %add3A_371 = arith.addi %add3A_354, %add3A_370 : i32
          %get3A_372 = arith.index_cast %add3A_371 : i32 to index
          %get3A_373 = tpu.vector_load %arg7[%get3A_372] {strides = array<i32>} : memref<30720xf32, #tpu.memory_space<vmem>>, vector<16xf32>,
          %mul3A_374 = arith.mulf %get3A_373, %get3A_11 : vector<16xf32>
          %add3A_375 = arith.addf %add3A_369, %mul3A_374 : vector<16xf32>
          %add3A_376 = arith.constant 64 : i32
          %add3A_377 = arith.addi %add3A_354, %add3A_376 : i32
          %get3A_378 = arith.index_cast %add3A_377 : i32 to index
          %get3A_379 = tpu.vector_load %arg7[%get3A_378] {strides = array<i32>} : memref<30720xf32, #tpu.memory_space<vmem>>, vector<16xf32>,
          %mul3A_380 = arith.mulf %get3A_379, %get3A_13 : vector<16xf32>
          %add3A_381 = arith.addf %add3A_375, %mul3A_380 : vector<16xf32>
          %add3A_382 = arith.constant 80 : i32
          %add3A_383 = arith.addi %add3A_354, %add3A_382 : i32
          %get3A_384 = arith.index_cast %add3A_383 : i32 to index
          %get3A_385 = tpu.vector_load %arg7[%get3A_384] {strides = array<i32>} : memref<30720xf32, #tpu.memory_space<vmem>>, vector<16xf32>,
          %mul3A_386 = arith.mulf %get3A_385, %get3A_15 : vector<16xf32>
          %add3A_387 = arith.addf %add3A_381, %mul3A_386 : vector<16xf32>
          %add3A_388 = arith.constant 96 : i32
          %add3A_389 = arith.addi %add3A_354, %add3A_388 : i32
          %get3A_390 = arith.index_cast %add3A_389 : i32 to index
          %get3A_391 = tpu.vector_load %arg7[%get3A_390] {strides = array<i32>} : memref<30720xf32, #tpu.memory_space<vmem>>, vector<16xf32>,
          %mul3A_392 = arith.mulf %get3A_391, %get3A_17 : vector<16xf32>
          %add3A_393 = arith.addf %add3A_387, %mul3A_392 : vector<16xf32>
          %add3A_394 = arith.constant 112 : i32
          %add3A_395 = arith.addi %add3A_354, %add3A_394 : i32
          %get3A_396 = arith.index_cast %add3A_395 : i32 to index
          %get3A_397 = tpu.vector_load %arg7[%get3A_396] {strides = array<i32>} : memref<30720xf32, #tpu.memory_space<vmem>>, vector<16xf32>,
          %mul3A_398 = arith.mulf %get3A_397, %get3A_19 : vector<16xf32>
          %add3A_399 = arith.addf %add3A_393, %mul3A_398 : vector<16xf32>
          %add3A_400 = arith.constant 640 : i32
          %add3A_401 = arith.addi %mul3A_100, %add3A_400 : i32
          %get3A_402 = arith.index_cast %add3A_401 : i32 to index
          %get3A_403 = tpu.vector_load %arg7[%get3A_402] {strides = array<i32>} : memref<30720xf32, #tpu.memory_space<vmem>>, vector<16xf32>,
          %mul3A_404 = arith.mulf %get3A_403, %get3A_5 : vector<16xf32>
          %add3A_405 = arith.constant 16 : i32
          %add3A_406 = arith.addi %add3A_401, %add3A_405 : i32
          %get3A_407 = arith.index_cast %add3A_406 : i32 to index
          %get3A_408 = tpu.vector_load %arg7[%get3A_407] {strides = array<i32>} : memref<30720xf32, #tpu.memory_space<vmem>>, vector<16xf32>,
          %mul3A_409 = arith.mulf %get3A_408, %get3A_7 : vector<16xf32>
          %add3A_410 = arith.addf %mul3A_404, %mul3A_409 : vector<16xf32>
          %add3A_411 = arith.constant 32 : i32
          %add3A_412 = arith.addi %add3A_401, %add3A_411 : i32
          %get3A_413 = arith.index_cast %add3A_412 : i32 to index
          %get3A_414 = tpu.vector_load %arg7[%get3A_413] {strides = array<i32>} : memref<30720xf32, #tpu.memory_space<vmem>>, vector<16xf32>,
          %mul3A_415 = arith.mulf %get3A_414, %get3A_9 : vector<16xf32>
          %add3A_416 = arith.addf %add3A_410, %mul3A_415 : vector<16xf32>
          %add3A_417 = arith.constant 48 : i32
          %add3A_418 = arith.addi %add3A_401, %add3A_417 : i32
          %get3A_419 = arith.index_cast %add3A_418 : i32 to index
          %get3A_420 = tpu.vector_load %arg7[%get3A_419] {strides = array<i32>} : memref<30720xf32, #tpu.memory_space<vmem>>, vector<16xf32>,
          %mul3A_421 = arith.mulf %get3A_420, %get3A_11 : vector<16xf32>
          %add3A_422 = arith.addf %add3A_416, %mul3A_421 : vector<16xf32>
          %add3A_423 = arith.constant 64 : i32
          %add3A_424 = arith.addi %add3A_401, %add3A_423 : i32
          %get3A_425 = arith.index_cast %add3A_424 : i32 to index
          %get3A_426 = tpu.vector_load %arg7[%get3A_425] {strides = array<i32>} : memref<30720xf32, #tpu.memory_space<vmem>>, vector<16xf32>,
          %mul3A_427 = arith.mulf %get3A_426, %get3A_13 : vector<16xf32>
          %add3A_428 = arith.addf %add3A_422, %mul3A_427 : vector<16xf32>
          %add3A_429 = arith.constant 80 : i32
          %add3A_430 = arith.addi %add3A_401, %add3A_429 : i32
          %get3A_431 = arith.index_cast %add3A_430 : i32 to index
          %get3A_432 = tpu.vector_load %arg7[%get3A_431] {strides = array<i32>} : memref<30720xf32, #tpu.memory_space<vmem>>, vector<16xf32>,
          %mul3A_433 = arith.mulf %get3A_432, %get3A_15 : vector<16xf32>
          %add3A_434 = arith.addf %add3A_428, %mul3A_433 : vector<16xf32>
          %add3A_435 = arith.constant 96 : i32
          %add3A_436 = arith.addi %add3A_401, %add3A_435 : i32
          %get3A_437 = arith.index_cast %add3A_436 : i32 to index
          %get3A_438 = tpu.vector_load %arg7[%get3A_437] {strides = array<i32>} : memref<30720xf32, #tpu.memory_space<vmem>>, vector<16xf32>,
          %mul3A_439 = arith.mulf %get3A_438, %get3A_17 : vector<16xf32>
          %add3A_440 = arith.addf %add3A_434, %mul3A_439 : vector<16xf32>
          %add3A_441 = arith.constant 112 : i32
          %add3A_442 = arith.addi %add3A_401, %add3A_441 : i32
          %get3A_443 = arith.index_cast %add3A_442 : i32 to index
          %get3A_444 = tpu.vector_load %arg7[%get3A_443] {strides = array<i32>} : memref<30720xf32, #tpu.memory_space<vmem>>, vector<16xf32>,
          %mul3A_445 = arith.mulf %get3A_444, %get3A_19 : vector<16xf32>
          %add3A_446 = arith.addf %add3A_440, %mul3A_445 : vector<16xf32>
          %and3A_447 = arith.constant 1 : i32
          %and3A_448 = vector.broadcast %and3A_447 : i32 to vector<16xi32>
          %and3A_449 = arith.andi %iota3A, %and3A_448 : vector<16xi32>
          %ne3A_450 = arith.constant 0 : i32
          %ne3A_451 = vector.broadcast %ne3A_450 : i32 to vector<16xi32>
          %ne3A_452 = arith.cmpi ne, %and3A_449, %ne3A_451 : vector<16xi32>
          %select_n3A_453 = arith.select %ne3A_452, %add3A_446, %add3A_399 : vector<16xi1>, vector<16xf32>
          %select_n3A_454 = arith.select %ne3A_452, %add3A_399, %add3A_446 : vector<16xi1>, vector<16xf32>
          %xor3A_455 = arith.constant 1 : i32
          %xor3A_456 = vector.broadcast %xor3A_455 : i32 to vector<16xi32>
          %xor3A_457 = arith.xori %iota3A, %xor3A_456 : vector<16xi32>
          %lt3A_458 = arith.constant 0 : i32
          %lt3A_459 = vector.broadcast %lt3A_458 : i32 to vector<16xi32>
          %lt3A_460 = arith.cmpi slt, %xor3A_457, %lt3A_459 : vector<16xi32>
          %add3A_461 = arith.constant 16 : i32
          %add3A_462 = vector.broadcast %add3A_461 : i32 to vector<16xi32>
          %add3A_463 = arith.addi %xor3A_457, %add3A_462 : vector<16xi32>
          %select_n3A_464 = arith.select %lt3A_460, %add3A_463, %xor3A_457 : vector<16xi1>, vector<16xi32>
          %broadcast_in_dim3A_465 = vector.shape_cast %select_n3A_464 : vector<16xi32> to vector<16x1xi32>
          %gather3A_466 = vector.shape_cast %broadcast_in_dim3A_465 : vector<16x1xi32> to vector<16xi32>
          %gather3A_467 = tpu.dynamic_gather %select_n3A_454[%gather3A_466] in [0] : vector<16xf32>, vector<16xi32> -> vector<16xf32>
          %add3A_468 = arith.addf %select_n3A_453, %gather3A_467 : vector<16xf32>
          %add3A_469 = arith.constant 768 : i32
          %add3A_470 = arith.addi %mul3A_100, %add3A_469 : i32
          %get3A_471 = arith.index_cast %add3A_470 : i32 to index
          %get3A_472 = tpu.vector_load %arg7[%get3A_471] {strides = array<i32>} : memref<30720xf32, #tpu.memory_space<vmem>>, vector<16xf32>,
          %mul3A_473 = arith.mulf %get3A_472, %get3A_5 : vector<16xf32>
          %add3A_474 = arith.constant 16 : i32
          %add3A_475 = arith.addi %add3A_470, %add3A_474 : i32
          %get3A_476 = arith.index_cast %add3A_475 : i32 to index
          %get3A_477 = tpu.vector_load %arg7[%get3A_476] {strides = array<i32>} : memref<30720xf32, #tpu.memory_space<vmem>>, vector<16xf32>,
          %mul3A_478 = arith.mulf %get3A_477, %get3A_7 : vector<16xf32>
          %add3A_479 = arith.addf %mul3A_473, %mul3A_478 : vector<16xf32>
          %add3A_480 = arith.constant 32 : i32
          %add3A_481 = arith.addi %add3A_470, %add3A_480 : i32
          %get3A_482 = arith.index_cast %add3A_481 : i32 to index
          %get3A_483 = tpu.vector_load %arg7[%get3A_482] {strides = array<i32>} : memref<30720xf32, #tpu.memory_space<vmem>>, vector<16xf32>,
          %mul3A_484 = arith.mulf %get3A_483, %get3A_9 : vector<16xf32>
          %add3A_485 = arith.addf %add3A_479, %mul3A_484 : vector<16xf32>
          %add3A_486 = arith.constant 48 : i32
          %add3A_487 = arith.addi %add3A_470, %add3A_486 : i32
          %get3A_488 = arith.index_cast %add3A_487 : i32 to index
          %get3A_489 = tpu.vector_load %arg7[%get3A_488] {strides = array<i32>} : memref<30720xf32, #tpu.memory_space<vmem>>, vector<16xf32>,
          %mul3A_490 = arith.mulf %get3A_489, %get3A_11 : vector<16xf32>
          %add3A_491 = arith.addf %add3A_485, %mul3A_490 : vector<16xf32>
          %add3A_492 = arith.constant 64 : i32
          %add3A_493 = arith.addi %add3A_470, %add3A_492 : i32
          %get3A_494 = arith.index_cast %add3A_493 : i32 to index
          %get3A_495 = tpu.vector_load %arg7[%get3A_494] {strides = array<i32>} : memref<30720xf32, #tpu.memory_space<vmem>>, vector<16xf32>,
          %mul3A_496 = arith.mulf %get3A_495, %get3A_13 : vector<16xf32>
          %add3A_497 = arith.addf %add3A_491, %mul3A_496 : vector<16xf32>
          %add3A_498 = arith.constant 80 : i32
          %add3A_499 = arith.addi %add3A_470, %add3A_498 : i32
          %get3A_500 = arith.index_cast %add3A_499 : i32 to index
          %get3A_501 = tpu.vector_load %arg7[%get3A_500] {strides = array<i32>} : memref<30720xf32, #tpu.memory_space<vmem>>, vector<16xf32>,
          %mul3A_502 = arith.mulf %get3A_501, %get3A_15 : vector<16xf32>
          %add3A_503 = arith.addf %add3A_497, %mul3A_502 : vector<16xf32>
          %add3A_504 = arith.constant 96 : i32
          %add3A_505 = arith.addi %add3A_470, %add3A_504 : i32
          %get3A_506 = arith.index_cast %add3A_505 : i32 to index
          %get3A_507 = tpu.vector_load %arg7[%get3A_506] {strides = array<i32>} : memref<30720xf32, #tpu.memory_space<vmem>>, vector<16xf32>,
          %mul3A_508 = arith.mulf %get3A_507, %get3A_17 : vector<16xf32>
          %add3A_509 = arith.addf %add3A_503, %mul3A_508 : vector<16xf32>
          %add3A_510 = arith.constant 112 : i32
          %add3A_511 = arith.addi %add3A_470, %add3A_510 : i32
          %get3A_512 = arith.index_cast %add3A_511 : i32 to index
          %get3A_513 = tpu.vector_load %arg7[%get3A_512] {strides = array<i32>} : memref<30720xf32, #tpu.memory_space<vmem>>, vector<16xf32>,
          %mul3A_514 = arith.mulf %get3A_513, %get3A_19 : vector<16xf32>
          %add3A_515 = arith.addf %add3A_509, %mul3A_514 : vector<16xf32>
          %add3A_516 = arith.constant 896 : i32
          %add3A_517 = arith.addi %mul3A_100, %add3A_516 : i32
          %get3A_518 = arith.index_cast %add3A_517 : i32 to index
          %get3A_519 = tpu.vector_load %arg7[%get3A_518] {strides = array<i32>} : memref<30720xf32, #tpu.memory_space<vmem>>, vector<16xf32>,
          %mul3A_520 = arith.mulf %get3A_519, %get3A_5 : vector<16xf32>
          %add3A_521 = arith.constant 16 : i32
          %add3A_522 = arith.addi %add3A_517, %add3A_521 : i32
          %get3A_523 = arith.index_cast %add3A_522 : i32 to index
          %get3A_524 = tpu.vector_load %arg7[%get3A_523] {strides = array<i32>} : memref<30720xf32, #tpu.memory_space<vmem>>, vector<16xf32>,
          %mul3A_525 = arith.mulf %get3A_524, %get3A_7 : vector<16xf32>
          %add3A_526 = arith.addf %mul3A_520, %mul3A_525 : vector<16xf32>
          %add3A_527 = arith.constant 32 : i32
          %add3A_528 = arith.addi %add3A_517, %add3A_527 : i32
          %get3A_529 = arith.index_cast %add3A_528 : i32 to index
          %get3A_530 = tpu.vector_load %arg7[%get3A_529] {strides = array<i32>} : memref<30720xf32, #tpu.memory_space<vmem>>, vector<16xf32>,
          %mul3A_531 = arith.mulf %get3A_530, %get3A_9 : vector<16xf32>
          %add3A_532 = arith.addf %add3A_526, %mul3A_531 : vector<16xf32>
          %add3A_533 = arith.constant 48 : i32
          %add3A_534 = arith.addi %add3A_517, %add3A_533 : i32
          %get3A_535 = arith.index_cast %add3A_534 : i32 to index
          %get3A_536 = tpu.vector_load %arg7[%get3A_535] {strides = array<i32>} : memref<30720xf32, #tpu.memory_space<vmem>>, vector<16xf32>,
          %mul3A_537 = arith.mulf %get3A_536, %get3A_11 : vector<16xf32>
          %add3A_538 = arith.addf %add3A_532, %mul3A_537 : vector<16xf32>
          %add3A_539 = arith.constant 64 : i32
          %add3A_540 = arith.addi %add3A_517, %add3A_539 : i32
          %get3A_541 = arith.index_cast %add3A_540 : i32 to index
          %get3A_542 = tpu.vector_load %arg7[%get3A_541] {strides = array<i32>} : memref<30720xf32, #tpu.memory_space<vmem>>, vector<16xf32>,
          %mul3A_543 = arith.mulf %get3A_542, %get3A_13 : vector<16xf32>
          %add3A_544 = arith.addf %add3A_538, %mul3A_543 : vector<16xf32>
          %add3A_545 = arith.constant 80 : i32
          %add3A_546 = arith.addi %add3A_517, %add3A_545 : i32
          %get3A_547 = arith.index_cast %add3A_546 : i32 to index
          %get3A_548 = tpu.vector_load %arg7[%get3A_547] {strides = array<i32>} : memref<30720xf32, #tpu.memory_space<vmem>>, vector<16xf32>,
          %mul3A_549 = arith.mulf %get3A_548, %get3A_15 : vector<16xf32>
          %add3A_550 = arith.addf %add3A_544, %mul3A_549 : vector<16xf32>
          %add3A_551 = arith.constant 96 : i32
          %add3A_552 = arith.addi %add3A_517, %add3A_551 : i32
          %get3A_553 = arith.index_cast %add3A_552 : i32 to index
          %get3A_554 = tpu.vector_load %arg7[%get3A_553] {strides = array<i32>} : memref<30720xf32, #tpu.memory_space<vmem>>, vector<16xf32>,
          %mul3A_555 = arith.mulf %get3A_554, %get3A_17 : vector<16xf32>
          %add3A_556 = arith.addf %add3A_550, %mul3A_555 : vector<16xf32>
          %add3A_557 = arith.constant 112 : i32
          %add3A_558 = arith.addi %add3A_517, %add3A_557 : i32
          %get3A_559 = arith.index_cast %add3A_558 : i32 to index
          %get3A_560 = tpu.vector_load %arg7[%get3A_559] {strides = array<i32>} : memref<30720xf32, #tpu.memory_space<vmem>>, vector<16xf32>,
          %mul3A_561 = arith.mulf %get3A_560, %get3A_19 : vector<16xf32>
          %add3A_562 = arith.addf %add3A_556, %mul3A_561 : vector<16xf32>
          %and3A_563 = arith.constant 1 : i32
          %and3A_564 = vector.broadcast %and3A_563 : i32 to vector<16xi32>
          %and3A_565 = arith.andi %iota3A, %and3A_564 : vector<16xi32>
          %ne3A_566 = arith.constant 0 : i32
          %ne3A_567 = vector.broadcast %ne3A_566 : i32 to vector<16xi32>
          %ne3A_568 = arith.cmpi ne, %and3A_565, %ne3A_567 : vector<16xi32>
          %select_n3A_569 = arith.select %ne3A_568, %add3A_562, %add3A_515 : vector<16xi1>, vector<16xf32>
          %select_n3A_570 = arith.select %ne3A_568, %add3A_515, %add3A_562 : vector<16xi1>, vector<16xf32>
          %xor3A_571 = arith.constant 1 : i32
          %xor3A_572 = vector.broadcast %xor3A_571 : i32 to vector<16xi32>
          %xor3A_573 = arith.xori %iota3A, %xor3A_572 : vector<16xi32>
          %lt3A_574 = arith.constant 0 : i32
          %lt3A_575 = vector.broadcast %lt3A_574 : i32 to vector<16xi32>
          %lt3A_576 = arith.cmpi slt, %xor3A_573, %lt3A_575 : vector<16xi32>
          %add3A_577 = arith.constant 16 : i32
          %add3A_578 = vector.broadcast %add3A_577 : i32 to vector<16xi32>
          %add3A_579 = arith.addi %xor3A_573, %add3A_578 : vector<16xi32>
          %select_n3A_580 = arith.select %lt3A_576, %add3A_579, %xor3A_573 : vector<16xi1>, vector<16xi32>
          %broadcast_in_dim3A_581 = vector.shape_cast %select_n3A_580 : vector<16xi32> to vector<16x1xi32>
          %gather3A_582 = vector.shape_cast %broadcast_in_dim3A_581 : vector<16x1xi32> to vector<16xi32>
          %gather3A_583 = tpu.dynamic_gather %select_n3A_570[%gather3A_582] in [0] : vector<16xf32>, vector<16xi32> -> vector<16xf32>
          %add3A_584 = arith.addf %select_n3A_569, %gather3A_583 : vector<16xf32>
          %and3A_585 = arith.constant 2 : i32
          %and3A_586 = vector.broadcast %and3A_585 : i32 to vector<16xi32>
          %and3A_587 = arith.andi %iota3A, %and3A_586 : vector<16xi32>
          %ne3A_588 = arith.constant 0 : i32
          %ne3A_589 = vector.broadcast %ne3A_588 : i32 to vector<16xi32>
          %ne3A_590 = arith.cmpi ne, %and3A_587, %ne3A_589 : vector<16xi32>
          %select_n3A_591 = arith.select %ne3A_590, %add3A_584, %add3A_468 : vector<16xi1>, vector<16xf32>
          %select_n3A_592 = arith.select %ne3A_590, %add3A_468, %add3A_584 : vector<16xi1>, vector<16xf32>
          %xor3A_593 = arith.constant 2 : i32
          %xor3A_594 = vector.broadcast %xor3A_593 : i32 to vector<16xi32>
          %xor3A_595 = arith.xori %iota3A, %xor3A_594 : vector<16xi32>
          %lt3A_596 = arith.constant 0 : i32
          %lt3A_597 = vector.broadcast %lt3A_596 : i32 to vector<16xi32>
          %lt3A_598 = arith.cmpi slt, %xor3A_595, %lt3A_597 : vector<16xi32>
          %add3A_599 = arith.constant 16 : i32
          %add3A_600 = vector.broadcast %add3A_599 : i32 to vector<16xi32>
          %add3A_601 = arith.addi %xor3A_595, %add3A_600 : vector<16xi32>
          %select_n3A_602 = arith.select %lt3A_598, %add3A_601, %xor3A_595 : vector<16xi1>, vector<16xi32>
          %broadcast_in_dim3A_603 = vector.shape_cast %select_n3A_602 : vector<16xi32> to vector<16x1xi32>
          %gather3A_604 = vector.shape_cast %broadcast_in_dim3A_603 : vector<16x1xi32> to vector<16xi32>
          %gather3A_605 = tpu.dynamic_gather %select_n3A_592[%gather3A_604] in [0] : vector<16xf32>, vector<16xi32> -> vector<16xf32>
          %add3A_606 = arith.addf %select_n3A_591, %gather3A_605 : vector<16xf32>
          %and3A_607 = arith.constant 4 : i32
          %and3A_608 = vector.broadcast %and3A_607 : i32 to vector<16xi32>
          %and3A_609 = arith.andi %iota3A, %and3A_608 : vector<16xi32>
          %ne3A_610 = arith.constant 0 : i32
          %ne3A_611 = vector.broadcast %ne3A_610 : i32 to vector<16xi32>
          %ne3A_612 = arith.cmpi ne, %and3A_609, %ne3A_611 : vector<16xi32>
          %select_n3A_613 = arith.select %ne3A_612, %add3A_606, %add3A_352 : vector<16xi1>, vector<16xf32>
          %select_n3A_614 = arith.select %ne3A_612, %add3A_352, %add3A_606 : vector<16xi1>, vector<16xf32>
          %xor3A_615 = arith.constant 4 : i32
          %xor3A_616 = vector.broadcast %xor3A_615 : i32 to vector<16xi32>
          %xor3A_617 = arith.xori %iota3A, %xor3A_616 : vector<16xi32>
          %lt3A_618 = arith.constant 0 : i32
          %lt3A_619 = vector.broadcast %lt3A_618 : i32 to vector<16xi32>
          %lt3A_620 = arith.cmpi slt, %xor3A_617, %lt3A_619 : vector<16xi32>
          %add3A_621 = arith.constant 16 : i32
          %add3A_622 = vector.broadcast %add3A_621 : i32 to vector<16xi32>
          %add3A_623 = arith.addi %xor3A_617, %add3A_622 : vector<16xi32>
          %select_n3A_624 = arith.select %lt3A_620, %add3A_623, %xor3A_617 : vector<16xi1>, vector<16xi32>
          %broadcast_in_dim3A_625 = vector.shape_cast %select_n3A_624 : vector<16xi32> to vector<16x1xi32>
          %gather3A_626 = vector.shape_cast %broadcast_in_dim3A_625 : vector<16x1xi32> to vector<16xi32>
          %gather3A_627 = tpu.dynamic_gather %select_n3A_614[%gather3A_626] in [0] : vector<16xf32>, vector<16xi32> -> vector<16xf32>
          %add3A_628 = arith.addf %select_n3A_613, %gather3A_627 : vector<16xf32>
          %add3A_629 = arith.constant 1024 : i32
          %add3A_630 = arith.addi %mul3A_100, %add3A_629 : i32
          %get3A_631 = arith.index_cast %add3A_630 : i32 to index
          %get3A_632 = tpu.vector_load %arg7[%get3A_631] {strides = array<i32>} : memref<30720xf32, #tpu.memory_space<vmem>>, vector<16xf32>,
          %mul3A_633 = arith.mulf %get3A_632, %get3A_5 : vector<16xf32>
          %add3A_634 = arith.constant 16 : i32
          %add3A_635 = arith.addi %add3A_630, %add3A_634 : i32
          %get3A_636 = arith.index_cast %add3A_635 : i32 to index
          %get3A_637 = tpu.vector_load %arg7[%get3A_636] {strides = array<i32>} : memref<30720xf32, #tpu.memory_space<vmem>>, vector<16xf32>,
          %mul3A_638 = arith.mulf %get3A_637, %get3A_7 : vector<16xf32>
          %add3A_639 = arith.addf %mul3A_633, %mul3A_638 : vector<16xf32>
          %add3A_640 = arith.constant 32 : i32
          %add3A_641 = arith.addi %add3A_630, %add3A_640 : i32
          %get3A_642 = arith.index_cast %add3A_641 : i32 to index
          %get3A_643 = tpu.vector_load %arg7[%get3A_642] {strides = array<i32>} : memref<30720xf32, #tpu.memory_space<vmem>>, vector<16xf32>,
          %mul3A_644 = arith.mulf %get3A_643, %get3A_9 : vector<16xf32>
          %add3A_645 = arith.addf %add3A_639, %mul3A_644 : vector<16xf32>
          %add3A_646 = arith.constant 48 : i32
          %add3A_647 = arith.addi %add3A_630, %add3A_646 : i32
          %get3A_648 = arith.index_cast %add3A_647 : i32 to index
          %get3A_649 = tpu.vector_load %arg7[%get3A_648] {strides = array<i32>} : memref<30720xf32, #tpu.memory_space<vmem>>, vector<16xf32>,
          %mul3A_650 = arith.mulf %get3A_649, %get3A_11 : vector<16xf32>
          %add3A_651 = arith.addf %add3A_645, %mul3A_650 : vector<16xf32>
          %add3A_652 = arith.constant 64 : i32
          %add3A_653 = arith.addi %add3A_630, %add3A_652 : i32
          %get3A_654 = arith.index_cast %add3A_653 : i32 to index
          %get3A_655 = tpu.vector_load %arg7[%get3A_654] {strides = array<i32>} : memref<30720xf32, #tpu.memory_space<vmem>>, vector<16xf32>,
          %mul3A_656 = arith.mulf %get3A_655, %get3A_13 : vector<16xf32>
          %add3A_657 = arith.addf %add3A_651, %mul3A_656 : vector<16xf32>
          %add3A_658 = arith.constant 80 : i32
          %add3A_659 = arith.addi %add3A_630, %add3A_658 : i32
          %get3A_660 = arith.index_cast %add3A_659 : i32 to index
          %get3A_661 = tpu.vector_load %arg7[%get3A_660] {strides = array<i32>} : memref<30720xf32, #tpu.memory_space<vmem>>, vector<16xf32>,
          %mul3A_662 = arith.mulf %get3A_661, %get3A_15 : vector<16xf32>
          %add3A_663 = arith.addf %add3A_657, %mul3A_662 : vector<16xf32>
          %add3A_664 = arith.constant 96 : i32
          %add3A_665 = arith.addi %add3A_630, %add3A_664 : i32
          %get3A_666 = arith.index_cast %add3A_665 : i32 to index
          %get3A_667 = tpu.vector_load %arg7[%get3A_666] {strides = array<i32>} : memref<30720xf32, #tpu.memory_space<vmem>>, vector<16xf32>,
          %mul3A_668 = arith.mulf %get3A_667, %get3A_17 : vector<16xf32>
          %add3A_669 = arith.addf %add3A_663, %mul3A_668 : vector<16xf32>
          %add3A_670 = arith.constant 112 : i32
          %add3A_671 = arith.addi %add3A_630, %add3A_670 : i32
          %get3A_672 = arith.index_cast %add3A_671 : i32 to index
          %get3A_673 = tpu.vector_load %arg7[%get3A_672] {strides = array<i32>} : memref<30720xf32, #tpu.memory_space<vmem>>, vector<16xf32>,
          %mul3A_674 = arith.mulf %get3A_673, %get3A_19 : vector<16xf32>
          %add3A_675 = arith.addf %add3A_669, %mul3A_674 : vector<16xf32>
          %add3A_676 = arith.constant 1152 : i32
          %add3A_677 = arith.addi %mul3A_100, %add3A_676 : i32
          %get3A_678 = arith.index_cast %add3A_677 : i32 to index
          %get3A_679 = tpu.vector_load %arg7[%get3A_678] {strides = array<i32>} : memref<30720xf32, #tpu.memory_space<vmem>>, vector<16xf32>,
          %mul3A_680 = arith.mulf %get3A_679, %get3A_5 : vector<16xf32>
          %add3A_681 = arith.constant 16 : i32
          %add3A_682 = arith.addi %add3A_677, %add3A_681 : i32
          %get3A_683 = arith.index_cast %add3A_682 : i32 to index
          %get3A_684 = tpu.vector_load %arg7[%get3A_683] {strides = array<i32>} : memref<30720xf32, #tpu.memory_space<vmem>>, vector<16xf32>,
          %mul3A_685 = arith.mulf %get3A_684, %get3A_7 : vector<16xf32>
          %add3A_686 = arith.addf %mul3A_680, %mul3A_685 : vector<16xf32>
          %add3A_687 = arith.constant 32 : i32
          %add3A_688 = arith.addi %add3A_677, %add3A_687 : i32
          %get3A_689 = arith.index_cast %add3A_688 : i32 to index
          %get3A_690 = tpu.vector_load %arg7[%get3A_689] {strides = array<i32>} : memref<30720xf32, #tpu.memory_space<vmem>>, vector<16xf32>,
          %mul3A_691 = arith.mulf %get3A_690, %get3A_9 : vector<16xf32>
          %add3A_692 = arith.addf %add3A_686, %mul3A_691 : vector<16xf32>
          %add3A_693 = arith.constant 48 : i32
          %add3A_694 = arith.addi %add3A_677, %add3A_693 : i32
          %get3A_695 = arith.index_cast %add3A_694 : i32 to index
          %get3A_696 = tpu.vector_load %arg7[%get3A_695] {strides = array<i32>} : memref<30720xf32, #tpu.memory_space<vmem>>, vector<16xf32>,
          %mul3A_697 = arith.mulf %get3A_696, %get3A_11 : vector<16xf32>
          %add3A_698 = arith.addf %add3A_692, %mul3A_697 : vector<16xf32>
          %add3A_699 = arith.constant 64 : i32
          %add3A_700 = arith.addi %add3A_677, %add3A_699 : i32
          %get3A_701 = arith.index_cast %add3A_700 : i32 to index
          %get3A_702 = tpu.vector_load %arg7[%get3A_701] {strides = array<i32>} : memref<30720xf32, #tpu.memory_space<vmem>>, vector<16xf32>,
          %mul3A_703 = arith.mulf %get3A_702, %get3A_13 : vector<16xf32>
          %add3A_704 = arith.addf %add3A_698, %mul3A_703 : vector<16xf32>
          %add3A_705 = arith.constant 80 : i32
          %add3A_706 = arith.addi %add3A_677, %add3A_705 : i32
          %get3A_707 = arith.index_cast %add3A_706 : i32 to index
          %get3A_708 = tpu.vector_load %arg7[%get3A_707] {strides = array<i32>} : memref<30720xf32, #tpu.memory_space<vmem>>, vector<16xf32>,
          %mul3A_709 = arith.mulf %get3A_708, %get3A_15 : vector<16xf32>
          %add3A_710 = arith.addf %add3A_704, %mul3A_709 : vector<16xf32>
          %add3A_711 = arith.constant 96 : i32
          %add3A_712 = arith.addi %add3A_677, %add3A_711 : i32
          %get3A_713 = arith.index_cast %add3A_712 : i32 to index
          %get3A_714 = tpu.vector_load %arg7[%get3A_713] {strides = array<i32>} : memref<30720xf32, #tpu.memory_space<vmem>>, vector<16xf32>,
          %mul3A_715 = arith.mulf %get3A_714, %get3A_17 : vector<16xf32>
          %add3A_716 = arith.addf %add3A_710, %mul3A_715 : vector<16xf32>
          %add3A_717 = arith.constant 112 : i32
          %add3A_718 = arith.addi %add3A_677, %add3A_717 : i32
          %get3A_719 = arith.index_cast %add3A_718 : i32 to index
          %get3A_720 = tpu.vector_load %arg7[%get3A_719] {strides = array<i32>} : memref<30720xf32, #tpu.memory_space<vmem>>, vector<16xf32>,
          %mul3A_721 = arith.mulf %get3A_720, %get3A_19 : vector<16xf32>
          %add3A_722 = arith.addf %add3A_716, %mul3A_721 : vector<16xf32>
          %and3A_723 = arith.constant 1 : i32
          %and3A_724 = vector.broadcast %and3A_723 : i32 to vector<16xi32>
          %and3A_725 = arith.andi %iota3A, %and3A_724 : vector<16xi32>
          %ne3A_726 = arith.constant 0 : i32
          %ne3A_727 = vector.broadcast %ne3A_726 : i32 to vector<16xi32>
          %ne3A_728 = arith.cmpi ne, %and3A_725, %ne3A_727 : vector<16xi32>
          %select_n3A_729 = arith.select %ne3A_728, %add3A_722, %add3A_675 : vector<16xi1>, vector<16xf32>
          %select_n3A_730 = arith.select %ne3A_728, %add3A_675, %add3A_722 : vector<16xi1>, vector<16xf32>
          %xor3A_731 = arith.constant 1 : i32
          %xor3A_732 = vector.broadcast %xor3A_731 : i32 to vector<16xi32>
          %xor3A_733 = arith.xori %iota3A, %xor3A_732 : vector<16xi32>
          %lt3A_734 = arith.constant 0 : i32
          %lt3A_735 = vector.broadcast %lt3A_734 : i32 to vector<16xi32>
          %lt3A_736 = arith.cmpi slt, %xor3A_733, %lt3A_735 : vector<16xi32>
          %add3A_737 = arith.constant 16 : i32
          %add3A_738 = vector.broadcast %add3A_737 : i32 to vector<16xi32>
          %add3A_739 = arith.addi %xor3A_733, %add3A_738 : vector<16xi32>
          %select_n3A_740 = arith.select %lt3A_736, %add3A_739, %xor3A_733 : vector<16xi1>, vector<16xi32>
          %broadcast_in_dim3A_741 = vector.shape_cast %select_n3A_740 : vector<16xi32> to vector<16x1xi32>
          %gather3A_742 = vector.shape_cast %broadcast_in_dim3A_741 : vector<16x1xi32> to vector<16xi32>
          %gather3A_743 = tpu.dynamic_gather %select_n3A_730[%gather3A_742] in [0] : vector<16xf32>, vector<16xi32> -> vector<16xf32>
          %add3A_744 = arith.addf %select_n3A_729, %gather3A_743 : vector<16xf32>
          %add3A_745 = arith.constant 1280 : i32
          %add3A_746 = arith.addi %mul3A_100, %add3A_745 : i32
          %get3A_747 = arith.index_cast %add3A_746 : i32 to index
          %get3A_748 = tpu.vector_load %arg7[%get3A_747] {strides = array<i32>} : memref<30720xf32, #tpu.memory_space<vmem>>, vector<16xf32>,
          %mul3A_749 = arith.mulf %get3A_748, %get3A_5 : vector<16xf32>
          %add3A_750 = arith.constant 16 : i32
          %add3A_751 = arith.addi %add3A_746, %add3A_750 : i32
          %get3A_752 = arith.index_cast %add3A_751 : i32 to index
          %get3A_753 = tpu.vector_load %arg7[%get3A_752] {strides = array<i32>} : memref<30720xf32, #tpu.memory_space<vmem>>, vector<16xf32>,
          %mul3A_754 = arith.mulf %get3A_753, %get3A_7 : vector<16xf32>
          %add3A_755 = arith.addf %mul3A_749, %mul3A_754 : vector<16xf32>
          %add3A_756 = arith.constant 32 : i32
          %add3A_757 = arith.addi %add3A_746, %add3A_756 : i32
          %get3A_758 = arith.index_cast %add3A_757 : i32 to index
          %get3A_759 = tpu.vector_load %arg7[%get3A_758] {strides = array<i32>} : memref<30720xf32, #tpu.memory_space<vmem>>, vector<16xf32>,
          %mul3A_760 = arith.mulf %get3A_759, %get3A_9 : vector<16xf32>
          %add3A_761 = arith.addf %add3A_755, %mul3A_760 : vector<16xf32>
          %add3A_762 = arith.constant 48 : i32
          %add3A_763 = arith.addi %add3A_746, %add3A_762 : i32
          %get3A_764 = arith.index_cast %add3A_763 : i32 to index
          %get3A_765 = tpu.vector_load %arg7[%get3A_764] {strides = array<i32>} : memref<30720xf32, #tpu.memory_space<vmem>>, vector<16xf32>,
          %mul3A_766 = arith.mulf %get3A_765, %get3A_11 : vector<16xf32>
          %add3A_767 = arith.addf %add3A_761, %mul3A_766 : vector<16xf32>
          %add3A_768 = arith.constant 64 : i32
          %add3A_769 = arith.addi %add3A_746, %add3A_768 : i32
          %get3A_770 = arith.index_cast %add3A_769 : i32 to index
          %get3A_771 = tpu.vector_load %arg7[%get3A_770] {strides = array<i32>} : memref<30720xf32, #tpu.memory_space<vmem>>, vector<16xf32>,
          %mul3A_772 = arith.mulf %get3A_771, %get3A_13 : vector<16xf32>
          %add3A_773 = arith.addf %add3A_767, %mul3A_772 : vector<16xf32>
          %add3A_774 = arith.constant 80 : i32
          %add3A_775 = arith.addi %add3A_746, %add3A_774 : i32
          %get3A_776 = arith.index_cast %add3A_775 : i32 to index
          %get3A_777 = tpu.vector_load %arg7[%get3A_776] {strides = array<i32>} : memref<30720xf32, #tpu.memory_space<vmem>>, vector<16xf32>,
          %mul3A_778 = arith.mulf %get3A_777, %get3A_15 : vector<16xf32>
          %add3A_779 = arith.addf %add3A_773, %mul3A_778 : vector<16xf32>
          %add3A_780 = arith.constant 96 : i32
          %add3A_781 = arith.addi %add3A_746, %add3A_780 : i32
          %get3A_782 = arith.index_cast %add3A_781 : i32 to index
          %get3A_783 = tpu.vector_load %arg7[%get3A_782] {strides = array<i32>} : memref<30720xf32, #tpu.memory_space<vmem>>, vector<16xf32>,
          %mul3A_784 = arith.mulf %get3A_783, %get3A_17 : vector<16xf32>
          %add3A_785 = arith.addf %add3A_779, %mul3A_784 : vector<16xf32>
          %add3A_786 = arith.constant 112 : i32
          %add3A_787 = arith.addi %add3A_746, %add3A_786 : i32
          %get3A_788 = arith.index_cast %add3A_787 : i32 to index
          %get3A_789 = tpu.vector_load %arg7[%get3A_788] {strides = array<i32>} : memref<30720xf32, #tpu.memory_space<vmem>>, vector<16xf32>,
          %mul3A_790 = arith.mulf %get3A_789, %get3A_19 : vector<16xf32>
          %add3A_791 = arith.addf %add3A_785, %mul3A_790 : vector<16xf32>
          %add3A_792 = arith.constant 1408 : i32
          %add3A_793 = arith.addi %mul3A_100, %add3A_792 : i32
          %get3A_794 = arith.index_cast %add3A_793 : i32 to index
          %get3A_795 = tpu.vector_load %arg7[%get3A_794] {strides = array<i32>} : memref<30720xf32, #tpu.memory_space<vmem>>, vector<16xf32>,
          %mul3A_796 = arith.mulf %get3A_795, %get3A_5 : vector<16xf32>
          %add3A_797 = arith.constant 16 : i32
          %add3A_798 = arith.addi %add3A_793, %add3A_797 : i32
          %get3A_799 = arith.index_cast %add3A_798 : i32 to index
          %get3A_800 = tpu.vector_load %arg7[%get3A_799] {strides = array<i32>} : memref<30720xf32, #tpu.memory_space<vmem>>, vector<16xf32>,
          %mul3A_801 = arith.mulf %get3A_800, %get3A_7 : vector<16xf32>
          %add3A_802 = arith.addf %mul3A_796, %mul3A_801 : vector<16xf32>
          %add3A_803 = arith.constant 32 : i32
          %add3A_804 = arith.addi %add3A_793, %add3A_803 : i32
          %get3A_805 = arith.index_cast %add3A_804 : i32 to index
          %get3A_806 = tpu.vector_load %arg7[%get3A_805] {strides = array<i32>} : memref<30720xf32, #tpu.memory_space<vmem>>, vector<16xf32>,
          %mul3A_807 = arith.mulf %get3A_806, %get3A_9 : vector<16xf32>
          %add3A_808 = arith.addf %add3A_802, %mul3A_807 : vector<16xf32>
          %add3A_809 = arith.constant 48 : i32
          %add3A_810 = arith.addi %add3A_793, %add3A_809 : i32
          %get3A_811 = arith.index_cast %add3A_810 : i32 to index
          %get3A_812 = tpu.vector_load %arg7[%get3A_811] {strides = array<i32>} : memref<30720xf32, #tpu.memory_space<vmem>>, vector<16xf32>,
          %mul3A_813 = arith.mulf %get3A_812, %get3A_11 : vector<16xf32>
          %add3A_814 = arith.addf %add3A_808, %mul3A_813 : vector<16xf32>
          %add3A_815 = arith.constant 64 : i32
          %add3A_816 = arith.addi %add3A_793, %add3A_815 : i32
          %get3A_817 = arith.index_cast %add3A_816 : i32 to index
          %get3A_818 = tpu.vector_load %arg7[%get3A_817] {strides = array<i32>} : memref<30720xf32, #tpu.memory_space<vmem>>, vector<16xf32>,
          %mul3A_819 = arith.mulf %get3A_818, %get3A_13 : vector<16xf32>
          %add3A_820 = arith.addf %add3A_814, %mul3A_819 : vector<16xf32>
          %add3A_821 = arith.constant 80 : i32
          %add3A_822 = arith.addi %add3A_793, %add3A_821 : i32
          %get3A_823 = arith.index_cast %add3A_822 : i32 to index
          %get3A_824 = tpu.vector_load %arg7[%get3A_823] {strides = array<i32>} : memref<30720xf32, #tpu.memory_space<vmem>>, vector<16xf32>,
          %mul3A_825 = arith.mulf %get3A_824, %get3A_15 : vector<16xf32>
          %add3A_826 = arith.addf %add3A_820, %mul3A_825 : vector<16xf32>
          %add3A_827 = arith.constant 96 : i32
          %add3A_828 = arith.addi %add3A_793, %add3A_827 : i32
          %get3A_829 = arith.index_cast %add3A_828 : i32 to index
          %get3A_830 = tpu.vector_load %arg7[%get3A_829] {strides = array<i32>} : memref<30720xf32, #tpu.memory_space<vmem>>, vector<16xf32>,
          %mul3A_831 = arith.mulf %get3A_830, %get3A_17 : vector<16xf32>
          %add3A_832 = arith.addf %add3A_826, %mul3A_831 : vector<16xf32>
          %add3A_833 = arith.constant 112 : i32
          %add3A_834 = arith.addi %add3A_793, %add3A_833 : i32
          %get3A_835 = arith.index_cast %add3A_834 : i32 to index
          %get3A_836 = tpu.vector_load %arg7[%get3A_835] {strides = array<i32>} : memref<30720xf32, #tpu.memory_space<vmem>>, vector<16xf32>,
          %mul3A_837 = arith.mulf %get3A_836, %get3A_19 : vector<16xf32>
          %add3A_838 = arith.addf %add3A_832, %mul3A_837 : vector<16xf32>
          %and3A_839 = arith.constant 1 : i32
          %and3A_840 = vector.broadcast %and3A_839 : i32 to vector<16xi32>
          %and3A_841 = arith.andi %iota3A, %and3A_840 : vector<16xi32>
          %ne3A_842 = arith.constant 0 : i32
          %ne3A_843 = vector.broadcast %ne3A_842 : i32 to vector<16xi32>
          %ne3A_844 = arith.cmpi ne, %and3A_841, %ne3A_843 : vector<16xi32>
          %select_n3A_845 = arith.select %ne3A_844, %add3A_838, %add3A_791 : vector<16xi1>, vector<16xf32>
          %select_n3A_846 = arith.select %ne3A_844, %add3A_791, %add3A_838 : vector<16xi1>, vector<16xf32>
          %xor3A_847 = arith.constant 1 : i32
          %xor3A_848 = vector.broadcast %xor3A_847 : i32 to vector<16xi32>
          %xor3A_849 = arith.xori %iota3A, %xor3A_848 : vector<16xi32>
          %lt3A_850 = arith.constant 0 : i32
          %lt3A_851 = vector.broadcast %lt3A_850 : i32 to vector<16xi32>
          %lt3A_852 = arith.cmpi slt, %xor3A_849, %lt3A_851 : vector<16xi32>
          %add3A_853 = arith.constant 16 : i32
          %add3A_854 = vector.broadcast %add3A_853 : i32 to vector<16xi32>
          %add3A_855 = arith.addi %xor3A_849, %add3A_854 : vector<16xi32>
          %select_n3A_856 = arith.select %lt3A_852, %add3A_855, %xor3A_849 : vector<16xi1>, vector<16xi32>
          %broadcast_in_dim3A_857 = vector.shape_cast %select_n3A_856 : vector<16xi32> to vector<16x1xi32>
          %gather3A_858 = vector.shape_cast %broadcast_in_dim3A_857 : vector<16x1xi32> to vector<16xi32>
          %gather3A_859 = tpu.dynamic_gather %select_n3A_846[%gather3A_858] in [0] : vector<16xf32>, vector<16xi32> -> vector<16xf32>
          %add3A_860 = arith.addf %select_n3A_845, %gather3A_859 : vector<16xf32>
          %and3A_861 = arith.constant 2 : i32
          %and3A_862 = vector.broadcast %and3A_861 : i32 to vector<16xi32>
          %and3A_863 = arith.andi %iota3A, %and3A_862 : vector<16xi32>
          %ne3A_864 = arith.constant 0 : i32
          %ne3A_865 = vector.broadcast %ne3A_864 : i32 to vector<16xi32>
          %ne3A_866 = arith.cmpi ne, %and3A_863, %ne3A_865 : vector<16xi32>
          %select_n3A_867 = arith.select %ne3A_866, %add3A_860, %add3A_744 : vector<16xi1>, vector<16xf32>
          %select_n3A_868 = arith.select %ne3A_866, %add3A_744, %add3A_860 : vector<16xi1>, vector<16xf32>
          %xor3A_869 = arith.constant 2 : i32
          %xor3A_870 = vector.broadcast %xor3A_869 : i32 to vector<16xi32>
          %xor3A_871 = arith.xori %iota3A, %xor3A_870 : vector<16xi32>
          %lt3A_872 = arith.constant 0 : i32
          %lt3A_873 = vector.broadcast %lt3A_872 : i32 to vector<16xi32>
          %lt3A_874 = arith.cmpi slt, %xor3A_871, %lt3A_873 : vector<16xi32>
          %add3A_875 = arith.constant 16 : i32
          %add3A_876 = vector.broadcast %add3A_875 : i32 to vector<16xi32>
          %add3A_877 = arith.addi %xor3A_871, %add3A_876 : vector<16xi32>
          %select_n3A_878 = arith.select %lt3A_874, %add3A_877, %xor3A_871 : vector<16xi1>, vector<16xi32>
          %broadcast_in_dim3A_879 = vector.shape_cast %select_n3A_878 : vector<16xi32> to vector<16x1xi32>
          %gather3A_880 = vector.shape_cast %broadcast_in_dim3A_879 : vector<16x1xi32> to vector<16xi32>
          %gather3A_881 = tpu.dynamic_gather %select_n3A_868[%gather3A_880] in [0] : vector<16xf32>, vector<16xi32> -> vector<16xf32>
          %add3A_882 = arith.addf %select_n3A_867, %gather3A_881 : vector<16xf32>
          %add3A_883 = arith.constant 1536 : i32
          %add3A_884 = arith.addi %mul3A_100, %add3A_883 : i32
          %get3A_885 = arith.index_cast %add3A_884 : i32 to index
          %get3A_886 = tpu.vector_load %arg7[%get3A_885] {strides = array<i32>} : memref<30720xf32, #tpu.memory_space<vmem>>, vector<16xf32>,
          %mul3A_887 = arith.mulf %get3A_886, %get3A_5 : vector<16xf32>
          %add3A_888 = arith.constant 16 : i32
          %add3A_889 = arith.addi %add3A_884, %add3A_888 : i32
          %get3A_890 = arith.index_cast %add3A_889 : i32 to index
          %get3A_891 = tpu.vector_load %arg7[%get3A_890] {strides = array<i32>} : memref<30720xf32, #tpu.memory_space<vmem>>, vector<16xf32>,
          %mul3A_892 = arith.mulf %get3A_891, %get3A_7 : vector<16xf32>
          %add3A_893 = arith.addf %mul3A_887, %mul3A_892 : vector<16xf32>
          %add3A_894 = arith.constant 32 : i32
          %add3A_895 = arith.addi %add3A_884, %add3A_894 : i32
          %get3A_896 = arith.index_cast %add3A_895 : i32 to index
          %get3A_897 = tpu.vector_load %arg7[%get3A_896] {strides = array<i32>} : memref<30720xf32, #tpu.memory_space<vmem>>, vector<16xf32>,
          %mul3A_898 = arith.mulf %get3A_897, %get3A_9 : vector<16xf32>
          %add3A_899 = arith.addf %add3A_893, %mul3A_898 : vector<16xf32>
          %add3A_900 = arith.constant 48 : i32
          %add3A_901 = arith.addi %add3A_884, %add3A_900 : i32
          %get3A_902 = arith.index_cast %add3A_901 : i32 to index
          %get3A_903 = tpu.vector_load %arg7[%get3A_902] {strides = array<i32>} : memref<30720xf32, #tpu.memory_space<vmem>>, vector<16xf32>,
          %mul3A_904 = arith.mulf %get3A_903, %get3A_11 : vector<16xf32>
          %add3A_905 = arith.addf %add3A_899, %mul3A_904 : vector<16xf32>
          %add3A_906 = arith.constant 64 : i32
          %add3A_907 = arith.addi %add3A_884, %add3A_906 : i32
          %get3A_908 = arith.index_cast %add3A_907 : i32 to index
          %get3A_909 = tpu.vector_load %arg7[%get3A_908] {strides = array<i32>} : memref<30720xf32, #tpu.memory_space<vmem>>, vector<16xf32>,
          %mul3A_910 = arith.mulf %get3A_909, %get3A_13 : vector<16xf32>
          %add3A_911 = arith.addf %add3A_905, %mul3A_910 : vector<16xf32>
          %add3A_912 = arith.constant 80 : i32
          %add3A_913 = arith.addi %add3A_884, %add3A_912 : i32
          %get3A_914 = arith.index_cast %add3A_913 : i32 to index
          %get3A_915 = tpu.vector_load %arg7[%get3A_914] {strides = array<i32>} : memref<30720xf32, #tpu.memory_space<vmem>>, vector<16xf32>,
          %mul3A_916 = arith.mulf %get3A_915, %get3A_15 : vector<16xf32>
          %add3A_917 = arith.addf %add3A_911, %mul3A_916 : vector<16xf32>
          %add3A_918 = arith.constant 96 : i32
          %add3A_919 = arith.addi %add3A_884, %add3A_918 : i32
          %get3A_920 = arith.index_cast %add3A_919 : i32 to index
          %get3A_921 = tpu.vector_load %arg7[%get3A_920] {strides = array<i32>} : memref<30720xf32, #tpu.memory_space<vmem>>, vector<16xf32>,
          %mul3A_922 = arith.mulf %get3A_921, %get3A_17 : vector<16xf32>
          %add3A_923 = arith.addf %add3A_917, %mul3A_922 : vector<16xf32>
          %add3A_924 = arith.constant 112 : i32
          %add3A_925 = arith.addi %add3A_884, %add3A_924 : i32
          %get3A_926 = arith.index_cast %add3A_925 : i32 to index
          %get3A_927 = tpu.vector_load %arg7[%get3A_926] {strides = array<i32>} : memref<30720xf32, #tpu.memory_space<vmem>>, vector<16xf32>,
          %mul3A_928 = arith.mulf %get3A_927, %get3A_19 : vector<16xf32>
          %add3A_929 = arith.addf %add3A_923, %mul3A_928 : vector<16xf32>
          %add3A_930 = arith.constant 1664 : i32
          %add3A_931 = arith.addi %mul3A_100, %add3A_930 : i32
          %get3A_932 = arith.index_cast %add3A_931 : i32 to index
          %get3A_933 = tpu.vector_load %arg7[%get3A_932] {strides = array<i32>} : memref<30720xf32, #tpu.memory_space<vmem>>, vector<16xf32>,
          %mul3A_934 = arith.mulf %get3A_933, %get3A_5 : vector<16xf32>
          %add3A_935 = arith.constant 16 : i32
          %add3A_936 = arith.addi %add3A_931, %add3A_935 : i32
          %get3A_937 = arith.index_cast %add3A_936 : i32 to index
          %get3A_938 = tpu.vector_load %arg7[%get3A_937] {strides = array<i32>} : memref<30720xf32, #tpu.memory_space<vmem>>, vector<16xf32>,
          %mul3A_939 = arith.mulf %get3A_938, %get3A_7 : vector<16xf32>
          %add3A_940 = arith.addf %mul3A_934, %mul3A_939 : vector<16xf32>
          %add3A_941 = arith.constant 32 : i32
          %add3A_942 = arith.addi %add3A_931, %add3A_941 : i32
          %get3A_943 = arith.index_cast %add3A_942 : i32 to index
          %get3A_944 = tpu.vector_load %arg7[%get3A_943] {strides = array<i32>} : memref<30720xf32, #tpu.memory_space<vmem>>, vector<16xf32>,
          %mul3A_945 = arith.mulf %get3A_944, %get3A_9 : vector<16xf32>
          %add3A_946 = arith.addf %add3A_940, %mul3A_945 : vector<16xf32>
          %add3A_947 = arith.constant 48 : i32
          %add3A_948 = arith.addi %add3A_931, %add3A_947 : i32
          %get3A_949 = arith.index_cast %add3A_948 : i32 to index
          %get3A_950 = tpu.vector_load %arg7[%get3A_949] {strides = array<i32>} : memref<30720xf32, #tpu.memory_space<vmem>>, vector<16xf32>,
          %mul3A_951 = arith.mulf %get3A_950, %get3A_11 : vector<16xf32>
          %add3A_952 = arith.addf %add3A_946, %mul3A_951 : vector<16xf32>
          %add3A_953 = arith.constant 64 : i32
          %add3A_954 = arith.addi %add3A_931, %add3A_953 : i32
          %get3A_955 = arith.index_cast %add3A_954 : i32 to index
          %get3A_956 = tpu.vector_load %arg7[%get3A_955] {strides = array<i32>} : memref<30720xf32, #tpu.memory_space<vmem>>, vector<16xf32>,
          %mul3A_957 = arith.mulf %get3A_956, %get3A_13 : vector<16xf32>
          %add3A_958 = arith.addf %add3A_952, %mul3A_957 : vector<16xf32>
          %add3A_959 = arith.constant 80 : i32
          %add3A_960 = arith.addi %add3A_931, %add3A_959 : i32
          %get3A_961 = arith.index_cast %add3A_960 : i32 to index
          %get3A_962 = tpu.vector_load %arg7[%get3A_961] {strides = array<i32>} : memref<30720xf32, #tpu.memory_space<vmem>>, vector<16xf32>,
          %mul3A_963 = arith.mulf %get3A_962, %get3A_15 : vector<16xf32>
          %add3A_964 = arith.addf %add3A_958, %mul3A_963 : vector<16xf32>
          %add3A_965 = arith.constant 96 : i32
          %add3A_966 = arith.addi %add3A_931, %add3A_965 : i32
          %get3A_967 = arith.index_cast %add3A_966 : i32 to index
          %get3A_968 = tpu.vector_load %arg7[%get3A_967] {strides = array<i32>} : memref<30720xf32, #tpu.memory_space<vmem>>, vector<16xf32>,
          %mul3A_969 = arith.mulf %get3A_968, %get3A_17 : vector<16xf32>
          %add3A_970 = arith.addf %add3A_964, %mul3A_969 : vector<16xf32>
          %add3A_971 = arith.constant 112 : i32
          %add3A_972 = arith.addi %add3A_931, %add3A_971 : i32
          %get3A_973 = arith.index_cast %add3A_972 : i32 to index
          %get3A_974 = tpu.vector_load %arg7[%get3A_973] {strides = array<i32>} : memref<30720xf32, #tpu.memory_space<vmem>>, vector<16xf32>,
          %mul3A_975 = arith.mulf %get3A_974, %get3A_19 : vector<16xf32>
          %add3A_976 = arith.addf %add3A_970, %mul3A_975 : vector<16xf32>
          %and3A_977 = arith.constant 1 : i32
          %and3A_978 = vector.broadcast %and3A_977 : i32 to vector<16xi32>
          %and3A_979 = arith.andi %iota3A, %and3A_978 : vector<16xi32>
          %ne3A_980 = arith.constant 0 : i32
          %ne3A_981 = vector.broadcast %ne3A_980 : i32 to vector<16xi32>
          %ne3A_982 = arith.cmpi ne, %and3A_979, %ne3A_981 : vector<16xi32>
          %select_n3A_983 = arith.select %ne3A_982, %add3A_976, %add3A_929 : vector<16xi1>, vector<16xf32>
          %select_n3A_984 = arith.select %ne3A_982, %add3A_929, %add3A_976 : vector<16xi1>, vector<16xf32>
          %xor3A_985 = arith.constant 1 : i32
          %xor3A_986 = vector.broadcast %xor3A_985 : i32 to vector<16xi32>
          %xor3A_987 = arith.xori %iota3A, %xor3A_986 : vector<16xi32>
          %lt3A_988 = arith.constant 0 : i32
          %lt3A_989 = vector.broadcast %lt3A_988 : i32 to vector<16xi32>
          %lt3A_990 = arith.cmpi slt, %xor3A_987, %lt3A_989 : vector<16xi32>
          %add3A_991 = arith.constant 16 : i32
          %add3A_992 = vector.broadcast %add3A_991 : i32 to vector<16xi32>
          %add3A_993 = arith.addi %xor3A_987, %add3A_992 : vector<16xi32>
          %select_n3A_994 = arith.select %lt3A_990, %add3A_993, %xor3A_987 : vector<16xi1>, vector<16xi32>
          %broadcast_in_dim3A_995 = vector.shape_cast %select_n3A_994 : vector<16xi32> to vector<16x1xi32>
          %gather3A_996 = vector.shape_cast %broadcast_in_dim3A_995 : vector<16x1xi32> to vector<16xi32>
          %gather3A_997 = tpu.dynamic_gather %select_n3A_984[%gather3A_996] in [0] : vector<16xf32>, vector<16xi32> -> vector<16xf32>
          %add3A_998 = arith.addf %select_n3A_983, %gather3A_997 : vector<16xf32>
          %add3A_999 = arith.constant 1792 : i32
          %add3A_1000 = arith.addi %mul3A_100, %add3A_999 : i32
          %get3A_1001 = arith.index_cast %add3A_1000 : i32 to index
          %get3A_1002 = tpu.vector_load %arg7[%get3A_1001] {strides = array<i32>} : memref<30720xf32, #tpu.memory_space<vmem>>, vector<16xf32>,
          %mul3A_1003 = arith.mulf %get3A_1002, %get3A_5 : vector<16xf32>
          %add3A_1004 = arith.constant 16 : i32
          %add3A_1005 = arith.addi %add3A_1000, %add3A_1004 : i32
          %get3A_1006 = arith.index_cast %add3A_1005 : i32 to index
          %get3A_1007 = tpu.vector_load %arg7[%get3A_1006] {strides = array<i32>} : memref<30720xf32, #tpu.memory_space<vmem>>, vector<16xf32>,
          %mul3A_1008 = arith.mulf %get3A_1007, %get3A_7 : vector<16xf32>
          %add3A_1009 = arith.addf %mul3A_1003, %mul3A_1008 : vector<16xf32>
          %add3A_1010 = arith.constant 32 : i32
          %add3A_1011 = arith.addi %add3A_1000, %add3A_1010 : i32
          %get3A_1012 = arith.index_cast %add3A_1011 : i32 to index
          %get3A_1013 = tpu.vector_load %arg7[%get3A_1012] {strides = array<i32>} : memref<30720xf32, #tpu.memory_space<vmem>>, vector<16xf32>,
          %mul3A_1014 = arith.mulf %get3A_1013, %get3A_9 : vector<16xf32>
          %add3A_1015 = arith.addf %add3A_1009, %mul3A_1014 : vector<16xf32>
          %add3A_1016 = arith.constant 48 : i32
          %add3A_1017 = arith.addi %add3A_1000, %add3A_1016 : i32
          %get3A_1018 = arith.index_cast %add3A_1017 : i32 to index
          %get3A_1019 = tpu.vector_load %arg7[%get3A_1018] {strides = array<i32>} : memref<30720xf32, #tpu.memory_space<vmem>>, vector<16xf32>,
          %mul3A_1020 = arith.mulf %get3A_1019, %get3A_11 : vector<16xf32>
          %add3A_1021 = arith.addf %add3A_1015, %mul3A_1020 : vector<16xf32>
          %add3A_1022 = arith.constant 64 : i32
          %add3A_1023 = arith.addi %add3A_1000, %add3A_1022 : i32
          %get3A_1024 = arith.index_cast %add3A_1023 : i32 to index
          %get3A_1025 = tpu.vector_load %arg7[%get3A_1024] {strides = array<i32>} : memref<30720xf32, #tpu.memory_space<vmem>>, vector<16xf32>,
          %mul3A_1026 = arith.mulf %get3A_1025, %get3A_13 : vector<16xf32>
          %add3A_1027 = arith.addf %add3A_1021, %mul3A_1026 : vector<16xf32>
          %add3A_1028 = arith.constant 80 : i32
          %add3A_1029 = arith.addi %add3A_1000, %add3A_1028 : i32
          %get3A_1030 = arith.index_cast %add3A_1029 : i32 to index
          %get3A_1031 = tpu.vector_load %arg7[%get3A_1030] {strides = array<i32>} : memref<30720xf32, #tpu.memory_space<vmem>>, vector<16xf32>,
          %mul3A_1032 = arith.mulf %get3A_1031, %get3A_15 : vector<16xf32>
          %add3A_1033 = arith.addf %add3A_1027, %mul3A_1032 : vector<16xf32>
          %add3A_1034 = arith.constant 96 : i32
          %add3A_1035 = arith.addi %add3A_1000, %add3A_1034 : i32
          %get3A_1036 = arith.index_cast %add3A_1035 : i32 to index
          %get3A_1037 = tpu.vector_load %arg7[%get3A_1036] {strides = array<i32>} : memref<30720xf32, #tpu.memory_space<vmem>>, vector<16xf32>,
          %mul3A_1038 = arith.mulf %get3A_1037, %get3A_17 : vector<16xf32>
          %add3A_1039 = arith.addf %add3A_1033, %mul3A_1038 : vector<16xf32>
          %add3A_1040 = arith.constant 112 : i32
          %add3A_1041 = arith.addi %add3A_1000, %add3A_1040 : i32
          %get3A_1042 = arith.index_cast %add3A_1041 : i32 to index
          %get3A_1043 = tpu.vector_load %arg7[%get3A_1042] {strides = array<i32>} : memref<30720xf32, #tpu.memory_space<vmem>>, vector<16xf32>,
          %mul3A_1044 = arith.mulf %get3A_1043, %get3A_19 : vector<16xf32>
          %add3A_1045 = arith.addf %add3A_1039, %mul3A_1044 : vector<16xf32>
          %add3A_1046 = arith.constant 1920 : i32
          %add3A_1047 = arith.addi %mul3A_100, %add3A_1046 : i32
          %get3A_1048 = arith.index_cast %add3A_1047 : i32 to index
          %get3A_1049 = tpu.vector_load %arg7[%get3A_1048] {strides = array<i32>} : memref<30720xf32, #tpu.memory_space<vmem>>, vector<16xf32>,
          %mul3A_1050 = arith.mulf %get3A_1049, %get3A_5 : vector<16xf32>
          %add3A_1051 = arith.constant 16 : i32
          %add3A_1052 = arith.addi %add3A_1047, %add3A_1051 : i32
          %get3A_1053 = arith.index_cast %add3A_1052 : i32 to index
          %get3A_1054 = tpu.vector_load %arg7[%get3A_1053] {strides = array<i32>} : memref<30720xf32, #tpu.memory_space<vmem>>, vector<16xf32>,
          %mul3A_1055 = arith.mulf %get3A_1054, %get3A_7 : vector<16xf32>
          %add3A_1056 = arith.addf %mul3A_1050, %mul3A_1055 : vector<16xf32>
          %add3A_1057 = arith.constant 32 : i32
          %add3A_1058 = arith.addi %add3A_1047, %add3A_1057 : i32
          %get3A_1059 = arith.index_cast %add3A_1058 : i32 to index
          %get3A_1060 = tpu.vector_load %arg7[%get3A_1059] {strides = array<i32>} : memref<30720xf32, #tpu.memory_space<vmem>>, vector<16xf32>,
          %mul3A_1061 = arith.mulf %get3A_1060, %get3A_9 : vector<16xf32>
          %add3A_1062 = arith.addf %add3A_1056, %mul3A_1061 : vector<16xf32>
          %add3A_1063 = arith.constant 48 : i32
          %add3A_1064 = arith.addi %add3A_1047, %add3A_1063 : i32
          %get3A_1065 = arith.index_cast %add3A_1064 : i32 to index
          %get3A_1066 = tpu.vector_load %arg7[%get3A_1065] {strides = array<i32>} : memref<30720xf32, #tpu.memory_space<vmem>>, vector<16xf32>,
          %mul3A_1067 = arith.mulf %get3A_1066, %get3A_11 : vector<16xf32>
          %add3A_1068 = arith.addf %add3A_1062, %mul3A_1067 : vector<16xf32>
          %add3A_1069 = arith.constant 64 : i32
          %add3A_1070 = arith.addi %add3A_1047, %add3A_1069 : i32
          %get3A_1071 = arith.index_cast %add3A_1070 : i32 to index
          %get3A_1072 = tpu.vector_load %arg7[%get3A_1071] {strides = array<i32>} : memref<30720xf32, #tpu.memory_space<vmem>>, vector<16xf32>,
          %mul3A_1073 = arith.mulf %get3A_1072, %get3A_13 : vector<16xf32>
          %add3A_1074 = arith.addf %add3A_1068, %mul3A_1073 : vector<16xf32>
          %add3A_1075 = arith.constant 80 : i32
          %add3A_1076 = arith.addi %add3A_1047, %add3A_1075 : i32
          %get3A_1077 = arith.index_cast %add3A_1076 : i32 to index
          %get3A_1078 = tpu.vector_load %arg7[%get3A_1077] {strides = array<i32>} : memref<30720xf32, #tpu.memory_space<vmem>>, vector<16xf32>,
          %mul3A_1079 = arith.mulf %get3A_1078, %get3A_15 : vector<16xf32>
          %add3A_1080 = arith.addf %add3A_1074, %mul3A_1079 : vector<16xf32>
          %add3A_1081 = arith.constant 96 : i32
          %add3A_1082 = arith.addi %add3A_1047, %add3A_1081 : i32
          %get3A_1083 = arith.index_cast %add3A_1082 : i32 to index
          %get3A_1084 = tpu.vector_load %arg7[%get3A_1083] {strides = array<i32>} : memref<30720xf32, #tpu.memory_space<vmem>>, vector<16xf32>,
          %mul3A_1085 = arith.mulf %get3A_1084, %get3A_17 : vector<16xf32>
          %add3A_1086 = arith.addf %add3A_1080, %mul3A_1085 : vector<16xf32>
          %add3A_1087 = arith.constant 112 : i32
          %add3A_1088 = arith.addi %add3A_1047, %add3A_1087 : i32
          %get3A_1089 = arith.index_cast %add3A_1088 : i32 to index
          %get3A_1090 = tpu.vector_load %arg7[%get3A_1089] {strides = array<i32>} : memref<30720xf32, #tpu.memory_space<vmem>>, vector<16xf32>,
          %mul3A_1091 = arith.mulf %get3A_1090, %get3A_19 : vector<16xf32>
          %add3A_1092 = arith.addf %add3A_1086, %mul3A_1091 : vector<16xf32>
          %and3A_1093 = arith.constant 1 : i32
          %and3A_1094 = vector.broadcast %and3A_1093 : i32 to vector<16xi32>
          %and3A_1095 = arith.andi %iota3A, %and3A_1094 : vector<16xi32>
          %ne3A_1096 = arith.constant 0 : i32
          %ne3A_1097 = vector.broadcast %ne3A_1096 : i32 to vector<16xi32>
          %ne3A_1098 = arith.cmpi ne, %and3A_1095, %ne3A_1097 : vector<16xi32>
          %select_n3A_1099 = arith.select %ne3A_1098, %add3A_1092, %add3A_1045 : vector<16xi1>, vector<16xf32>
          %select_n3A_1100 = arith.select %ne3A_1098, %add3A_1045, %add3A_1092 : vector<16xi1>, vector<16xf32>
          %xor3A_1101 = arith.constant 1 : i32
          %xor3A_1102 = vector.broadcast %xor3A_1101 : i32 to vector<16xi32>
          %xor3A_1103 = arith.xori %iota3A, %xor3A_1102 : vector<16xi32>
          %lt3A_1104 = arith.constant 0 : i32
          %lt3A_1105 = vector.broadcast %lt3A_1104 : i32 to vector<16xi32>
          %lt3A_1106 = arith.cmpi slt, %xor3A_1103, %lt3A_1105 : vector<16xi32>
          %add3A_1107 = arith.constant 16 : i32
          %add3A_1108 = vector.broadcast %add3A_1107 : i32 to vector<16xi32>
          %add3A_1109 = arith.addi %xor3A_1103, %add3A_1108 : vector<16xi32>
          %select_n3A_1110 = arith.select %lt3A_1106, %add3A_1109, %xor3A_1103 : vector<16xi1>, vector<16xi32>
          %broadcast_in_dim3A_1111 = vector.shape_cast %select_n3A_1110 : vector<16xi32> to vector<16x1xi32>
          %gather3A_1112 = vector.shape_cast %broadcast_in_dim3A_1111 : vector<16x1xi32> to vector<16xi32>
          %gather3A_1113 = tpu.dynamic_gather %select_n3A_1100[%gather3A_1112] in [0] : vector<16xf32>, vector<16xi32> -> vector<16xf32>
          %add3A_1114 = arith.addf %select_n3A_1099, %gather3A_1113 : vector<16xf32>
          %and3A_1115 = arith.constant 2 : i32
          %and3A_1116 = vector.broadcast %and3A_1115 : i32 to vector<16xi32>
          %and3A_1117 = arith.andi %iota3A, %and3A_1116 : vector<16xi32>
          %ne3A_1118 = arith.constant 0 : i32
          %ne3A_1119 = vector.broadcast %ne3A_1118 : i32 to vector<16xi32>
          %ne3A_1120 = arith.cmpi ne, %and3A_1117, %ne3A_1119 : vector<16xi32>
          %select_n3A_1121 = arith.select %ne3A_1120, %add3A_1114, %add3A_998 : vector<16xi1>, vector<16xf32>
          %select_n3A_1122 = arith.select %ne3A_1120, %add3A_998, %add3A_1114 : vector<16xi1>, vector<16xf32>
          %xor3A_1123 = arith.constant 2 : i32
          %xor3A_1124 = vector.broadcast %xor3A_1123 : i32 to vector<16xi32>
          %xor3A_1125 = arith.xori %iota3A, %xor3A_1124 : vector<16xi32>
          %lt3A_1126 = arith.constant 0 : i32
          %lt3A_1127 = vector.broadcast %lt3A_1126 : i32 to vector<16xi32>
          %lt3A_1128 = arith.cmpi slt, %xor3A_1125, %lt3A_1127 : vector<16xi32>
          %add3A_1129 = arith.constant 16 : i32
          %add3A_1130 = vector.broadcast %add3A_1129 : i32 to vector<16xi32>
          %add3A_1131 = arith.addi %xor3A_1125, %add3A_1130 : vector<16xi32>
          %select_n3A_1132 = arith.select %lt3A_1128, %add3A_1131, %xor3A_1125 : vector<16xi1>, vector<16xi32>
          %broadcast_in_dim3A_1133 = vector.shape_cast %select_n3A_1132 : vector<16xi32> to vector<16x1xi32>
          %gather3A_1134 = vector.shape_cast %broadcast_in_dim3A_1133 : vector<16x1xi32> to vector<16xi32>
          %gather3A_1135 = tpu.dynamic_gather %select_n3A_1122[%gather3A_1134] in [0] : vector<16xf32>, vector<16xi32> -> vector<16xf32>
          %add3A_1136 = arith.addf %select_n3A_1121, %gather3A_1135 : vector<16xf32>
          %and3A_1137 = arith.constant 4 : i32
          %and3A_1138 = vector.broadcast %and3A_1137 : i32 to vector<16xi32>
          %and3A_1139 = arith.andi %iota3A, %and3A_1138 : vector<16xi32>
          %ne3A_1140 = arith.constant 0 : i32
          %ne3A_1141 = vector.broadcast %ne3A_1140 : i32 to vector<16xi32>
          %ne3A_1142 = arith.cmpi ne, %and3A_1139, %ne3A_1141 : vector<16xi32>
          %select_n3A_1143 = arith.select %ne3A_1142, %add3A_1136, %add3A_882 : vector<16xi1>, vector<16xf32>
          %select_n3A_1144 = arith.select %ne3A_1142, %add3A_882, %add3A_1136 : vector<16xi1>, vector<16xf32>
          %xor3A_1145 = arith.constant 4 : i32
          %xor3A_1146 = vector.broadcast %xor3A_1145 : i32 to vector<16xi32>
          %xor3A_1147 = arith.xori %iota3A, %xor3A_1146 : vector<16xi32>
          %lt3A_1148 = arith.constant 0 : i32
          %lt3A_1149 = vector.broadcast %lt3A_1148 : i32 to vector<16xi32>
          %lt3A_1150 = arith.cmpi slt, %xor3A_1147, %lt3A_1149 : vector<16xi32>
          %add3A_1151 = arith.constant 16 : i32
          %add3A_1152 = vector.broadcast %add3A_1151 : i32 to vector<16xi32>
          %add3A_1153 = arith.addi %xor3A_1147, %add3A_1152 : vector<16xi32>
          %select_n3A_1154 = arith.select %lt3A_1150, %add3A_1153, %xor3A_1147 : vector<16xi1>, vector<16xi32>
          %broadcast_in_dim3A_1155 = vector.shape_cast %select_n3A_1154 : vector<16xi32> to vector<16x1xi32>
          %gather3A_1156 = vector.shape_cast %broadcast_in_dim3A_1155 : vector<16x1xi32> to vector<16xi32>
          %gather3A_1157 = tpu.dynamic_gather %select_n3A_1144[%gather3A_1156] in [0] : vector<16xf32>, vector<16xi32> -> vector<16xf32>
          %add3A_1158 = arith.addf %select_n3A_1143, %gather3A_1157 : vector<16xf32>
          %and3A_1159 = arith.constant 8 : i32
          %and3A_1160 = vector.broadcast %and3A_1159 : i32 to vector<16xi32>
          %and3A_1161 = arith.andi %iota3A, %and3A_1160 : vector<16xi32>
          %ne3A_1162 = arith.constant 0 : i32
          %ne3A_1163 = vector.broadcast %ne3A_1162 : i32 to vector<16xi32>
          %ne3A_1164 = arith.cmpi ne, %and3A_1161, %ne3A_1163 : vector<16xi32>
          %select_n3A_1165 = arith.select %ne3A_1164, %add3A_1158, %add3A_628 : vector<16xi1>, vector<16xf32>
          %select_n3A_1166 = arith.select %ne3A_1164, %add3A_628, %add3A_1158 : vector<16xi1>, vector<16xf32>
          %xor3A_1167 = arith.constant 8 : i32
          %xor3A_1168 = vector.broadcast %xor3A_1167 : i32 to vector<16xi32>
          %xor3A_1169 = arith.xori %iota3A, %xor3A_1168 : vector<16xi32>
          %lt3A_1170 = arith.constant 0 : i32
          %lt3A_1171 = vector.broadcast %lt3A_1170 : i32 to vector<16xi32>
          %lt3A_1172 = arith.cmpi slt, %xor3A_1169, %lt3A_1171 : vector<16xi32>
          %add3A_1173 = arith.constant 16 : i32
          %add3A_1174 = vector.broadcast %add3A_1173 : i32 to vector<16xi32>
          %add3A_1175 = arith.addi %xor3A_1169, %add3A_1174 : vector<16xi32>
          %select_n3A_1176 = arith.select %lt3A_1172, %add3A_1175, %xor3A_1169 : vector<16xi1>, vector<16xi32>
          %broadcast_in_dim3A_1177 = vector.shape_cast %select_n3A_1176 : vector<16xi32> to vector<16x1xi32>
          %gather3A_1178 = vector.shape_cast %broadcast_in_dim3A_1177 : vector<16x1xi32> to vector<16xi32>
          %gather3A_1179 = tpu.dynamic_gather %select_n3A_1166[%gather3A_1178] in [0] : vector<16xf32>, vector<16xi32> -> vector<16xf32>
          %add3A_1180 = arith.addf %select_n3A_1165, %gather3A_1179 : vector<16xf32>
          %mul3A_1181 = arith.constant 16 : i32
          %mul3A_1182 = arith.muli %scan3A_96, %mul3A_1181 : i32
          %add3A_1183 = arith.addi %add3A_81, %mul3A_1182 : i32
          %broadcast_in_dim3A_1184 = vector.broadcast %add3A_1183 : i32 to vector<16xi32>
          %iota3A_1185 = tpu.iota {dimensions = array<i32: 0>} : vector<16xi32>
          %add3A_1186 = arith.addi %broadcast_in_dim3A_1184, %iota3A_1185 : vector<16xi32>
          %gt3A = arith.cmpf ogt, %add3A_1180, %scan3A_97 : vector<16xf32>
          %select_n3A_1187 = arith.select %gt3A, %add3A_1180, %scan3A_97 : vector<16xi1>, vector<16xf32>
          %select_n3A_1188 = arith.select %gt3A, %add3A_1186, %scan3A_98 : vector<16xi1>, vector<16xi32>
          scf.yield %select_n3A_1187, %select_n3A_1188 : vector<16xf32>, vector<16xi32>
        }
        %scan3A_91 = arith.constant 15 : i32
        %swap3A_92 = arith.constant 0 : index
        %swap3A_93 = tpu.vector_load %arg10[%swap3A_92] {strides = array<i32>} : memref<16xf32, #tpu.memory_space<vmem>>, vector<16xf32>,
        tpu.vector_store %arg10[%swap3A_92], %scan3A_90#0 {strides = array<i32>} : memref<16xf32, #tpu.memory_space<vmem>>, vector<16xf32>,
        %swap3A_94 = arith.constant 0 : index
        %swap3A_95 = tpu.vector_load %arg11[%swap3A_94] {strides = array<i32>} : memref<16xi32, #tpu.memory_space<vmem>>, vector<16xi32>,
        tpu.vector_store %arg11[%swap3A_94], %scan3A_90#1 {strides = array<i32>} : memref<16xi32, #tpu.memory_space<vmem>>, vector<16xi32>,
      } else {
      }
      %not3A = arith.constant true
      %not3A_65 = arith.xori %eq3A_61, %not3A : i1
      %convert_element_type3A_66 = arith.extui %not3A_65 : i1 to i32
      %cond3A_67 = arith.constant 0 : i32
      %cond3A_68 = arith.cmpi ne, %convert_element_type3A_66, %cond3A_67 : i32
      scf.if %cond3A_68 {
        %dma_wait3A = arith.constant 0 : i32
        %dma_wait3A_69 = tpu.memref_slice %arg3[%dma_wait3A] : memref<12800000xf32, #tpu.memory_space<hbm>> -> memref<30720xf32, #tpu.memory_space<hbm>>
        %dma_wait3A_70 = arith.constant 0 : i32
        %dma_wait3A_71 = tpu.memref_slice %arg3[%dma_wait3A_70] : memref<12800000xf32, #tpu.memory_space<hbm>> -> memref<30720xf32, #tpu.memory_space<hbm>>
        tpu.wait_dma2 semaphore(%arg13 : memref<!tpu.dma_semaphore, #tpu.memory_space<semaphore_mem>>) src(%dma_wait3A_71 : memref<30720xf32, #tpu.memory_space<hbm>>) dst(%arg8 : memref<30720xf32, #tpu.memory_space<vmem>>)
        %add3A_72 = arith.constant 1 : i32
        %add3A_73 = arith.addi %scan3A_49, %add3A_72 : i32
        %lt3A_74 = arith.constant 13 : i32
        %lt3A_75 = arith.cmpi slt, %add3A_73, %lt3A_74 : i32
        %convert_element_type3A_76 = arith.extui %lt3A_75 : i1 to i32
        %cond3A_77 = arith.constant 0 : i32
        %cond3A_78 = arith.cmpi ne, %convert_element_type3A_76, %cond3A_77 : i32
        scf.if %cond3A_78 {
          %add3A_96 = arith.constant 1 : i32
          %add3A_97 = arith.addi %scan3A_49, %add3A_96 : i32
          %mul3A_98 = arith.constant 30720 : i32
          %mul3A_99 = arith.muli %add3A_97, %mul3A_98 : i32
          %add3A_100 = arith.addi %mul3A_4, %mul3A_99 : i32
          %dma_start3A_101 = tpu.memref_slice %arg3[%add3A_100] : memref<12800000xf32, #tpu.memory_space<hbm>> -> memref<30720xf32, #tpu.memory_space<hbm>>
          %dma_start3A_102 = tpu.memref_slice %arg3[%add3A_100] : memref<12800000xf32, #tpu.memory_space<hbm>> -> memref<30720xf32, #tpu.memory_space<hbm>>
          tpu.enqueue_dma source(%dma_start3A_102 : memref<30720xf32, #tpu.memory_space<hbm>>) target(%arg7 : memref<30720xf32, #tpu.memory_space<vmem>>) target_semaphore(%arg12 : memref<!tpu.dma_semaphore, #tpu.memory_space<semaphore_mem>>)
        } else {
        }
        %mul3A_79 = arith.constant 240 : i32
        %mul3A_80 = arith.muli %scan3A_49, %mul3A_79 : i32
        %add3A_81 = arith.addi %mul3A_2, %mul3A_80 : i32
        %get3A_82 = arith.constant 0 : index
        %get3A_83 = tpu.vector_load %arg10[%get3A_82] {strides = array<i32>} : memref<16xf32, #tpu.memory_space<vmem>>, vector<16xf32>,
        %get3A_84 = arith.constant 0 : index
        %get3A_85 = tpu.vector_load %arg11[%get3A_84] {strides = array<i32>} : memref<16xi32, #tpu.memory_space<vmem>>, vector<16xi32>,
        %scan3A_86 = arith.constant 0 : i32
        %scan3A_87 = arith.constant 15 : i32
        %scan3A_88 = arith.addi %scan3A_86, %scan3A_87 : i32
        %scan3A_89 = arith.constant 1 : i32
        %scan3A_90:2 = scf.for %scan3A_96 = %scan3A_86 to %scan3A_88 step %scan3A_89 iter_args(%scan3A_97 = %get3A_83, %scan3A_98 = %get3A_85) -> (vector<16xf32>, vector<16xi32>)  : i32 {
          %mul3A_99 = arith.constant 2048 : i32
          %mul3A_100 = arith.muli %scan3A_96, %mul3A_99 : i32
          %iota3A = tpu.iota {dimensions = array<i32: 0>} : vector<16xi32>
          %add3A_101 = arith.constant 0 : i32
          %add3A_102 = arith.addi %mul3A_100, %add3A_101 : i32
          %get3A_103 = arith.index_cast %add3A_102 : i32 to index
          %get3A_104 = tpu.vector_load %arg8[%get3A_103] {strides = array<i32>} : memref<30720xf32, #tpu.memory_space<vmem>>, vector<16xf32>,
          %mul3A_105 = arith.mulf %get3A_104, %get3A_5 : vector<16xf32>
          %add3A_106 = arith.constant 16 : i32
          %add3A_107 = arith.addi %add3A_102, %add3A_106 : i32
          %get3A_108 = arith.index_cast %add3A_107 : i32 to index
          %get3A_109 = tpu.vector_load %arg8[%get3A_108] {strides = array<i32>} : memref<30720xf32, #tpu.memory_space<vmem>>, vector<16xf32>,
          %mul3A_110 = arith.mulf %get3A_109, %get3A_7 : vector<16xf32>
          %add3A_111 = arith.addf %mul3A_105, %mul3A_110 : vector<16xf32>
          %add3A_112 = arith.constant 32 : i32
          %add3A_113 = arith.addi %add3A_102, %add3A_112 : i32
          %get3A_114 = arith.index_cast %add3A_113 : i32 to index
          %get3A_115 = tpu.vector_load %arg8[%get3A_114] {strides = array<i32>} : memref<30720xf32, #tpu.memory_space<vmem>>, vector<16xf32>,
          %mul3A_116 = arith.mulf %get3A_115, %get3A_9 : vector<16xf32>
          %add3A_117 = arith.addf %add3A_111, %mul3A_116 : vector<16xf32>
          %add3A_118 = arith.constant 48 : i32
          %add3A_119 = arith.addi %add3A_102, %add3A_118 : i32
          %get3A_120 = arith.index_cast %add3A_119 : i32 to index
          %get3A_121 = tpu.vector_load %arg8[%get3A_120] {strides = array<i32>} : memref<30720xf32, #tpu.memory_space<vmem>>, vector<16xf32>,
          %mul3A_122 = arith.mulf %get3A_121, %get3A_11 : vector<16xf32>
          %add3A_123 = arith.addf %add3A_117, %mul3A_122 : vector<16xf32>
          %add3A_124 = arith.constant 64 : i32
          %add3A_125 = arith.addi %add3A_102, %add3A_124 : i32
          %get3A_126 = arith.index_cast %add3A_125 : i32 to index
          %get3A_127 = tpu.vector_load %arg8[%get3A_126] {strides = array<i32>} : memref<30720xf32, #tpu.memory_space<vmem>>, vector<16xf32>,
          %mul3A_128 = arith.mulf %get3A_127, %get3A_13 : vector<16xf32>
          %add3A_129 = arith.addf %add3A_123, %mul3A_128 : vector<16xf32>
          %add3A_130 = arith.constant 80 : i32
          %add3A_131 = arith.addi %add3A_102, %add3A_130 : i32
          %get3A_132 = arith.index_cast %add3A_131 : i32 to index
          %get3A_133 = tpu.vector_load %arg8[%get3A_132] {strides = array<i32>} : memref<30720xf32, #tpu.memory_space<vmem>>, vector<16xf32>,
          %mul3A_134 = arith.mulf %get3A_133, %get3A_15 : vector<16xf32>
          %add3A_135 = arith.addf %add3A_129, %mul3A_134 : vector<16xf32>
          %add3A_136 = arith.constant 96 : i32
          %add3A_137 = arith.addi %add3A_102, %add3A_136 : i32
          %get3A_138 = arith.index_cast %add3A_137 : i32 to index
          %get3A_139 = tpu.vector_load %arg8[%get3A_138] {strides = array<i32>} : memref<30720xf32, #tpu.memory_space<vmem>>, vector<16xf32>,
          %mul3A_140 = arith.mulf %get3A_139, %get3A_17 : vector<16xf32>
          %add3A_141 = arith.addf %add3A_135, %mul3A_140 : vector<16xf32>
          %add3A_142 = arith.constant 112 : i32
          %add3A_143 = arith.addi %add3A_102, %add3A_142 : i32
          %get3A_144 = arith.index_cast %add3A_143 : i32 to index
          %get3A_145 = tpu.vector_load %arg8[%get3A_144] {strides = array<i32>} : memref<30720xf32, #tpu.memory_space<vmem>>, vector<16xf32>,
          %mul3A_146 = arith.mulf %get3A_145, %get3A_19 : vector<16xf32>
          %add3A_147 = arith.addf %add3A_141, %mul3A_146 : vector<16xf32>
          %add3A_148 = arith.constant 128 : i32
          %add3A_149 = arith.addi %mul3A_100, %add3A_148 : i32
          %get3A_150 = arith.index_cast %add3A_149 : i32 to index
          %get3A_151 = tpu.vector_load %arg8[%get3A_150] {strides = array<i32>} : memref<30720xf32, #tpu.memory_space<vmem>>, vector<16xf32>,
          %mul3A_152 = arith.mulf %get3A_151, %get3A_5 : vector<16xf32>
          %add3A_153 = arith.constant 16 : i32
          %add3A_154 = arith.addi %add3A_149, %add3A_153 : i32
          %get3A_155 = arith.index_cast %add3A_154 : i32 to index
          %get3A_156 = tpu.vector_load %arg8[%get3A_155] {strides = array<i32>} : memref<30720xf32, #tpu.memory_space<vmem>>, vector<16xf32>,
          %mul3A_157 = arith.mulf %get3A_156, %get3A_7 : vector<16xf32>
          %add3A_158 = arith.addf %mul3A_152, %mul3A_157 : vector<16xf32>
          %add3A_159 = arith.constant 32 : i32
          %add3A_160 = arith.addi %add3A_149, %add3A_159 : i32
          %get3A_161 = arith.index_cast %add3A_160 : i32 to index
          %get3A_162 = tpu.vector_load %arg8[%get3A_161] {strides = array<i32>} : memref<30720xf32, #tpu.memory_space<vmem>>, vector<16xf32>,
          %mul3A_163 = arith.mulf %get3A_162, %get3A_9 : vector<16xf32>
          %add3A_164 = arith.addf %add3A_158, %mul3A_163 : vector<16xf32>
          %add3A_165 = arith.constant 48 : i32
          %add3A_166 = arith.addi %add3A_149, %add3A_165 : i32
          %get3A_167 = arith.index_cast %add3A_166 : i32 to index
          %get3A_168 = tpu.vector_load %arg8[%get3A_167] {strides = array<i32>} : memref<30720xf32, #tpu.memory_space<vmem>>, vector<16xf32>,
          %mul3A_169 = arith.mulf %get3A_168, %get3A_11 : vector<16xf32>
          %add3A_170 = arith.addf %add3A_164, %mul3A_169 : vector<16xf32>
          %add3A_171 = arith.constant 64 : i32
          %add3A_172 = arith.addi %add3A_149, %add3A_171 : i32
          %get3A_173 = arith.index_cast %add3A_172 : i32 to index
          %get3A_174 = tpu.vector_load %arg8[%get3A_173] {strides = array<i32>} : memref<30720xf32, #tpu.memory_space<vmem>>, vector<16xf32>,
          %mul3A_175 = arith.mulf %get3A_174, %get3A_13 : vector<16xf32>
          %add3A_176 = arith.addf %add3A_170, %mul3A_175 : vector<16xf32>
          %add3A_177 = arith.constant 80 : i32
          %add3A_178 = arith.addi %add3A_149, %add3A_177 : i32
          %get3A_179 = arith.index_cast %add3A_178 : i32 to index
          %get3A_180 = tpu.vector_load %arg8[%get3A_179] {strides = array<i32>} : memref<30720xf32, #tpu.memory_space<vmem>>, vector<16xf32>,
          %mul3A_181 = arith.mulf %get3A_180, %get3A_15 : vector<16xf32>
          %add3A_182 = arith.addf %add3A_176, %mul3A_181 : vector<16xf32>
          %add3A_183 = arith.constant 96 : i32
          %add3A_184 = arith.addi %add3A_149, %add3A_183 : i32
          %get3A_185 = arith.index_cast %add3A_184 : i32 to index
          %get3A_186 = tpu.vector_load %arg8[%get3A_185] {strides = array<i32>} : memref<30720xf32, #tpu.memory_space<vmem>>, vector<16xf32>,
          %mul3A_187 = arith.mulf %get3A_186, %get3A_17 : vector<16xf32>
          %add3A_188 = arith.addf %add3A_182, %mul3A_187 : vector<16xf32>
          %add3A_189 = arith.constant 112 : i32
          %add3A_190 = arith.addi %add3A_149, %add3A_189 : i32
          %get3A_191 = arith.index_cast %add3A_190 : i32 to index
          %get3A_192 = tpu.vector_load %arg8[%get3A_191] {strides = array<i32>} : memref<30720xf32, #tpu.memory_space<vmem>>, vector<16xf32>,
          %mul3A_193 = arith.mulf %get3A_192, %get3A_19 : vector<16xf32>
          %add3A_194 = arith.addf %add3A_188, %mul3A_193 : vector<16xf32>
          %and3A_195 = arith.constant 1 : i32
          %and3A_196 = vector.broadcast %and3A_195 : i32 to vector<16xi32>
          %and3A_197 = arith.andi %iota3A, %and3A_196 : vector<16xi32>
          %ne3A_198 = arith.constant 0 : i32
          %ne3A_199 = vector.broadcast %ne3A_198 : i32 to vector<16xi32>
          %ne3A_200 = arith.cmpi ne, %and3A_197, %ne3A_199 : vector<16xi32>
          %select_n3A_201 = arith.select %ne3A_200, %add3A_194, %add3A_147 : vector<16xi1>, vector<16xf32>
          %select_n3A_202 = arith.select %ne3A_200, %add3A_147, %add3A_194 : vector<16xi1>, vector<16xf32>
          %xor3A = arith.constant 1 : i32
          %xor3A_203 = vector.broadcast %xor3A : i32 to vector<16xi32>
          %xor3A_204 = arith.xori %iota3A, %xor3A_203 : vector<16xi32>
          %lt3A_205 = arith.constant 0 : i32
          %lt3A_206 = vector.broadcast %lt3A_205 : i32 to vector<16xi32>
          %lt3A_207 = arith.cmpi slt, %xor3A_204, %lt3A_206 : vector<16xi32>
          %add3A_208 = arith.constant 16 : i32
          %add3A_209 = vector.broadcast %add3A_208 : i32 to vector<16xi32>
          %add3A_210 = arith.addi %xor3A_204, %add3A_209 : vector<16xi32>
          %select_n3A_211 = arith.select %lt3A_207, %add3A_210, %xor3A_204 : vector<16xi1>, vector<16xi32>
          %broadcast_in_dim3A_212 = vector.shape_cast %select_n3A_211 : vector<16xi32> to vector<16x1xi32>
          %gather3A = vector.shape_cast %broadcast_in_dim3A_212 : vector<16x1xi32> to vector<16xi32>
          %gather3A_213 = tpu.dynamic_gather %select_n3A_202[%gather3A] in [0] : vector<16xf32>, vector<16xi32> -> vector<16xf32>
          %add3A_214 = arith.addf %select_n3A_201, %gather3A_213 : vector<16xf32>
          %add3A_215 = arith.constant 256 : i32
          %add3A_216 = arith.addi %mul3A_100, %add3A_215 : i32
          %get3A_217 = arith.index_cast %add3A_216 : i32 to index
          %get3A_218 = tpu.vector_load %arg8[%get3A_217] {strides = array<i32>} : memref<30720xf32, #tpu.memory_space<vmem>>, vector<16xf32>,
          %mul3A_219 = arith.mulf %get3A_218, %get3A_5 : vector<16xf32>
          %add3A_220 = arith.constant 16 : i32
          %add3A_221 = arith.addi %add3A_216, %add3A_220 : i32
          %get3A_222 = arith.index_cast %add3A_221 : i32 to index
          %get3A_223 = tpu.vector_load %arg8[%get3A_222] {strides = array<i32>} : memref<30720xf32, #tpu.memory_space<vmem>>, vector<16xf32>,
          %mul3A_224 = arith.mulf %get3A_223, %get3A_7 : vector<16xf32>
          %add3A_225 = arith.addf %mul3A_219, %mul3A_224 : vector<16xf32>
          %add3A_226 = arith.constant 32 : i32
          %add3A_227 = arith.addi %add3A_216, %add3A_226 : i32
          %get3A_228 = arith.index_cast %add3A_227 : i32 to index
          %get3A_229 = tpu.vector_load %arg8[%get3A_228] {strides = array<i32>} : memref<30720xf32, #tpu.memory_space<vmem>>, vector<16xf32>,
          %mul3A_230 = arith.mulf %get3A_229, %get3A_9 : vector<16xf32>
          %add3A_231 = arith.addf %add3A_225, %mul3A_230 : vector<16xf32>
          %add3A_232 = arith.constant 48 : i32
          %add3A_233 = arith.addi %add3A_216, %add3A_232 : i32
          %get3A_234 = arith.index_cast %add3A_233 : i32 to index
          %get3A_235 = tpu.vector_load %arg8[%get3A_234] {strides = array<i32>} : memref<30720xf32, #tpu.memory_space<vmem>>, vector<16xf32>,
          %mul3A_236 = arith.mulf %get3A_235, %get3A_11 : vector<16xf32>
          %add3A_237 = arith.addf %add3A_231, %mul3A_236 : vector<16xf32>
          %add3A_238 = arith.constant 64 : i32
          %add3A_239 = arith.addi %add3A_216, %add3A_238 : i32
          %get3A_240 = arith.index_cast %add3A_239 : i32 to index
          %get3A_241 = tpu.vector_load %arg8[%get3A_240] {strides = array<i32>} : memref<30720xf32, #tpu.memory_space<vmem>>, vector<16xf32>,
          %mul3A_242 = arith.mulf %get3A_241, %get3A_13 : vector<16xf32>
          %add3A_243 = arith.addf %add3A_237, %mul3A_242 : vector<16xf32>
          %add3A_244 = arith.constant 80 : i32
          %add3A_245 = arith.addi %add3A_216, %add3A_244 : i32
          %get3A_246 = arith.index_cast %add3A_245 : i32 to index
          %get3A_247 = tpu.vector_load %arg8[%get3A_246] {strides = array<i32>} : memref<30720xf32, #tpu.memory_space<vmem>>, vector<16xf32>,
          %mul3A_248 = arith.mulf %get3A_247, %get3A_15 : vector<16xf32>
          %add3A_249 = arith.addf %add3A_243, %mul3A_248 : vector<16xf32>
          %add3A_250 = arith.constant 96 : i32
          %add3A_251 = arith.addi %add3A_216, %add3A_250 : i32
          %get3A_252 = arith.index_cast %add3A_251 : i32 to index
          %get3A_253 = tpu.vector_load %arg8[%get3A_252] {strides = array<i32>} : memref<30720xf32, #tpu.memory_space<vmem>>, vector<16xf32>,
          %mul3A_254 = arith.mulf %get3A_253, %get3A_17 : vector<16xf32>
          %add3A_255 = arith.addf %add3A_249, %mul3A_254 : vector<16xf32>
          %add3A_256 = arith.constant 112 : i32
          %add3A_257 = arith.addi %add3A_216, %add3A_256 : i32
          %get3A_258 = arith.index_cast %add3A_257 : i32 to index
          %get3A_259 = tpu.vector_load %arg8[%get3A_258] {strides = array<i32>} : memref<30720xf32, #tpu.memory_space<vmem>>, vector<16xf32>,
          %mul3A_260 = arith.mulf %get3A_259, %get3A_19 : vector<16xf32>
          %add3A_261 = arith.addf %add3A_255, %mul3A_260 : vector<16xf32>
          %add3A_262 = arith.constant 384 : i32
          %add3A_263 = arith.addi %mul3A_100, %add3A_262 : i32
          %get3A_264 = arith.index_cast %add3A_263 : i32 to index
          %get3A_265 = tpu.vector_load %arg8[%get3A_264] {strides = array<i32>} : memref<30720xf32, #tpu.memory_space<vmem>>, vector<16xf32>,
          %mul3A_266 = arith.mulf %get3A_265, %get3A_5 : vector<16xf32>
          %add3A_267 = arith.constant 16 : i32
          %add3A_268 = arith.addi %add3A_263, %add3A_267 : i32
          %get3A_269 = arith.index_cast %add3A_268 : i32 to index
          %get3A_270 = tpu.vector_load %arg8[%get3A_269] {strides = array<i32>} : memref<30720xf32, #tpu.memory_space<vmem>>, vector<16xf32>,
          %mul3A_271 = arith.mulf %get3A_270, %get3A_7 : vector<16xf32>
          %add3A_272 = arith.addf %mul3A_266, %mul3A_271 : vector<16xf32>
          %add3A_273 = arith.constant 32 : i32
          %add3A_274 = arith.addi %add3A_263, %add3A_273 : i32
          %get3A_275 = arith.index_cast %add3A_274 : i32 to index
          %get3A_276 = tpu.vector_load %arg8[%get3A_275] {strides = array<i32>} : memref<30720xf32, #tpu.memory_space<vmem>>, vector<16xf32>,
          %mul3A_277 = arith.mulf %get3A_276, %get3A_9 : vector<16xf32>
          %add3A_278 = arith.addf %add3A_272, %mul3A_277 : vector<16xf32>
          %add3A_279 = arith.constant 48 : i32
          %add3A_280 = arith.addi %add3A_263, %add3A_279 : i32
          %get3A_281 = arith.index_cast %add3A_280 : i32 to index
          %get3A_282 = tpu.vector_load %arg8[%get3A_281] {strides = array<i32>} : memref<30720xf32, #tpu.memory_space<vmem>>, vector<16xf32>,
          %mul3A_283 = arith.mulf %get3A_282, %get3A_11 : vector<16xf32>
          %add3A_284 = arith.addf %add3A_278, %mul3A_283 : vector<16xf32>
          %add3A_285 = arith.constant 64 : i32
          %add3A_286 = arith.addi %add3A_263, %add3A_285 : i32
          %get3A_287 = arith.index_cast %add3A_286 : i32 to index
          %get3A_288 = tpu.vector_load %arg8[%get3A_287] {strides = array<i32>} : memref<30720xf32, #tpu.memory_space<vmem>>, vector<16xf32>,
          %mul3A_289 = arith.mulf %get3A_288, %get3A_13 : vector<16xf32>
          %add3A_290 = arith.addf %add3A_284, %mul3A_289 : vector<16xf32>
          %add3A_291 = arith.constant 80 : i32
          %add3A_292 = arith.addi %add3A_263, %add3A_291 : i32
          %get3A_293 = arith.index_cast %add3A_292 : i32 to index
          %get3A_294 = tpu.vector_load %arg8[%get3A_293] {strides = array<i32>} : memref<30720xf32, #tpu.memory_space<vmem>>, vector<16xf32>,
          %mul3A_295 = arith.mulf %get3A_294, %get3A_15 : vector<16xf32>
          %add3A_296 = arith.addf %add3A_290, %mul3A_295 : vector<16xf32>
          %add3A_297 = arith.constant 96 : i32
          %add3A_298 = arith.addi %add3A_263, %add3A_297 : i32
          %get3A_299 = arith.index_cast %add3A_298 : i32 to index
          %get3A_300 = tpu.vector_load %arg8[%get3A_299] {strides = array<i32>} : memref<30720xf32, #tpu.memory_space<vmem>>, vector<16xf32>,
          %mul3A_301 = arith.mulf %get3A_300, %get3A_17 : vector<16xf32>
          %add3A_302 = arith.addf %add3A_296, %mul3A_301 : vector<16xf32>
          %add3A_303 = arith.constant 112 : i32
          %add3A_304 = arith.addi %add3A_263, %add3A_303 : i32
          %get3A_305 = arith.index_cast %add3A_304 : i32 to index
          %get3A_306 = tpu.vector_load %arg8[%get3A_305] {strides = array<i32>} : memref<30720xf32, #tpu.memory_space<vmem>>, vector<16xf32>,
          %mul3A_307 = arith.mulf %get3A_306, %get3A_19 : vector<16xf32>
          %add3A_308 = arith.addf %add3A_302, %mul3A_307 : vector<16xf32>
          %and3A_309 = arith.constant 1 : i32
          %and3A_310 = vector.broadcast %and3A_309 : i32 to vector<16xi32>
          %and3A_311 = arith.andi %iota3A, %and3A_310 : vector<16xi32>
          %ne3A_312 = arith.constant 0 : i32
          %ne3A_313 = vector.broadcast %ne3A_312 : i32 to vector<16xi32>
          %ne3A_314 = arith.cmpi ne, %and3A_311, %ne3A_313 : vector<16xi32>
          %select_n3A_315 = arith.select %ne3A_314, %add3A_308, %add3A_261 : vector<16xi1>, vector<16xf32>
          %select_n3A_316 = arith.select %ne3A_314, %add3A_261, %add3A_308 : vector<16xi1>, vector<16xf32>
          %xor3A_317 = arith.constant 1 : i32
          %xor3A_318 = vector.broadcast %xor3A_317 : i32 to vector<16xi32>
          %xor3A_319 = arith.xori %iota3A, %xor3A_318 : vector<16xi32>
          %lt3A_320 = arith.constant 0 : i32
          %lt3A_321 = vector.broadcast %lt3A_320 : i32 to vector<16xi32>
          %lt3A_322 = arith.cmpi slt, %xor3A_319, %lt3A_321 : vector<16xi32>
          %add3A_323 = arith.constant 16 : i32
          %add3A_324 = vector.broadcast %add3A_323 : i32 to vector<16xi32>
          %add3A_325 = arith.addi %xor3A_319, %add3A_324 : vector<16xi32>
          %select_n3A_326 = arith.select %lt3A_322, %add3A_325, %xor3A_319 : vector<16xi1>, vector<16xi32>
          %broadcast_in_dim3A_327 = vector.shape_cast %select_n3A_326 : vector<16xi32> to vector<16x1xi32>
          %gather3A_328 = vector.shape_cast %broadcast_in_dim3A_327 : vector<16x1xi32> to vector<16xi32>
          %gather3A_329 = tpu.dynamic_gather %select_n3A_316[%gather3A_328] in [0] : vector<16xf32>, vector<16xi32> -> vector<16xf32>
          %add3A_330 = arith.addf %select_n3A_315, %gather3A_329 : vector<16xf32>
          %and3A_331 = arith.constant 2 : i32
          %and3A_332 = vector.broadcast %and3A_331 : i32 to vector<16xi32>
          %and3A_333 = arith.andi %iota3A, %and3A_332 : vector<16xi32>
          %ne3A_334 = arith.constant 0 : i32
          %ne3A_335 = vector.broadcast %ne3A_334 : i32 to vector<16xi32>
          %ne3A_336 = arith.cmpi ne, %and3A_333, %ne3A_335 : vector<16xi32>
          %select_n3A_337 = arith.select %ne3A_336, %add3A_330, %add3A_214 : vector<16xi1>, vector<16xf32>
          %select_n3A_338 = arith.select %ne3A_336, %add3A_214, %add3A_330 : vector<16xi1>, vector<16xf32>
          %xor3A_339 = arith.constant 2 : i32
          %xor3A_340 = vector.broadcast %xor3A_339 : i32 to vector<16xi32>
          %xor3A_341 = arith.xori %iota3A, %xor3A_340 : vector<16xi32>
          %lt3A_342 = arith.constant 0 : i32
          %lt3A_343 = vector.broadcast %lt3A_342 : i32 to vector<16xi32>
          %lt3A_344 = arith.cmpi slt, %xor3A_341, %lt3A_343 : vector<16xi32>
          %add3A_345 = arith.constant 16 : i32
          %add3A_346 = vector.broadcast %add3A_345 : i32 to vector<16xi32>
          %add3A_347 = arith.addi %xor3A_341, %add3A_346 : vector<16xi32>
          %select_n3A_348 = arith.select %lt3A_344, %add3A_347, %xor3A_341 : vector<16xi1>, vector<16xi32>
          %broadcast_in_dim3A_349 = vector.shape_cast %select_n3A_348 : vector<16xi32> to vector<16x1xi32>
          %gather3A_350 = vector.shape_cast %broadcast_in_dim3A_349 : vector<16x1xi32> to vector<16xi32>
          %gather3A_351 = tpu.dynamic_gather %select_n3A_338[%gather3A_350] in [0] : vector<16xf32>, vector<16xi32> -> vector<16xf32>
          %add3A_352 = arith.addf %select_n3A_337, %gather3A_351 : vector<16xf32>
          %add3A_353 = arith.constant 512 : i32
          %add3A_354 = arith.addi %mul3A_100, %add3A_353 : i32
          %get3A_355 = arith.index_cast %add3A_354 : i32 to index
          %get3A_356 = tpu.vector_load %arg8[%get3A_355] {strides = array<i32>} : memref<30720xf32, #tpu.memory_space<vmem>>, vector<16xf32>,
          %mul3A_357 = arith.mulf %get3A_356, %get3A_5 : vector<16xf32>
          %add3A_358 = arith.constant 16 : i32
          %add3A_359 = arith.addi %add3A_354, %add3A_358 : i32
          %get3A_360 = arith.index_cast %add3A_359 : i32 to index
          %get3A_361 = tpu.vector_load %arg8[%get3A_360] {strides = array<i32>} : memref<30720xf32, #tpu.memory_space<vmem>>, vector<16xf32>,
          %mul3A_362 = arith.mulf %get3A_361, %get3A_7 : vector<16xf32>
          %add3A_363 = arith.addf %mul3A_357, %mul3A_362 : vector<16xf32>
          %add3A_364 = arith.constant 32 : i32
          %add3A_365 = arith.addi %add3A_354, %add3A_364 : i32
          %get3A_366 = arith.index_cast %add3A_365 : i32 to index
          %get3A_367 = tpu.vector_load %arg8[%get3A_366] {strides = array<i32>} : memref<30720xf32, #tpu.memory_space<vmem>>, vector<16xf32>,
          %mul3A_368 = arith.mulf %get3A_367, %get3A_9 : vector<16xf32>
          %add3A_369 = arith.addf %add3A_363, %mul3A_368 : vector<16xf32>
          %add3A_370 = arith.constant 48 : i32
          %add3A_371 = arith.addi %add3A_354, %add3A_370 : i32
          %get3A_372 = arith.index_cast %add3A_371 : i32 to index
          %get3A_373 = tpu.vector_load %arg8[%get3A_372] {strides = array<i32>} : memref<30720xf32, #tpu.memory_space<vmem>>, vector<16xf32>,
          %mul3A_374 = arith.mulf %get3A_373, %get3A_11 : vector<16xf32>
          %add3A_375 = arith.addf %add3A_369, %mul3A_374 : vector<16xf32>
          %add3A_376 = arith.constant 64 : i32
          %add3A_377 = arith.addi %add3A_354, %add3A_376 : i32
          %get3A_378 = arith.index_cast %add3A_377 : i32 to index
          %get3A_379 = tpu.vector_load %arg8[%get3A_378] {strides = array<i32>} : memref<30720xf32, #tpu.memory_space<vmem>>, vector<16xf32>,
          %mul3A_380 = arith.mulf %get3A_379, %get3A_13 : vector<16xf32>
          %add3A_381 = arith.addf %add3A_375, %mul3A_380 : vector<16xf32>
          %add3A_382 = arith.constant 80 : i32
          %add3A_383 = arith.addi %add3A_354, %add3A_382 : i32
          %get3A_384 = arith.index_cast %add3A_383 : i32 to index
          %get3A_385 = tpu.vector_load %arg8[%get3A_384] {strides = array<i32>} : memref<30720xf32, #tpu.memory_space<vmem>>, vector<16xf32>,
          %mul3A_386 = arith.mulf %get3A_385, %get3A_15 : vector<16xf32>
          %add3A_387 = arith.addf %add3A_381, %mul3A_386 : vector<16xf32>
          %add3A_388 = arith.constant 96 : i32
          %add3A_389 = arith.addi %add3A_354, %add3A_388 : i32
          %get3A_390 = arith.index_cast %add3A_389 : i32 to index
          %get3A_391 = tpu.vector_load %arg8[%get3A_390] {strides = array<i32>} : memref<30720xf32, #tpu.memory_space<vmem>>, vector<16xf32>,
          %mul3A_392 = arith.mulf %get3A_391, %get3A_17 : vector<16xf32>
          %add3A_393 = arith.addf %add3A_387, %mul3A_392 : vector<16xf32>
          %add3A_394 = arith.constant 112 : i32
          %add3A_395 = arith.addi %add3A_354, %add3A_394 : i32
          %get3A_396 = arith.index_cast %add3A_395 : i32 to index
          %get3A_397 = tpu.vector_load %arg8[%get3A_396] {strides = array<i32>} : memref<30720xf32, #tpu.memory_space<vmem>>, vector<16xf32>,
          %mul3A_398 = arith.mulf %get3A_397, %get3A_19 : vector<16xf32>
          %add3A_399 = arith.addf %add3A_393, %mul3A_398 : vector<16xf32>
          %add3A_400 = arith.constant 640 : i32
          %add3A_401 = arith.addi %mul3A_100, %add3A_400 : i32
          %get3A_402 = arith.index_cast %add3A_401 : i32 to index
          %get3A_403 = tpu.vector_load %arg8[%get3A_402] {strides = array<i32>} : memref<30720xf32, #tpu.memory_space<vmem>>, vector<16xf32>,
          %mul3A_404 = arith.mulf %get3A_403, %get3A_5 : vector<16xf32>
          %add3A_405 = arith.constant 16 : i32
          %add3A_406 = arith.addi %add3A_401, %add3A_405 : i32
          %get3A_407 = arith.index_cast %add3A_406 : i32 to index
          %get3A_408 = tpu.vector_load %arg8[%get3A_407] {strides = array<i32>} : memref<30720xf32, #tpu.memory_space<vmem>>, vector<16xf32>,
          %mul3A_409 = arith.mulf %get3A_408, %get3A_7 : vector<16xf32>
          %add3A_410 = arith.addf %mul3A_404, %mul3A_409 : vector<16xf32>
          %add3A_411 = arith.constant 32 : i32
          %add3A_412 = arith.addi %add3A_401, %add3A_411 : i32
          %get3A_413 = arith.index_cast %add3A_412 : i32 to index
          %get3A_414 = tpu.vector_load %arg8[%get3A_413] {strides = array<i32>} : memref<30720xf32, #tpu.memory_space<vmem>>, vector<16xf32>,
          %mul3A_415 = arith.mulf %get3A_414, %get3A_9 : vector<16xf32>
          %add3A_416 = arith.addf %add3A_410, %mul3A_415 : vector<16xf32>
          %add3A_417 = arith.constant 48 : i32
          %add3A_418 = arith.addi %add3A_401, %add3A_417 : i32
          %get3A_419 = arith.index_cast %add3A_418 : i32 to index
          %get3A_420 = tpu.vector_load %arg8[%get3A_419] {strides = array<i32>} : memref<30720xf32, #tpu.memory_space<vmem>>, vector<16xf32>,
          %mul3A_421 = arith.mulf %get3A_420, %get3A_11 : vector<16xf32>
          %add3A_422 = arith.addf %add3A_416, %mul3A_421 : vector<16xf32>
          %add3A_423 = arith.constant 64 : i32
          %add3A_424 = arith.addi %add3A_401, %add3A_423 : i32
          %get3A_425 = arith.index_cast %add3A_424 : i32 to index
          %get3A_426 = tpu.vector_load %arg8[%get3A_425] {strides = array<i32>} : memref<30720xf32, #tpu.memory_space<vmem>>, vector<16xf32>,
          %mul3A_427 = arith.mulf %get3A_426, %get3A_13 : vector<16xf32>
          %add3A_428 = arith.addf %add3A_422, %mul3A_427 : vector<16xf32>
          %add3A_429 = arith.constant 80 : i32
          %add3A_430 = arith.addi %add3A_401, %add3A_429 : i32
          %get3A_431 = arith.index_cast %add3A_430 : i32 to index
          %get3A_432 = tpu.vector_load %arg8[%get3A_431] {strides = array<i32>} : memref<30720xf32, #tpu.memory_space<vmem>>, vector<16xf32>,
          %mul3A_433 = arith.mulf %get3A_432, %get3A_15 : vector<16xf32>
          %add3A_434 = arith.addf %add3A_428, %mul3A_433 : vector<16xf32>
          %add3A_435 = arith.constant 96 : i32
          %add3A_436 = arith.addi %add3A_401, %add3A_435 : i32
          %get3A_437 = arith.index_cast %add3A_436 : i32 to index
          %get3A_438 = tpu.vector_load %arg8[%get3A_437] {strides = array<i32>} : memref<30720xf32, #tpu.memory_space<vmem>>, vector<16xf32>,
          %mul3A_439 = arith.mulf %get3A_438, %get3A_17 : vector<16xf32>
          %add3A_440 = arith.addf %add3A_434, %mul3A_439 : vector<16xf32>
          %add3A_441 = arith.constant 112 : i32
          %add3A_442 = arith.addi %add3A_401, %add3A_441 : i32
          %get3A_443 = arith.index_cast %add3A_442 : i32 to index
          %get3A_444 = tpu.vector_load %arg8[%get3A_443] {strides = array<i32>} : memref<30720xf32, #tpu.memory_space<vmem>>, vector<16xf32>,
          %mul3A_445 = arith.mulf %get3A_444, %get3A_19 : vector<16xf32>
          %add3A_446 = arith.addf %add3A_440, %mul3A_445 : vector<16xf32>
          %and3A_447 = arith.constant 1 : i32
          %and3A_448 = vector.broadcast %and3A_447 : i32 to vector<16xi32>
          %and3A_449 = arith.andi %iota3A, %and3A_448 : vector<16xi32>
          %ne3A_450 = arith.constant 0 : i32
          %ne3A_451 = vector.broadcast %ne3A_450 : i32 to vector<16xi32>
          %ne3A_452 = arith.cmpi ne, %and3A_449, %ne3A_451 : vector<16xi32>
          %select_n3A_453 = arith.select %ne3A_452, %add3A_446, %add3A_399 : vector<16xi1>, vector<16xf32>
          %select_n3A_454 = arith.select %ne3A_452, %add3A_399, %add3A_446 : vector<16xi1>, vector<16xf32>
          %xor3A_455 = arith.constant 1 : i32
          %xor3A_456 = vector.broadcast %xor3A_455 : i32 to vector<16xi32>
          %xor3A_457 = arith.xori %iota3A, %xor3A_456 : vector<16xi32>
          %lt3A_458 = arith.constant 0 : i32
          %lt3A_459 = vector.broadcast %lt3A_458 : i32 to vector<16xi32>
          %lt3A_460 = arith.cmpi slt, %xor3A_457, %lt3A_459 : vector<16xi32>
          %add3A_461 = arith.constant 16 : i32
          %add3A_462 = vector.broadcast %add3A_461 : i32 to vector<16xi32>
          %add3A_463 = arith.addi %xor3A_457, %add3A_462 : vector<16xi32>
          %select_n3A_464 = arith.select %lt3A_460, %add3A_463, %xor3A_457 : vector<16xi1>, vector<16xi32>
          %broadcast_in_dim3A_465 = vector.shape_cast %select_n3A_464 : vector<16xi32> to vector<16x1xi32>
          %gather3A_466 = vector.shape_cast %broadcast_in_dim3A_465 : vector<16x1xi32> to vector<16xi32>
          %gather3A_467 = tpu.dynamic_gather %select_n3A_454[%gather3A_466] in [0] : vector<16xf32>, vector<16xi32> -> vector<16xf32>
          %add3A_468 = arith.addf %select_n3A_453, %gather3A_467 : vector<16xf32>
          %add3A_469 = arith.constant 768 : i32
          %add3A_470 = arith.addi %mul3A_100, %add3A_469 : i32
          %get3A_471 = arith.index_cast %add3A_470 : i32 to index
          %get3A_472 = tpu.vector_load %arg8[%get3A_471] {strides = array<i32>} : memref<30720xf32, #tpu.memory_space<vmem>>, vector<16xf32>,
          %mul3A_473 = arith.mulf %get3A_472, %get3A_5 : vector<16xf32>
          %add3A_474 = arith.constant 16 : i32
          %add3A_475 = arith.addi %add3A_470, %add3A_474 : i32
          %get3A_476 = arith.index_cast %add3A_475 : i32 to index
          %get3A_477 = tpu.vector_load %arg8[%get3A_476] {strides = array<i32>} : memref<30720xf32, #tpu.memory_space<vmem>>, vector<16xf32>,
          %mul3A_478 = arith.mulf %get3A_477, %get3A_7 : vector<16xf32>
          %add3A_479 = arith.addf %mul3A_473, %mul3A_478 : vector<16xf32>
          %add3A_480 = arith.constant 32 : i32
          %add3A_481 = arith.addi %add3A_470, %add3A_480 : i32
          %get3A_482 = arith.index_cast %add3A_481 : i32 to index
          %get3A_483 = tpu.vector_load %arg8[%get3A_482] {strides = array<i32>} : memref<30720xf32, #tpu.memory_space<vmem>>, vector<16xf32>,
          %mul3A_484 = arith.mulf %get3A_483, %get3A_9 : vector<16xf32>
          %add3A_485 = arith.addf %add3A_479, %mul3A_484 : vector<16xf32>
          %add3A_486 = arith.constant 48 : i32
          %add3A_487 = arith.addi %add3A_470, %add3A_486 : i32
          %get3A_488 = arith.index_cast %add3A_487 : i32 to index
          %get3A_489 = tpu.vector_load %arg8[%get3A_488] {strides = array<i32>} : memref<30720xf32, #tpu.memory_space<vmem>>, vector<16xf32>,
          %mul3A_490 = arith.mulf %get3A_489, %get3A_11 : vector<16xf32>
          %add3A_491 = arith.addf %add3A_485, %mul3A_490 : vector<16xf32>
          %add3A_492 = arith.constant 64 : i32
          %add3A_493 = arith.addi %add3A_470, %add3A_492 : i32
          %get3A_494 = arith.index_cast %add3A_493 : i32 to index
          %get3A_495 = tpu.vector_load %arg8[%get3A_494] {strides = array<i32>} : memref<30720xf32, #tpu.memory_space<vmem>>, vector<16xf32>,
          %mul3A_496 = arith.mulf %get3A_495, %get3A_13 : vector<16xf32>
          %add3A_497 = arith.addf %add3A_491, %mul3A_496 : vector<16xf32>
          %add3A_498 = arith.constant 80 : i32
          %add3A_499 = arith.addi %add3A_470, %add3A_498 : i32
          %get3A_500 = arith.index_cast %add3A_499 : i32 to index
          %get3A_501 = tpu.vector_load %arg8[%get3A_500] {strides = array<i32>} : memref<30720xf32, #tpu.memory_space<vmem>>, vector<16xf32>,
          %mul3A_502 = arith.mulf %get3A_501, %get3A_15 : vector<16xf32>
          %add3A_503 = arith.addf %add3A_497, %mul3A_502 : vector<16xf32>
          %add3A_504 = arith.constant 96 : i32
          %add3A_505 = arith.addi %add3A_470, %add3A_504 : i32
          %get3A_506 = arith.index_cast %add3A_505 : i32 to index
          %get3A_507 = tpu.vector_load %arg8[%get3A_506] {strides = array<i32>} : memref<30720xf32, #tpu.memory_space<vmem>>, vector<16xf32>,
          %mul3A_508 = arith.mulf %get3A_507, %get3A_17 : vector<16xf32>
          %add3A_509 = arith.addf %add3A_503, %mul3A_508 : vector<16xf32>
          %add3A_510 = arith.constant 112 : i32
          %add3A_511 = arith.addi %add3A_470, %add3A_510 : i32
          %get3A_512 = arith.index_cast %add3A_511 : i32 to index
          %get3A_513 = tpu.vector_load %arg8[%get3A_512] {strides = array<i32>} : memref<30720xf32, #tpu.memory_space<vmem>>, vector<16xf32>,
          %mul3A_514 = arith.mulf %get3A_513, %get3A_19 : vector<16xf32>
          %add3A_515 = arith.addf %add3A_509, %mul3A_514 : vector<16xf32>
          %add3A_516 = arith.constant 896 : i32
          %add3A_517 = arith.addi %mul3A_100, %add3A_516 : i32
          %get3A_518 = arith.index_cast %add3A_517 : i32 to index
          %get3A_519 = tpu.vector_load %arg8[%get3A_518] {strides = array<i32>} : memref<30720xf32, #tpu.memory_space<vmem>>, vector<16xf32>,
          %mul3A_520 = arith.mulf %get3A_519, %get3A_5 : vector<16xf32>
          %add3A_521 = arith.constant 16 : i32
          %add3A_522 = arith.addi %add3A_517, %add3A_521 : i32
          %get3A_523 = arith.index_cast %add3A_522 : i32 to index
          %get3A_524 = tpu.vector_load %arg8[%get3A_523] {strides = array<i32>} : memref<30720xf32, #tpu.memory_space<vmem>>, vector<16xf32>,
          %mul3A_525 = arith.mulf %get3A_524, %get3A_7 : vector<16xf32>
          %add3A_526 = arith.addf %mul3A_520, %mul3A_525 : vector<16xf32>
          %add3A_527 = arith.constant 32 : i32
          %add3A_528 = arith.addi %add3A_517, %add3A_527 : i32
          %get3A_529 = arith.index_cast %add3A_528 : i32 to index
          %get3A_530 = tpu.vector_load %arg8[%get3A_529] {strides = array<i32>} : memref<30720xf32, #tpu.memory_space<vmem>>, vector<16xf32>,
          %mul3A_531 = arith.mulf %get3A_530, %get3A_9 : vector<16xf32>
          %add3A_532 = arith.addf %add3A_526, %mul3A_531 : vector<16xf32>
          %add3A_533 = arith.constant 48 : i32
          %add3A_534 = arith.addi %add3A_517, %add3A_533 : i32
          %get3A_535 = arith.index_cast %add3A_534 : i32 to index
          %get3A_536 = tpu.vector_load %arg8[%get3A_535] {strides = array<i32>} : memref<30720xf32, #tpu.memory_space<vmem>>, vector<16xf32>,
          %mul3A_537 = arith.mulf %get3A_536, %get3A_11 : vector<16xf32>
          %add3A_538 = arith.addf %add3A_532, %mul3A_537 : vector<16xf32>
          %add3A_539 = arith.constant 64 : i32
          %add3A_540 = arith.addi %add3A_517, %add3A_539 : i32
          %get3A_541 = arith.index_cast %add3A_540 : i32 to index
          %get3A_542 = tpu.vector_load %arg8[%get3A_541] {strides = array<i32>} : memref<30720xf32, #tpu.memory_space<vmem>>, vector<16xf32>,
          %mul3A_543 = arith.mulf %get3A_542, %get3A_13 : vector<16xf32>
          %add3A_544 = arith.addf %add3A_538, %mul3A_543 : vector<16xf32>
          %add3A_545 = arith.constant 80 : i32
          %add3A_546 = arith.addi %add3A_517, %add3A_545 : i32
          %get3A_547 = arith.index_cast %add3A_546 : i32 to index
          %get3A_548 = tpu.vector_load %arg8[%get3A_547] {strides = array<i32>} : memref<30720xf32, #tpu.memory_space<vmem>>, vector<16xf32>,
          %mul3A_549 = arith.mulf %get3A_548, %get3A_15 : vector<16xf32>
          %add3A_550 = arith.addf %add3A_544, %mul3A_549 : vector<16xf32>
          %add3A_551 = arith.constant 96 : i32
          %add3A_552 = arith.addi %add3A_517, %add3A_551 : i32
          %get3A_553 = arith.index_cast %add3A_552 : i32 to index
          %get3A_554 = tpu.vector_load %arg8[%get3A_553] {strides = array<i32>} : memref<30720xf32, #tpu.memory_space<vmem>>, vector<16xf32>,
          %mul3A_555 = arith.mulf %get3A_554, %get3A_17 : vector<16xf32>
          %add3A_556 = arith.addf %add3A_550, %mul3A_555 : vector<16xf32>
          %add3A_557 = arith.constant 112 : i32
          %add3A_558 = arith.addi %add3A_517, %add3A_557 : i32
          %get3A_559 = arith.index_cast %add3A_558 : i32 to index
          %get3A_560 = tpu.vector_load %arg8[%get3A_559] {strides = array<i32>} : memref<30720xf32, #tpu.memory_space<vmem>>, vector<16xf32>,
          %mul3A_561 = arith.mulf %get3A_560, %get3A_19 : vector<16xf32>
          %add3A_562 = arith.addf %add3A_556, %mul3A_561 : vector<16xf32>
          %and3A_563 = arith.constant 1 : i32
          %and3A_564 = vector.broadcast %and3A_563 : i32 to vector<16xi32>
          %and3A_565 = arith.andi %iota3A, %and3A_564 : vector<16xi32>
          %ne3A_566 = arith.constant 0 : i32
          %ne3A_567 = vector.broadcast %ne3A_566 : i32 to vector<16xi32>
          %ne3A_568 = arith.cmpi ne, %and3A_565, %ne3A_567 : vector<16xi32>
          %select_n3A_569 = arith.select %ne3A_568, %add3A_562, %add3A_515 : vector<16xi1>, vector<16xf32>
          %select_n3A_570 = arith.select %ne3A_568, %add3A_515, %add3A_562 : vector<16xi1>, vector<16xf32>
          %xor3A_571 = arith.constant 1 : i32
          %xor3A_572 = vector.broadcast %xor3A_571 : i32 to vector<16xi32>
          %xor3A_573 = arith.xori %iota3A, %xor3A_572 : vector<16xi32>
          %lt3A_574 = arith.constant 0 : i32
          %lt3A_575 = vector.broadcast %lt3A_574 : i32 to vector<16xi32>
          %lt3A_576 = arith.cmpi slt, %xor3A_573, %lt3A_575 : vector<16xi32>
          %add3A_577 = arith.constant 16 : i32
          %add3A_578 = vector.broadcast %add3A_577 : i32 to vector<16xi32>
          %add3A_579 = arith.addi %xor3A_573, %add3A_578 : vector<16xi32>
          %select_n3A_580 = arith.select %lt3A_576, %add3A_579, %xor3A_573 : vector<16xi1>, vector<16xi32>
          %broadcast_in_dim3A_581 = vector.shape_cast %select_n3A_580 : vector<16xi32> to vector<16x1xi32>
          %gather3A_582 = vector.shape_cast %broadcast_in_dim3A_581 : vector<16x1xi32> to vector<16xi32>
          %gather3A_583 = tpu.dynamic_gather %select_n3A_570[%gather3A_582] in [0] : vector<16xf32>, vector<16xi32> -> vector<16xf32>
          %add3A_584 = arith.addf %select_n3A_569, %gather3A_583 : vector<16xf32>
          %and3A_585 = arith.constant 2 : i32
          %and3A_586 = vector.broadcast %and3A_585 : i32 to vector<16xi32>
          %and3A_587 = arith.andi %iota3A, %and3A_586 : vector<16xi32>
          %ne3A_588 = arith.constant 0 : i32
          %ne3A_589 = vector.broadcast %ne3A_588 : i32 to vector<16xi32>
          %ne3A_590 = arith.cmpi ne, %and3A_587, %ne3A_589 : vector<16xi32>
          %select_n3A_591 = arith.select %ne3A_590, %add3A_584, %add3A_468 : vector<16xi1>, vector<16xf32>
          %select_n3A_592 = arith.select %ne3A_590, %add3A_468, %add3A_584 : vector<16xi1>, vector<16xf32>
          %xor3A_593 = arith.constant 2 : i32
          %xor3A_594 = vector.broadcast %xor3A_593 : i32 to vector<16xi32>
          %xor3A_595 = arith.xori %iota3A, %xor3A_594 : vector<16xi32>
          %lt3A_596 = arith.constant 0 : i32
          %lt3A_597 = vector.broadcast %lt3A_596 : i32 to vector<16xi32>
          %lt3A_598 = arith.cmpi slt, %xor3A_595, %lt3A_597 : vector<16xi32>
          %add3A_599 = arith.constant 16 : i32
          %add3A_600 = vector.broadcast %add3A_599 : i32 to vector<16xi32>
          %add3A_601 = arith.addi %xor3A_595, %add3A_600 : vector<16xi32>
          %select_n3A_602 = arith.select %lt3A_598, %add3A_601, %xor3A_595 : vector<16xi1>, vector<16xi32>
          %broadcast_in_dim3A_603 = vector.shape_cast %select_n3A_602 : vector<16xi32> to vector<16x1xi32>
          %gather3A_604 = vector.shape_cast %broadcast_in_dim3A_603 : vector<16x1xi32> to vector<16xi32>
          %gather3A_605 = tpu.dynamic_gather %select_n3A_592[%gather3A_604] in [0] : vector<16xf32>, vector<16xi32> -> vector<16xf32>
          %add3A_606 = arith.addf %select_n3A_591, %gather3A_605 : vector<16xf32>
          %and3A_607 = arith.constant 4 : i32
          %and3A_608 = vector.broadcast %and3A_607 : i32 to vector<16xi32>
          %and3A_609 = arith.andi %iota3A, %and3A_608 : vector<16xi32>
          %ne3A_610 = arith.constant 0 : i32
          %ne3A_611 = vector.broadcast %ne3A_610 : i32 to vector<16xi32>
          %ne3A_612 = arith.cmpi ne, %and3A_609, %ne3A_611 : vector<16xi32>
          %select_n3A_613 = arith.select %ne3A_612, %add3A_606, %add3A_352 : vector<16xi1>, vector<16xf32>
          %select_n3A_614 = arith.select %ne3A_612, %add3A_352, %add3A_606 : vector<16xi1>, vector<16xf32>
          %xor3A_615 = arith.constant 4 : i32
          %xor3A_616 = vector.broadcast %xor3A_615 : i32 to vector<16xi32>
          %xor3A_617 = arith.xori %iota3A, %xor3A_616 : vector<16xi32>
          %lt3A_618 = arith.constant 0 : i32
          %lt3A_619 = vector.broadcast %lt3A_618 : i32 to vector<16xi32>
          %lt3A_620 = arith.cmpi slt, %xor3A_617, %lt3A_619 : vector<16xi32>
          %add3A_621 = arith.constant 16 : i32
          %add3A_622 = vector.broadcast %add3A_621 : i32 to vector<16xi32>
          %add3A_623 = arith.addi %xor3A_617, %add3A_622 : vector<16xi32>
          %select_n3A_624 = arith.select %lt3A_620, %add3A_623, %xor3A_617 : vector<16xi1>, vector<16xi32>
          %broadcast_in_dim3A_625 = vector.shape_cast %select_n3A_624 : vector<16xi32> to vector<16x1xi32>
          %gather3A_626 = vector.shape_cast %broadcast_in_dim3A_625 : vector<16x1xi32> to vector<16xi32>
          %gather3A_627 = tpu.dynamic_gather %select_n3A_614[%gather3A_626] in [0] : vector<16xf32>, vector<16xi32> -> vector<16xf32>
          %add3A_628 = arith.addf %select_n3A_613, %gather3A_627 : vector<16xf32>
          %add3A_629 = arith.constant 1024 : i32
          %add3A_630 = arith.addi %mul3A_100, %add3A_629 : i32
          %get3A_631 = arith.index_cast %add3A_630 : i32 to index
          %get3A_632 = tpu.vector_load %arg8[%get3A_631] {strides = array<i32>} : memref<30720xf32, #tpu.memory_space<vmem>>, vector<16xf32>,
          %mul3A_633 = arith.mulf %get3A_632, %get3A_5 : vector<16xf32>
          %add3A_634 = arith.constant 16 : i32
          %add3A_635 = arith.addi %add3A_630, %add3A_634 : i32
          %get3A_636 = arith.index_cast %add3A_635 : i32 to index
          %get3A_637 = tpu.vector_load %arg8[%get3A_636] {strides = array<i32>} : memref<30720xf32, #tpu.memory_space<vmem>>, vector<16xf32>,
          %mul3A_638 = arith.mulf %get3A_637, %get3A_7 : vector<16xf32>
          %add3A_639 = arith.addf %mul3A_633, %mul3A_638 : vector<16xf32>
          %add3A_640 = arith.constant 32 : i32
          %add3A_641 = arith.addi %add3A_630, %add3A_640 : i32
          %get3A_642 = arith.index_cast %add3A_641 : i32 to index
          %get3A_643 = tpu.vector_load %arg8[%get3A_642] {strides = array<i32>} : memref<30720xf32, #tpu.memory_space<vmem>>, vector<16xf32>,
          %mul3A_644 = arith.mulf %get3A_643, %get3A_9 : vector<16xf32>
          %add3A_645 = arith.addf %add3A_639, %mul3A_644 : vector<16xf32>
          %add3A_646 = arith.constant 48 : i32
          %add3A_647 = arith.addi %add3A_630, %add3A_646 : i32
          %get3A_648 = arith.index_cast %add3A_647 : i32 to index
          %get3A_649 = tpu.vector_load %arg8[%get3A_648] {strides = array<i32>} : memref<30720xf32, #tpu.memory_space<vmem>>, vector<16xf32>,
          %mul3A_650 = arith.mulf %get3A_649, %get3A_11 : vector<16xf32>
          %add3A_651 = arith.addf %add3A_645, %mul3A_650 : vector<16xf32>
          %add3A_652 = arith.constant 64 : i32
          %add3A_653 = arith.addi %add3A_630, %add3A_652 : i32
          %get3A_654 = arith.index_cast %add3A_653 : i32 to index
          %get3A_655 = tpu.vector_load %arg8[%get3A_654] {strides = array<i32>} : memref<30720xf32, #tpu.memory_space<vmem>>, vector<16xf32>,
          %mul3A_656 = arith.mulf %get3A_655, %get3A_13 : vector<16xf32>
          %add3A_657 = arith.addf %add3A_651, %mul3A_656 : vector<16xf32>
          %add3A_658 = arith.constant 80 : i32
          %add3A_659 = arith.addi %add3A_630, %add3A_658 : i32
          %get3A_660 = arith.index_cast %add3A_659 : i32 to index
          %get3A_661 = tpu.vector_load %arg8[%get3A_660] {strides = array<i32>} : memref<30720xf32, #tpu.memory_space<vmem>>, vector<16xf32>,
          %mul3A_662 = arith.mulf %get3A_661, %get3A_15 : vector<16xf32>
          %add3A_663 = arith.addf %add3A_657, %mul3A_662 : vector<16xf32>
          %add3A_664 = arith.constant 96 : i32
          %add3A_665 = arith.addi %add3A_630, %add3A_664 : i32
          %get3A_666 = arith.index_cast %add3A_665 : i32 to index
          %get3A_667 = tpu.vector_load %arg8[%get3A_666] {strides = array<i32>} : memref<30720xf32, #tpu.memory_space<vmem>>, vector<16xf32>,
          %mul3A_668 = arith.mulf %get3A_667, %get3A_17 : vector<16xf32>
          %add3A_669 = arith.addf %add3A_663, %mul3A_668 : vector<16xf32>
          %add3A_670 = arith.constant 112 : i32
          %add3A_671 = arith.addi %add3A_630, %add3A_670 : i32
          %get3A_672 = arith.index_cast %add3A_671 : i32 to index
          %get3A_673 = tpu.vector_load %arg8[%get3A_672] {strides = array<i32>} : memref<30720xf32, #tpu.memory_space<vmem>>, vector<16xf32>,
          %mul3A_674 = arith.mulf %get3A_673, %get3A_19 : vector<16xf32>
          %add3A_675 = arith.addf %add3A_669, %mul3A_674 : vector<16xf32>
          %add3A_676 = arith.constant 1152 : i32
          %add3A_677 = arith.addi %mul3A_100, %add3A_676 : i32
          %get3A_678 = arith.index_cast %add3A_677 : i32 to index
          %get3A_679 = tpu.vector_load %arg8[%get3A_678] {strides = array<i32>} : memref<30720xf32, #tpu.memory_space<vmem>>, vector<16xf32>,
          %mul3A_680 = arith.mulf %get3A_679, %get3A_5 : vector<16xf32>
          %add3A_681 = arith.constant 16 : i32
          %add3A_682 = arith.addi %add3A_677, %add3A_681 : i32
          %get3A_683 = arith.index_cast %add3A_682 : i32 to index
          %get3A_684 = tpu.vector_load %arg8[%get3A_683] {strides = array<i32>} : memref<30720xf32, #tpu.memory_space<vmem>>, vector<16xf32>,
          %mul3A_685 = arith.mulf %get3A_684, %get3A_7 : vector<16xf32>
          %add3A_686 = arith.addf %mul3A_680, %mul3A_685 : vector<16xf32>
          %add3A_687 = arith.constant 32 : i32
          %add3A_688 = arith.addi %add3A_677, %add3A_687 : i32
          %get3A_689 = arith.index_cast %add3A_688 : i32 to index
          %get3A_690 = tpu.vector_load %arg8[%get3A_689] {strides = array<i32>} : memref<30720xf32, #tpu.memory_space<vmem>>, vector<16xf32>,
          %mul3A_691 = arith.mulf %get3A_690, %get3A_9 : vector<16xf32>
          %add3A_692 = arith.addf %add3A_686, %mul3A_691 : vector<16xf32>
          %add3A_693 = arith.constant 48 : i32
          %add3A_694 = arith.addi %add3A_677, %add3A_693 : i32
          %get3A_695 = arith.index_cast %add3A_694 : i32 to index
          %get3A_696 = tpu.vector_load %arg8[%get3A_695] {strides = array<i32>} : memref<30720xf32, #tpu.memory_space<vmem>>, vector<16xf32>,
          %mul3A_697 = arith.mulf %get3A_696, %get3A_11 : vector<16xf32>
          %add3A_698 = arith.addf %add3A_692, %mul3A_697 : vector<16xf32>
          %add3A_699 = arith.constant 64 : i32
          %add3A_700 = arith.addi %add3A_677, %add3A_699 : i32
          %get3A_701 = arith.index_cast %add3A_700 : i32 to index
          %get3A_702 = tpu.vector_load %arg8[%get3A_701] {strides = array<i32>} : memref<30720xf32, #tpu.memory_space<vmem>>, vector<16xf32>,
          %mul3A_703 = arith.mulf %get3A_702, %get3A_13 : vector<16xf32>
          %add3A_704 = arith.addf %add3A_698, %mul3A_703 : vector<16xf32>
          %add3A_705 = arith.constant 80 : i32
          %add3A_706 = arith.addi %add3A_677, %add3A_705 : i32
          %get3A_707 = arith.index_cast %add3A_706 : i32 to index
          %get3A_708 = tpu.vector_load %arg8[%get3A_707] {strides = array<i32>} : memref<30720xf32, #tpu.memory_space<vmem>>, vector<16xf32>,
          %mul3A_709 = arith.mulf %get3A_708, %get3A_15 : vector<16xf32>
          %add3A_710 = arith.addf %add3A_704, %mul3A_709 : vector<16xf32>
          %add3A_711 = arith.constant 96 : i32
          %add3A_712 = arith.addi %add3A_677, %add3A_711 : i32
          %get3A_713 = arith.index_cast %add3A_712 : i32 to index
          %get3A_714 = tpu.vector_load %arg8[%get3A_713] {strides = array<i32>} : memref<30720xf32, #tpu.memory_space<vmem>>, vector<16xf32>,
          %mul3A_715 = arith.mulf %get3A_714, %get3A_17 : vector<16xf32>
          %add3A_716 = arith.addf %add3A_710, %mul3A_715 : vector<16xf32>
          %add3A_717 = arith.constant 112 : i32
          %add3A_718 = arith.addi %add3A_677, %add3A_717 : i32
          %get3A_719 = arith.index_cast %add3A_718 : i32 to index
          %get3A_720 = tpu.vector_load %arg8[%get3A_719] {strides = array<i32>} : memref<30720xf32, #tpu.memory_space<vmem>>, vector<16xf32>,
          %mul3A_721 = arith.mulf %get3A_720, %get3A_19 : vector<16xf32>
          %add3A_722 = arith.addf %add3A_716, %mul3A_721 : vector<16xf32>
          %and3A_723 = arith.constant 1 : i32
          %and3A_724 = vector.broadcast %and3A_723 : i32 to vector<16xi32>
          %and3A_725 = arith.andi %iota3A, %and3A_724 : vector<16xi32>
          %ne3A_726 = arith.constant 0 : i32
          %ne3A_727 = vector.broadcast %ne3A_726 : i32 to vector<16xi32>
          %ne3A_728 = arith.cmpi ne, %and3A_725, %ne3A_727 : vector<16xi32>
          %select_n3A_729 = arith.select %ne3A_728, %add3A_722, %add3A_675 : vector<16xi1>, vector<16xf32>
          %select_n3A_730 = arith.select %ne3A_728, %add3A_675, %add3A_722 : vector<16xi1>, vector<16xf32>
          %xor3A_731 = arith.constant 1 : i32
          %xor3A_732 = vector.broadcast %xor3A_731 : i32 to vector<16xi32>
          %xor3A_733 = arith.xori %iota3A, %xor3A_732 : vector<16xi32>
          %lt3A_734 = arith.constant 0 : i32
          %lt3A_735 = vector.broadcast %lt3A_734 : i32 to vector<16xi32>
          %lt3A_736 = arith.cmpi slt, %xor3A_733, %lt3A_735 : vector<16xi32>
          %add3A_737 = arith.constant 16 : i32
          %add3A_738 = vector.broadcast %add3A_737 : i32 to vector<16xi32>
          %add3A_739 = arith.addi %xor3A_733, %add3A_738 : vector<16xi32>
          %select_n3A_740 = arith.select %lt3A_736, %add3A_739, %xor3A_733 : vector<16xi1>, vector<16xi32>
          %broadcast_in_dim3A_741 = vector.shape_cast %select_n3A_740 : vector<16xi32> to vector<16x1xi32>
          %gather3A_742 = vector.shape_cast %broadcast_in_dim3A_741 : vector<16x1xi32> to vector<16xi32>
          %gather3A_743 = tpu.dynamic_gather %select_n3A_730[%gather3A_742] in [0] : vector<16xf32>, vector<16xi32> -> vector<16xf32>
          %add3A_744 = arith.addf %select_n3A_729, %gather3A_743 : vector<16xf32>
          %add3A_745 = arith.constant 1280 : i32
          %add3A_746 = arith.addi %mul3A_100, %add3A_745 : i32
          %get3A_747 = arith.index_cast %add3A_746 : i32 to index
          %get3A_748 = tpu.vector_load %arg8[%get3A_747] {strides = array<i32>} : memref<30720xf32, #tpu.memory_space<vmem>>, vector<16xf32>,
          %mul3A_749 = arith.mulf %get3A_748, %get3A_5 : vector<16xf32>
          %add3A_750 = arith.constant 16 : i32
          %add3A_751 = arith.addi %add3A_746, %add3A_750 : i32
          %get3A_752 = arith.index_cast %add3A_751 : i32 to index
          %get3A_753 = tpu.vector_load %arg8[%get3A_752] {strides = array<i32>} : memref<30720xf32, #tpu.memory_space<vmem>>, vector<16xf32>,
          %mul3A_754 = arith.mulf %get3A_753, %get3A_7 : vector<16xf32>
          %add3A_755 = arith.addf %mul3A_749, %mul3A_754 : vector<16xf32>
          %add3A_756 = arith.constant 32 : i32
          %add3A_757 = arith.addi %add3A_746, %add3A_756 : i32
          %get3A_758 = arith.index_cast %add3A_757 : i32 to index
          %get3A_759 = tpu.vector_load %arg8[%get3A_758] {strides = array<i32>} : memref<30720xf32, #tpu.memory_space<vmem>>, vector<16xf32>,
          %mul3A_760 = arith.mulf %get3A_759, %get3A_9 : vector<16xf32>
          %add3A_761 = arith.addf %add3A_755, %mul3A_760 : vector<16xf32>
          %add3A_762 = arith.constant 48 : i32
          %add3A_763 = arith.addi %add3A_746, %add3A_762 : i32
          %get3A_764 = arith.index_cast %add3A_763 : i32 to index
          %get3A_765 = tpu.vector_load %arg8[%get3A_764] {strides = array<i32>} : memref<30720xf32, #tpu.memory_space<vmem>>, vector<16xf32>,
          %mul3A_766 = arith.mulf %get3A_765, %get3A_11 : vector<16xf32>
          %add3A_767 = arith.addf %add3A_761, %mul3A_766 : vector<16xf32>
          %add3A_768 = arith.constant 64 : i32
          %add3A_769 = arith.addi %add3A_746, %add3A_768 : i32
          %get3A_770 = arith.index_cast %add3A_769 : i32 to index
          %get3A_771 = tpu.vector_load %arg8[%get3A_770] {strides = array<i32>} : memref<30720xf32, #tpu.memory_space<vmem>>, vector<16xf32>,
          %mul3A_772 = arith.mulf %get3A_771, %get3A_13 : vector<16xf32>
          %add3A_773 = arith.addf %add3A_767, %mul3A_772 : vector<16xf32>
          %add3A_774 = arith.constant 80 : i32
          %add3A_775 = arith.addi %add3A_746, %add3A_774 : i32
          %get3A_776 = arith.index_cast %add3A_775 : i32 to index
          %get3A_777 = tpu.vector_load %arg8[%get3A_776] {strides = array<i32>} : memref<30720xf32, #tpu.memory_space<vmem>>, vector<16xf32>,
          %mul3A_778 = arith.mulf %get3A_777, %get3A_15 : vector<16xf32>
          %add3A_779 = arith.addf %add3A_773, %mul3A_778 : vector<16xf32>
          %add3A_780 = arith.constant 96 : i32
          %add3A_781 = arith.addi %add3A_746, %add3A_780 : i32
          %get3A_782 = arith.index_cast %add3A_781 : i32 to index
          %get3A_783 = tpu.vector_load %arg8[%get3A_782] {strides = array<i32>} : memref<30720xf32, #tpu.memory_space<vmem>>, vector<16xf32>,
          %mul3A_784 = arith.mulf %get3A_783, %get3A_17 : vector<16xf32>
          %add3A_785 = arith.addf %add3A_779, %mul3A_784 : vector<16xf32>
          %add3A_786 = arith.constant 112 : i32
          %add3A_787 = arith.addi %add3A_746, %add3A_786 : i32
          %get3A_788 = arith.index_cast %add3A_787 : i32 to index
          %get3A_789 = tpu.vector_load %arg8[%get3A_788] {strides = array<i32>} : memref<30720xf32, #tpu.memory_space<vmem>>, vector<16xf32>,
          %mul3A_790 = arith.mulf %get3A_789, %get3A_19 : vector<16xf32>
          %add3A_791 = arith.addf %add3A_785, %mul3A_790 : vector<16xf32>
          %add3A_792 = arith.constant 1408 : i32
          %add3A_793 = arith.addi %mul3A_100, %add3A_792 : i32
          %get3A_794 = arith.index_cast %add3A_793 : i32 to index
          %get3A_795 = tpu.vector_load %arg8[%get3A_794] {strides = array<i32>} : memref<30720xf32, #tpu.memory_space<vmem>>, vector<16xf32>,
          %mul3A_796 = arith.mulf %get3A_795, %get3A_5 : vector<16xf32>
          %add3A_797 = arith.constant 16 : i32
          %add3A_798 = arith.addi %add3A_793, %add3A_797 : i32
          %get3A_799 = arith.index_cast %add3A_798 : i32 to index
          %get3A_800 = tpu.vector_load %arg8[%get3A_799] {strides = array<i32>} : memref<30720xf32, #tpu.memory_space<vmem>>, vector<16xf32>,
          %mul3A_801 = arith.mulf %get3A_800, %get3A_7 : vector<16xf32>
          %add3A_802 = arith.addf %mul3A_796, %mul3A_801 : vector<16xf32>
          %add3A_803 = arith.constant 32 : i32
          %add3A_804 = arith.addi %add3A_793, %add3A_803 : i32
          %get3A_805 = arith.index_cast %add3A_804 : i32 to index
          %get3A_806 = tpu.vector_load %arg8[%get3A_805] {strides = array<i32>} : memref<30720xf32, #tpu.memory_space<vmem>>, vector<16xf32>,
          %mul3A_807 = arith.mulf %get3A_806, %get3A_9 : vector<16xf32>
          %add3A_808 = arith.addf %add3A_802, %mul3A_807 : vector<16xf32>
          %add3A_809 = arith.constant 48 : i32
          %add3A_810 = arith.addi %add3A_793, %add3A_809 : i32
          %get3A_811 = arith.index_cast %add3A_810 : i32 to index
          %get3A_812 = tpu.vector_load %arg8[%get3A_811] {strides = array<i32>} : memref<30720xf32, #tpu.memory_space<vmem>>, vector<16xf32>,
          %mul3A_813 = arith.mulf %get3A_812, %get3A_11 : vector<16xf32>
          %add3A_814 = arith.addf %add3A_808, %mul3A_813 : vector<16xf32>
          %add3A_815 = arith.constant 64 : i32
          %add3A_816 = arith.addi %add3A_793, %add3A_815 : i32
          %get3A_817 = arith.index_cast %add3A_816 : i32 to index
          %get3A_818 = tpu.vector_load %arg8[%get3A_817] {strides = array<i32>} : memref<30720xf32, #tpu.memory_space<vmem>>, vector<16xf32>,
          %mul3A_819 = arith.mulf %get3A_818, %get3A_13 : vector<16xf32>
          %add3A_820 = arith.addf %add3A_814, %mul3A_819 : vector<16xf32>
          %add3A_821 = arith.constant 80 : i32
          %add3A_822 = arith.addi %add3A_793, %add3A_821 : i32
          %get3A_823 = arith.index_cast %add3A_822 : i32 to index
          %get3A_824 = tpu.vector_load %arg8[%get3A_823] {strides = array<i32>} : memref<30720xf32, #tpu.memory_space<vmem>>, vector<16xf32>,
          %mul3A_825 = arith.mulf %get3A_824, %get3A_15 : vector<16xf32>
          %add3A_826 = arith.addf %add3A_820, %mul3A_825 : vector<16xf32>
          %add3A_827 = arith.constant 96 : i32
          %add3A_828 = arith.addi %add3A_793, %add3A_827 : i32
          %get3A_829 = arith.index_cast %add3A_828 : i32 to index
          %get3A_830 = tpu.vector_load %arg8[%get3A_829] {strides = array<i32>} : memref<30720xf32, #tpu.memory_space<vmem>>, vector<16xf32>,
          %mul3A_831 = arith.mulf %get3A_830, %get3A_17 : vector<16xf32>
          %add3A_832 = arith.addf %add3A_826, %mul3A_831 : vector<16xf32>
          %add3A_833 = arith.constant 112 : i32
          %add3A_834 = arith.addi %add3A_793, %add3A_833 : i32
          %get3A_835 = arith.index_cast %add3A_834 : i32 to index
          %get3A_836 = tpu.vector_load %arg8[%get3A_835] {strides = array<i32>} : memref<30720xf32, #tpu.memory_space<vmem>>, vector<16xf32>,
          %mul3A_837 = arith.mulf %get3A_836, %get3A_19 : vector<16xf32>
          %add3A_838 = arith.addf %add3A_832, %mul3A_837 : vector<16xf32>
          %and3A_839 = arith.constant 1 : i32
          %and3A_840 = vector.broadcast %and3A_839 : i32 to vector<16xi32>
          %and3A_841 = arith.andi %iota3A, %and3A_840 : vector<16xi32>
          %ne3A_842 = arith.constant 0 : i32
          %ne3A_843 = vector.broadcast %ne3A_842 : i32 to vector<16xi32>
          %ne3A_844 = arith.cmpi ne, %and3A_841, %ne3A_843 : vector<16xi32>
          %select_n3A_845 = arith.select %ne3A_844, %add3A_838, %add3A_791 : vector<16xi1>, vector<16xf32>
          %select_n3A_846 = arith.select %ne3A_844, %add3A_791, %add3A_838 : vector<16xi1>, vector<16xf32>
          %xor3A_847 = arith.constant 1 : i32
          %xor3A_848 = vector.broadcast %xor3A_847 : i32 to vector<16xi32>
          %xor3A_849 = arith.xori %iota3A, %xor3A_848 : vector<16xi32>
          %lt3A_850 = arith.constant 0 : i32
          %lt3A_851 = vector.broadcast %lt3A_850 : i32 to vector<16xi32>
          %lt3A_852 = arith.cmpi slt, %xor3A_849, %lt3A_851 : vector<16xi32>
          %add3A_853 = arith.constant 16 : i32
          %add3A_854 = vector.broadcast %add3A_853 : i32 to vector<16xi32>
          %add3A_855 = arith.addi %xor3A_849, %add3A_854 : vector<16xi32>
          %select_n3A_856 = arith.select %lt3A_852, %add3A_855, %xor3A_849 : vector<16xi1>, vector<16xi32>
          %broadcast_in_dim3A_857 = vector.shape_cast %select_n3A_856 : vector<16xi32> to vector<16x1xi32>
          %gather3A_858 = vector.shape_cast %broadcast_in_dim3A_857 : vector<16x1xi32> to vector<16xi32>
          %gather3A_859 = tpu.dynamic_gather %select_n3A_846[%gather3A_858] in [0] : vector<16xf32>, vector<16xi32> -> vector<16xf32>
          %add3A_860 = arith.addf %select_n3A_845, %gather3A_859 : vector<16xf32>
          %and3A_861 = arith.constant 2 : i32
          %and3A_862 = vector.broadcast %and3A_861 : i32 to vector<16xi32>
          %and3A_863 = arith.andi %iota3A, %and3A_862 : vector<16xi32>
          %ne3A_864 = arith.constant 0 : i32
          %ne3A_865 = vector.broadcast %ne3A_864 : i32 to vector<16xi32>
          %ne3A_866 = arith.cmpi ne, %and3A_863, %ne3A_865 : vector<16xi32>
          %select_n3A_867 = arith.select %ne3A_866, %add3A_860, %add3A_744 : vector<16xi1>, vector<16xf32>
          %select_n3A_868 = arith.select %ne3A_866, %add3A_744, %add3A_860 : vector<16xi1>, vector<16xf32>
          %xor3A_869 = arith.constant 2 : i32
          %xor3A_870 = vector.broadcast %xor3A_869 : i32 to vector<16xi32>
          %xor3A_871 = arith.xori %iota3A, %xor3A_870 : vector<16xi32>
          %lt3A_872 = arith.constant 0 : i32
          %lt3A_873 = vector.broadcast %lt3A_872 : i32 to vector<16xi32>
          %lt3A_874 = arith.cmpi slt, %xor3A_871, %lt3A_873 : vector<16xi32>
          %add3A_875 = arith.constant 16 : i32
          %add3A_876 = vector.broadcast %add3A_875 : i32 to vector<16xi32>
          %add3A_877 = arith.addi %xor3A_871, %add3A_876 : vector<16xi32>
          %select_n3A_878 = arith.select %lt3A_874, %add3A_877, %xor3A_871 : vector<16xi1>, vector<16xi32>
          %broadcast_in_dim3A_879 = vector.shape_cast %select_n3A_878 : vector<16xi32> to vector<16x1xi32>
          %gather3A_880 = vector.shape_cast %broadcast_in_dim3A_879 : vector<16x1xi32> to vector<16xi32>
          %gather3A_881 = tpu.dynamic_gather %select_n3A_868[%gather3A_880] in [0] : vector<16xf32>, vector<16xi32> -> vector<16xf32>
          %add3A_882 = arith.addf %select_n3A_867, %gather3A_881 : vector<16xf32>
          %add3A_883 = arith.constant 1536 : i32
          %add3A_884 = arith.addi %mul3A_100, %add3A_883 : i32
          %get3A_885 = arith.index_cast %add3A_884 : i32 to index
          %get3A_886 = tpu.vector_load %arg8[%get3A_885] {strides = array<i32>} : memref<30720xf32, #tpu.memory_space<vmem>>, vector<16xf32>,
          %mul3A_887 = arith.mulf %get3A_886, %get3A_5 : vector<16xf32>
          %add3A_888 = arith.constant 16 : i32
          %add3A_889 = arith.addi %add3A_884, %add3A_888 : i32
          %get3A_890 = arith.index_cast %add3A_889 : i32 to index
          %get3A_891 = tpu.vector_load %arg8[%get3A_890] {strides = array<i32>} : memref<30720xf32, #tpu.memory_space<vmem>>, vector<16xf32>,
          %mul3A_892 = arith.mulf %get3A_891, %get3A_7 : vector<16xf32>
          %add3A_893 = arith.addf %mul3A_887, %mul3A_892 : vector<16xf32>
          %add3A_894 = arith.constant 32 : i32
          %add3A_895 = arith.addi %add3A_884, %add3A_894 : i32
          %get3A_896 = arith.index_cast %add3A_895 : i32 to index
          %get3A_897 = tpu.vector_load %arg8[%get3A_896] {strides = array<i32>} : memref<30720xf32, #tpu.memory_space<vmem>>, vector<16xf32>,
          %mul3A_898 = arith.mulf %get3A_897, %get3A_9 : vector<16xf32>
          %add3A_899 = arith.addf %add3A_893, %mul3A_898 : vector<16xf32>
          %add3A_900 = arith.constant 48 : i32
          %add3A_901 = arith.addi %add3A_884, %add3A_900 : i32
          %get3A_902 = arith.index_cast %add3A_901 : i32 to index
          %get3A_903 = tpu.vector_load %arg8[%get3A_902] {strides = array<i32>} : memref<30720xf32, #tpu.memory_space<vmem>>, vector<16xf32>,
          %mul3A_904 = arith.mulf %get3A_903, %get3A_11 : vector<16xf32>
          %add3A_905 = arith.addf %add3A_899, %mul3A_904 : vector<16xf32>
          %add3A_906 = arith.constant 64 : i32
          %add3A_907 = arith.addi %add3A_884, %add3A_906 : i32
          %get3A_908 = arith.index_cast %add3A_907 : i32 to index
          %get3A_909 = tpu.vector_load %arg8[%get3A_908] {strides = array<i32>} : memref<30720xf32, #tpu.memory_space<vmem>>, vector<16xf32>,
          %mul3A_910 = arith.mulf %get3A_909, %get3A_13 : vector<16xf32>
          %add3A_911 = arith.addf %add3A_905, %mul3A_910 : vector<16xf32>
          %add3A_912 = arith.constant 80 : i32
          %add3A_913 = arith.addi %add3A_884, %add3A_912 : i32
          %get3A_914 = arith.index_cast %add3A_913 : i32 to index
          %get3A_915 = tpu.vector_load %arg8[%get3A_914] {strides = array<i32>} : memref<30720xf32, #tpu.memory_space<vmem>>, vector<16xf32>,
          %mul3A_916 = arith.mulf %get3A_915, %get3A_15 : vector<16xf32>
          %add3A_917 = arith.addf %add3A_911, %mul3A_916 : vector<16xf32>
          %add3A_918 = arith.constant 96 : i32
          %add3A_919 = arith.addi %add3A_884, %add3A_918 : i32
          %get3A_920 = arith.index_cast %add3A_919 : i32 to index
          %get3A_921 = tpu.vector_load %arg8[%get3A_920] {strides = array<i32>} : memref<30720xf32, #tpu.memory_space<vmem>>, vector<16xf32>,
          %mul3A_922 = arith.mulf %get3A_921, %get3A_17 : vector<16xf32>
          %add3A_923 = arith.addf %add3A_917, %mul3A_922 : vector<16xf32>
          %add3A_924 = arith.constant 112 : i32
          %add3A_925 = arith.addi %add3A_884, %add3A_924 : i32
          %get3A_926 = arith.index_cast %add3A_925 : i32 to index
          %get3A_927 = tpu.vector_load %arg8[%get3A_926] {strides = array<i32>} : memref<30720xf32, #tpu.memory_space<vmem>>, vector<16xf32>,
          %mul3A_928 = arith.mulf %get3A_927, %get3A_19 : vector<16xf32>
          %add3A_929 = arith.addf %add3A_923, %mul3A_928 : vector<16xf32>
          %add3A_930 = arith.constant 1664 : i32
          %add3A_931 = arith.addi %mul3A_100, %add3A_930 : i32
          %get3A_932 = arith.index_cast %add3A_931 : i32 to index
          %get3A_933 = tpu.vector_load %arg8[%get3A_932] {strides = array<i32>} : memref<30720xf32, #tpu.memory_space<vmem>>, vector<16xf32>,
          %mul3A_934 = arith.mulf %get3A_933, %get3A_5 : vector<16xf32>
          %add3A_935 = arith.constant 16 : i32
          %add3A_936 = arith.addi %add3A_931, %add3A_935 : i32
          %get3A_937 = arith.index_cast %add3A_936 : i32 to index
          %get3A_938 = tpu.vector_load %arg8[%get3A_937] {strides = array<i32>} : memref<30720xf32, #tpu.memory_space<vmem>>, vector<16xf32>,
          %mul3A_939 = arith.mulf %get3A_938, %get3A_7 : vector<16xf32>
          %add3A_940 = arith.addf %mul3A_934, %mul3A_939 : vector<16xf32>
          %add3A_941 = arith.constant 32 : i32
          %add3A_942 = arith.addi %add3A_931, %add3A_941 : i32
          %get3A_943 = arith.index_cast %add3A_942 : i32 to index
          %get3A_944 = tpu.vector_load %arg8[%get3A_943] {strides = array<i32>} : memref<30720xf32, #tpu.memory_space<vmem>>, vector<16xf32>,
          %mul3A_945 = arith.mulf %get3A_944, %get3A_9 : vector<16xf32>
          %add3A_946 = arith.addf %add3A_940, %mul3A_945 : vector<16xf32>
          %add3A_947 = arith.constant 48 : i32
          %add3A_948 = arith.addi %add3A_931, %add3A_947 : i32
          %get3A_949 = arith.index_cast %add3A_948 : i32 to index
          %get3A_950 = tpu.vector_load %arg8[%get3A_949] {strides = array<i32>} : memref<30720xf32, #tpu.memory_space<vmem>>, vector<16xf32>,
          %mul3A_951 = arith.mulf %get3A_950, %get3A_11 : vector<16xf32>
          %add3A_952 = arith.addf %add3A_946, %mul3A_951 : vector<16xf32>
          %add3A_953 = arith.constant 64 : i32
          %add3A_954 = arith.addi %add3A_931, %add3A_953 : i32
          %get3A_955 = arith.index_cast %add3A_954 : i32 to index
          %get3A_956 = tpu.vector_load %arg8[%get3A_955] {strides = array<i32>} : memref<30720xf32, #tpu.memory_space<vmem>>, vector<16xf32>,
          %mul3A_957 = arith.mulf %get3A_956, %get3A_13 : vector<16xf32>
          %add3A_958 = arith.addf %add3A_952, %mul3A_957 : vector<16xf32>
          %add3A_959 = arith.constant 80 : i32
          %add3A_960 = arith.addi %add3A_931, %add3A_959 : i32
          %get3A_961 = arith.index_cast %add3A_960 : i32 to index
          %get3A_962 = tpu.vector_load %arg8[%get3A_961] {strides = array<i32>} : memref<30720xf32, #tpu.memory_space<vmem>>, vector<16xf32>,
          %mul3A_963 = arith.mulf %get3A_962, %get3A_15 : vector<16xf32>
          %add3A_964 = arith.addf %add3A_958, %mul3A_963 : vector<16xf32>
          %add3A_965 = arith.constant 96 : i32
          %add3A_966 = arith.addi %add3A_931, %add3A_965 : i32
          %get3A_967 = arith.index_cast %add3A_966 : i32 to index
          %get3A_968 = tpu.vector_load %arg8[%get3A_967] {strides = array<i32>} : memref<30720xf32, #tpu.memory_space<vmem>>, vector<16xf32>,
          %mul3A_969 = arith.mulf %get3A_968, %get3A_17 : vector<16xf32>
          %add3A_970 = arith.addf %add3A_964, %mul3A_969 : vector<16xf32>
          %add3A_971 = arith.constant 112 : i32
          %add3A_972 = arith.addi %add3A_931, %add3A_971 : i32
          %get3A_973 = arith.index_cast %add3A_972 : i32 to index
          %get3A_974 = tpu.vector_load %arg8[%get3A_973] {strides = array<i32>} : memref<30720xf32, #tpu.memory_space<vmem>>, vector<16xf32>,
          %mul3A_975 = arith.mulf %get3A_974, %get3A_19 : vector<16xf32>
          %add3A_976 = arith.addf %add3A_970, %mul3A_975 : vector<16xf32>
          %and3A_977 = arith.constant 1 : i32
          %and3A_978 = vector.broadcast %and3A_977 : i32 to vector<16xi32>
          %and3A_979 = arith.andi %iota3A, %and3A_978 : vector<16xi32>
          %ne3A_980 = arith.constant 0 : i32
          %ne3A_981 = vector.broadcast %ne3A_980 : i32 to vector<16xi32>
          %ne3A_982 = arith.cmpi ne, %and3A_979, %ne3A_981 : vector<16xi32>
          %select_n3A_983 = arith.select %ne3A_982, %add3A_976, %add3A_929 : vector<16xi1>, vector<16xf32>
          %select_n3A_984 = arith.select %ne3A_982, %add3A_929, %add3A_976 : vector<16xi1>, vector<16xf32>
          %xor3A_985 = arith.constant 1 : i32
          %xor3A_986 = vector.broadcast %xor3A_985 : i32 to vector<16xi32>
          %xor3A_987 = arith.xori %iota3A, %xor3A_986 : vector<16xi32>
          %lt3A_988 = arith.constant 0 : i32
          %lt3A_989 = vector.broadcast %lt3A_988 : i32 to vector<16xi32>
          %lt3A_990 = arith.cmpi slt, %xor3A_987, %lt3A_989 : vector<16xi32>
          %add3A_991 = arith.constant 16 : i32
          %add3A_992 = vector.broadcast %add3A_991 : i32 to vector<16xi32>
          %add3A_993 = arith.addi %xor3A_987, %add3A_992 : vector<16xi32>
          %select_n3A_994 = arith.select %lt3A_990, %add3A_993, %xor3A_987 : vector<16xi1>, vector<16xi32>
          %broadcast_in_dim3A_995 = vector.shape_cast %select_n3A_994 : vector<16xi32> to vector<16x1xi32>
          %gather3A_996 = vector.shape_cast %broadcast_in_dim3A_995 : vector<16x1xi32> to vector<16xi32>
          %gather3A_997 = tpu.dynamic_gather %select_n3A_984[%gather3A_996] in [0] : vector<16xf32>, vector<16xi32> -> vector<16xf32>
          %add3A_998 = arith.addf %select_n3A_983, %gather3A_997 : vector<16xf32>
          %add3A_999 = arith.constant 1792 : i32
          %add3A_1000 = arith.addi %mul3A_100, %add3A_999 : i32
          %get3A_1001 = arith.index_cast %add3A_1000 : i32 to index
          %get3A_1002 = tpu.vector_load %arg8[%get3A_1001] {strides = array<i32>} : memref<30720xf32, #tpu.memory_space<vmem>>, vector<16xf32>,
          %mul3A_1003 = arith.mulf %get3A_1002, %get3A_5 : vector<16xf32>
          %add3A_1004 = arith.constant 16 : i32
          %add3A_1005 = arith.addi %add3A_1000, %add3A_1004 : i32
          %get3A_1006 = arith.index_cast %add3A_1005 : i32 to index
          %get3A_1007 = tpu.vector_load %arg8[%get3A_1006] {strides = array<i32>} : memref<30720xf32, #tpu.memory_space<vmem>>, vector<16xf32>,
          %mul3A_1008 = arith.mulf %get3A_1007, %get3A_7 : vector<16xf32>
          %add3A_1009 = arith.addf %mul3A_1003, %mul3A_1008 : vector<16xf32>
          %add3A_1010 = arith.constant 32 : i32
          %add3A_1011 = arith.addi %add3A_1000, %add3A_1010 : i32
          %get3A_1012 = arith.index_cast %add3A_1011 : i32 to index
          %get3A_1013 = tpu.vector_load %arg8[%get3A_1012] {strides = array<i32>} : memref<30720xf32, #tpu.memory_space<vmem>>, vector<16xf32>,
          %mul3A_1014 = arith.mulf %get3A_1013, %get3A_9 : vector<16xf32>
          %add3A_1015 = arith.addf %add3A_1009, %mul3A_1014 : vector<16xf32>
          %add3A_1016 = arith.constant 48 : i32
          %add3A_1017 = arith.addi %add3A_1000, %add3A_1016 : i32
          %get3A_1018 = arith.index_cast %add3A_1017 : i32 to index
          %get3A_1019 = tpu.vector_load %arg8[%get3A_1018] {strides = array<i32>} : memref<30720xf32, #tpu.memory_space<vmem>>, vector<16xf32>,
          %mul3A_1020 = arith.mulf %get3A_1019, %get3A_11 : vector<16xf32>
          %add3A_1021 = arith.addf %add3A_1015, %mul3A_1020 : vector<16xf32>
          %add3A_1022 = arith.constant 64 : i32
          %add3A_1023 = arith.addi %add3A_1000, %add3A_1022 : i32
          %get3A_1024 = arith.index_cast %add3A_1023 : i32 to index
          %get3A_1025 = tpu.vector_load %arg8[%get3A_1024] {strides = array<i32>} : memref<30720xf32, #tpu.memory_space<vmem>>, vector<16xf32>,
          %mul3A_1026 = arith.mulf %get3A_1025, %get3A_13 : vector<16xf32>
          %add3A_1027 = arith.addf %add3A_1021, %mul3A_1026 : vector<16xf32>
          %add3A_1028 = arith.constant 80 : i32
          %add3A_1029 = arith.addi %add3A_1000, %add3A_1028 : i32
          %get3A_1030 = arith.index_cast %add3A_1029 : i32 to index
          %get3A_1031 = tpu.vector_load %arg8[%get3A_1030] {strides = array<i32>} : memref<30720xf32, #tpu.memory_space<vmem>>, vector<16xf32>,
          %mul3A_1032 = arith.mulf %get3A_1031, %get3A_15 : vector<16xf32>
          %add3A_1033 = arith.addf %add3A_1027, %mul3A_1032 : vector<16xf32>
          %add3A_1034 = arith.constant 96 : i32
          %add3A_1035 = arith.addi %add3A_1000, %add3A_1034 : i32
          %get3A_1036 = arith.index_cast %add3A_1035 : i32 to index
          %get3A_1037 = tpu.vector_load %arg8[%get3A_1036] {strides = array<i32>} : memref<30720xf32, #tpu.memory_space<vmem>>, vector<16xf32>,
          %mul3A_1038 = arith.mulf %get3A_1037, %get3A_17 : vector<16xf32>
          %add3A_1039 = arith.addf %add3A_1033, %mul3A_1038 : vector<16xf32>
          %add3A_1040 = arith.constant 112 : i32
          %add3A_1041 = arith.addi %add3A_1000, %add3A_1040 : i32
          %get3A_1042 = arith.index_cast %add3A_1041 : i32 to index
          %get3A_1043 = tpu.vector_load %arg8[%get3A_1042] {strides = array<i32>} : memref<30720xf32, #tpu.memory_space<vmem>>, vector<16xf32>,
          %mul3A_1044 = arith.mulf %get3A_1043, %get3A_19 : vector<16xf32>
          %add3A_1045 = arith.addf %add3A_1039, %mul3A_1044 : vector<16xf32>
          %add3A_1046 = arith.constant 1920 : i32
          %add3A_1047 = arith.addi %mul3A_100, %add3A_1046 : i32
          %get3A_1048 = arith.index_cast %add3A_1047 : i32 to index
          %get3A_1049 = tpu.vector_load %arg8[%get3A_1048] {strides = array<i32>} : memref<30720xf32, #tpu.memory_space<vmem>>, vector<16xf32>,
          %mul3A_1050 = arith.mulf %get3A_1049, %get3A_5 : vector<16xf32>
          %add3A_1051 = arith.constant 16 : i32
          %add3A_1052 = arith.addi %add3A_1047, %add3A_1051 : i32
          %get3A_1053 = arith.index_cast %add3A_1052 : i32 to index
          %get3A_1054 = tpu.vector_load %arg8[%get3A_1053] {strides = array<i32>} : memref<30720xf32, #tpu.memory_space<vmem>>, vector<16xf32>,
          %mul3A_1055 = arith.mulf %get3A_1054, %get3A_7 : vector<16xf32>
          %add3A_1056 = arith.addf %mul3A_1050, %mul3A_1055 : vector<16xf32>
          %add3A_1057 = arith.constant 32 : i32
          %add3A_1058 = arith.addi %add3A_1047, %add3A_1057 : i32
          %get3A_1059 = arith.index_cast %add3A_1058 : i32 to index
          %get3A_1060 = tpu.vector_load %arg8[%get3A_1059] {strides = array<i32>} : memref<30720xf32, #tpu.memory_space<vmem>>, vector<16xf32>,
          %mul3A_1061 = arith.mulf %get3A_1060, %get3A_9 : vector<16xf32>
          %add3A_1062 = arith.addf %add3A_1056, %mul3A_1061 : vector<16xf32>
          %add3A_1063 = arith.constant 48 : i32
          %add3A_1064 = arith.addi %add3A_1047, %add3A_1063 : i32
          %get3A_1065 = arith.index_cast %add3A_1064 : i32 to index
          %get3A_1066 = tpu.vector_load %arg8[%get3A_1065] {strides = array<i32>} : memref<30720xf32, #tpu.memory_space<vmem>>, vector<16xf32>,
          %mul3A_1067 = arith.mulf %get3A_1066, %get3A_11 : vector<16xf32>
          %add3A_1068 = arith.addf %add3A_1062, %mul3A_1067 : vector<16xf32>
          %add3A_1069 = arith.constant 64 : i32
          %add3A_1070 = arith.addi %add3A_1047, %add3A_1069 : i32
          %get3A_1071 = arith.index_cast %add3A_1070 : i32 to index
          %get3A_1072 = tpu.vector_load %arg8[%get3A_1071] {strides = array<i32>} : memref<30720xf32, #tpu.memory_space<vmem>>, vector<16xf32>,
          %mul3A_1073 = arith.mulf %get3A_1072, %get3A_13 : vector<16xf32>
          %add3A_1074 = arith.addf %add3A_1068, %mul3A_1073 : vector<16xf32>
          %add3A_1075 = arith.constant 80 : i32
          %add3A_1076 = arith.addi %add3A_1047, %add3A_1075 : i32
          %get3A_1077 = arith.index_cast %add3A_1076 : i32 to index
          %get3A_1078 = tpu.vector_load %arg8[%get3A_1077] {strides = array<i32>} : memref<30720xf32, #tpu.memory_space<vmem>>, vector<16xf32>,
          %mul3A_1079 = arith.mulf %get3A_1078, %get3A_15 : vector<16xf32>
          %add3A_1080 = arith.addf %add3A_1074, %mul3A_1079 : vector<16xf32>
          %add3A_1081 = arith.constant 96 : i32
          %add3A_1082 = arith.addi %add3A_1047, %add3A_1081 : i32
          %get3A_1083 = arith.index_cast %add3A_1082 : i32 to index
          %get3A_1084 = tpu.vector_load %arg8[%get3A_1083] {strides = array<i32>} : memref<30720xf32, #tpu.memory_space<vmem>>, vector<16xf32>,
          %mul3A_1085 = arith.mulf %get3A_1084, %get3A_17 : vector<16xf32>
          %add3A_1086 = arith.addf %add3A_1080, %mul3A_1085 : vector<16xf32>
          %add3A_1087 = arith.constant 112 : i32
          %add3A_1088 = arith.addi %add3A_1047, %add3A_1087 : i32
          %get3A_1089 = arith.index_cast %add3A_1088 : i32 to index
          %get3A_1090 = tpu.vector_load %arg8[%get3A_1089] {strides = array<i32>} : memref<30720xf32, #tpu.memory_space<vmem>>, vector<16xf32>,
          %mul3A_1091 = arith.mulf %get3A_1090, %get3A_19 : vector<16xf32>
          %add3A_1092 = arith.addf %add3A_1086, %mul3A_1091 : vector<16xf32>
          %and3A_1093 = arith.constant 1 : i32
          %and3A_1094 = vector.broadcast %and3A_1093 : i32 to vector<16xi32>
          %and3A_1095 = arith.andi %iota3A, %and3A_1094 : vector<16xi32>
          %ne3A_1096 = arith.constant 0 : i32
          %ne3A_1097 = vector.broadcast %ne3A_1096 : i32 to vector<16xi32>
          %ne3A_1098 = arith.cmpi ne, %and3A_1095, %ne3A_1097 : vector<16xi32>
          %select_n3A_1099 = arith.select %ne3A_1098, %add3A_1092, %add3A_1045 : vector<16xi1>, vector<16xf32>
          %select_n3A_1100 = arith.select %ne3A_1098, %add3A_1045, %add3A_1092 : vector<16xi1>, vector<16xf32>
          %xor3A_1101 = arith.constant 1 : i32
          %xor3A_1102 = vector.broadcast %xor3A_1101 : i32 to vector<16xi32>
          %xor3A_1103 = arith.xori %iota3A, %xor3A_1102 : vector<16xi32>
          %lt3A_1104 = arith.constant 0 : i32
          %lt3A_1105 = vector.broadcast %lt3A_1104 : i32 to vector<16xi32>
          %lt3A_1106 = arith.cmpi slt, %xor3A_1103, %lt3A_1105 : vector<16xi32>
          %add3A_1107 = arith.constant 16 : i32
          %add3A_1108 = vector.broadcast %add3A_1107 : i32 to vector<16xi32>
          %add3A_1109 = arith.addi %xor3A_1103, %add3A_1108 : vector<16xi32>
          %select_n3A_1110 = arith.select %lt3A_1106, %add3A_1109, %xor3A_1103 : vector<16xi1>, vector<16xi32>
          %broadcast_in_dim3A_1111 = vector.shape_cast %select_n3A_1110 : vector<16xi32> to vector<16x1xi32>
          %gather3A_1112 = vector.shape_cast %broadcast_in_dim3A_1111 : vector<16x1xi32> to vector<16xi32>
          %gather3A_1113 = tpu.dynamic_gather %select_n3A_1100[%gather3A_1112] in [0] : vector<16xf32>, vector<16xi32> -> vector<16xf32>
          %add3A_1114 = arith.addf %select_n3A_1099, %gather3A_1113 : vector<16xf32>
          %and3A_1115 = arith.constant 2 : i32
          %and3A_1116 = vector.broadcast %and3A_1115 : i32 to vector<16xi32>
          %and3A_1117 = arith.andi %iota3A, %and3A_1116 : vector<16xi32>
          %ne3A_1118 = arith.constant 0 : i32
          %ne3A_1119 = vector.broadcast %ne3A_1118 : i32 to vector<16xi32>
          %ne3A_1120 = arith.cmpi ne, %and3A_1117, %ne3A_1119 : vector<16xi32>
          %select_n3A_1121 = arith.select %ne3A_1120, %add3A_1114, %add3A_998 : vector<16xi1>, vector<16xf32>
          %select_n3A_1122 = arith.select %ne3A_1120, %add3A_998, %add3A_1114 : vector<16xi1>, vector<16xf32>
          %xor3A_1123 = arith.constant 2 : i32
          %xor3A_1124 = vector.broadcast %xor3A_1123 : i32 to vector<16xi32>
          %xor3A_1125 = arith.xori %iota3A, %xor3A_1124 : vector<16xi32>
          %lt3A_1126 = arith.constant 0 : i32
          %lt3A_1127 = vector.broadcast %lt3A_1126 : i32 to vector<16xi32>
          %lt3A_1128 = arith.cmpi slt, %xor3A_1125, %lt3A_1127 : vector<16xi32>
          %add3A_1129 = arith.constant 16 : i32
          %add3A_1130 = vector.broadcast %add3A_1129 : i32 to vector<16xi32>
          %add3A_1131 = arith.addi %xor3A_1125, %add3A_1130 : vector<16xi32>
          %select_n3A_1132 = arith.select %lt3A_1128, %add3A_1131, %xor3A_1125 : vector<16xi1>, vector<16xi32>
          %broadcast_in_dim3A_1133 = vector.shape_cast %select_n3A_1132 : vector<16xi32> to vector<16x1xi32>
          %gather3A_1134 = vector.shape_cast %broadcast_in_dim3A_1133 : vector<16x1xi32> to vector<16xi32>
          %gather3A_1135 = tpu.dynamic_gather %select_n3A_1122[%gather3A_1134] in [0] : vector<16xf32>, vector<16xi32> -> vector<16xf32>
          %add3A_1136 = arith.addf %select_n3A_1121, %gather3A_1135 : vector<16xf32>
          %and3A_1137 = arith.constant 4 : i32
          %and3A_1138 = vector.broadcast %and3A_1137 : i32 to vector<16xi32>
          %and3A_1139 = arith.andi %iota3A, %and3A_1138 : vector<16xi32>
          %ne3A_1140 = arith.constant 0 : i32
          %ne3A_1141 = vector.broadcast %ne3A_1140 : i32 to vector<16xi32>
          %ne3A_1142 = arith.cmpi ne, %and3A_1139, %ne3A_1141 : vector<16xi32>
          %select_n3A_1143 = arith.select %ne3A_1142, %add3A_1136, %add3A_882 : vector<16xi1>, vector<16xf32>
          %select_n3A_1144 = arith.select %ne3A_1142, %add3A_882, %add3A_1136 : vector<16xi1>, vector<16xf32>
          %xor3A_1145 = arith.constant 4 : i32
          %xor3A_1146 = vector.broadcast %xor3A_1145 : i32 to vector<16xi32>
          %xor3A_1147 = arith.xori %iota3A, %xor3A_1146 : vector<16xi32>
          %lt3A_1148 = arith.constant 0 : i32
          %lt3A_1149 = vector.broadcast %lt3A_1148 : i32 to vector<16xi32>
          %lt3A_1150 = arith.cmpi slt, %xor3A_1147, %lt3A_1149 : vector<16xi32>
          %add3A_1151 = arith.constant 16 : i32
          %add3A_1152 = vector.broadcast %add3A_1151 : i32 to vector<16xi32>
          %add3A_1153 = arith.addi %xor3A_1147, %add3A_1152 : vector<16xi32>
          %select_n3A_1154 = arith.select %lt3A_1150, %add3A_1153, %xor3A_1147 : vector<16xi1>, vector<16xi32>
          %broadcast_in_dim3A_1155 = vector.shape_cast %select_n3A_1154 : vector<16xi32> to vector<16x1xi32>
          %gather3A_1156 = vector.shape_cast %broadcast_in_dim3A_1155 : vector<16x1xi32> to vector<16xi32>
          %gather3A_1157 = tpu.dynamic_gather %select_n3A_1144[%gather3A_1156] in [0] : vector<16xf32>, vector<16xi32> -> vector<16xf32>
          %add3A_1158 = arith.addf %select_n3A_1143, %gather3A_1157 : vector<16xf32>
          %and3A_1159 = arith.constant 8 : i32
          %and3A_1160 = vector.broadcast %and3A_1159 : i32 to vector<16xi32>
          %and3A_1161 = arith.andi %iota3A, %and3A_1160 : vector<16xi32>
          %ne3A_1162 = arith.constant 0 : i32
          %ne3A_1163 = vector.broadcast %ne3A_1162 : i32 to vector<16xi32>
          %ne3A_1164 = arith.cmpi ne, %and3A_1161, %ne3A_1163 : vector<16xi32>
          %select_n3A_1165 = arith.select %ne3A_1164, %add3A_1158, %add3A_628 : vector<16xi1>, vector<16xf32>
          %select_n3A_1166 = arith.select %ne3A_1164, %add3A_628, %add3A_1158 : vector<16xi1>, vector<16xf32>
          %xor3A_1167 = arith.constant 8 : i32
          %xor3A_1168 = vector.broadcast %xor3A_1167 : i32 to vector<16xi32>
          %xor3A_1169 = arith.xori %iota3A, %xor3A_1168 : vector<16xi32>
          %lt3A_1170 = arith.constant 0 : i32
          %lt3A_1171 = vector.broadcast %lt3A_1170 : i32 to vector<16xi32>
          %lt3A_1172 = arith.cmpi slt, %xor3A_1169, %lt3A_1171 : vector<16xi32>
          %add3A_1173 = arith.constant 16 : i32
          %add3A_1174 = vector.broadcast %add3A_1173 : i32 to vector<16xi32>
          %add3A_1175 = arith.addi %xor3A_1169, %add3A_1174 : vector<16xi32>
          %select_n3A_1176 = arith.select %lt3A_1172, %add3A_1175, %xor3A_1169 : vector<16xi1>, vector<16xi32>
          %broadcast_in_dim3A_1177 = vector.shape_cast %select_n3A_1176 : vector<16xi32> to vector<16x1xi32>
          %gather3A_1178 = vector.shape_cast %broadcast_in_dim3A_1177 : vector<16x1xi32> to vector<16xi32>
          %gather3A_1179 = tpu.dynamic_gather %select_n3A_1166[%gather3A_1178] in [0] : vector<16xf32>, vector<16xi32> -> vector<16xf32>
          %add3A_1180 = arith.addf %select_n3A_1165, %gather3A_1179 : vector<16xf32>
          %mul3A_1181 = arith.constant 16 : i32
          %mul3A_1182 = arith.muli %scan3A_96, %mul3A_1181 : i32
          %add3A_1183 = arith.addi %add3A_81, %mul3A_1182 : i32
          %broadcast_in_dim3A_1184 = vector.broadcast %add3A_1183 : i32 to vector<16xi32>
          %iota3A_1185 = tpu.iota {dimensions = array<i32: 0>} : vector<16xi32>
          %add3A_1186 = arith.addi %broadcast_in_dim3A_1184, %iota3A_1185 : vector<16xi32>
          %gt3A = arith.cmpf ogt, %add3A_1180, %scan3A_97 : vector<16xf32>
          %select_n3A_1187 = arith.select %gt3A, %add3A_1180, %scan3A_97 : vector<16xi1>, vector<16xf32>
          %select_n3A_1188 = arith.select %gt3A, %add3A_1186, %scan3A_98 : vector<16xi1>, vector<16xi32>
          scf.yield %select_n3A_1187, %select_n3A_1188 : vector<16xf32>, vector<16xi32>
        }
        %scan3A_91 = arith.constant 15 : i32
        %swap3A_92 = arith.constant 0 : index
        %swap3A_93 = tpu.vector_load %arg10[%swap3A_92] {strides = array<i32>} : memref<16xf32, #tpu.memory_space<vmem>>, vector<16xf32>,
        tpu.vector_store %arg10[%swap3A_92], %scan3A_90#0 {strides = array<i32>} : memref<16xf32, #tpu.memory_space<vmem>>, vector<16xf32>,
        %swap3A_94 = arith.constant 0 : index
        %swap3A_95 = tpu.vector_load %arg11[%swap3A_94] {strides = array<i32>} : memref<16xi32, #tpu.memory_space<vmem>>, vector<16xi32>,
        tpu.vector_store %arg11[%swap3A_94], %scan3A_90#1 {strides = array<i32>} : memref<16xi32, #tpu.memory_space<vmem>>, vector<16xi32>,
      } else {
      }
    }
    %scan3A_39 = arith.constant 13 : i32
    %lt3A_40 = arith.constant 10 : i32
    %lt3A_41 = arith.cmpi slt, %add3A, %lt3A_40 : i32
    %convert_element_type3A_42 = arith.extui %lt3A_41 : i1 to i32
    %cond3A_43 = arith.constant 0 : i32
    %cond3A_44 = arith.cmpi ne, %convert_element_type3A_42, %cond3A_43 : i32
    scf.if %cond3A_44 {
      %dma_wait3A = tpu.memref_slice %arg3[%mul3A_25] : memref<12800000xf32, #tpu.memory_space<hbm>> -> memref<2048xf32, #tpu.memory_space<hbm>>
      %dma_wait3A_49 = tpu.memref_slice %arg3[%mul3A_25] : memref<12800000xf32, #tpu.memory_space<hbm>> -> memref<2048xf32, #tpu.memory_space<hbm>>
      tpu.wait_dma2 semaphore(%arg14 : memref<!tpu.dma_semaphore, #tpu.memory_space<semaphore_mem>>) src(%dma_wait3A_49 : memref<2048xf32, #tpu.memory_space<hbm>>) dst(%arg9 : memref<2048xf32, #tpu.memory_space<vmem>>)
      %iota3A = tpu.iota {dimensions = array<i32: 0>} : vector<16xi32>
      %get3A_50 = arith.constant 0 : index
      %get3A_51 = tpu.vector_load %arg9[%get3A_50] {strides = array<i32>} : memref<2048xf32, #tpu.memory_space<vmem>>, vector<16xf32>,
      %mul3A_52 = arith.mulf %get3A_51, %get3A_5 : vector<16xf32>
      %get3A_53 = arith.constant 16 : index
      %get3A_54 = tpu.vector_load %arg9[%get3A_53] {strides = array<i32>} : memref<2048xf32, #tpu.memory_space<vmem>>, vector<16xf32>,
      %mul3A_55 = arith.mulf %get3A_54, %get3A_7 : vector<16xf32>
      %add3A_56 = arith.addf %mul3A_52, %mul3A_55 : vector<16xf32>
      %get3A_57 = arith.constant 32 : index
      %get3A_58 = tpu.vector_load %arg9[%get3A_57] {strides = array<i32>} : memref<2048xf32, #tpu.memory_space<vmem>>, vector<16xf32>,
      %mul3A_59 = arith.mulf %get3A_58, %get3A_9 : vector<16xf32>
      %add3A_60 = arith.addf %add3A_56, %mul3A_59 : vector<16xf32>
      %get3A_61 = arith.constant 48 : index
      %get3A_62 = tpu.vector_load %arg9[%get3A_61] {strides = array<i32>} : memref<2048xf32, #tpu.memory_space<vmem>>, vector<16xf32>,
      %mul3A_63 = arith.mulf %get3A_62, %get3A_11 : vector<16xf32>
      %add3A_64 = arith.addf %add3A_60, %mul3A_63 : vector<16xf32>
      %get3A_65 = arith.constant 64 : index
      %get3A_66 = tpu.vector_load %arg9[%get3A_65] {strides = array<i32>} : memref<2048xf32, #tpu.memory_space<vmem>>, vector<16xf32>,
      %mul3A_67 = arith.mulf %get3A_66, %get3A_13 : vector<16xf32>
      %add3A_68 = arith.addf %add3A_64, %mul3A_67 : vector<16xf32>
      %get3A_69 = arith.constant 80 : index
      %get3A_70 = tpu.vector_load %arg9[%get3A_69] {strides = array<i32>} : memref<2048xf32, #tpu.memory_space<vmem>>, vector<16xf32>,
      %mul3A_71 = arith.mulf %get3A_70, %get3A_15 : vector<16xf32>
      %add3A_72 = arith.addf %add3A_68, %mul3A_71 : vector<16xf32>
      %get3A_73 = arith.constant 96 : index
      %get3A_74 = tpu.vector_load %arg9[%get3A_73] {strides = array<i32>} : memref<2048xf32, #tpu.memory_space<vmem>>, vector<16xf32>,
      %mul3A_75 = arith.mulf %get3A_74, %get3A_17 : vector<16xf32>
      %add3A_76 = arith.addf %add3A_72, %mul3A_75 : vector<16xf32>
      %get3A_77 = arith.constant 112 : index
      %get3A_78 = tpu.vector_load %arg9[%get3A_77] {strides = array<i32>} : memref<2048xf32, #tpu.memory_space<vmem>>, vector<16xf32>,
      %mul3A_79 = arith.mulf %get3A_78, %get3A_19 : vector<16xf32>
      %add3A_80 = arith.addf %add3A_76, %mul3A_79 : vector<16xf32>
      %get3A_81 = arith.constant 128 : index
      %get3A_82 = tpu.vector_load %arg9[%get3A_81] {strides = array<i32>} : memref<2048xf32, #tpu.memory_space<vmem>>, vector<16xf32>,
      %mul3A_83 = arith.mulf %get3A_82, %get3A_5 : vector<16xf32>
      %get3A_84 = arith.constant 144 : index
      %get3A_85 = tpu.vector_load %arg9[%get3A_84] {strides = array<i32>} : memref<2048xf32, #tpu.memory_space<vmem>>, vector<16xf32>,
      %mul3A_86 = arith.mulf %get3A_85, %get3A_7 : vector<16xf32>
      %add3A_87 = arith.addf %mul3A_83, %mul3A_86 : vector<16xf32>
      %get3A_88 = arith.constant 160 : index
      %get3A_89 = tpu.vector_load %arg9[%get3A_88] {strides = array<i32>} : memref<2048xf32, #tpu.memory_space<vmem>>, vector<16xf32>,
      %mul3A_90 = arith.mulf %get3A_89, %get3A_9 : vector<16xf32>
      %add3A_91 = arith.addf %add3A_87, %mul3A_90 : vector<16xf32>
      %get3A_92 = arith.constant 176 : index
      %get3A_93 = tpu.vector_load %arg9[%get3A_92] {strides = array<i32>} : memref<2048xf32, #tpu.memory_space<vmem>>, vector<16xf32>,
      %mul3A_94 = arith.mulf %get3A_93, %get3A_11 : vector<16xf32>
      %add3A_95 = arith.addf %add3A_91, %mul3A_94 : vector<16xf32>
      %get3A_96 = arith.constant 192 : index
      %get3A_97 = tpu.vector_load %arg9[%get3A_96] {strides = array<i32>} : memref<2048xf32, #tpu.memory_space<vmem>>, vector<16xf32>,
      %mul3A_98 = arith.mulf %get3A_97, %get3A_13 : vector<16xf32>
      %add3A_99 = arith.addf %add3A_95, %mul3A_98 : vector<16xf32>
      %get3A_100 = arith.constant 208 : index
      %get3A_101 = tpu.vector_load %arg9[%get3A_100] {strides = array<i32>} : memref<2048xf32, #tpu.memory_space<vmem>>, vector<16xf32>,
      %mul3A_102 = arith.mulf %get3A_101, %get3A_15 : vector<16xf32>
      %add3A_103 = arith.addf %add3A_99, %mul3A_102 : vector<16xf32>
      %get3A_104 = arith.constant 224 : index
      %get3A_105 = tpu.vector_load %arg9[%get3A_104] {strides = array<i32>} : memref<2048xf32, #tpu.memory_space<vmem>>, vector<16xf32>,
      %mul3A_106 = arith.mulf %get3A_105, %get3A_17 : vector<16xf32>
      %add3A_107 = arith.addf %add3A_103, %mul3A_106 : vector<16xf32>
      %get3A_108 = arith.constant 240 : index
      %get3A_109 = tpu.vector_load %arg9[%get3A_108] {strides = array<i32>} : memref<2048xf32, #tpu.memory_space<vmem>>, vector<16xf32>,
      %mul3A_110 = arith.mulf %get3A_109, %get3A_19 : vector<16xf32>
      %add3A_111 = arith.addf %add3A_107, %mul3A_110 : vector<16xf32>
      %and3A = arith.constant 1 : i32
      %and3A_112 = vector.broadcast %and3A : i32 to vector<16xi32>
      %and3A_113 = arith.andi %iota3A, %and3A_112 : vector<16xi32>
      %ne3A = arith.constant 0 : i32
      %ne3A_114 = vector.broadcast %ne3A : i32 to vector<16xi32>
      %ne3A_115 = arith.cmpi ne, %and3A_113, %ne3A_114 : vector<16xi32>
      %select_n3A = arith.select %ne3A_115, %add3A_111, %add3A_80 : vector<16xi1>, vector<16xf32>
      %select_n3A_116 = arith.select %ne3A_115, %add3A_80, %add3A_111 : vector<16xi1>, vector<16xf32>
      %xor3A = arith.constant 1 : i32
      %xor3A_117 = vector.broadcast %xor3A : i32 to vector<16xi32>
      %xor3A_118 = arith.xori %iota3A, %xor3A_117 : vector<16xi32>
      %lt3A_119 = arith.constant 0 : i32
      %lt3A_120 = vector.broadcast %lt3A_119 : i32 to vector<16xi32>
      %lt3A_121 = arith.cmpi slt, %xor3A_118, %lt3A_120 : vector<16xi32>
      %add3A_122 = arith.constant 16 : i32
      %add3A_123 = vector.broadcast %add3A_122 : i32 to vector<16xi32>
      %add3A_124 = arith.addi %xor3A_118, %add3A_123 : vector<16xi32>
      %select_n3A_125 = arith.select %lt3A_121, %add3A_124, %xor3A_118 : vector<16xi1>, vector<16xi32>
      %broadcast_in_dim3A_126 = vector.shape_cast %select_n3A_125 : vector<16xi32> to vector<16x1xi32>
      %gather3A = vector.shape_cast %broadcast_in_dim3A_126 : vector<16x1xi32> to vector<16xi32>
      %gather3A_127 = tpu.dynamic_gather %select_n3A_116[%gather3A] in [0] : vector<16xf32>, vector<16xi32> -> vector<16xf32>
      %add3A_128 = arith.addf %select_n3A, %gather3A_127 : vector<16xf32>
      %get3A_129 = arith.constant 256 : index
      %get3A_130 = tpu.vector_load %arg9[%get3A_129] {strides = array<i32>} : memref<2048xf32, #tpu.memory_space<vmem>>, vector<16xf32>,
      %mul3A_131 = arith.mulf %get3A_130, %get3A_5 : vector<16xf32>
      %get3A_132 = arith.constant 272 : index
      %get3A_133 = tpu.vector_load %arg9[%get3A_132] {strides = array<i32>} : memref<2048xf32, #tpu.memory_space<vmem>>, vector<16xf32>,
      %mul3A_134 = arith.mulf %get3A_133, %get3A_7 : vector<16xf32>
      %add3A_135 = arith.addf %mul3A_131, %mul3A_134 : vector<16xf32>
      %get3A_136 = arith.constant 288 : index
      %get3A_137 = tpu.vector_load %arg9[%get3A_136] {strides = array<i32>} : memref<2048xf32, #tpu.memory_space<vmem>>, vector<16xf32>,
      %mul3A_138 = arith.mulf %get3A_137, %get3A_9 : vector<16xf32>
      %add3A_139 = arith.addf %add3A_135, %mul3A_138 : vector<16xf32>
      %get3A_140 = arith.constant 304 : index
      %get3A_141 = tpu.vector_load %arg9[%get3A_140] {strides = array<i32>} : memref<2048xf32, #tpu.memory_space<vmem>>, vector<16xf32>,
      %mul3A_142 = arith.mulf %get3A_141, %get3A_11 : vector<16xf32>
      %add3A_143 = arith.addf %add3A_139, %mul3A_142 : vector<16xf32>
      %get3A_144 = arith.constant 320 : index
      %get3A_145 = tpu.vector_load %arg9[%get3A_144] {strides = array<i32>} : memref<2048xf32, #tpu.memory_space<vmem>>, vector<16xf32>,
      %mul3A_146 = arith.mulf %get3A_145, %get3A_13 : vector<16xf32>
      %add3A_147 = arith.addf %add3A_143, %mul3A_146 : vector<16xf32>
      %get3A_148 = arith.constant 336 : index
      %get3A_149 = tpu.vector_load %arg9[%get3A_148] {strides = array<i32>} : memref<2048xf32, #tpu.memory_space<vmem>>, vector<16xf32>,
      %mul3A_150 = arith.mulf %get3A_149, %get3A_15 : vector<16xf32>
      %add3A_151 = arith.addf %add3A_147, %mul3A_150 : vector<16xf32>
      %get3A_152 = arith.constant 352 : index
      %get3A_153 = tpu.vector_load %arg9[%get3A_152] {strides = array<i32>} : memref<2048xf32, #tpu.memory_space<vmem>>, vector<16xf32>,
      %mul3A_154 = arith.mulf %get3A_153, %get3A_17 : vector<16xf32>
      %add3A_155 = arith.addf %add3A_151, %mul3A_154 : vector<16xf32>
      %get3A_156 = arith.constant 368 : index
      %get3A_157 = tpu.vector_load %arg9[%get3A_156] {strides = array<i32>} : memref<2048xf32, #tpu.memory_space<vmem>>, vector<16xf32>,
      %mul3A_158 = arith.mulf %get3A_157, %get3A_19 : vector<16xf32>
      %add3A_159 = arith.addf %add3A_155, %mul3A_158 : vector<16xf32>
      %get3A_160 = arith.constant 384 : index
      %get3A_161 = tpu.vector_load %arg9[%get3A_160] {strides = array<i32>} : memref<2048xf32, #tpu.memory_space<vmem>>, vector<16xf32>,
      %mul3A_162 = arith.mulf %get3A_161, %get3A_5 : vector<16xf32>
      %get3A_163 = arith.constant 400 : index
      %get3A_164 = tpu.vector_load %arg9[%get3A_163] {strides = array<i32>} : memref<2048xf32, #tpu.memory_space<vmem>>, vector<16xf32>,
      %mul3A_165 = arith.mulf %get3A_164, %get3A_7 : vector<16xf32>
      %add3A_166 = arith.addf %mul3A_162, %mul3A_165 : vector<16xf32>
      %get3A_167 = arith.constant 416 : index
      %get3A_168 = tpu.vector_load %arg9[%get3A_167] {strides = array<i32>} : memref<2048xf32, #tpu.memory_space<vmem>>, vector<16xf32>,
      %mul3A_169 = arith.mulf %get3A_168, %get3A_9 : vector<16xf32>
      %add3A_170 = arith.addf %add3A_166, %mul3A_169 : vector<16xf32>
      %get3A_171 = arith.constant 432 : index
      %get3A_172 = tpu.vector_load %arg9[%get3A_171] {strides = array<i32>} : memref<2048xf32, #tpu.memory_space<vmem>>, vector<16xf32>,
      %mul3A_173 = arith.mulf %get3A_172, %get3A_11 : vector<16xf32>
      %add3A_174 = arith.addf %add3A_170, %mul3A_173 : vector<16xf32>
      %get3A_175 = arith.constant 448 : index
      %get3A_176 = tpu.vector_load %arg9[%get3A_175] {strides = array<i32>} : memref<2048xf32, #tpu.memory_space<vmem>>, vector<16xf32>,
      %mul3A_177 = arith.mulf %get3A_176, %get3A_13 : vector<16xf32>
      %add3A_178 = arith.addf %add3A_174, %mul3A_177 : vector<16xf32>
      %get3A_179 = arith.constant 464 : index
      %get3A_180 = tpu.vector_load %arg9[%get3A_179] {strides = array<i32>} : memref<2048xf32, #tpu.memory_space<vmem>>, vector<16xf32>,
      %mul3A_181 = arith.mulf %get3A_180, %get3A_15 : vector<16xf32>
      %add3A_182 = arith.addf %add3A_178, %mul3A_181 : vector<16xf32>
      %get3A_183 = arith.constant 480 : index
      %get3A_184 = tpu.vector_load %arg9[%get3A_183] {strides = array<i32>} : memref<2048xf32, #tpu.memory_space<vmem>>, vector<16xf32>,
      %mul3A_185 = arith.mulf %get3A_184, %get3A_17 : vector<16xf32>
      %add3A_186 = arith.addf %add3A_182, %mul3A_185 : vector<16xf32>
      %get3A_187 = arith.constant 496 : index
      %get3A_188 = tpu.vector_load %arg9[%get3A_187] {strides = array<i32>} : memref<2048xf32, #tpu.memory_space<vmem>>, vector<16xf32>,
      %mul3A_189 = arith.mulf %get3A_188, %get3A_19 : vector<16xf32>
      %add3A_190 = arith.addf %add3A_186, %mul3A_189 : vector<16xf32>
      %and3A_191 = arith.constant 1 : i32
      %and3A_192 = vector.broadcast %and3A_191 : i32 to vector<16xi32>
      %and3A_193 = arith.andi %iota3A, %and3A_192 : vector<16xi32>
      %ne3A_194 = arith.constant 0 : i32
      %ne3A_195 = vector.broadcast %ne3A_194 : i32 to vector<16xi32>
      %ne3A_196 = arith.cmpi ne, %and3A_193, %ne3A_195 : vector<16xi32>
      %select_n3A_197 = arith.select %ne3A_196, %add3A_190, %add3A_159 : vector<16xi1>, vector<16xf32>
      %select_n3A_198 = arith.select %ne3A_196, %add3A_159, %add3A_190 : vector<16xi1>, vector<16xf32>
      %xor3A_199 = arith.constant 1 : i32
      %xor3A_200 = vector.broadcast %xor3A_199 : i32 to vector<16xi32>
      %xor3A_201 = arith.xori %iota3A, %xor3A_200 : vector<16xi32>
      %lt3A_202 = arith.constant 0 : i32
      %lt3A_203 = vector.broadcast %lt3A_202 : i32 to vector<16xi32>
      %lt3A_204 = arith.cmpi slt, %xor3A_201, %lt3A_203 : vector<16xi32>
      %add3A_205 = arith.constant 16 : i32
      %add3A_206 = vector.broadcast %add3A_205 : i32 to vector<16xi32>
      %add3A_207 = arith.addi %xor3A_201, %add3A_206 : vector<16xi32>
      %select_n3A_208 = arith.select %lt3A_204, %add3A_207, %xor3A_201 : vector<16xi1>, vector<16xi32>
      %broadcast_in_dim3A_209 = vector.shape_cast %select_n3A_208 : vector<16xi32> to vector<16x1xi32>
      %gather3A_210 = vector.shape_cast %broadcast_in_dim3A_209 : vector<16x1xi32> to vector<16xi32>
      %gather3A_211 = tpu.dynamic_gather %select_n3A_198[%gather3A_210] in [0] : vector<16xf32>, vector<16xi32> -> vector<16xf32>
      %add3A_212 = arith.addf %select_n3A_197, %gather3A_211 : vector<16xf32>
      %and3A_213 = arith.constant 2 : i32
      %and3A_214 = vector.broadcast %and3A_213 : i32 to vector<16xi32>
      %and3A_215 = arith.andi %iota3A, %and3A_214 : vector<16xi32>
      %ne3A_216 = arith.constant 0 : i32
      %ne3A_217 = vector.broadcast %ne3A_216 : i32 to vector<16xi32>
      %ne3A_218 = arith.cmpi ne, %and3A_215, %ne3A_217 : vector<16xi32>
      %select_n3A_219 = arith.select %ne3A_218, %add3A_212, %add3A_128 : vector<16xi1>, vector<16xf32>
      %select_n3A_220 = arith.select %ne3A_218, %add3A_128, %add3A_212 : vector<16xi1>, vector<16xf32>
      %xor3A_221 = arith.constant 2 : i32
      %xor3A_222 = vector.broadcast %xor3A_221 : i32 to vector<16xi32>
      %xor3A_223 = arith.xori %iota3A, %xor3A_222 : vector<16xi32>
      %lt3A_224 = arith.constant 0 : i32
      %lt3A_225 = vector.broadcast %lt3A_224 : i32 to vector<16xi32>
      %lt3A_226 = arith.cmpi slt, %xor3A_223, %lt3A_225 : vector<16xi32>
      %add3A_227 = arith.constant 16 : i32
      %add3A_228 = vector.broadcast %add3A_227 : i32 to vector<16xi32>
      %add3A_229 = arith.addi %xor3A_223, %add3A_228 : vector<16xi32>
      %select_n3A_230 = arith.select %lt3A_226, %add3A_229, %xor3A_223 : vector<16xi1>, vector<16xi32>
      %broadcast_in_dim3A_231 = vector.shape_cast %select_n3A_230 : vector<16xi32> to vector<16x1xi32>
      %gather3A_232 = vector.shape_cast %broadcast_in_dim3A_231 : vector<16x1xi32> to vector<16xi32>
      %gather3A_233 = tpu.dynamic_gather %select_n3A_220[%gather3A_232] in [0] : vector<16xf32>, vector<16xi32> -> vector<16xf32>
      %add3A_234 = arith.addf %select_n3A_219, %gather3A_233 : vector<16xf32>
      %get3A_235 = arith.constant 512 : index
      %get3A_236 = tpu.vector_load %arg9[%get3A_235] {strides = array<i32>} : memref<2048xf32, #tpu.memory_space<vmem>>, vector<16xf32>,
      %mul3A_237 = arith.mulf %get3A_236, %get3A_5 : vector<16xf32>
      %get3A_238 = arith.constant 528 : index
      %get3A_239 = tpu.vector_load %arg9[%get3A_238] {strides = array<i32>} : memref<2048xf32, #tpu.memory_space<vmem>>, vector<16xf32>,
      %mul3A_240 = arith.mulf %get3A_239, %get3A_7 : vector<16xf32>
      %add3A_241 = arith.addf %mul3A_237, %mul3A_240 : vector<16xf32>
      %get3A_242 = arith.constant 544 : index
      %get3A_243 = tpu.vector_load %arg9[%get3A_242] {strides = array<i32>} : memref<2048xf32, #tpu.memory_space<vmem>>, vector<16xf32>,
      %mul3A_244 = arith.mulf %get3A_243, %get3A_9 : vector<16xf32>
      %add3A_245 = arith.addf %add3A_241, %mul3A_244 : vector<16xf32>
      %get3A_246 = arith.constant 560 : index
      %get3A_247 = tpu.vector_load %arg9[%get3A_246] {strides = array<i32>} : memref<2048xf32, #tpu.memory_space<vmem>>, vector<16xf32>,
      %mul3A_248 = arith.mulf %get3A_247, %get3A_11 : vector<16xf32>
      %add3A_249 = arith.addf %add3A_245, %mul3A_248 : vector<16xf32>
      %get3A_250 = arith.constant 576 : index
      %get3A_251 = tpu.vector_load %arg9[%get3A_250] {strides = array<i32>} : memref<2048xf32, #tpu.memory_space<vmem>>, vector<16xf32>,
      %mul3A_252 = arith.mulf %get3A_251, %get3A_13 : vector<16xf32>
      %add3A_253 = arith.addf %add3A_249, %mul3A_252 : vector<16xf32>
      %get3A_254 = arith.constant 592 : index
      %get3A_255 = tpu.vector_load %arg9[%get3A_254] {strides = array<i32>} : memref<2048xf32, #tpu.memory_space<vmem>>, vector<16xf32>,
      %mul3A_256 = arith.mulf %get3A_255, %get3A_15 : vector<16xf32>
      %add3A_257 = arith.addf %add3A_253, %mul3A_256 : vector<16xf32>
      %get3A_258 = arith.constant 608 : index
      %get3A_259 = tpu.vector_load %arg9[%get3A_258] {strides = array<i32>} : memref<2048xf32, #tpu.memory_space<vmem>>, vector<16xf32>,
      %mul3A_260 = arith.mulf %get3A_259, %get3A_17 : vector<16xf32>
      %add3A_261 = arith.addf %add3A_257, %mul3A_260 : vector<16xf32>
      %get3A_262 = arith.constant 624 : index
      %get3A_263 = tpu.vector_load %arg9[%get3A_262] {strides = array<i32>} : memref<2048xf32, #tpu.memory_space<vmem>>, vector<16xf32>,
      %mul3A_264 = arith.mulf %get3A_263, %get3A_19 : vector<16xf32>
      %add3A_265 = arith.addf %add3A_261, %mul3A_264 : vector<16xf32>
      %get3A_266 = arith.constant 640 : index
      %get3A_267 = tpu.vector_load %arg9[%get3A_266] {strides = array<i32>} : memref<2048xf32, #tpu.memory_space<vmem>>, vector<16xf32>,
      %mul3A_268 = arith.mulf %get3A_267, %get3A_5 : vector<16xf32>
      %get3A_269 = arith.constant 656 : index
      %get3A_270 = tpu.vector_load %arg9[%get3A_269] {strides = array<i32>} : memref<2048xf32, #tpu.memory_space<vmem>>, vector<16xf32>,
      %mul3A_271 = arith.mulf %get3A_270, %get3A_7 : vector<16xf32>
      %add3A_272 = arith.addf %mul3A_268, %mul3A_271 : vector<16xf32>
      %get3A_273 = arith.constant 672 : index
      %get3A_274 = tpu.vector_load %arg9[%get3A_273] {strides = array<i32>} : memref<2048xf32, #tpu.memory_space<vmem>>, vector<16xf32>,
      %mul3A_275 = arith.mulf %get3A_274, %get3A_9 : vector<16xf32>
      %add3A_276 = arith.addf %add3A_272, %mul3A_275 : vector<16xf32>
      %get3A_277 = arith.constant 688 : index
      %get3A_278 = tpu.vector_load %arg9[%get3A_277] {strides = array<i32>} : memref<2048xf32, #tpu.memory_space<vmem>>, vector<16xf32>,
      %mul3A_279 = arith.mulf %get3A_278, %get3A_11 : vector<16xf32>
      %add3A_280 = arith.addf %add3A_276, %mul3A_279 : vector<16xf32>
      %get3A_281 = arith.constant 704 : index
      %get3A_282 = tpu.vector_load %arg9[%get3A_281] {strides = array<i32>} : memref<2048xf32, #tpu.memory_space<vmem>>, vector<16xf32>,
      %mul3A_283 = arith.mulf %get3A_282, %get3A_13 : vector<16xf32>
      %add3A_284 = arith.addf %add3A_280, %mul3A_283 : vector<16xf32>
      %get3A_285 = arith.constant 720 : index
      %get3A_286 = tpu.vector_load %arg9[%get3A_285] {strides = array<i32>} : memref<2048xf32, #tpu.memory_space<vmem>>, vector<16xf32>,
      %mul3A_287 = arith.mulf %get3A_286, %get3A_15 : vector<16xf32>
      %add3A_288 = arith.addf %add3A_284, %mul3A_287 : vector<16xf32>
      %get3A_289 = arith.constant 736 : index
      %get3A_290 = tpu.vector_load %arg9[%get3A_289] {strides = array<i32>} : memref<2048xf32, #tpu.memory_space<vmem>>, vector<16xf32>,
      %mul3A_291 = arith.mulf %get3A_290, %get3A_17 : vector<16xf32>
      %add3A_292 = arith.addf %add3A_288, %mul3A_291 : vector<16xf32>
      %get3A_293 = arith.constant 752 : index
      %get3A_294 = tpu.vector_load %arg9[%get3A_293] {strides = array<i32>} : memref<2048xf32, #tpu.memory_space<vmem>>, vector<16xf32>,
      %mul3A_295 = arith.mulf %get3A_294, %get3A_19 : vector<16xf32>
      %add3A_296 = arith.addf %add3A_292, %mul3A_295 : vector<16xf32>
      %and3A_297 = arith.constant 1 : i32
      %and3A_298 = vector.broadcast %and3A_297 : i32 to vector<16xi32>
      %and3A_299 = arith.andi %iota3A, %and3A_298 : vector<16xi32>
      %ne3A_300 = arith.constant 0 : i32
      %ne3A_301 = vector.broadcast %ne3A_300 : i32 to vector<16xi32>
      %ne3A_302 = arith.cmpi ne, %and3A_299, %ne3A_301 : vector<16xi32>
      %select_n3A_303 = arith.select %ne3A_302, %add3A_296, %add3A_265 : vector<16xi1>, vector<16xf32>
      %select_n3A_304 = arith.select %ne3A_302, %add3A_265, %add3A_296 : vector<16xi1>, vector<16xf32>
      %xor3A_305 = arith.constant 1 : i32
      %xor3A_306 = vector.broadcast %xor3A_305 : i32 to vector<16xi32>
      %xor3A_307 = arith.xori %iota3A, %xor3A_306 : vector<16xi32>
      %lt3A_308 = arith.constant 0 : i32
      %lt3A_309 = vector.broadcast %lt3A_308 : i32 to vector<16xi32>
      %lt3A_310 = arith.cmpi slt, %xor3A_307, %lt3A_309 : vector<16xi32>
      %add3A_311 = arith.constant 16 : i32
      %add3A_312 = vector.broadcast %add3A_311 : i32 to vector<16xi32>
      %add3A_313 = arith.addi %xor3A_307, %add3A_312 : vector<16xi32>
      %select_n3A_314 = arith.select %lt3A_310, %add3A_313, %xor3A_307 : vector<16xi1>, vector<16xi32>
      %broadcast_in_dim3A_315 = vector.shape_cast %select_n3A_314 : vector<16xi32> to vector<16x1xi32>
      %gather3A_316 = vector.shape_cast %broadcast_in_dim3A_315 : vector<16x1xi32> to vector<16xi32>
      %gather3A_317 = tpu.dynamic_gather %select_n3A_304[%gather3A_316] in [0] : vector<16xf32>, vector<16xi32> -> vector<16xf32>
      %add3A_318 = arith.addf %select_n3A_303, %gather3A_317 : vector<16xf32>
      %get3A_319 = arith.constant 768 : index
      %get3A_320 = tpu.vector_load %arg9[%get3A_319] {strides = array<i32>} : memref<2048xf32, #tpu.memory_space<vmem>>, vector<16xf32>,
      %mul3A_321 = arith.mulf %get3A_320, %get3A_5 : vector<16xf32>
      %get3A_322 = arith.constant 784 : index
      %get3A_323 = tpu.vector_load %arg9[%get3A_322] {strides = array<i32>} : memref<2048xf32, #tpu.memory_space<vmem>>, vector<16xf32>,
      %mul3A_324 = arith.mulf %get3A_323, %get3A_7 : vector<16xf32>
      %add3A_325 = arith.addf %mul3A_321, %mul3A_324 : vector<16xf32>
      %get3A_326 = arith.constant 800 : index
      %get3A_327 = tpu.vector_load %arg9[%get3A_326] {strides = array<i32>} : memref<2048xf32, #tpu.memory_space<vmem>>, vector<16xf32>,
      %mul3A_328 = arith.mulf %get3A_327, %get3A_9 : vector<16xf32>
      %add3A_329 = arith.addf %add3A_325, %mul3A_328 : vector<16xf32>
      %get3A_330 = arith.constant 816 : index
      %get3A_331 = tpu.vector_load %arg9[%get3A_330] {strides = array<i32>} : memref<2048xf32, #tpu.memory_space<vmem>>, vector<16xf32>,
      %mul3A_332 = arith.mulf %get3A_331, %get3A_11 : vector<16xf32>
      %add3A_333 = arith.addf %add3A_329, %mul3A_332 : vector<16xf32>
      %get3A_334 = arith.constant 832 : index
      %get3A_335 = tpu.vector_load %arg9[%get3A_334] {strides = array<i32>} : memref<2048xf32, #tpu.memory_space<vmem>>, vector<16xf32>,
      %mul3A_336 = arith.mulf %get3A_335, %get3A_13 : vector<16xf32>
      %add3A_337 = arith.addf %add3A_333, %mul3A_336 : vector<16xf32>
      %get3A_338 = arith.constant 848 : index
      %get3A_339 = tpu.vector_load %arg9[%get3A_338] {strides = array<i32>} : memref<2048xf32, #tpu.memory_space<vmem>>, vector<16xf32>,
      %mul3A_340 = arith.mulf %get3A_339, %get3A_15 : vector<16xf32>
      %add3A_341 = arith.addf %add3A_337, %mul3A_340 : vector<16xf32>
      %get3A_342 = arith.constant 864 : index
      %get3A_343 = tpu.vector_load %arg9[%get3A_342] {strides = array<i32>} : memref<2048xf32, #tpu.memory_space<vmem>>, vector<16xf32>,
      %mul3A_344 = arith.mulf %get3A_343, %get3A_17 : vector<16xf32>
      %add3A_345 = arith.addf %add3A_341, %mul3A_344 : vector<16xf32>
      %get3A_346 = arith.constant 880 : index
      %get3A_347 = tpu.vector_load %arg9[%get3A_346] {strides = array<i32>} : memref<2048xf32, #tpu.memory_space<vmem>>, vector<16xf32>,
      %mul3A_348 = arith.mulf %get3A_347, %get3A_19 : vector<16xf32>
      %add3A_349 = arith.addf %add3A_345, %mul3A_348 : vector<16xf32>
      %get3A_350 = arith.constant 896 : index
      %get3A_351 = tpu.vector_load %arg9[%get3A_350] {strides = array<i32>} : memref<2048xf32, #tpu.memory_space<vmem>>, vector<16xf32>,
      %mul3A_352 = arith.mulf %get3A_351, %get3A_5 : vector<16xf32>
      %get3A_353 = arith.constant 912 : index
      %get3A_354 = tpu.vector_load %arg9[%get3A_353] {strides = array<i32>} : memref<2048xf32, #tpu.memory_space<vmem>>, vector<16xf32>,
      %mul3A_355 = arith.mulf %get3A_354, %get3A_7 : vector<16xf32>
      %add3A_356 = arith.addf %mul3A_352, %mul3A_355 : vector<16xf32>
      %get3A_357 = arith.constant 928 : index
      %get3A_358 = tpu.vector_load %arg9[%get3A_357] {strides = array<i32>} : memref<2048xf32, #tpu.memory_space<vmem>>, vector<16xf32>,
      %mul3A_359 = arith.mulf %get3A_358, %get3A_9 : vector<16xf32>
      %add3A_360 = arith.addf %add3A_356, %mul3A_359 : vector<16xf32>
      %get3A_361 = arith.constant 944 : index
      %get3A_362 = tpu.vector_load %arg9[%get3A_361] {strides = array<i32>} : memref<2048xf32, #tpu.memory_space<vmem>>, vector<16xf32>,
      %mul3A_363 = arith.mulf %get3A_362, %get3A_11 : vector<16xf32>
      %add3A_364 = arith.addf %add3A_360, %mul3A_363 : vector<16xf32>
      %get3A_365 = arith.constant 960 : index
      %get3A_366 = tpu.vector_load %arg9[%get3A_365] {strides = array<i32>} : memref<2048xf32, #tpu.memory_space<vmem>>, vector<16xf32>,
      %mul3A_367 = arith.mulf %get3A_366, %get3A_13 : vector<16xf32>
      %add3A_368 = arith.addf %add3A_364, %mul3A_367 : vector<16xf32>
      %get3A_369 = arith.constant 976 : index
      %get3A_370 = tpu.vector_load %arg9[%get3A_369] {strides = array<i32>} : memref<2048xf32, #tpu.memory_space<vmem>>, vector<16xf32>,
      %mul3A_371 = arith.mulf %get3A_370, %get3A_15 : vector<16xf32>
      %add3A_372 = arith.addf %add3A_368, %mul3A_371 : vector<16xf32>
      %get3A_373 = arith.constant 992 : index
      %get3A_374 = tpu.vector_load %arg9[%get3A_373] {strides = array<i32>} : memref<2048xf32, #tpu.memory_space<vmem>>, vector<16xf32>,
      %mul3A_375 = arith.mulf %get3A_374, %get3A_17 : vector<16xf32>
      %add3A_376 = arith.addf %add3A_372, %mul3A_375 : vector<16xf32>
      %get3A_377 = arith.constant 1008 : index
      %get3A_378 = tpu.vector_load %arg9[%get3A_377] {strides = array<i32>} : memref<2048xf32, #tpu.memory_space<vmem>>, vector<16xf32>,
      %mul3A_379 = arith.mulf %get3A_378, %get3A_19 : vector<16xf32>
      %add3A_380 = arith.addf %add3A_376, %mul3A_379 : vector<16xf32>
      %and3A_381 = arith.constant 1 : i32
      %and3A_382 = vector.broadcast %and3A_381 : i32 to vector<16xi32>
      %and3A_383 = arith.andi %iota3A, %and3A_382 : vector<16xi32>
      %ne3A_384 = arith.constant 0 : i32
      %ne3A_385 = vector.broadcast %ne3A_384 : i32 to vector<16xi32>
      %ne3A_386 = arith.cmpi ne, %and3A_383, %ne3A_385 : vector<16xi32>
      %select_n3A_387 = arith.select %ne3A_386, %add3A_380, %add3A_349 : vector<16xi1>, vector<16xf32>
      %select_n3A_388 = arith.select %ne3A_386, %add3A_349, %add3A_380 : vector<16xi1>, vector<16xf32>
      %xor3A_389 = arith.constant 1 : i32
      %xor3A_390 = vector.broadcast %xor3A_389 : i32 to vector<16xi32>
      %xor3A_391 = arith.xori %iota3A, %xor3A_390 : vector<16xi32>
      %lt3A_392 = arith.constant 0 : i32
      %lt3A_393 = vector.broadcast %lt3A_392 : i32 to vector<16xi32>
      %lt3A_394 = arith.cmpi slt, %xor3A_391, %lt3A_393 : vector<16xi32>
      %add3A_395 = arith.constant 16 : i32
      %add3A_396 = vector.broadcast %add3A_395 : i32 to vector<16xi32>
      %add3A_397 = arith.addi %xor3A_391, %add3A_396 : vector<16xi32>
      %select_n3A_398 = arith.select %lt3A_394, %add3A_397, %xor3A_391 : vector<16xi1>, vector<16xi32>
      %broadcast_in_dim3A_399 = vector.shape_cast %select_n3A_398 : vector<16xi32> to vector<16x1xi32>
      %gather3A_400 = vector.shape_cast %broadcast_in_dim3A_399 : vector<16x1xi32> to vector<16xi32>
      %gather3A_401 = tpu.dynamic_gather %select_n3A_388[%gather3A_400] in [0] : vector<16xf32>, vector<16xi32> -> vector<16xf32>
      %add3A_402 = arith.addf %select_n3A_387, %gather3A_401 : vector<16xf32>
      %and3A_403 = arith.constant 2 : i32
      %and3A_404 = vector.broadcast %and3A_403 : i32 to vector<16xi32>
      %and3A_405 = arith.andi %iota3A, %and3A_404 : vector<16xi32>
      %ne3A_406 = arith.constant 0 : i32
      %ne3A_407 = vector.broadcast %ne3A_406 : i32 to vector<16xi32>
      %ne3A_408 = arith.cmpi ne, %and3A_405, %ne3A_407 : vector<16xi32>
      %select_n3A_409 = arith.select %ne3A_408, %add3A_402, %add3A_318 : vector<16xi1>, vector<16xf32>
      %select_n3A_410 = arith.select %ne3A_408, %add3A_318, %add3A_402 : vector<16xi1>, vector<16xf32>
      %xor3A_411 = arith.constant 2 : i32
      %xor3A_412 = vector.broadcast %xor3A_411 : i32 to vector<16xi32>
      %xor3A_413 = arith.xori %iota3A, %xor3A_412 : vector<16xi32>
      %lt3A_414 = arith.constant 0 : i32
      %lt3A_415 = vector.broadcast %lt3A_414 : i32 to vector<16xi32>
      %lt3A_416 = arith.cmpi slt, %xor3A_413, %lt3A_415 : vector<16xi32>
      %add3A_417 = arith.constant 16 : i32
      %add3A_418 = vector.broadcast %add3A_417 : i32 to vector<16xi32>
      %add3A_419 = arith.addi %xor3A_413, %add3A_418 : vector<16xi32>
      %select_n3A_420 = arith.select %lt3A_416, %add3A_419, %xor3A_413 : vector<16xi1>, vector<16xi32>
      %broadcast_in_dim3A_421 = vector.shape_cast %select_n3A_420 : vector<16xi32> to vector<16x1xi32>
      %gather3A_422 = vector.shape_cast %broadcast_in_dim3A_421 : vector<16x1xi32> to vector<16xi32>
      %gather3A_423 = tpu.dynamic_gather %select_n3A_410[%gather3A_422] in [0] : vector<16xf32>, vector<16xi32> -> vector<16xf32>
      %add3A_424 = arith.addf %select_n3A_409, %gather3A_423 : vector<16xf32>
      %and3A_425 = arith.constant 4 : i32
      %and3A_426 = vector.broadcast %and3A_425 : i32 to vector<16xi32>
      %and3A_427 = arith.andi %iota3A, %and3A_426 : vector<16xi32>
      %ne3A_428 = arith.constant 0 : i32
      %ne3A_429 = vector.broadcast %ne3A_428 : i32 to vector<16xi32>
      %ne3A_430 = arith.cmpi ne, %and3A_427, %ne3A_429 : vector<16xi32>
      %select_n3A_431 = arith.select %ne3A_430, %add3A_424, %add3A_234 : vector<16xi1>, vector<16xf32>
      %select_n3A_432 = arith.select %ne3A_430, %add3A_234, %add3A_424 : vector<16xi1>, vector<16xf32>
      %xor3A_433 = arith.constant 4 : i32
      %xor3A_434 = vector.broadcast %xor3A_433 : i32 to vector<16xi32>
      %xor3A_435 = arith.xori %iota3A, %xor3A_434 : vector<16xi32>
      %lt3A_436 = arith.constant 0 : i32
      %lt3A_437 = vector.broadcast %lt3A_436 : i32 to vector<16xi32>
      %lt3A_438 = arith.cmpi slt, %xor3A_435, %lt3A_437 : vector<16xi32>
      %add3A_439 = arith.constant 16 : i32
      %add3A_440 = vector.broadcast %add3A_439 : i32 to vector<16xi32>
      %add3A_441 = arith.addi %xor3A_435, %add3A_440 : vector<16xi32>
      %select_n3A_442 = arith.select %lt3A_438, %add3A_441, %xor3A_435 : vector<16xi1>, vector<16xi32>
      %broadcast_in_dim3A_443 = vector.shape_cast %select_n3A_442 : vector<16xi32> to vector<16x1xi32>
      %gather3A_444 = vector.shape_cast %broadcast_in_dim3A_443 : vector<16x1xi32> to vector<16xi32>
      %gather3A_445 = tpu.dynamic_gather %select_n3A_432[%gather3A_444] in [0] : vector<16xf32>, vector<16xi32> -> vector<16xf32>
      %add3A_446 = arith.addf %select_n3A_431, %gather3A_445 : vector<16xf32>
      %get3A_447 = arith.constant 1024 : index
      %get3A_448 = tpu.vector_load %arg9[%get3A_447] {strides = array<i32>} : memref<2048xf32, #tpu.memory_space<vmem>>, vector<16xf32>,
      %mul3A_449 = arith.mulf %get3A_448, %get3A_5 : vector<16xf32>
      %get3A_450 = arith.constant 1040 : index
      %get3A_451 = tpu.vector_load %arg9[%get3A_450] {strides = array<i32>} : memref<2048xf32, #tpu.memory_space<vmem>>, vector<16xf32>,
      %mul3A_452 = arith.mulf %get3A_451, %get3A_7 : vector<16xf32>
      %add3A_453 = arith.addf %mul3A_449, %mul3A_452 : vector<16xf32>
      %get3A_454 = arith.constant 1056 : index
      %get3A_455 = tpu.vector_load %arg9[%get3A_454] {strides = array<i32>} : memref<2048xf32, #tpu.memory_space<vmem>>, vector<16xf32>,
      %mul3A_456 = arith.mulf %get3A_455, %get3A_9 : vector<16xf32>
      %add3A_457 = arith.addf %add3A_453, %mul3A_456 : vector<16xf32>
      %get3A_458 = arith.constant 1072 : index
      %get3A_459 = tpu.vector_load %arg9[%get3A_458] {strides = array<i32>} : memref<2048xf32, #tpu.memory_space<vmem>>, vector<16xf32>,
      %mul3A_460 = arith.mulf %get3A_459, %get3A_11 : vector<16xf32>
      %add3A_461 = arith.addf %add3A_457, %mul3A_460 : vector<16xf32>
      %get3A_462 = arith.constant 1088 : index
      %get3A_463 = tpu.vector_load %arg9[%get3A_462] {strides = array<i32>} : memref<2048xf32, #tpu.memory_space<vmem>>, vector<16xf32>,
      %mul3A_464 = arith.mulf %get3A_463, %get3A_13 : vector<16xf32>
      %add3A_465 = arith.addf %add3A_461, %mul3A_464 : vector<16xf32>
      %get3A_466 = arith.constant 1104 : index
      %get3A_467 = tpu.vector_load %arg9[%get3A_466] {strides = array<i32>} : memref<2048xf32, #tpu.memory_space<vmem>>, vector<16xf32>,
      %mul3A_468 = arith.mulf %get3A_467, %get3A_15 : vector<16xf32>
      %add3A_469 = arith.addf %add3A_465, %mul3A_468 : vector<16xf32>
      %get3A_470 = arith.constant 1120 : index
      %get3A_471 = tpu.vector_load %arg9[%get3A_470] {strides = array<i32>} : memref<2048xf32, #tpu.memory_space<vmem>>, vector<16xf32>,
      %mul3A_472 = arith.mulf %get3A_471, %get3A_17 : vector<16xf32>
      %add3A_473 = arith.addf %add3A_469, %mul3A_472 : vector<16xf32>
      %get3A_474 = arith.constant 1136 : index
      %get3A_475 = tpu.vector_load %arg9[%get3A_474] {strides = array<i32>} : memref<2048xf32, #tpu.memory_space<vmem>>, vector<16xf32>,
      %mul3A_476 = arith.mulf %get3A_475, %get3A_19 : vector<16xf32>
      %add3A_477 = arith.addf %add3A_473, %mul3A_476 : vector<16xf32>
      %get3A_478 = arith.constant 1152 : index
      %get3A_479 = tpu.vector_load %arg9[%get3A_478] {strides = array<i32>} : memref<2048xf32, #tpu.memory_space<vmem>>, vector<16xf32>,
      %mul3A_480 = arith.mulf %get3A_479, %get3A_5 : vector<16xf32>
      %get3A_481 = arith.constant 1168 : index
      %get3A_482 = tpu.vector_load %arg9[%get3A_481] {strides = array<i32>} : memref<2048xf32, #tpu.memory_space<vmem>>, vector<16xf32>,
      %mul3A_483 = arith.mulf %get3A_482, %get3A_7 : vector<16xf32>
      %add3A_484 = arith.addf %mul3A_480, %mul3A_483 : vector<16xf32>
      %get3A_485 = arith.constant 1184 : index
      %get3A_486 = tpu.vector_load %arg9[%get3A_485] {strides = array<i32>} : memref<2048xf32, #tpu.memory_space<vmem>>, vector<16xf32>,
      %mul3A_487 = arith.mulf %get3A_486, %get3A_9 : vector<16xf32>
      %add3A_488 = arith.addf %add3A_484, %mul3A_487 : vector<16xf32>
      %get3A_489 = arith.constant 1200 : index
      %get3A_490 = tpu.vector_load %arg9[%get3A_489] {strides = array<i32>} : memref<2048xf32, #tpu.memory_space<vmem>>, vector<16xf32>,
      %mul3A_491 = arith.mulf %get3A_490, %get3A_11 : vector<16xf32>
      %add3A_492 = arith.addf %add3A_488, %mul3A_491 : vector<16xf32>
      %get3A_493 = arith.constant 1216 : index
      %get3A_494 = tpu.vector_load %arg9[%get3A_493] {strides = array<i32>} : memref<2048xf32, #tpu.memory_space<vmem>>, vector<16xf32>,
      %mul3A_495 = arith.mulf %get3A_494, %get3A_13 : vector<16xf32>
      %add3A_496 = arith.addf %add3A_492, %mul3A_495 : vector<16xf32>
      %get3A_497 = arith.constant 1232 : index
      %get3A_498 = tpu.vector_load %arg9[%get3A_497] {strides = array<i32>} : memref<2048xf32, #tpu.memory_space<vmem>>, vector<16xf32>,
      %mul3A_499 = arith.mulf %get3A_498, %get3A_15 : vector<16xf32>
      %add3A_500 = arith.addf %add3A_496, %mul3A_499 : vector<16xf32>
      %get3A_501 = arith.constant 1248 : index
      %get3A_502 = tpu.vector_load %arg9[%get3A_501] {strides = array<i32>} : memref<2048xf32, #tpu.memory_space<vmem>>, vector<16xf32>,
      %mul3A_503 = arith.mulf %get3A_502, %get3A_17 : vector<16xf32>
      %add3A_504 = arith.addf %add3A_500, %mul3A_503 : vector<16xf32>
      %get3A_505 = arith.constant 1264 : index
      %get3A_506 = tpu.vector_load %arg9[%get3A_505] {strides = array<i32>} : memref<2048xf32, #tpu.memory_space<vmem>>, vector<16xf32>,
      %mul3A_507 = arith.mulf %get3A_506, %get3A_19 : vector<16xf32>
      %add3A_508 = arith.addf %add3A_504, %mul3A_507 : vector<16xf32>
      %and3A_509 = arith.constant 1 : i32
      %and3A_510 = vector.broadcast %and3A_509 : i32 to vector<16xi32>
      %and3A_511 = arith.andi %iota3A, %and3A_510 : vector<16xi32>
      %ne3A_512 = arith.constant 0 : i32
      %ne3A_513 = vector.broadcast %ne3A_512 : i32 to vector<16xi32>
      %ne3A_514 = arith.cmpi ne, %and3A_511, %ne3A_513 : vector<16xi32>
      %select_n3A_515 = arith.select %ne3A_514, %add3A_508, %add3A_477 : vector<16xi1>, vector<16xf32>
      %select_n3A_516 = arith.select %ne3A_514, %add3A_477, %add3A_508 : vector<16xi1>, vector<16xf32>
      %xor3A_517 = arith.constant 1 : i32
      %xor3A_518 = vector.broadcast %xor3A_517 : i32 to vector<16xi32>
      %xor3A_519 = arith.xori %iota3A, %xor3A_518 : vector<16xi32>
      %lt3A_520 = arith.constant 0 : i32
      %lt3A_521 = vector.broadcast %lt3A_520 : i32 to vector<16xi32>
      %lt3A_522 = arith.cmpi slt, %xor3A_519, %lt3A_521 : vector<16xi32>
      %add3A_523 = arith.constant 16 : i32
      %add3A_524 = vector.broadcast %add3A_523 : i32 to vector<16xi32>
      %add3A_525 = arith.addi %xor3A_519, %add3A_524 : vector<16xi32>
      %select_n3A_526 = arith.select %lt3A_522, %add3A_525, %xor3A_519 : vector<16xi1>, vector<16xi32>
      %broadcast_in_dim3A_527 = vector.shape_cast %select_n3A_526 : vector<16xi32> to vector<16x1xi32>
      %gather3A_528 = vector.shape_cast %broadcast_in_dim3A_527 : vector<16x1xi32> to vector<16xi32>
      %gather3A_529 = tpu.dynamic_gather %select_n3A_516[%gather3A_528] in [0] : vector<16xf32>, vector<16xi32> -> vector<16xf32>
      %add3A_530 = arith.addf %select_n3A_515, %gather3A_529 : vector<16xf32>
      %get3A_531 = arith.constant 1280 : index
      %get3A_532 = tpu.vector_load %arg9[%get3A_531] {strides = array<i32>} : memref<2048xf32, #tpu.memory_space<vmem>>, vector<16xf32>,
      %mul3A_533 = arith.mulf %get3A_532, %get3A_5 : vector<16xf32>
      %get3A_534 = arith.constant 1296 : index
      %get3A_535 = tpu.vector_load %arg9[%get3A_534] {strides = array<i32>} : memref<2048xf32, #tpu.memory_space<vmem>>, vector<16xf32>,
      %mul3A_536 = arith.mulf %get3A_535, %get3A_7 : vector<16xf32>
      %add3A_537 = arith.addf %mul3A_533, %mul3A_536 : vector<16xf32>
      %get3A_538 = arith.constant 1312 : index
      %get3A_539 = tpu.vector_load %arg9[%get3A_538] {strides = array<i32>} : memref<2048xf32, #tpu.memory_space<vmem>>, vector<16xf32>,
      %mul3A_540 = arith.mulf %get3A_539, %get3A_9 : vector<16xf32>
      %add3A_541 = arith.addf %add3A_537, %mul3A_540 : vector<16xf32>
      %get3A_542 = arith.constant 1328 : index
      %get3A_543 = tpu.vector_load %arg9[%get3A_542] {strides = array<i32>} : memref<2048xf32, #tpu.memory_space<vmem>>, vector<16xf32>,
      %mul3A_544 = arith.mulf %get3A_543, %get3A_11 : vector<16xf32>
      %add3A_545 = arith.addf %add3A_541, %mul3A_544 : vector<16xf32>
      %get3A_546 = arith.constant 1344 : index
      %get3A_547 = tpu.vector_load %arg9[%get3A_546] {strides = array<i32>} : memref<2048xf32, #tpu.memory_space<vmem>>, vector<16xf32>,
      %mul3A_548 = arith.mulf %get3A_547, %get3A_13 : vector<16xf32>
      %add3A_549 = arith.addf %add3A_545, %mul3A_548 : vector<16xf32>
      %get3A_550 = arith.constant 1360 : index
      %get3A_551 = tpu.vector_load %arg9[%get3A_550] {strides = array<i32>} : memref<2048xf32, #tpu.memory_space<vmem>>, vector<16xf32>,
      %mul3A_552 = arith.mulf %get3A_551, %get3A_15 : vector<16xf32>
      %add3A_553 = arith.addf %add3A_549, %mul3A_552 : vector<16xf32>
      %get3A_554 = arith.constant 1376 : index
      %get3A_555 = tpu.vector_load %arg9[%get3A_554] {strides = array<i32>} : memref<2048xf32, #tpu.memory_space<vmem>>, vector<16xf32>,
      %mul3A_556 = arith.mulf %get3A_555, %get3A_17 : vector<16xf32>
      %add3A_557 = arith.addf %add3A_553, %mul3A_556 : vector<16xf32>
      %get3A_558 = arith.constant 1392 : index
      %get3A_559 = tpu.vector_load %arg9[%get3A_558] {strides = array<i32>} : memref<2048xf32, #tpu.memory_space<vmem>>, vector<16xf32>,
      %mul3A_560 = arith.mulf %get3A_559, %get3A_19 : vector<16xf32>
      %add3A_561 = arith.addf %add3A_557, %mul3A_560 : vector<16xf32>
      %get3A_562 = arith.constant 1408 : index
      %get3A_563 = tpu.vector_load %arg9[%get3A_562] {strides = array<i32>} : memref<2048xf32, #tpu.memory_space<vmem>>, vector<16xf32>,
      %mul3A_564 = arith.mulf %get3A_563, %get3A_5 : vector<16xf32>
      %get3A_565 = arith.constant 1424 : index
      %get3A_566 = tpu.vector_load %arg9[%get3A_565] {strides = array<i32>} : memref<2048xf32, #tpu.memory_space<vmem>>, vector<16xf32>,
      %mul3A_567 = arith.mulf %get3A_566, %get3A_7 : vector<16xf32>
      %add3A_568 = arith.addf %mul3A_564, %mul3A_567 : vector<16xf32>
      %get3A_569 = arith.constant 1440 : index
      %get3A_570 = tpu.vector_load %arg9[%get3A_569] {strides = array<i32>} : memref<2048xf32, #tpu.memory_space<vmem>>, vector<16xf32>,
      %mul3A_571 = arith.mulf %get3A_570, %get3A_9 : vector<16xf32>
      %add3A_572 = arith.addf %add3A_568, %mul3A_571 : vector<16xf32>
      %get3A_573 = arith.constant 1456 : index
      %get3A_574 = tpu.vector_load %arg9[%get3A_573] {strides = array<i32>} : memref<2048xf32, #tpu.memory_space<vmem>>, vector<16xf32>,
      %mul3A_575 = arith.mulf %get3A_574, %get3A_11 : vector<16xf32>
      %add3A_576 = arith.addf %add3A_572, %mul3A_575 : vector<16xf32>
      %get3A_577 = arith.constant 1472 : index
      %get3A_578 = tpu.vector_load %arg9[%get3A_577] {strides = array<i32>} : memref<2048xf32, #tpu.memory_space<vmem>>, vector<16xf32>,
      %mul3A_579 = arith.mulf %get3A_578, %get3A_13 : vector<16xf32>
      %add3A_580 = arith.addf %add3A_576, %mul3A_579 : vector<16xf32>
      %get3A_581 = arith.constant 1488 : index
      %get3A_582 = tpu.vector_load %arg9[%get3A_581] {strides = array<i32>} : memref<2048xf32, #tpu.memory_space<vmem>>, vector<16xf32>,
      %mul3A_583 = arith.mulf %get3A_582, %get3A_15 : vector<16xf32>
      %add3A_584 = arith.addf %add3A_580, %mul3A_583 : vector<16xf32>
      %get3A_585 = arith.constant 1504 : index
      %get3A_586 = tpu.vector_load %arg9[%get3A_585] {strides = array<i32>} : memref<2048xf32, #tpu.memory_space<vmem>>, vector<16xf32>,
      %mul3A_587 = arith.mulf %get3A_586, %get3A_17 : vector<16xf32>
      %add3A_588 = arith.addf %add3A_584, %mul3A_587 : vector<16xf32>
      %get3A_589 = arith.constant 1520 : index
      %get3A_590 = tpu.vector_load %arg9[%get3A_589] {strides = array<i32>} : memref<2048xf32, #tpu.memory_space<vmem>>, vector<16xf32>,
      %mul3A_591 = arith.mulf %get3A_590, %get3A_19 : vector<16xf32>
      %add3A_592 = arith.addf %add3A_588, %mul3A_591 : vector<16xf32>
      %and3A_593 = arith.constant 1 : i32
      %and3A_594 = vector.broadcast %and3A_593 : i32 to vector<16xi32>
      %and3A_595 = arith.andi %iota3A, %and3A_594 : vector<16xi32>
      %ne3A_596 = arith.constant 0 : i32
      %ne3A_597 = vector.broadcast %ne3A_596 : i32 to vector<16xi32>
      %ne3A_598 = arith.cmpi ne, %and3A_595, %ne3A_597 : vector<16xi32>
      %select_n3A_599 = arith.select %ne3A_598, %add3A_592, %add3A_561 : vector<16xi1>, vector<16xf32>
      %select_n3A_600 = arith.select %ne3A_598, %add3A_561, %add3A_592 : vector<16xi1>, vector<16xf32>
      %xor3A_601 = arith.constant 1 : i32
      %xor3A_602 = vector.broadcast %xor3A_601 : i32 to vector<16xi32>
      %xor3A_603 = arith.xori %iota3A, %xor3A_602 : vector<16xi32>
      %lt3A_604 = arith.constant 0 : i32
      %lt3A_605 = vector.broadcast %lt3A_604 : i32 to vector<16xi32>
      %lt3A_606 = arith.cmpi slt, %xor3A_603, %lt3A_605 : vector<16xi32>
      %add3A_607 = arith.constant 16 : i32
      %add3A_608 = vector.broadcast %add3A_607 : i32 to vector<16xi32>
      %add3A_609 = arith.addi %xor3A_603, %add3A_608 : vector<16xi32>
      %select_n3A_610 = arith.select %lt3A_606, %add3A_609, %xor3A_603 : vector<16xi1>, vector<16xi32>
      %broadcast_in_dim3A_611 = vector.shape_cast %select_n3A_610 : vector<16xi32> to vector<16x1xi32>
      %gather3A_612 = vector.shape_cast %broadcast_in_dim3A_611 : vector<16x1xi32> to vector<16xi32>
      %gather3A_613 = tpu.dynamic_gather %select_n3A_600[%gather3A_612] in [0] : vector<16xf32>, vector<16xi32> -> vector<16xf32>
      %add3A_614 = arith.addf %select_n3A_599, %gather3A_613 : vector<16xf32>
      %and3A_615 = arith.constant 2 : i32
      %and3A_616 = vector.broadcast %and3A_615 : i32 to vector<16xi32>
      %and3A_617 = arith.andi %iota3A, %and3A_616 : vector<16xi32>
      %ne3A_618 = arith.constant 0 : i32
      %ne3A_619 = vector.broadcast %ne3A_618 : i32 to vector<16xi32>
      %ne3A_620 = arith.cmpi ne, %and3A_617, %ne3A_619 : vector<16xi32>
      %select_n3A_621 = arith.select %ne3A_620, %add3A_614, %add3A_530 : vector<16xi1>, vector<16xf32>
      %select_n3A_622 = arith.select %ne3A_620, %add3A_530, %add3A_614 : vector<16xi1>, vector<16xf32>
      %xor3A_623 = arith.constant 2 : i32
      %xor3A_624 = vector.broadcast %xor3A_623 : i32 to vector<16xi32>
      %xor3A_625 = arith.xori %iota3A, %xor3A_624 : vector<16xi32>
      %lt3A_626 = arith.constant 0 : i32
      %lt3A_627 = vector.broadcast %lt3A_626 : i32 to vector<16xi32>
      %lt3A_628 = arith.cmpi slt, %xor3A_625, %lt3A_627 : vector<16xi32>
      %add3A_629 = arith.constant 16 : i32
      %add3A_630 = vector.broadcast %add3A_629 : i32 to vector<16xi32>
      %add3A_631 = arith.addi %xor3A_625, %add3A_630 : vector<16xi32>
      %select_n3A_632 = arith.select %lt3A_628, %add3A_631, %xor3A_625 : vector<16xi1>, vector<16xi32>
      %broadcast_in_dim3A_633 = vector.shape_cast %select_n3A_632 : vector<16xi32> to vector<16x1xi32>
      %gather3A_634 = vector.shape_cast %broadcast_in_dim3A_633 : vector<16x1xi32> to vector<16xi32>
      %gather3A_635 = tpu.dynamic_gather %select_n3A_622[%gather3A_634] in [0] : vector<16xf32>, vector<16xi32> -> vector<16xf32>
      %add3A_636 = arith.addf %select_n3A_621, %gather3A_635 : vector<16xf32>
      %get3A_637 = arith.constant 1536 : index
      %get3A_638 = tpu.vector_load %arg9[%get3A_637] {strides = array<i32>} : memref<2048xf32, #tpu.memory_space<vmem>>, vector<16xf32>,
      %mul3A_639 = arith.mulf %get3A_638, %get3A_5 : vector<16xf32>
      %get3A_640 = arith.constant 1552 : index
      %get3A_641 = tpu.vector_load %arg9[%get3A_640] {strides = array<i32>} : memref<2048xf32, #tpu.memory_space<vmem>>, vector<16xf32>,
      %mul3A_642 = arith.mulf %get3A_641, %get3A_7 : vector<16xf32>
      %add3A_643 = arith.addf %mul3A_639, %mul3A_642 : vector<16xf32>
      %get3A_644 = arith.constant 1568 : index
      %get3A_645 = tpu.vector_load %arg9[%get3A_644] {strides = array<i32>} : memref<2048xf32, #tpu.memory_space<vmem>>, vector<16xf32>,
      %mul3A_646 = arith.mulf %get3A_645, %get3A_9 : vector<16xf32>
      %add3A_647 = arith.addf %add3A_643, %mul3A_646 : vector<16xf32>
      %get3A_648 = arith.constant 1584 : index
      %get3A_649 = tpu.vector_load %arg9[%get3A_648] {strides = array<i32>} : memref<2048xf32, #tpu.memory_space<vmem>>, vector<16xf32>,
      %mul3A_650 = arith.mulf %get3A_649, %get3A_11 : vector<16xf32>
      %add3A_651 = arith.addf %add3A_647, %mul3A_650 : vector<16xf32>
      %get3A_652 = arith.constant 1600 : index
      %get3A_653 = tpu.vector_load %arg9[%get3A_652] {strides = array<i32>} : memref<2048xf32, #tpu.memory_space<vmem>>, vector<16xf32>,
      %mul3A_654 = arith.mulf %get3A_653, %get3A_13 : vector<16xf32>
      %add3A_655 = arith.addf %add3A_651, %mul3A_654 : vector<16xf32>
      %get3A_656 = arith.constant 1616 : index
      %get3A_657 = tpu.vector_load %arg9[%get3A_656] {strides = array<i32>} : memref<2048xf32, #tpu.memory_space<vmem>>, vector<16xf32>,
      %mul3A_658 = arith.mulf %get3A_657, %get3A_15 : vector<16xf32>
      %add3A_659 = arith.addf %add3A_655, %mul3A_658 : vector<16xf32>
      %get3A_660 = arith.constant 1632 : index
      %get3A_661 = tpu.vector_load %arg9[%get3A_660] {strides = array<i32>} : memref<2048xf32, #tpu.memory_space<vmem>>, vector<16xf32>,
      %mul3A_662 = arith.mulf %get3A_661, %get3A_17 : vector<16xf32>
      %add3A_663 = arith.addf %add3A_659, %mul3A_662 : vector<16xf32>
      %get3A_664 = arith.constant 1648 : index
      %get3A_665 = tpu.vector_load %arg9[%get3A_664] {strides = array<i32>} : memref<2048xf32, #tpu.memory_space<vmem>>, vector<16xf32>,
      %mul3A_666 = arith.mulf %get3A_665, %get3A_19 : vector<16xf32>
      %add3A_667 = arith.addf %add3A_663, %mul3A_666 : vector<16xf32>
      %get3A_668 = arith.constant 1664 : index
      %get3A_669 = tpu.vector_load %arg9[%get3A_668] {strides = array<i32>} : memref<2048xf32, #tpu.memory_space<vmem>>, vector<16xf32>,
      %mul3A_670 = arith.mulf %get3A_669, %get3A_5 : vector<16xf32>
      %get3A_671 = arith.constant 1680 : index
      %get3A_672 = tpu.vector_load %arg9[%get3A_671] {strides = array<i32>} : memref<2048xf32, #tpu.memory_space<vmem>>, vector<16xf32>,
      %mul3A_673 = arith.mulf %get3A_672, %get3A_7 : vector<16xf32>
      %add3A_674 = arith.addf %mul3A_670, %mul3A_673 : vector<16xf32>
      %get3A_675 = arith.constant 1696 : index
      %get3A_676 = tpu.vector_load %arg9[%get3A_675] {strides = array<i32>} : memref<2048xf32, #tpu.memory_space<vmem>>, vector<16xf32>,
      %mul3A_677 = arith.mulf %get3A_676, %get3A_9 : vector<16xf32>
      %add3A_678 = arith.addf %add3A_674, %mul3A_677 : vector<16xf32>
      %get3A_679 = arith.constant 1712 : index
      %get3A_680 = tpu.vector_load %arg9[%get3A_679] {strides = array<i32>} : memref<2048xf32, #tpu.memory_space<vmem>>, vector<16xf32>,
      %mul3A_681 = arith.mulf %get3A_680, %get3A_11 : vector<16xf32>
      %add3A_682 = arith.addf %add3A_678, %mul3A_681 : vector<16xf32>
      %get3A_683 = arith.constant 1728 : index
      %get3A_684 = tpu.vector_load %arg9[%get3A_683] {strides = array<i32>} : memref<2048xf32, #tpu.memory_space<vmem>>, vector<16xf32>,
      %mul3A_685 = arith.mulf %get3A_684, %get3A_13 : vector<16xf32>
      %add3A_686 = arith.addf %add3A_682, %mul3A_685 : vector<16xf32>
      %get3A_687 = arith.constant 1744 : index
      %get3A_688 = tpu.vector_load %arg9[%get3A_687] {strides = array<i32>} : memref<2048xf32, #tpu.memory_space<vmem>>, vector<16xf32>,
      %mul3A_689 = arith.mulf %get3A_688, %get3A_15 : vector<16xf32>
      %add3A_690 = arith.addf %add3A_686, %mul3A_689 : vector<16xf32>
      %get3A_691 = arith.constant 1760 : index
      %get3A_692 = tpu.vector_load %arg9[%get3A_691] {strides = array<i32>} : memref<2048xf32, #tpu.memory_space<vmem>>, vector<16xf32>,
      %mul3A_693 = arith.mulf %get3A_692, %get3A_17 : vector<16xf32>
      %add3A_694 = arith.addf %add3A_690, %mul3A_693 : vector<16xf32>
      %get3A_695 = arith.constant 1776 : index
      %get3A_696 = tpu.vector_load %arg9[%get3A_695] {strides = array<i32>} : memref<2048xf32, #tpu.memory_space<vmem>>, vector<16xf32>,
      %mul3A_697 = arith.mulf %get3A_696, %get3A_19 : vector<16xf32>
      %add3A_698 = arith.addf %add3A_694, %mul3A_697 : vector<16xf32>
      %and3A_699 = arith.constant 1 : i32
      %and3A_700 = vector.broadcast %and3A_699 : i32 to vector<16xi32>
      %and3A_701 = arith.andi %iota3A, %and3A_700 : vector<16xi32>
      %ne3A_702 = arith.constant 0 : i32
      %ne3A_703 = vector.broadcast %ne3A_702 : i32 to vector<16xi32>
      %ne3A_704 = arith.cmpi ne, %and3A_701, %ne3A_703 : vector<16xi32>
      %select_n3A_705 = arith.select %ne3A_704, %add3A_698, %add3A_667 : vector<16xi1>, vector<16xf32>
      %select_n3A_706 = arith.select %ne3A_704, %add3A_667, %add3A_698 : vector<16xi1>, vector<16xf32>
      %xor3A_707 = arith.constant 1 : i32
      %xor3A_708 = vector.broadcast %xor3A_707 : i32 to vector<16xi32>
      %xor3A_709 = arith.xori %iota3A, %xor3A_708 : vector<16xi32>
      %lt3A_710 = arith.constant 0 : i32
      %lt3A_711 = vector.broadcast %lt3A_710 : i32 to vector<16xi32>
      %lt3A_712 = arith.cmpi slt, %xor3A_709, %lt3A_711 : vector<16xi32>
      %add3A_713 = arith.constant 16 : i32
      %add3A_714 = vector.broadcast %add3A_713 : i32 to vector<16xi32>
      %add3A_715 = arith.addi %xor3A_709, %add3A_714 : vector<16xi32>
      %select_n3A_716 = arith.select %lt3A_712, %add3A_715, %xor3A_709 : vector<16xi1>, vector<16xi32>
      %broadcast_in_dim3A_717 = vector.shape_cast %select_n3A_716 : vector<16xi32> to vector<16x1xi32>
      %gather3A_718 = vector.shape_cast %broadcast_in_dim3A_717 : vector<16x1xi32> to vector<16xi32>
      %gather3A_719 = tpu.dynamic_gather %select_n3A_706[%gather3A_718] in [0] : vector<16xf32>, vector<16xi32> -> vector<16xf32>
      %add3A_720 = arith.addf %select_n3A_705, %gather3A_719 : vector<16xf32>
      %get3A_721 = arith.constant 1792 : index
      %get3A_722 = tpu.vector_load %arg9[%get3A_721] {strides = array<i32>} : memref<2048xf32, #tpu.memory_space<vmem>>, vector<16xf32>,
      %mul3A_723 = arith.mulf %get3A_722, %get3A_5 : vector<16xf32>
      %get3A_724 = arith.constant 1808 : index
      %get3A_725 = tpu.vector_load %arg9[%get3A_724] {strides = array<i32>} : memref<2048xf32, #tpu.memory_space<vmem>>, vector<16xf32>,
      %mul3A_726 = arith.mulf %get3A_725, %get3A_7 : vector<16xf32>
      %add3A_727 = arith.addf %mul3A_723, %mul3A_726 : vector<16xf32>
      %get3A_728 = arith.constant 1824 : index
      %get3A_729 = tpu.vector_load %arg9[%get3A_728] {strides = array<i32>} : memref<2048xf32, #tpu.memory_space<vmem>>, vector<16xf32>,
      %mul3A_730 = arith.mulf %get3A_729, %get3A_9 : vector<16xf32>
      %add3A_731 = arith.addf %add3A_727, %mul3A_730 : vector<16xf32>
      %get3A_732 = arith.constant 1840 : index
      %get3A_733 = tpu.vector_load %arg9[%get3A_732] {strides = array<i32>} : memref<2048xf32, #tpu.memory_space<vmem>>, vector<16xf32>,
      %mul3A_734 = arith.mulf %get3A_733, %get3A_11 : vector<16xf32>
      %add3A_735 = arith.addf %add3A_731, %mul3A_734 : vector<16xf32>
      %get3A_736 = arith.constant 1856 : index
      %get3A_737 = tpu.vector_load %arg9[%get3A_736] {strides = array<i32>} : memref<2048xf32, #tpu.memory_space<vmem>>, vector<16xf32>,
      %mul3A_738 = arith.mulf %get3A_737, %get3A_13 : vector<16xf32>
      %add3A_739 = arith.addf %add3A_735, %mul3A_738 : vector<16xf32>
      %get3A_740 = arith.constant 1872 : index
      %get3A_741 = tpu.vector_load %arg9[%get3A_740] {strides = array<i32>} : memref<2048xf32, #tpu.memory_space<vmem>>, vector<16xf32>,
      %mul3A_742 = arith.mulf %get3A_741, %get3A_15 : vector<16xf32>
      %add3A_743 = arith.addf %add3A_739, %mul3A_742 : vector<16xf32>
      %get3A_744 = arith.constant 1888 : index
      %get3A_745 = tpu.vector_load %arg9[%get3A_744] {strides = array<i32>} : memref<2048xf32, #tpu.memory_space<vmem>>, vector<16xf32>,
      %mul3A_746 = arith.mulf %get3A_745, %get3A_17 : vector<16xf32>
      %add3A_747 = arith.addf %add3A_743, %mul3A_746 : vector<16xf32>
      %get3A_748 = arith.constant 1904 : index
      %get3A_749 = tpu.vector_load %arg9[%get3A_748] {strides = array<i32>} : memref<2048xf32, #tpu.memory_space<vmem>>, vector<16xf32>,
      %mul3A_750 = arith.mulf %get3A_749, %get3A_19 : vector<16xf32>
      %add3A_751 = arith.addf %add3A_747, %mul3A_750 : vector<16xf32>
      %get3A_752 = arith.constant 1920 : index
      %get3A_753 = tpu.vector_load %arg9[%get3A_752] {strides = array<i32>} : memref<2048xf32, #tpu.memory_space<vmem>>, vector<16xf32>,
      %mul3A_754 = arith.mulf %get3A_753, %get3A_5 : vector<16xf32>
      %get3A_755 = arith.constant 1936 : index
      %get3A_756 = tpu.vector_load %arg9[%get3A_755] {strides = array<i32>} : memref<2048xf32, #tpu.memory_space<vmem>>, vector<16xf32>,
      %mul3A_757 = arith.mulf %get3A_756, %get3A_7 : vector<16xf32>
      %add3A_758 = arith.addf %mul3A_754, %mul3A_757 : vector<16xf32>
      %get3A_759 = arith.constant 1952 : index
      %get3A_760 = tpu.vector_load %arg9[%get3A_759] {strides = array<i32>} : memref<2048xf32, #tpu.memory_space<vmem>>, vector<16xf32>,
      %mul3A_761 = arith.mulf %get3A_760, %get3A_9 : vector<16xf32>
      %add3A_762 = arith.addf %add3A_758, %mul3A_761 : vector<16xf32>
      %get3A_763 = arith.constant 1968 : index
      %get3A_764 = tpu.vector_load %arg9[%get3A_763] {strides = array<i32>} : memref<2048xf32, #tpu.memory_space<vmem>>, vector<16xf32>,
      %mul3A_765 = arith.mulf %get3A_764, %get3A_11 : vector<16xf32>
      %add3A_766 = arith.addf %add3A_762, %mul3A_765 : vector<16xf32>
      %get3A_767 = arith.constant 1984 : index
      %get3A_768 = tpu.vector_load %arg9[%get3A_767] {strides = array<i32>} : memref<2048xf32, #tpu.memory_space<vmem>>, vector<16xf32>,
      %mul3A_769 = arith.mulf %get3A_768, %get3A_13 : vector<16xf32>
      %add3A_770 = arith.addf %add3A_766, %mul3A_769 : vector<16xf32>
      %get3A_771 = arith.constant 2000 : index
      %get3A_772 = tpu.vector_load %arg9[%get3A_771] {strides = array<i32>} : memref<2048xf32, #tpu.memory_space<vmem>>, vector<16xf32>,
      %mul3A_773 = arith.mulf %get3A_772, %get3A_15 : vector<16xf32>
      %add3A_774 = arith.addf %add3A_770, %mul3A_773 : vector<16xf32>
      %get3A_775 = arith.constant 2016 : index
      %get3A_776 = tpu.vector_load %arg9[%get3A_775] {strides = array<i32>} : memref<2048xf32, #tpu.memory_space<vmem>>, vector<16xf32>,
      %mul3A_777 = arith.mulf %get3A_776, %get3A_17 : vector<16xf32>
      %add3A_778 = arith.addf %add3A_774, %mul3A_777 : vector<16xf32>
      %get3A_779 = arith.constant 2032 : index
      %get3A_780 = tpu.vector_load %arg9[%get3A_779] {strides = array<i32>} : memref<2048xf32, #tpu.memory_space<vmem>>, vector<16xf32>,
      %mul3A_781 = arith.mulf %get3A_780, %get3A_19 : vector<16xf32>
      %add3A_782 = arith.addf %add3A_778, %mul3A_781 : vector<16xf32>
      %and3A_783 = arith.constant 1 : i32
      %and3A_784 = vector.broadcast %and3A_783 : i32 to vector<16xi32>
      %and3A_785 = arith.andi %iota3A, %and3A_784 : vector<16xi32>
      %ne3A_786 = arith.constant 0 : i32
      %ne3A_787 = vector.broadcast %ne3A_786 : i32 to vector<16xi32>
      %ne3A_788 = arith.cmpi ne, %and3A_785, %ne3A_787 : vector<16xi32>
      %select_n3A_789 = arith.select %ne3A_788, %add3A_782, %add3A_751 : vector<16xi1>, vector<16xf32>
      %select_n3A_790 = arith.select %ne3A_788, %add3A_751, %add3A_782 : vector<16xi1>, vector<16xf32>
      %xor3A_791 = arith.constant 1 : i32
      %xor3A_792 = vector.broadcast %xor3A_791 : i32 to vector<16xi32>
      %xor3A_793 = arith.xori %iota3A, %xor3A_792 : vector<16xi32>
      %lt3A_794 = arith.constant 0 : i32
      %lt3A_795 = vector.broadcast %lt3A_794 : i32 to vector<16xi32>
      %lt3A_796 = arith.cmpi slt, %xor3A_793, %lt3A_795 : vector<16xi32>
      %add3A_797 = arith.constant 16 : i32
      %add3A_798 = vector.broadcast %add3A_797 : i32 to vector<16xi32>
      %add3A_799 = arith.addi %xor3A_793, %add3A_798 : vector<16xi32>
      %select_n3A_800 = arith.select %lt3A_796, %add3A_799, %xor3A_793 : vector<16xi1>, vector<16xi32>
      %broadcast_in_dim3A_801 = vector.shape_cast %select_n3A_800 : vector<16xi32> to vector<16x1xi32>
      %gather3A_802 = vector.shape_cast %broadcast_in_dim3A_801 : vector<16x1xi32> to vector<16xi32>
      %gather3A_803 = tpu.dynamic_gather %select_n3A_790[%gather3A_802] in [0] : vector<16xf32>, vector<16xi32> -> vector<16xf32>
      %add3A_804 = arith.addf %select_n3A_789, %gather3A_803 : vector<16xf32>
      %and3A_805 = arith.constant 2 : i32
      %and3A_806 = vector.broadcast %and3A_805 : i32 to vector<16xi32>
      %and3A_807 = arith.andi %iota3A, %and3A_806 : vector<16xi32>
      %ne3A_808 = arith.constant 0 : i32
      %ne3A_809 = vector.broadcast %ne3A_808 : i32 to vector<16xi32>
      %ne3A_810 = arith.cmpi ne, %and3A_807, %ne3A_809 : vector<16xi32>
      %select_n3A_811 = arith.select %ne3A_810, %add3A_804, %add3A_720 : vector<16xi1>, vector<16xf32>
      %select_n3A_812 = arith.select %ne3A_810, %add3A_720, %add3A_804 : vector<16xi1>, vector<16xf32>
      %xor3A_813 = arith.constant 2 : i32
      %xor3A_814 = vector.broadcast %xor3A_813 : i32 to vector<16xi32>
      %xor3A_815 = arith.xori %iota3A, %xor3A_814 : vector<16xi32>
      %lt3A_816 = arith.constant 0 : i32
      %lt3A_817 = vector.broadcast %lt3A_816 : i32 to vector<16xi32>
      %lt3A_818 = arith.cmpi slt, %xor3A_815, %lt3A_817 : vector<16xi32>
      %add3A_819 = arith.constant 16 : i32
      %add3A_820 = vector.broadcast %add3A_819 : i32 to vector<16xi32>
      %add3A_821 = arith.addi %xor3A_815, %add3A_820 : vector<16xi32>
      %select_n3A_822 = arith.select %lt3A_818, %add3A_821, %xor3A_815 : vector<16xi1>, vector<16xi32>
      %broadcast_in_dim3A_823 = vector.shape_cast %select_n3A_822 : vector<16xi32> to vector<16x1xi32>
      %gather3A_824 = vector.shape_cast %broadcast_in_dim3A_823 : vector<16x1xi32> to vector<16xi32>
      %gather3A_825 = tpu.dynamic_gather %select_n3A_812[%gather3A_824] in [0] : vector<16xf32>, vector<16xi32> -> vector<16xf32>
      %add3A_826 = arith.addf %select_n3A_811, %gather3A_825 : vector<16xf32>
      %and3A_827 = arith.constant 4 : i32
      %and3A_828 = vector.broadcast %and3A_827 : i32 to vector<16xi32>
      %and3A_829 = arith.andi %iota3A, %and3A_828 : vector<16xi32>
      %ne3A_830 = arith.constant 0 : i32
      %ne3A_831 = vector.broadcast %ne3A_830 : i32 to vector<16xi32>
      %ne3A_832 = arith.cmpi ne, %and3A_829, %ne3A_831 : vector<16xi32>
      %select_n3A_833 = arith.select %ne3A_832, %add3A_826, %add3A_636 : vector<16xi1>, vector<16xf32>
      %select_n3A_834 = arith.select %ne3A_832, %add3A_636, %add3A_826 : vector<16xi1>, vector<16xf32>
      %xor3A_835 = arith.constant 4 : i32
      %xor3A_836 = vector.broadcast %xor3A_835 : i32 to vector<16xi32>
      %xor3A_837 = arith.xori %iota3A, %xor3A_836 : vector<16xi32>
      %lt3A_838 = arith.constant 0 : i32
      %lt3A_839 = vector.broadcast %lt3A_838 : i32 to vector<16xi32>
      %lt3A_840 = arith.cmpi slt, %xor3A_837, %lt3A_839 : vector<16xi32>
      %add3A_841 = arith.constant 16 : i32
      %add3A_842 = vector.broadcast %add3A_841 : i32 to vector<16xi32>
      %add3A_843 = arith.addi %xor3A_837, %add3A_842 : vector<16xi32>
      %select_n3A_844 = arith.select %lt3A_840, %add3A_843, %xor3A_837 : vector<16xi1>, vector<16xi32>
      %broadcast_in_dim3A_845 = vector.shape_cast %select_n3A_844 : vector<16xi32> to vector<16x1xi32>
      %gather3A_846 = vector.shape_cast %broadcast_in_dim3A_845 : vector<16x1xi32> to vector<16xi32>
      %gather3A_847 = tpu.dynamic_gather %select_n3A_834[%gather3A_846] in [0] : vector<16xf32>, vector<16xi32> -> vector<16xf32>
      %add3A_848 = arith.addf %select_n3A_833, %gather3A_847 : vector<16xf32>
      %and3A_849 = arith.constant 8 : i32
      %and3A_850 = vector.broadcast %and3A_849 : i32 to vector<16xi32>
      %and3A_851 = arith.andi %iota3A, %and3A_850 : vector<16xi32>
      %ne3A_852 = arith.constant 0 : i32
      %ne3A_853 = vector.broadcast %ne3A_852 : i32 to vector<16xi32>
      %ne3A_854 = arith.cmpi ne, %and3A_851, %ne3A_853 : vector<16xi32>
      %select_n3A_855 = arith.select %ne3A_854, %add3A_848, %add3A_446 : vector<16xi1>, vector<16xf32>
      %select_n3A_856 = arith.select %ne3A_854, %add3A_446, %add3A_848 : vector<16xi1>, vector<16xf32>
      %xor3A_857 = arith.constant 8 : i32
      %xor3A_858 = vector.broadcast %xor3A_857 : i32 to vector<16xi32>
      %xor3A_859 = arith.xori %iota3A, %xor3A_858 : vector<16xi32>
      %lt3A_860 = arith.constant 0 : i32
      %lt3A_861 = vector.broadcast %lt3A_860 : i32 to vector<16xi32>
      %lt3A_862 = arith.cmpi slt, %xor3A_859, %lt3A_861 : vector<16xi32>
      %add3A_863 = arith.constant 16 : i32
      %add3A_864 = vector.broadcast %add3A_863 : i32 to vector<16xi32>
      %add3A_865 = arith.addi %xor3A_859, %add3A_864 : vector<16xi32>
      %select_n3A_866 = arith.select %lt3A_862, %add3A_865, %xor3A_859 : vector<16xi1>, vector<16xi32>
      %broadcast_in_dim3A_867 = vector.shape_cast %select_n3A_866 : vector<16xi32> to vector<16x1xi32>
      %gather3A_868 = vector.shape_cast %broadcast_in_dim3A_867 : vector<16x1xi32> to vector<16xi32>
      %gather3A_869 = tpu.dynamic_gather %select_n3A_856[%gather3A_868] in [0] : vector<16xf32>, vector<16xi32> -> vector<16xf32>
      %add3A_870 = arith.addf %select_n3A_855, %gather3A_869 : vector<16xf32>
      %get3A_871 = arith.constant 0 : index
      %get3A_872 = tpu.vector_load %arg10[%get3A_871] {strides = array<i32>} : memref<16xf32, #tpu.memory_space<vmem>>, vector<16xf32>,
      %get3A_873 = arith.constant 0 : index
      %get3A_874 = tpu.vector_load %arg11[%get3A_873] {strides = array<i32>} : memref<16xi32, #tpu.memory_space<vmem>>, vector<16xi32>,
      %mul3A_875 = arith.constant 16 : i32
      %mul3A_876 = arith.muli %add3A, %mul3A_875 : i32
      %add3A_877 = arith.constant 99840 : i32
      %add3A_878 = arith.addi %add3A_877, %mul3A_876 : i32
      %broadcast_in_dim3A_879 = vector.broadcast %add3A_878 : i32 to vector<16xi32>
      %iota3A_880 = tpu.iota {dimensions = array<i32: 0>} : vector<16xi32>
      %add3A_881 = arith.addi %broadcast_in_dim3A_879, %iota3A_880 : vector<16xi32>
      %gt3A = arith.cmpf ogt, %add3A_870, %get3A_872 : vector<16xf32>
      %select_n3A_882 = arith.select %gt3A, %add3A_870, %get3A_872 : vector<16xi1>, vector<16xf32>
      %select_n3A_883 = arith.select %gt3A, %add3A_881, %get3A_874 : vector<16xi1>, vector<16xi32>
      %swap3A_884 = arith.constant 0 : index
      %swap3A_885 = tpu.vector_load %arg10[%swap3A_884] {strides = array<i32>} : memref<16xf32, #tpu.memory_space<vmem>>, vector<16xf32>,
      tpu.vector_store %arg10[%swap3A_884], %select_n3A_882 {strides = array<i32>} : memref<16xf32, #tpu.memory_space<vmem>>, vector<16xf32>,
      %swap3A_886 = arith.constant 0 : index
      %swap3A_887 = tpu.vector_load %arg11[%swap3A_886] {strides = array<i32>} : memref<16xi32, #tpu.memory_space<vmem>>, vector<16xi32>,
      tpu.vector_store %arg11[%swap3A_886], %select_n3A_883 {strides = array<i32>} : memref<16xi32, #tpu.memory_space<vmem>>, vector<16xi32>,
    } else {
    }
    %mul3A_45 = arith.constant 16 : i32
    %mul3A_46 = arith.muli %add3A, %mul3A_45 : i32
    "tpu.region"() ({
      %run_scoped3A = tpu.sem_alloc : memref<!tpu.dma_semaphore, #tpu.memory_space<semaphore_mem>>
      %dma_start3A_49 = tpu.memref_slice %arg4[%mul3A_46] : memref<512xf32, #tpu.memory_space<hbm>> -> memref<16xf32, #tpu.memory_space<hbm>>
      %dma_start3A_50 = tpu.memref_slice %arg4[%mul3A_46] : memref<512xf32, #tpu.memory_space<hbm>> -> memref<16xf32, #tpu.memory_space<hbm>>
      tpu.enqueue_dma source(%arg10 : memref<16xf32, #tpu.memory_space<vmem>>) target(%dma_start3A_50 : memref<16xf32, #tpu.memory_space<hbm>>) target_semaphore(%run_scoped3A : memref<!tpu.dma_semaphore, #tpu.memory_space<semaphore_mem>>)
      %dma_wait3A = tpu.memref_slice %arg4[%mul3A_46] : memref<512xf32, #tpu.memory_space<hbm>> -> memref<16xf32, #tpu.memory_space<hbm>>
      %dma_wait3A_51 = tpu.memref_slice %arg4[%mul3A_46] : memref<512xf32, #tpu.memory_space<hbm>> -> memref<16xf32, #tpu.memory_space<hbm>>
      tpu.wait_dma2 semaphore(%run_scoped3A : memref<!tpu.dma_semaphore, #tpu.memory_space<semaphore_mem>>) src(%arg10 : memref<16xf32, #tpu.memory_space<vmem>>) dst(%dma_wait3A_51 : memref<16xf32, #tpu.memory_space<hbm>>)
      tpu.yield
    }) : () -> ()
    %mul3A_47 = arith.constant 16 : i32
    %mul3A_48 = arith.muli %add3A, %mul3A_47 : i32
    "tpu.region"() ({
      %run_scoped3A = tpu.sem_alloc : memref<!tpu.dma_semaphore, #tpu.memory_space<semaphore_mem>>
      %dma_start3A_49 = tpu.memref_slice %arg5[%mul3A_48] : memref<512xi32, #tpu.memory_space<hbm>> -> memref<16xi32, #tpu.memory_space<hbm>>
      %dma_start3A_50 = tpu.memref_slice %arg5[%mul3A_48] : memref<512xi32, #tpu.memory_space<hbm>> -> memref<16xi32, #tpu.memory_space<hbm>>
      tpu.enqueue_dma source(%arg11 : memref<16xi32, #tpu.memory_space<vmem>>) target(%dma_start3A_50 : memref<16xi32, #tpu.memory_space<hbm>>) target_semaphore(%run_scoped3A : memref<!tpu.dma_semaphore, #tpu.memory_space<semaphore_mem>>)
      %dma_wait3A = tpu.memref_slice %arg5[%mul3A_48] : memref<512xi32, #tpu.memory_space<hbm>> -> memref<16xi32, #tpu.memory_space<hbm>>
      %dma_wait3A_51 = tpu.memref_slice %arg5[%mul3A_48] : memref<512xi32, #tpu.memory_space<hbm>> -> memref<16xi32, #tpu.memory_space<hbm>>
      tpu.wait_dma2 semaphore(%run_scoped3A : memref<!tpu.dma_semaphore, #tpu.memory_space<semaphore_mem>>) src(%arg11 : memref<16xi32, #tpu.memory_space<vmem>>) dst(%dma_wait3A_51 : memref<16xi32, #tpu.memory_space<hbm>>)
      tpu.yield
    }) : () -> ()
    return
  }
}

#map = affine_map<(d0, d1) -> (0)>
module attributes {stable_mosaic.version = 14 : i64} {
  func.func @_merge_body(%arg0: i32, %arg1: i32, %arg2: memref<512xf32, #tpu.memory_space<hbm>>, %arg3: memref<512xi32, #tpu.memory_space<hbm>>, %arg4: memref<16xi32, #tpu.memory_space<hbm>>, %arg5: memref<512xf32, #tpu.memory_space<vmem>>, %arg6: memref<512xi32, #tpu.memory_space<vmem>>, %arg7: memref<16xi32, #tpu.memory_space<vmem>>) attributes {dimension_semantics = [#tpu.dimension_semantics<core_parallel>, #tpu.dimension_semantics<subcore_parallel>], iteration_bounds = array<i64: 2, 16>, scalar_prefetch = 0 : i64, scratch_operands = 3 : i64, tpu.core_type = #tpu.core_type<sc_vector_subcore>, window_params = [{transform_indices = #map}, {transform_indices = #map}, {transform_indices = #map}]} {
    %mul3A = arith.constant 2 : i32
    %mul3A_0 = arith.muli %arg1, %mul3A : i32
    %add3A = arith.addi %mul3A_0, %arg0 : i32
    %eq3A = arith.constant 0 : i32
    %eq3A_1 = arith.cmpi eq, %add3A, %eq3A : i32
    %convert_element_type3A = arith.extui %eq3A_1 : i1 to i32
    %cond3A = arith.constant 0 : i32
    %cond3A_2 = arith.cmpi ne, %convert_element_type3A, %cond3A : i32
    scf.if %cond3A_2 {
      "tpu.region"() ({
        %run_scoped3A = tpu.sem_alloc : memref<!tpu.dma_semaphore, #tpu.memory_space<semaphore_mem>>
        tpu.enqueue_dma source(%arg2 : memref<512xf32, #tpu.memory_space<hbm>>) target(%arg5 : memref<512xf32, #tpu.memory_space<vmem>>) target_semaphore(%run_scoped3A : memref<!tpu.dma_semaphore, #tpu.memory_space<semaphore_mem>>)
        tpu.wait_dma2 semaphore(%run_scoped3A : memref<!tpu.dma_semaphore, #tpu.memory_space<semaphore_mem>>) src(%arg2 : memref<512xf32, #tpu.memory_space<hbm>>) dst(%arg5 : memref<512xf32, #tpu.memory_space<vmem>>)
        tpu.yield
      }) : () -> ()
      "tpu.region"() ({
        %run_scoped3A = tpu.sem_alloc : memref<!tpu.dma_semaphore, #tpu.memory_space<semaphore_mem>>
        tpu.enqueue_dma source(%arg3 : memref<512xi32, #tpu.memory_space<hbm>>) target(%arg6 : memref<512xi32, #tpu.memory_space<vmem>>) target_semaphore(%run_scoped3A : memref<!tpu.dma_semaphore, #tpu.memory_space<semaphore_mem>>)
        tpu.wait_dma2 semaphore(%run_scoped3A : memref<!tpu.dma_semaphore, #tpu.memory_space<semaphore_mem>>) src(%arg3 : memref<512xi32, #tpu.memory_space<hbm>>) dst(%arg6 : memref<512xi32, #tpu.memory_space<vmem>>)
        tpu.yield
      }) : () -> ()
      %get3A = arith.constant 0 : index
      %get3A_3 = tpu.vector_load %arg5[%get3A] {strides = array<i32>} : memref<512xf32, #tpu.memory_space<vmem>>, vector<16xf32>,
      %get3A_4 = arith.constant 0 : index
      %get3A_5 = tpu.vector_load %arg6[%get3A_4] {strides = array<i32>} : memref<512xi32, #tpu.memory_space<vmem>>, vector<16xi32>,
      %get3A_6 = arith.constant 16 : index
      %get3A_7 = tpu.vector_load %arg5[%get3A_6] {strides = array<i32>} : memref<512xf32, #tpu.memory_space<vmem>>, vector<16xf32>,
      %get3A_8 = arith.constant 16 : index
      %get3A_9 = tpu.vector_load %arg6[%get3A_8] {strides = array<i32>} : memref<512xi32, #tpu.memory_space<vmem>>, vector<16xi32>,
      %gt3A = arith.cmpf ogt, %get3A_7, %get3A_3 : vector<16xf32>
      %eq3A_10 = arith.cmpf oeq, %get3A_7, %get3A_3 : vector<16xf32>
      %lt3A = arith.cmpi slt, %get3A_9, %get3A_5 : vector<16xi32>
      %and3A = arith.andi %eq3A_10, %lt3A : vector<16xi1>
      %or3A = arith.ori %gt3A, %and3A : vector<16xi1>
      %select_n3A = arith.select %or3A, %get3A_7, %get3A_3 : vector<16xi1>, vector<16xf32>
      %select_n3A_11 = arith.select %or3A, %get3A_9, %get3A_5 : vector<16xi1>, vector<16xi32>
      %get3A_12 = arith.constant 32 : index
      %get3A_13 = tpu.vector_load %arg5[%get3A_12] {strides = array<i32>} : memref<512xf32, #tpu.memory_space<vmem>>, vector<16xf32>,
      %get3A_14 = arith.constant 32 : index
      %get3A_15 = tpu.vector_load %arg6[%get3A_14] {strides = array<i32>} : memref<512xi32, #tpu.memory_space<vmem>>, vector<16xi32>,
      %gt3A_16 = arith.cmpf ogt, %get3A_13, %select_n3A : vector<16xf32>
      %eq3A_17 = arith.cmpf oeq, %get3A_13, %select_n3A : vector<16xf32>
      %lt3A_18 = arith.cmpi slt, %get3A_15, %select_n3A_11 : vector<16xi32>
      %and3A_19 = arith.andi %eq3A_17, %lt3A_18 : vector<16xi1>
      %or3A_20 = arith.ori %gt3A_16, %and3A_19 : vector<16xi1>
      %select_n3A_21 = arith.select %or3A_20, %get3A_13, %select_n3A : vector<16xi1>, vector<16xf32>
      %select_n3A_22 = arith.select %or3A_20, %get3A_15, %select_n3A_11 : vector<16xi1>, vector<16xi32>
      %get3A_23 = arith.constant 48 : index
      %get3A_24 = tpu.vector_load %arg5[%get3A_23] {strides = array<i32>} : memref<512xf32, #tpu.memory_space<vmem>>, vector<16xf32>,
      %get3A_25 = arith.constant 48 : index
      %get3A_26 = tpu.vector_load %arg6[%get3A_25] {strides = array<i32>} : memref<512xi32, #tpu.memory_space<vmem>>, vector<16xi32>,
      %gt3A_27 = arith.cmpf ogt, %get3A_24, %select_n3A_21 : vector<16xf32>
      %eq3A_28 = arith.cmpf oeq, %get3A_24, %select_n3A_21 : vector<16xf32>
      %lt3A_29 = arith.cmpi slt, %get3A_26, %select_n3A_22 : vector<16xi32>
      %and3A_30 = arith.andi %eq3A_28, %lt3A_29 : vector<16xi1>
      %or3A_31 = arith.ori %gt3A_27, %and3A_30 : vector<16xi1>
      %select_n3A_32 = arith.select %or3A_31, %get3A_24, %select_n3A_21 : vector<16xi1>, vector<16xf32>
      %select_n3A_33 = arith.select %or3A_31, %get3A_26, %select_n3A_22 : vector<16xi1>, vector<16xi32>
      %get3A_34 = arith.constant 64 : index
      %get3A_35 = tpu.vector_load %arg5[%get3A_34] {strides = array<i32>} : memref<512xf32, #tpu.memory_space<vmem>>, vector<16xf32>,
      %get3A_36 = arith.constant 64 : index
      %get3A_37 = tpu.vector_load %arg6[%get3A_36] {strides = array<i32>} : memref<512xi32, #tpu.memory_space<vmem>>, vector<16xi32>,
      %gt3A_38 = arith.cmpf ogt, %get3A_35, %select_n3A_32 : vector<16xf32>
      %eq3A_39 = arith.cmpf oeq, %get3A_35, %select_n3A_32 : vector<16xf32>
      %lt3A_40 = arith.cmpi slt, %get3A_37, %select_n3A_33 : vector<16xi32>
      %and3A_41 = arith.andi %eq3A_39, %lt3A_40 : vector<16xi1>
      %or3A_42 = arith.ori %gt3A_38, %and3A_41 : vector<16xi1>
      %select_n3A_43 = arith.select %or3A_42, %get3A_35, %select_n3A_32 : vector<16xi1>, vector<16xf32>
      %select_n3A_44 = arith.select %or3A_42, %get3A_37, %select_n3A_33 : vector<16xi1>, vector<16xi32>
      %get3A_45 = arith.constant 80 : index
      %get3A_46 = tpu.vector_load %arg5[%get3A_45] {strides = array<i32>} : memref<512xf32, #tpu.memory_space<vmem>>, vector<16xf32>,
      %get3A_47 = arith.constant 80 : index
      %get3A_48 = tpu.vector_load %arg6[%get3A_47] {strides = array<i32>} : memref<512xi32, #tpu.memory_space<vmem>>, vector<16xi32>,
      %gt3A_49 = arith.cmpf ogt, %get3A_46, %select_n3A_43 : vector<16xf32>
      %eq3A_50 = arith.cmpf oeq, %get3A_46, %select_n3A_43 : vector<16xf32>
      %lt3A_51 = arith.cmpi slt, %get3A_48, %select_n3A_44 : vector<16xi32>
      %and3A_52 = arith.andi %eq3A_50, %lt3A_51 : vector<16xi1>
      %or3A_53 = arith.ori %gt3A_49, %and3A_52 : vector<16xi1>
      %select_n3A_54 = arith.select %or3A_53, %get3A_46, %select_n3A_43 : vector<16xi1>, vector<16xf32>
      %select_n3A_55 = arith.select %or3A_53, %get3A_48, %select_n3A_44 : vector<16xi1>, vector<16xi32>
      %get3A_56 = arith.constant 96 : index
      %get3A_57 = tpu.vector_load %arg5[%get3A_56] {strides = array<i32>} : memref<512xf32, #tpu.memory_space<vmem>>, vector<16xf32>,
      %get3A_58 = arith.constant 96 : index
      %get3A_59 = tpu.vector_load %arg6[%get3A_58] {strides = array<i32>} : memref<512xi32, #tpu.memory_space<vmem>>, vector<16xi32>,
      %gt3A_60 = arith.cmpf ogt, %get3A_57, %select_n3A_54 : vector<16xf32>
      %eq3A_61 = arith.cmpf oeq, %get3A_57, %select_n3A_54 : vector<16xf32>
      %lt3A_62 = arith.cmpi slt, %get3A_59, %select_n3A_55 : vector<16xi32>
      %and3A_63 = arith.andi %eq3A_61, %lt3A_62 : vector<16xi1>
      %or3A_64 = arith.ori %gt3A_60, %and3A_63 : vector<16xi1>
      %select_n3A_65 = arith.select %or3A_64, %get3A_57, %select_n3A_54 : vector<16xi1>, vector<16xf32>
      %select_n3A_66 = arith.select %or3A_64, %get3A_59, %select_n3A_55 : vector<16xi1>, vector<16xi32>
      %get3A_67 = arith.constant 112 : index
      %get3A_68 = tpu.vector_load %arg5[%get3A_67] {strides = array<i32>} : memref<512xf32, #tpu.memory_space<vmem>>, vector<16xf32>,
      %get3A_69 = arith.constant 112 : index
      %get3A_70 = tpu.vector_load %arg6[%get3A_69] {strides = array<i32>} : memref<512xi32, #tpu.memory_space<vmem>>, vector<16xi32>,
      %gt3A_71 = arith.cmpf ogt, %get3A_68, %select_n3A_65 : vector<16xf32>
      %eq3A_72 = arith.cmpf oeq, %get3A_68, %select_n3A_65 : vector<16xf32>
      %lt3A_73 = arith.cmpi slt, %get3A_70, %select_n3A_66 : vector<16xi32>
      %and3A_74 = arith.andi %eq3A_72, %lt3A_73 : vector<16xi1>
      %or3A_75 = arith.ori %gt3A_71, %and3A_74 : vector<16xi1>
      %select_n3A_76 = arith.select %or3A_75, %get3A_68, %select_n3A_65 : vector<16xi1>, vector<16xf32>
      %select_n3A_77 = arith.select %or3A_75, %get3A_70, %select_n3A_66 : vector<16xi1>, vector<16xi32>
      %get3A_78 = arith.constant 128 : index
      %get3A_79 = tpu.vector_load %arg5[%get3A_78] {strides = array<i32>} : memref<512xf32, #tpu.memory_space<vmem>>, vector<16xf32>,
      %get3A_80 = arith.constant 128 : index
      %get3A_81 = tpu.vector_load %arg6[%get3A_80] {strides = array<i32>} : memref<512xi32, #tpu.memory_space<vmem>>, vector<16xi32>,
      %gt3A_82 = arith.cmpf ogt, %get3A_79, %select_n3A_76 : vector<16xf32>
      %eq3A_83 = arith.cmpf oeq, %get3A_79, %select_n3A_76 : vector<16xf32>
      %lt3A_84 = arith.cmpi slt, %get3A_81, %select_n3A_77 : vector<16xi32>
      %and3A_85 = arith.andi %eq3A_83, %lt3A_84 : vector<16xi1>
      %or3A_86 = arith.ori %gt3A_82, %and3A_85 : vector<16xi1>
      %select_n3A_87 = arith.select %or3A_86, %get3A_79, %select_n3A_76 : vector<16xi1>, vector<16xf32>
      %select_n3A_88 = arith.select %or3A_86, %get3A_81, %select_n3A_77 : vector<16xi1>, vector<16xi32>
      %get3A_89 = arith.constant 144 : index
      %get3A_90 = tpu.vector_load %arg5[%get3A_89] {strides = array<i32>} : memref<512xf32, #tpu.memory_space<vmem>>, vector<16xf32>,
      %get3A_91 = arith.constant 144 : index
      %get3A_92 = tpu.vector_load %arg6[%get3A_91] {strides = array<i32>} : memref<512xi32, #tpu.memory_space<vmem>>, vector<16xi32>,
      %gt3A_93 = arith.cmpf ogt, %get3A_90, %select_n3A_87 : vector<16xf32>
      %eq3A_94 = arith.cmpf oeq, %get3A_90, %select_n3A_87 : vector<16xf32>
      %lt3A_95 = arith.cmpi slt, %get3A_92, %select_n3A_88 : vector<16xi32>
      %and3A_96 = arith.andi %eq3A_94, %lt3A_95 : vector<16xi1>
      %or3A_97 = arith.ori %gt3A_93, %and3A_96 : vector<16xi1>
      %select_n3A_98 = arith.select %or3A_97, %get3A_90, %select_n3A_87 : vector<16xi1>, vector<16xf32>
      %select_n3A_99 = arith.select %or3A_97, %get3A_92, %select_n3A_88 : vector<16xi1>, vector<16xi32>
      %get3A_100 = arith.constant 160 : index
      %get3A_101 = tpu.vector_load %arg5[%get3A_100] {strides = array<i32>} : memref<512xf32, #tpu.memory_space<vmem>>, vector<16xf32>,
      %get3A_102 = arith.constant 160 : index
      %get3A_103 = tpu.vector_load %arg6[%get3A_102] {strides = array<i32>} : memref<512xi32, #tpu.memory_space<vmem>>, vector<16xi32>,
      %gt3A_104 = arith.cmpf ogt, %get3A_101, %select_n3A_98 : vector<16xf32>
      %eq3A_105 = arith.cmpf oeq, %get3A_101, %select_n3A_98 : vector<16xf32>
      %lt3A_106 = arith.cmpi slt, %get3A_103, %select_n3A_99 : vector<16xi32>
      %and3A_107 = arith.andi %eq3A_105, %lt3A_106 : vector<16xi1>
      %or3A_108 = arith.ori %gt3A_104, %and3A_107 : vector<16xi1>
      %select_n3A_109 = arith.select %or3A_108, %get3A_101, %select_n3A_98 : vector<16xi1>, vector<16xf32>
      %select_n3A_110 = arith.select %or3A_108, %get3A_103, %select_n3A_99 : vector<16xi1>, vector<16xi32>
      %get3A_111 = arith.constant 176 : index
      %get3A_112 = tpu.vector_load %arg5[%get3A_111] {strides = array<i32>} : memref<512xf32, #tpu.memory_space<vmem>>, vector<16xf32>,
      %get3A_113 = arith.constant 176 : index
      %get3A_114 = tpu.vector_load %arg6[%get3A_113] {strides = array<i32>} : memref<512xi32, #tpu.memory_space<vmem>>, vector<16xi32>,
      %gt3A_115 = arith.cmpf ogt, %get3A_112, %select_n3A_109 : vector<16xf32>
      %eq3A_116 = arith.cmpf oeq, %get3A_112, %select_n3A_109 : vector<16xf32>
      %lt3A_117 = arith.cmpi slt, %get3A_114, %select_n3A_110 : vector<16xi32>
      %and3A_118 = arith.andi %eq3A_116, %lt3A_117 : vector<16xi1>
      %or3A_119 = arith.ori %gt3A_115, %and3A_118 : vector<16xi1>
      %select_n3A_120 = arith.select %or3A_119, %get3A_112, %select_n3A_109 : vector<16xi1>, vector<16xf32>
      %select_n3A_121 = arith.select %or3A_119, %get3A_114, %select_n3A_110 : vector<16xi1>, vector<16xi32>
      %get3A_122 = arith.constant 192 : index
      %get3A_123 = tpu.vector_load %arg5[%get3A_122] {strides = array<i32>} : memref<512xf32, #tpu.memory_space<vmem>>, vector<16xf32>,
      %get3A_124 = arith.constant 192 : index
      %get3A_125 = tpu.vector_load %arg6[%get3A_124] {strides = array<i32>} : memref<512xi32, #tpu.memory_space<vmem>>, vector<16xi32>,
      %gt3A_126 = arith.cmpf ogt, %get3A_123, %select_n3A_120 : vector<16xf32>
      %eq3A_127 = arith.cmpf oeq, %get3A_123, %select_n3A_120 : vector<16xf32>
      %lt3A_128 = arith.cmpi slt, %get3A_125, %select_n3A_121 : vector<16xi32>
      %and3A_129 = arith.andi %eq3A_127, %lt3A_128 : vector<16xi1>
      %or3A_130 = arith.ori %gt3A_126, %and3A_129 : vector<16xi1>
      %select_n3A_131 = arith.select %or3A_130, %get3A_123, %select_n3A_120 : vector<16xi1>, vector<16xf32>
      %select_n3A_132 = arith.select %or3A_130, %get3A_125, %select_n3A_121 : vector<16xi1>, vector<16xi32>
      %get3A_133 = arith.constant 208 : index
      %get3A_134 = tpu.vector_load %arg5[%get3A_133] {strides = array<i32>} : memref<512xf32, #tpu.memory_space<vmem>>, vector<16xf32>,
      %get3A_135 = arith.constant 208 : index
      %get3A_136 = tpu.vector_load %arg6[%get3A_135] {strides = array<i32>} : memref<512xi32, #tpu.memory_space<vmem>>, vector<16xi32>,
      %gt3A_137 = arith.cmpf ogt, %get3A_134, %select_n3A_131 : vector<16xf32>
      %eq3A_138 = arith.cmpf oeq, %get3A_134, %select_n3A_131 : vector<16xf32>
      %lt3A_139 = arith.cmpi slt, %get3A_136, %select_n3A_132 : vector<16xi32>
      %and3A_140 = arith.andi %eq3A_138, %lt3A_139 : vector<16xi1>
      %or3A_141 = arith.ori %gt3A_137, %and3A_140 : vector<16xi1>
      %select_n3A_142 = arith.select %or3A_141, %get3A_134, %select_n3A_131 : vector<16xi1>, vector<16xf32>
      %select_n3A_143 = arith.select %or3A_141, %get3A_136, %select_n3A_132 : vector<16xi1>, vector<16xi32>
      %get3A_144 = arith.constant 224 : index
      %get3A_145 = tpu.vector_load %arg5[%get3A_144] {strides = array<i32>} : memref<512xf32, #tpu.memory_space<vmem>>, vector<16xf32>,
      %get3A_146 = arith.constant 224 : index
      %get3A_147 = tpu.vector_load %arg6[%get3A_146] {strides = array<i32>} : memref<512xi32, #tpu.memory_space<vmem>>, vector<16xi32>,
      %gt3A_148 = arith.cmpf ogt, %get3A_145, %select_n3A_142 : vector<16xf32>
      %eq3A_149 = arith.cmpf oeq, %get3A_145, %select_n3A_142 : vector<16xf32>
      %lt3A_150 = arith.cmpi slt, %get3A_147, %select_n3A_143 : vector<16xi32>
      %and3A_151 = arith.andi %eq3A_149, %lt3A_150 : vector<16xi1>
      %or3A_152 = arith.ori %gt3A_148, %and3A_151 : vector<16xi1>
      %select_n3A_153 = arith.select %or3A_152, %get3A_145, %select_n3A_142 : vector<16xi1>, vector<16xf32>
      %select_n3A_154 = arith.select %or3A_152, %get3A_147, %select_n3A_143 : vector<16xi1>, vector<16xi32>
      %get3A_155 = arith.constant 240 : index
      %get3A_156 = tpu.vector_load %arg5[%get3A_155] {strides = array<i32>} : memref<512xf32, #tpu.memory_space<vmem>>, vector<16xf32>,
      %get3A_157 = arith.constant 240 : index
      %get3A_158 = tpu.vector_load %arg6[%get3A_157] {strides = array<i32>} : memref<512xi32, #tpu.memory_space<vmem>>, vector<16xi32>,
      %gt3A_159 = arith.cmpf ogt, %get3A_156, %select_n3A_153 : vector<16xf32>
      %eq3A_160 = arith.cmpf oeq, %get3A_156, %select_n3A_153 : vector<16xf32>
      %lt3A_161 = arith.cmpi slt, %get3A_158, %select_n3A_154 : vector<16xi32>
      %and3A_162 = arith.andi %eq3A_160, %lt3A_161 : vector<16xi1>
      %or3A_163 = arith.ori %gt3A_159, %and3A_162 : vector<16xi1>
      %select_n3A_164 = arith.select %or3A_163, %get3A_156, %select_n3A_153 : vector<16xi1>, vector<16xf32>
      %select_n3A_165 = arith.select %or3A_163, %get3A_158, %select_n3A_154 : vector<16xi1>, vector<16xi32>
      %get3A_166 = arith.constant 256 : index
      %get3A_167 = tpu.vector_load %arg5[%get3A_166] {strides = array<i32>} : memref<512xf32, #tpu.memory_space<vmem>>, vector<16xf32>,
      %get3A_168 = arith.constant 256 : index
      %get3A_169 = tpu.vector_load %arg6[%get3A_168] {strides = array<i32>} : memref<512xi32, #tpu.memory_space<vmem>>, vector<16xi32>,
      %gt3A_170 = arith.cmpf ogt, %get3A_167, %select_n3A_164 : vector<16xf32>
      %eq3A_171 = arith.cmpf oeq, %get3A_167, %select_n3A_164 : vector<16xf32>
      %lt3A_172 = arith.cmpi slt, %get3A_169, %select_n3A_165 : vector<16xi32>
      %and3A_173 = arith.andi %eq3A_171, %lt3A_172 : vector<16xi1>
      %or3A_174 = arith.ori %gt3A_170, %and3A_173 : vector<16xi1>
      %select_n3A_175 = arith.select %or3A_174, %get3A_167, %select_n3A_164 : vector<16xi1>, vector<16xf32>
      %select_n3A_176 = arith.select %or3A_174, %get3A_169, %select_n3A_165 : vector<16xi1>, vector<16xi32>
      %get3A_177 = arith.constant 272 : index
      %get3A_178 = tpu.vector_load %arg5[%get3A_177] {strides = array<i32>} : memref<512xf32, #tpu.memory_space<vmem>>, vector<16xf32>,
      %get3A_179 = arith.constant 272 : index
      %get3A_180 = tpu.vector_load %arg6[%get3A_179] {strides = array<i32>} : memref<512xi32, #tpu.memory_space<vmem>>, vector<16xi32>,
      %gt3A_181 = arith.cmpf ogt, %get3A_178, %select_n3A_175 : vector<16xf32>
      %eq3A_182 = arith.cmpf oeq, %get3A_178, %select_n3A_175 : vector<16xf32>
      %lt3A_183 = arith.cmpi slt, %get3A_180, %select_n3A_176 : vector<16xi32>
      %and3A_184 = arith.andi %eq3A_182, %lt3A_183 : vector<16xi1>
      %or3A_185 = arith.ori %gt3A_181, %and3A_184 : vector<16xi1>
      %select_n3A_186 = arith.select %or3A_185, %get3A_178, %select_n3A_175 : vector<16xi1>, vector<16xf32>
      %select_n3A_187 = arith.select %or3A_185, %get3A_180, %select_n3A_176 : vector<16xi1>, vector<16xi32>
      %get3A_188 = arith.constant 288 : index
      %get3A_189 = tpu.vector_load %arg5[%get3A_188] {strides = array<i32>} : memref<512xf32, #tpu.memory_space<vmem>>, vector<16xf32>,
      %get3A_190 = arith.constant 288 : index
      %get3A_191 = tpu.vector_load %arg6[%get3A_190] {strides = array<i32>} : memref<512xi32, #tpu.memory_space<vmem>>, vector<16xi32>,
      %gt3A_192 = arith.cmpf ogt, %get3A_189, %select_n3A_186 : vector<16xf32>
      %eq3A_193 = arith.cmpf oeq, %get3A_189, %select_n3A_186 : vector<16xf32>
      %lt3A_194 = arith.cmpi slt, %get3A_191, %select_n3A_187 : vector<16xi32>
      %and3A_195 = arith.andi %eq3A_193, %lt3A_194 : vector<16xi1>
      %or3A_196 = arith.ori %gt3A_192, %and3A_195 : vector<16xi1>
      %select_n3A_197 = arith.select %or3A_196, %get3A_189, %select_n3A_186 : vector<16xi1>, vector<16xf32>
      %select_n3A_198 = arith.select %or3A_196, %get3A_191, %select_n3A_187 : vector<16xi1>, vector<16xi32>
      %get3A_199 = arith.constant 304 : index
      %get3A_200 = tpu.vector_load %arg5[%get3A_199] {strides = array<i32>} : memref<512xf32, #tpu.memory_space<vmem>>, vector<16xf32>,
      %get3A_201 = arith.constant 304 : index
      %get3A_202 = tpu.vector_load %arg6[%get3A_201] {strides = array<i32>} : memref<512xi32, #tpu.memory_space<vmem>>, vector<16xi32>,
      %gt3A_203 = arith.cmpf ogt, %get3A_200, %select_n3A_197 : vector<16xf32>
      %eq3A_204 = arith.cmpf oeq, %get3A_200, %select_n3A_197 : vector<16xf32>
      %lt3A_205 = arith.cmpi slt, %get3A_202, %select_n3A_198 : vector<16xi32>
      %and3A_206 = arith.andi %eq3A_204, %lt3A_205 : vector<16xi1>
      %or3A_207 = arith.ori %gt3A_203, %and3A_206 : vector<16xi1>
      %select_n3A_208 = arith.select %or3A_207, %get3A_200, %select_n3A_197 : vector<16xi1>, vector<16xf32>
      %select_n3A_209 = arith.select %or3A_207, %get3A_202, %select_n3A_198 : vector<16xi1>, vector<16xi32>
      %get3A_210 = arith.constant 320 : index
      %get3A_211 = tpu.vector_load %arg5[%get3A_210] {strides = array<i32>} : memref<512xf32, #tpu.memory_space<vmem>>, vector<16xf32>,
      %get3A_212 = arith.constant 320 : index
      %get3A_213 = tpu.vector_load %arg6[%get3A_212] {strides = array<i32>} : memref<512xi32, #tpu.memory_space<vmem>>, vector<16xi32>,
      %gt3A_214 = arith.cmpf ogt, %get3A_211, %select_n3A_208 : vector<16xf32>
      %eq3A_215 = arith.cmpf oeq, %get3A_211, %select_n3A_208 : vector<16xf32>
      %lt3A_216 = arith.cmpi slt, %get3A_213, %select_n3A_209 : vector<16xi32>
      %and3A_217 = arith.andi %eq3A_215, %lt3A_216 : vector<16xi1>
      %or3A_218 = arith.ori %gt3A_214, %and3A_217 : vector<16xi1>
      %select_n3A_219 = arith.select %or3A_218, %get3A_211, %select_n3A_208 : vector<16xi1>, vector<16xf32>
      %select_n3A_220 = arith.select %or3A_218, %get3A_213, %select_n3A_209 : vector<16xi1>, vector<16xi32>
      %get3A_221 = arith.constant 336 : index
      %get3A_222 = tpu.vector_load %arg5[%get3A_221] {strides = array<i32>} : memref<512xf32, #tpu.memory_space<vmem>>, vector<16xf32>,
      %get3A_223 = arith.constant 336 : index
      %get3A_224 = tpu.vector_load %arg6[%get3A_223] {strides = array<i32>} : memref<512xi32, #tpu.memory_space<vmem>>, vector<16xi32>,
      %gt3A_225 = arith.cmpf ogt, %get3A_222, %select_n3A_219 : vector<16xf32>
      %eq3A_226 = arith.cmpf oeq, %get3A_222, %select_n3A_219 : vector<16xf32>
      %lt3A_227 = arith.cmpi slt, %get3A_224, %select_n3A_220 : vector<16xi32>
      %and3A_228 = arith.andi %eq3A_226, %lt3A_227 : vector<16xi1>
      %or3A_229 = arith.ori %gt3A_225, %and3A_228 : vector<16xi1>
      %select_n3A_230 = arith.select %or3A_229, %get3A_222, %select_n3A_219 : vector<16xi1>, vector<16xf32>
      %select_n3A_231 = arith.select %or3A_229, %get3A_224, %select_n3A_220 : vector<16xi1>, vector<16xi32>
      %get3A_232 = arith.constant 352 : index
      %get3A_233 = tpu.vector_load %arg5[%get3A_232] {strides = array<i32>} : memref<512xf32, #tpu.memory_space<vmem>>, vector<16xf32>,
      %get3A_234 = arith.constant 352 : index
      %get3A_235 = tpu.vector_load %arg6[%get3A_234] {strides = array<i32>} : memref<512xi32, #tpu.memory_space<vmem>>, vector<16xi32>,
      %gt3A_236 = arith.cmpf ogt, %get3A_233, %select_n3A_230 : vector<16xf32>
      %eq3A_237 = arith.cmpf oeq, %get3A_233, %select_n3A_230 : vector<16xf32>
      %lt3A_238 = arith.cmpi slt, %get3A_235, %select_n3A_231 : vector<16xi32>
      %and3A_239 = arith.andi %eq3A_237, %lt3A_238 : vector<16xi1>
      %or3A_240 = arith.ori %gt3A_236, %and3A_239 : vector<16xi1>
      %select_n3A_241 = arith.select %or3A_240, %get3A_233, %select_n3A_230 : vector<16xi1>, vector<16xf32>
      %select_n3A_242 = arith.select %or3A_240, %get3A_235, %select_n3A_231 : vector<16xi1>, vector<16xi32>
      %get3A_243 = arith.constant 368 : index
      %get3A_244 = tpu.vector_load %arg5[%get3A_243] {strides = array<i32>} : memref<512xf32, #tpu.memory_space<vmem>>, vector<16xf32>,
      %get3A_245 = arith.constant 368 : index
      %get3A_246 = tpu.vector_load %arg6[%get3A_245] {strides = array<i32>} : memref<512xi32, #tpu.memory_space<vmem>>, vector<16xi32>,
      %gt3A_247 = arith.cmpf ogt, %get3A_244, %select_n3A_241 : vector<16xf32>
      %eq3A_248 = arith.cmpf oeq, %get3A_244, %select_n3A_241 : vector<16xf32>
      %lt3A_249 = arith.cmpi slt, %get3A_246, %select_n3A_242 : vector<16xi32>
      %and3A_250 = arith.andi %eq3A_248, %lt3A_249 : vector<16xi1>
      %or3A_251 = arith.ori %gt3A_247, %and3A_250 : vector<16xi1>
      %select_n3A_252 = arith.select %or3A_251, %get3A_244, %select_n3A_241 : vector<16xi1>, vector<16xf32>
      %select_n3A_253 = arith.select %or3A_251, %get3A_246, %select_n3A_242 : vector<16xi1>, vector<16xi32>
      %get3A_254 = arith.constant 384 : index
      %get3A_255 = tpu.vector_load %arg5[%get3A_254] {strides = array<i32>} : memref<512xf32, #tpu.memory_space<vmem>>, vector<16xf32>,
      %get3A_256 = arith.constant 384 : index
      %get3A_257 = tpu.vector_load %arg6[%get3A_256] {strides = array<i32>} : memref<512xi32, #tpu.memory_space<vmem>>, vector<16xi32>,
      %gt3A_258 = arith.cmpf ogt, %get3A_255, %select_n3A_252 : vector<16xf32>
      %eq3A_259 = arith.cmpf oeq, %get3A_255, %select_n3A_252 : vector<16xf32>
      %lt3A_260 = arith.cmpi slt, %get3A_257, %select_n3A_253 : vector<16xi32>
      %and3A_261 = arith.andi %eq3A_259, %lt3A_260 : vector<16xi1>
      %or3A_262 = arith.ori %gt3A_258, %and3A_261 : vector<16xi1>
      %select_n3A_263 = arith.select %or3A_262, %get3A_255, %select_n3A_252 : vector<16xi1>, vector<16xf32>
      %select_n3A_264 = arith.select %or3A_262, %get3A_257, %select_n3A_253 : vector<16xi1>, vector<16xi32>
      %get3A_265 = arith.constant 400 : index
      %get3A_266 = tpu.vector_load %arg5[%get3A_265] {strides = array<i32>} : memref<512xf32, #tpu.memory_space<vmem>>, vector<16xf32>,
      %get3A_267 = arith.constant 400 : index
      %get3A_268 = tpu.vector_load %arg6[%get3A_267] {strides = array<i32>} : memref<512xi32, #tpu.memory_space<vmem>>, vector<16xi32>,
      %gt3A_269 = arith.cmpf ogt, %get3A_266, %select_n3A_263 : vector<16xf32>
      %eq3A_270 = arith.cmpf oeq, %get3A_266, %select_n3A_263 : vector<16xf32>
      %lt3A_271 = arith.cmpi slt, %get3A_268, %select_n3A_264 : vector<16xi32>
      %and3A_272 = arith.andi %eq3A_270, %lt3A_271 : vector<16xi1>
      %or3A_273 = arith.ori %gt3A_269, %and3A_272 : vector<16xi1>
      %select_n3A_274 = arith.select %or3A_273, %get3A_266, %select_n3A_263 : vector<16xi1>, vector<16xf32>
      %select_n3A_275 = arith.select %or3A_273, %get3A_268, %select_n3A_264 : vector<16xi1>, vector<16xi32>
      %get3A_276 = arith.constant 416 : index
      %get3A_277 = tpu.vector_load %arg5[%get3A_276] {strides = array<i32>} : memref<512xf32, #tpu.memory_space<vmem>>, vector<16xf32>,
      %get3A_278 = arith.constant 416 : index
      %get3A_279 = tpu.vector_load %arg6[%get3A_278] {strides = array<i32>} : memref<512xi32, #tpu.memory_space<vmem>>, vector<16xi32>,
      %gt3A_280 = arith.cmpf ogt, %get3A_277, %select_n3A_274 : vector<16xf32>
      %eq3A_281 = arith.cmpf oeq, %get3A_277, %select_n3A_274 : vector<16xf32>
      %lt3A_282 = arith.cmpi slt, %get3A_279, %select_n3A_275 : vector<16xi32>
      %and3A_283 = arith.andi %eq3A_281, %lt3A_282 : vector<16xi1>
      %or3A_284 = arith.ori %gt3A_280, %and3A_283 : vector<16xi1>
      %select_n3A_285 = arith.select %or3A_284, %get3A_277, %select_n3A_274 : vector<16xi1>, vector<16xf32>
      %select_n3A_286 = arith.select %or3A_284, %get3A_279, %select_n3A_275 : vector<16xi1>, vector<16xi32>
      %get3A_287 = arith.constant 432 : index
      %get3A_288 = tpu.vector_load %arg5[%get3A_287] {strides = array<i32>} : memref<512xf32, #tpu.memory_space<vmem>>, vector<16xf32>,
      %get3A_289 = arith.constant 432 : index
      %get3A_290 = tpu.vector_load %arg6[%get3A_289] {strides = array<i32>} : memref<512xi32, #tpu.memory_space<vmem>>, vector<16xi32>,
      %gt3A_291 = arith.cmpf ogt, %get3A_288, %select_n3A_285 : vector<16xf32>
      %eq3A_292 = arith.cmpf oeq, %get3A_288, %select_n3A_285 : vector<16xf32>
      %lt3A_293 = arith.cmpi slt, %get3A_290, %select_n3A_286 : vector<16xi32>
      %and3A_294 = arith.andi %eq3A_292, %lt3A_293 : vector<16xi1>
      %or3A_295 = arith.ori %gt3A_291, %and3A_294 : vector<16xi1>
      %select_n3A_296 = arith.select %or3A_295, %get3A_288, %select_n3A_285 : vector<16xi1>, vector<16xf32>
      %select_n3A_297 = arith.select %or3A_295, %get3A_290, %select_n3A_286 : vector<16xi1>, vector<16xi32>
      %get3A_298 = arith.constant 448 : index
      %get3A_299 = tpu.vector_load %arg5[%get3A_298] {strides = array<i32>} : memref<512xf32, #tpu.memory_space<vmem>>, vector<16xf32>,
      %get3A_300 = arith.constant 448 : index
      %get3A_301 = tpu.vector_load %arg6[%get3A_300] {strides = array<i32>} : memref<512xi32, #tpu.memory_space<vmem>>, vector<16xi32>,
      %gt3A_302 = arith.cmpf ogt, %get3A_299, %select_n3A_296 : vector<16xf32>
      %eq3A_303 = arith.cmpf oeq, %get3A_299, %select_n3A_296 : vector<16xf32>
      %lt3A_304 = arith.cmpi slt, %get3A_301, %select_n3A_297 : vector<16xi32>
      %and3A_305 = arith.andi %eq3A_303, %lt3A_304 : vector<16xi1>
      %or3A_306 = arith.ori %gt3A_302, %and3A_305 : vector<16xi1>
      %select_n3A_307 = arith.select %or3A_306, %get3A_299, %select_n3A_296 : vector<16xi1>, vector<16xf32>
      %select_n3A_308 = arith.select %or3A_306, %get3A_301, %select_n3A_297 : vector<16xi1>, vector<16xi32>
      %get3A_309 = arith.constant 464 : index
      %get3A_310 = tpu.vector_load %arg5[%get3A_309] {strides = array<i32>} : memref<512xf32, #tpu.memory_space<vmem>>, vector<16xf32>,
      %get3A_311 = arith.constant 464 : index
      %get3A_312 = tpu.vector_load %arg6[%get3A_311] {strides = array<i32>} : memref<512xi32, #tpu.memory_space<vmem>>, vector<16xi32>,
      %gt3A_313 = arith.cmpf ogt, %get3A_310, %select_n3A_307 : vector<16xf32>
      %eq3A_314 = arith.cmpf oeq, %get3A_310, %select_n3A_307 : vector<16xf32>
      %lt3A_315 = arith.cmpi slt, %get3A_312, %select_n3A_308 : vector<16xi32>
      %and3A_316 = arith.andi %eq3A_314, %lt3A_315 : vector<16xi1>
      %or3A_317 = arith.ori %gt3A_313, %and3A_316 : vector<16xi1>
      %select_n3A_318 = arith.select %or3A_317, %get3A_310, %select_n3A_307 : vector<16xi1>, vector<16xf32>
      %select_n3A_319 = arith.select %or3A_317, %get3A_312, %select_n3A_308 : vector<16xi1>, vector<16xi32>
      %get3A_320 = arith.constant 480 : index
      %get3A_321 = tpu.vector_load %arg5[%get3A_320] {strides = array<i32>} : memref<512xf32, #tpu.memory_space<vmem>>, vector<16xf32>,
      %get3A_322 = arith.constant 480 : index
      %get3A_323 = tpu.vector_load %arg6[%get3A_322] {strides = array<i32>} : memref<512xi32, #tpu.memory_space<vmem>>, vector<16xi32>,
      %gt3A_324 = arith.cmpf ogt, %get3A_321, %select_n3A_318 : vector<16xf32>
      %eq3A_325 = arith.cmpf oeq, %get3A_321, %select_n3A_318 : vector<16xf32>
      %lt3A_326 = arith.cmpi slt, %get3A_323, %select_n3A_319 : vector<16xi32>
      %and3A_327 = arith.andi %eq3A_325, %lt3A_326 : vector<16xi1>
      %or3A_328 = arith.ori %gt3A_324, %and3A_327 : vector<16xi1>
      %select_n3A_329 = arith.select %or3A_328, %get3A_321, %select_n3A_318 : vector<16xi1>, vector<16xf32>
      %select_n3A_330 = arith.select %or3A_328, %get3A_323, %select_n3A_319 : vector<16xi1>, vector<16xi32>
      %get3A_331 = arith.constant 496 : index
      %get3A_332 = tpu.vector_load %arg5[%get3A_331] {strides = array<i32>} : memref<512xf32, #tpu.memory_space<vmem>>, vector<16xf32>,
      %get3A_333 = arith.constant 496 : index
      %get3A_334 = tpu.vector_load %arg6[%get3A_333] {strides = array<i32>} : memref<512xi32, #tpu.memory_space<vmem>>, vector<16xi32>,
      %gt3A_335 = arith.cmpf ogt, %get3A_332, %select_n3A_329 : vector<16xf32>
      %eq3A_336 = arith.cmpf oeq, %get3A_332, %select_n3A_329 : vector<16xf32>
      %lt3A_337 = arith.cmpi slt, %get3A_334, %select_n3A_330 : vector<16xi32>
      %and3A_338 = arith.andi %eq3A_336, %lt3A_337 : vector<16xi1>
      %or3A_339 = arith.ori %gt3A_335, %and3A_338 : vector<16xi1>
      %select_n3A_340 = arith.select %or3A_339, %get3A_332, %select_n3A_329 : vector<16xi1>, vector<16xf32>
      %select_n3A_341 = arith.select %or3A_339, %get3A_334, %select_n3A_330 : vector<16xi1>, vector<16xi32>
      %reduce_max3A = arith.constant true
      %reduce_max3A_342 = vector.broadcast %reduce_max3A : i1 to vector<16xi1>
      %reduce_max3A_343 = tpu.scan <max>, %select_n3A_340 masked %reduce_max3A_342 : vector<16xf32>, vector<16xi1> -> vector<16xf32>
      %reduce_max3A_344 = vector.extract %reduce_max3A_343[15] : f32 from vector<16xf32>
      %broadcast_in_dim3A = vector.broadcast %reduce_max3A_344 : f32 to vector<16xf32>
      %eq3A_345 = arith.cmpf oeq, %select_n3A_340, %broadcast_in_dim3A : vector<16xf32>
      %broadcast_in_dim3A_346 = arith.constant 2147483647 : i32
      %broadcast_in_dim3A_347 = vector.broadcast %broadcast_in_dim3A_346 : i32 to vector<16xi32>
      %select_n3A_348 = arith.select %eq3A_345, %select_n3A_341, %broadcast_in_dim3A_347 : vector<16xi1>, vector<16xi32>
      %reduce_min3A = arith.constant true
      %reduce_min3A_349 = vector.broadcast %reduce_min3A : i1 to vector<16xi1>
      %reduce_min3A_350 = arith.constant -2147483648 : i32
      %reduce_min3A_351 = vector.broadcast %reduce_min3A_350 : i32 to vector<16xi32>
      %reduce_min3A_352 = arith.xori %select_n3A_348, %reduce_min3A_351 : vector<16xi32>
      %reduce_min3A_353 = tpu.scan <min>, %reduce_min3A_352 masked %reduce_min3A_349 : vector<16xi32>, vector<16xi1> -> vector<16xi32>
      %reduce_min3A_354 = arith.xori %reduce_min3A_353, %reduce_min3A_351 : vector<16xi32>
      %reduce_min3A_355 = vector.extract %reduce_min3A_354[15] : i32 from vector<16xi32>
      %broadcast_in_dim3A_356 = vector.broadcast %reduce_min3A_355 : i32 to vector<16xi32>
      %swap3A = arith.constant 0 : index
      %swap3A_357 = tpu.vector_load %arg7[%swap3A] {strides = array<i32>} : memref<16xi32, #tpu.memory_space<vmem>>, vector<16xi32>,
      tpu.vector_store %arg7[%swap3A], %broadcast_in_dim3A_356 {strides = array<i32>} : memref<16xi32, #tpu.memory_space<vmem>>, vector<16xi32>,
      "tpu.region"() ({
        %run_scoped3A = tpu.sem_alloc : memref<!tpu.dma_semaphore, #tpu.memory_space<semaphore_mem>>
        tpu.enqueue_dma source(%arg7 : memref<16xi32, #tpu.memory_space<vmem>>) target(%arg4 : memref<16xi32, #tpu.memory_space<hbm>>) target_semaphore(%run_scoped3A : memref<!tpu.dma_semaphore, #tpu.memory_space<semaphore_mem>>)
        tpu.wait_dma2 semaphore(%run_scoped3A : memref<!tpu.dma_semaphore, #tpu.memory_space<semaphore_mem>>) src(%arg7 : memref<16xi32, #tpu.memory_space<vmem>>) dst(%arg4 : memref<16xi32, #tpu.memory_space<hbm>>)
        tpu.yield
      }) : () -> ()
    } else {
    }
    return
  }
}

</mosaic_0001>

<sc_bundles>
// kernel: _router.4.cloned.1.call-start
scs
__scs_entry_jumppad:
0x0: {  	(pc) =	sbr.rel $0x88, $3  }
0x1: {  	(tag) =	ssettag $0x0;
	lr =	simm.s32 $0x1  }
0x2: {  	[smem:$0x3F9F] =	sst lr;
	_ =	strace $0xD0000000  }
0x3: {  	_ = 	snop  }
0x4: {  	_ = 	snop  }
0x5: {  	_ = 	snop  }
0x6: {  	_ = 	snop  }
0x7: {  	_ = 	snop  }
__scs_overlays_trampoline_lowered:
0x8: {  	[smem:$0x3FAE] =	sst s0  }
0x9: {  	[smem:$0x3FAF] =	sst s1  }
0xa: {  	[smem:$0x3FB0] =	sst s2  }
0xb: {  	[smem:$0x3FB1] =	sst s3  }
0xc: {  	[smem:$0x3FB2] =	sst s4  }
0xd: {  	[smem:$0x3FB3] =	sst s5  }
0xe: {  	[smem:$0x3FB4] =	sst s6  }
0xf: {  	[smem:$0x3FB5] =	sst s7  }
0x10: {  	[smem:$0x3FB6] =	sst s8  }
0x11: {  	[smem:$0x3FB7] =	sst s9;
	s0 =	simm.s32 @!p0 $0x0  }
0x12: {  	s1 =	sld [smem:$0x3F9D];
	s0 =	simm.s32 @p0 $0x1  }
0x13: {  	[smem:$0x3FB8] =	sst s0;
	s0 =	simm.s32 @!p1 $0x0  }
0x14: {  	s2 =	sld [smem:$0x3F9C];
	s0 =	simm.s32 @p1 $0x1  }
0x15: {  	[smem:$0x3FB9] =	sst s0;
	s0 =	simm.s32 @!p2 $0x0  }
0x16: {  	s3 =	sld [smem:$0x3FDB];
	s0 =	simm.s32 @p2 $0x1  }
0x17: {  	s4 =	simm.s32 $0x1BF5;
	[smem:$0x3FBB] =	sst s0  }
0x18: {  	s0 =	sld [smem:$0x3F9E];
	_ =	swait.ge [sflag:s4], $0x0  }
0x19: {  	s7 =	sld [smem:$0x3F9F]  }
0x1a: {  	s8 =	sadd.s32 $0xFFFFE003, lr  }
0x1b: {  	s9 =	sadd.s32 $0xFFFFFEF7, lr;
	s5 =	simm.s32 $0xFFFFFFFF;
	p2 =	slt.u32 s8, $0xFFFFF086  }
0x1c: {  	p1 =	slt.u32 s9, $0xF7A;
	s5 =	simm.s32 @!p2 $0x0  }
0x1d: {  	s5 =	simm.s32 @p1 $0x1;
	p0 =	seq.s32 s7, s2  }
0x1e: {  	s7 =	smul.u32 @!p0 $0xF7A, s2;
	p2 =	seq.s32 @!p0 s5, $0x0  }
0x1f: {  	s9 =	smul.u32 $0xF7A, s1;
	s8 =	simm.s32 @!p0 $0x1BF5;
	p2 =	por !p2, p0  }
0x20: {  	[sflag:s8] =	ssyncset.s32 @!p0 $0xFFFFF086;
	s6 =	sadd.s32 @!p0 s3, s7;
	s7 =	simm.s32 @!p0 $0x108  }
0x21: {  	s3 =	sadd.s32 s3, s9;
	s6 =	sadd.s32 @!p0 $0x88, s6;
	s7 =	simm.s32 @p2 $0x1082  }
0x22: {  	[simem:s7], [sflag:s8] =	dma.local @!p0 [hbm:s6], $0xF7A  }
0x23: {  	s9 =	sor.u32 $0xD0000000, s2;
	s6 =	simm.s32 $0x108;
	_ =	swait.ge @!p0 [sflag:s8], $0x0  }
0x24: {  	s3 =	sadd.s32 $0x88, s3;
	s6 =	simm.s32 @!p1 $0x1082;
	[sflag:s4] =	ssyncset.s32 $0xFFFFF086  }
0x25: {  	[simem:s6], [sflag:s4] =	dma.local [hbm:s3], $0xF7A  }
0x26: {  	[smem:$0x3F9F] =	sst s1;
	(tag) =	ssettag s2;
	_ =	strace s9  }
0x27: {  	s1 =	sld [smem:$0x3FAF]  }
0x28: {  	s2 =	sld [smem:$0x3FB0]  }
0x29: {  	s4 =	sld [smem:$0x3FB2]  }
0x2a: {  	p0 =	seq.s32 s5, $0x0;
	s5 =	sld [smem:$0x3FB3]  }
0x2b: {  	s6 =	sld [smem:$0x3FB4]  }
0x2c: {  	s7 =	sld [smem:$0x3FB5]  }
0x2d: {  	s3 =	simm.s32 $0x108;
	s8 =	sld [smem:$0x3FB6]  }
0x2e: {  	s3 =	simm.s32 @!p0 $0x1082;
	s9 =	sld [smem:$0x3FB7]  }
0x2f: {  	lr =	sadd.s32 s0, s3;
	s0 =	sld [smem:$0x3FAE]  }
0x30: {  	s3 =	sld [smem:$0x3FB1]  }
0x31: {  	[smem:$0x3FBA] =	sst s10  }
0x32: {  	s10 =	sld [smem:$0x3FB8];
	_ =	sdelay $0x3  }
0x33: {  	p0 =	seq.s32 s10, $0x1;
	s10 =	sld [smem:$0x3FBA];
	_ =	sdelay $0x3  }
0x34: {  	[smem:$0x3FBA] =	sst s10  }
0x35: {  	s10 =	sld [smem:$0x3FB9];
	_ =	sdelay $0x3  }
0x36: {  	p1 =	seq.s32 s10, $0x1;
	s10 =	sld [smem:$0x3FBA];
	_ =	sdelay $0x3  }
0x37: {  	[smem:$0x3FBA] =	sst s10  }
0x38: {  	s10 =	sld [smem:$0x3FBB]  }
0x39: {  	_ = 	snop;
	(pc) =	sbr.ind lr, $3  }
0x3a: {  	_ = 	snop  }
0x3b: {  	_ = 	snop  }
0x3c: {  	p2 =	seq.s32 s10, $0x1;
	s10 =	sld [smem:$0x3FBA]  }
0x3d: {  	_ =	shalt  }
0x3e: {  	_ =	shalt  }
0x3f: {  	_ =	shalt  }
0x40: {  	_ =	shalt  }
0x41: {  	_ =	shalt  }
0x42: {  	_ =	shalt  }
0x43: {  	_ =	shalt  }
0x44: {  	_ =	shalt  }
0x45: {  	_ =	shalt  }
0x46: {  	_ =	shalt  }
0x47: {  	_ =	shalt  }
0x48: {  	_ =	shalt  }
0x49: {  	_ =	shalt  }
0x4a: {  	_ =	shalt  }
0x4b: {  	_ =	shalt  }
0x4c: {  	_ =	shalt  }
0x4d: {  	_ =	shalt  }
0x4e: {  	_ =	shalt  }
0x4f: {  	_ =	shalt  }
0x50: {  	_ =	shalt  }
0x51: {  	_ =	shalt  }
0x52: {  	_ =	shalt  }
0x53: {  	_ =	shalt  }
0x54: {  	_ =	shalt  }
0x55: {  	_ =	shalt  }
0x56: {  	_ =	shalt  }
0x57: {  	_ =	shalt  }
0x58: {  	_ =	shalt  }
0x59: {  	_ =	shalt  }
0x5a: {  	_ =	shalt  }
0x5b: {  	_ =	shalt  }
0x5c: {  	_ =	shalt  }
0x5d: {  	_ =	shalt  }
0x5e: {  	_ =	shalt  }
0x5f: {  	_ =	shalt  }
0x60: {  	_ =	shalt  }
0x61: {  	_ =	shalt  }
0x62: {  	_ =	shalt  }
0x63: {  	_ =	shalt  }
0x64: {  	_ =	shalt  }
0x65: {  	_ =	shalt  }
0x66: {  	_ =	shalt  }
0x67: {  	_ =	shalt  }
0x68: {  	_ =	shalt  }
0x69: {  	_ =	shalt  }
0x6a: {  	_ =	shalt  }
0x6b: {  	_ =	shalt  }
0x6c: {  	_ =	shalt  }
0x6d: {  	_ =	shalt  }
0x6e: {  	_ =	shalt  }
0x6f: {  	_ =	shalt  }
0x70: {  	_ =	shalt  }
0x71: {  	_ =	shalt  }
0x72: {  	_ =	shalt  }
0x73: {  	_ =	shalt  }
0x74: {  	_ =	shalt  }
0x75: {  	_ =	shalt  }
0x76: {  	_ =	shalt  }
0x77: {  	_ =	shalt  }
0x78: {  	_ =	shalt  }
0x79: {  	_ =	shalt  }
0x7a: {  	_ =	shalt  }
0x7b: {  	_ =	shalt  }
0x7c: {  	_ =	shalt  }
0x7d: {  	_ =	shalt  }
0x7e: {  	_ =	shalt  }
0x7f: {  	_ =	shalt  }
0x80: {  	_ =	shalt  }
0x81: {  	_ =	shalt  }
0x82: {  	_ =	shalt  }
0x83: {  	_ =	shalt  }
0x84: {  	_ =	shalt  }
0x85: {  	_ =	shalt  }
0x86: {  	_ =	shalt  }
0x87: {  	_ =	shalt  }
.Lfunc_end0:
.L_simem_size_0:
called_computation_lowered:
.L_overlay_start_0:
0x88: {  	s2 =	sld [smem:$0x3FD9]  }
0x89: {  	s3 =	sld [smem:$0x3FFE];
	_ =	sdelay $0x1  }
0x8a: {  	s1 =	srdreg.scid  }
0x8b: {  	s0 =	sand.u32 $0x1, s1  }
0x8c: {  	s17 =	sshll.u32 s0, $0xA;
	s2 =	sadd.s32 s3, s2  }
0x8d: {  	s2 =	sadd.s32 s2, s17  }
0x8e: {  	[smem:$0x3FC6] =	sst s2  }
0x8f: {  	_ = 	snop  }
0x90: {  	s2 =	sld [smem:$0x3FC9]  }
0x91: {  	s18 =	sld [smem:$0x3FC8];
	(tm) =	ssettm $0x1  }
0x92: {  	s4 =	sld [smem:$0x3FFB];
	_ =	sdelay $0x3  }
0x93: {  	_ =	strace s4  }
0x94: {  	s4 =	sld [smem:$0x3FFC];
	_ =	sdelay $0x3  }
0x95: {  	_ =	strace s4  }
0x96: {  	s4 =	sld [smem:$0x3FFD];
	_ =	sdelay $0x3  }
0x97: {  	_ =	strace s4  }
0x98: {  	_ =	strace $0x8FFFFFFF  }
0x99: {  	s19 =	sld [smem:$0x3FDB];
	_ =	sdelay $0x1  }
0x9a: {  	s5 =	simm.s32 $_scs_section_size  }
0x9b: {  	s6 =	simm.s32 $_size__tile_overlayer_lowered;
	s7 =	simm.s32 $_tile_overlayer_lowered  }
0x9c: {  	s22 =	simm.s32 $0x1BFF;
	s21 =	sshll.u32 s7, $0x1;
	s4 =	sadd.s32 s5, s19  }
0x9d: {  	s8 =	simm.s32 $0x0;
	s20 =	sshll.u32 s6, $0x1;
	s6 =	sadd.s32 s21, s4  }
0x9e: {  	[timem:s8], [sflag:s22] =	dma.local [hbm:s6], s20  }
0x9f: {  	_ =	swait.ge [sflag:s22], s20  }
0xa0: {  	s5 =	ssub.s32 $0x0, s20;
	[sflag:s22] =	ssyncset.done $0x0  }
0xa1: {  	[sflag:s22] =	ssyncadd.s32 s5;
	_ =	sdelay $0x1  }
0xa2: {  	s23 =	simm.s32 $0x1B8B  }
0xa3: {  	_ =	swait.ge [sflag:s23], $0x1  }
0xa4: {  	[sflag:s23] =	ssyncset.done $0x0  }
0xa5: {  	s25 =	simm.s32 $0x1B8E;
	s24 =	sld [smem:$0x3FFE];
	[sflag:s23] =	ssyncadd.s32 $0xFFFFFFFF  }
0xa6: {  	s26 =	simm.s32 $execute0_lowered;
	[smem:$0x3FD2] =	sst s25  }
0xa7: {  	s6 =	sshll.u32 s26, $0x1;
	_ =	strace $0x80000046;
	[dreg:$0x1] =	wrdreg $0xFFFFFFFF  }
0xa8: {  	s28 =	simm.s32 $_size_execute0_lowered;
	s4 =	sadd.s32 s4, s6;
	[dreg:$0x0] =	wrdreg $0x0  }
0xa9: {  	s6 =	sshll.u32 s28, $0x1;
	[dreg:$0x2] =	wrdreg s4  }
0xaa: {  	[dreg:$0x3] =	wrdreg s6  }
0xab: {  	[dreg:$0x4] =	wrdreg $0xC0  }
0xac: {  	_ =	task [dreg:s8], $0x5FFFF  }
0xad: {  	[dreg:$0x1] =	wrdreg $0xFFFFFFFF  }
0xae: {  	[dreg:$0x0] =	wrdreg $0x60  }
0xaf: {  	[dreg:$0x2] =	wrdreg s2  }
0xb0: {  	[dreg:$0x3] =	wrdreg s18  }
0xb1: {  	[dreg:$0x4] =	wrdreg s24  }
0xb2: {  	[dreg:$0x5] =	wrdreg $0x9  }
0xb3: {  	_ =	task.clear_ibuf [dreg:s8], $0x6FFFF;
	_ =	strace $0x90000046  }
0xb4: {  	s29 =	simm.s32 $0x9;
	_ =	strace $0x80000048  }
0xb5: {  	_ =	swait.ge [sflag:s29], $0x1  }
0xb6: {  	[sflag:s29] =	ssyncadd.s32 $0xFFFFFFFF  }
0xb7: {  	_ =	strace $0x90000048  }
0xb8: {  	_ =	sfence  }
0xb9: {  	s30 =	sld [smem:$0x0];
	_ =	sdelay $0x2  }
0xba: {  	s31 =	sshll.u32 s1, $0xD;
	s1 =	sshrl.u32 s1, $0x2  }
0xbb: {  	s3 =	sand.u32 $0x4000, s31;
	s1 =	sadd.s32 s1, s30  }
0xbc: {  	s0 =	sor.u32 s3, s0;
	s1 =	sshll.u32 s1, $0x11  }
0xbd: {  	s0 =	sor.u32 s1, s0  }
0xbe: {  	s0 =	sadd.s32 $0x8F2B, s0  }
0xbf: {  	[sflag:s0] =	ssyncadd.remote.s32 $0x1  }
0xc0: {  	_ =	sfence.sel $0xFFFF  }
0xc1: {  	[dreg:$0x0] =	wrdreg $0xFFFFFFFF;
	(pc) =	sbr.abs _section_cstart, $3  }
0xc2: {  	[dreg:$0x1] =	wrdreg $0xFFFFFFFF  }
0xc3: {  	_ =	task.clear_ibuf [dreg:s8], $0x2FFFF;
	_ =	strace $0x9FFFFFFF  }
0xc4: {  	(tm) =	ssettm $0x7FFFFFFF  }
0xc5: {  	_ =	shalt  }
tec
execute0_lowered:
.L_overlay_start_1:
0x0: {  	(tag) =	ssettag $0x1  }
0x1: {  	vm0 =	vcmask $0xB08  }
0x2: {  	vm1 =	vcmask $0x300;
	v62 =	vlaneseq.u32;
	v1 =	vimm.s32 $0xEFCDAB89  }
0x3: {  	v2 =	vimm.s32 $0x67452301;
	v6 =	vimm.s32 $0xDCFE98BA;
	v58 =	vimm.s32 $0x54761032  }
0x4: {  	v7 =	vimm.s32 $0xBA98FEDC;
	v8 =	vimm.s32 $0x32107654;
	v59 =	vimm.s32 $0xFEDCBA98  }
0x5: {  	v60 =	vimm.s32 $0x76543210;
	vm0 =	vmor vm1, vm0;
	vm1 =	vcmask $0x1310  }
0x6: {  	v3 =	vunpack.c.l.s4.s8 v1;
	v4 =	vunpack.c.l.s4.s8 v2;
	v57 =	vunpack.c.l.s4.s8 v6  }
0x7: {  	s2 =	rddreg [dreg:$0x1];
	v6 =	vunpack.c.l.s4.s8 v58;
	vm0 =	vmor vm0, vm1;
	vm1 =	vcmask $0x1B18  }
0x8: {  	s1 =	srdreg.scid;
	s8 =	rddreg [dreg:$0x2];
	v7 =	vunpack.c.l.s4.s8 v7;
	v8 =	vunpack.c.l.s4.s8 v8;
	vm0 =	vmor vm0, vm1  }
0x9: {  	s0 =	stileid.u32;
	s3 =	rddreg [dreg:$0x3];
	vm1 =	vcmask $0x2320;
	v5 =	vunpack.c.0.s8.s32 v3;
	v4 =	vunpack.c.0.s8.s32 v4  }
0xa: {  	s4 =	simm.s32 $0x0;
	s15 =	simm.s32 $0x1;
	s16 =	simm.s32 $0x3;
	v6 =	vunpack.c.0.s8.s32 v6;
	vm0 =	vmor vm0, vm1;
	vm1 =	vcmask $0x2B28  }
0xb: {  	s17 =	simm.s32 $0xF880;
	s7 =	sand.u32 $0x1, s1;
	s29 =	sshll.u32 s0, $0x1;
	v7 =	vunpack.c.0.s8.s32 v7;
	v8 =	vunpack.c.0.s8.s32 v8;
	vm0 =	vmor vm0, vm1  }
0xc: {  	s18 =	simm.s32 $0xF900;
	s19 =	simm.s32 $0x2;
	s5 =	sor.u32 s7, s29;
	vm1 =	vcmask $0x3330;
	v4 =	vcombine.low v4, v5;
	v5 =	vunpack.c.0.s8.s32 v57  }
0xd: {  	s20 =	simm.s32 $0x0;
	[smem:$0x7FF] =	sst s4;
	s1 =	sshll.u32 s5, $0x4;
	v7 =	vcombine.low v8, v7;
	v8 =	vunpack.c.l.s4.s8 v60;
	vm0 =	vmor vm0, vm1  }
0xe: {  	s13 =	smul.u32 $0x1860, s0;
	p0 =	sgt.u32 s0, $0x4;
	s6 =	sor.u32 $0x18600, s1;
	vm1 =	vcmask $0x3B38;
	v5 =	vcombine.low v6, v5;
	v6 =	vunpack.c.l.s4.s8 v59  }
0xf: {  	vm2 =	vcmask $0x700;
	s10 =	ssub.s32 $0x2, s7;
	s14 =	smul.u32 $0xC30, s7;
	s9 =	sshll.u32 s5, $0x1;
	v0 =	vor.u32 s6, v62;
	vm0 =	vmor vm0, vm1  }
0x10: {  	s30 =	sshrl.u32 s10, $0x1;
	s5 =	smul.u32 $0x61800, s5;
	s1 =	rddreg [dreg:$0x0];
	vm1 =	vcmask $0x1710;
	v8 =	vunpack.c.0.s8.s32 v8;
	v6 =	vunpack.c.0.s8.s32 v6  }
.Ltmp0:
0x11: {  	s11 =	sadd.s32 s9, s8;
	s12 =	ssub.s32 s10, s30;
	[tilespmem:$0x1FFB0] =	vst v0;
	v60 =	vand.u32 $0xF, v7;
	vm1 =	vmor vm2, vm1;
	vm2 =	vcmask $0x2720;
	(pc) =	sbr.rel .LBB2_1-.Ltmp0, $4  }
0x12: {  	s6 =	sshll.u32 s6, $0x4;
	s31 =	sshrl.u32 s5, $0x3;
	_ =	strace $0x80000047;
	v57 =	vand.u32 $0xF, v4;
	[tilespmem:$0x1FFE0] =	vst v60;
	vm1 =	vmor vm1, vm2;
	v9 =	vand.u32 $0xF, v6  }
0x13: {  	s8 =	sadd.s32 $0x7800, s5;
	s9 =	sadd.s32 $0xC00, s11;
	s10 =	sadd.s32 $0xE00, s11;
	[tilespmem:$0x1FFF0] =	vst v57;
	vm2 =	vcmask $0x3730;
	v63 =	vand.u32 $0xF, v5;
	v61 =	vcombine.low v9, v8  }
0x14: {  	vm3 =	vcmask $0xF00;
	s11 =	smax.u32 s12, $0x1;
	s12 =	sadd.s32 s14, s13;
	s13 =	simm.s32 $0x4;
	vm1 =	vmor vm1, vm2;
	vm2 =	vcmask $0x2F20;
	[tilespmem:$0x1FFD0] =	vst v63  }
0x15: {  	s14 =	simm.s32 $0x80;
	s6 =	sadd.s32 s2, s6;
	s7 =	sadd.s32 s2, s31;
	vm2 =	vmor vm3, vm2;
	vm3 =	vmmov $0xff;
	[tilespmem:$0x1FFC0] =	vst v61  }
.LBB2_12:
0x16: {  	[hbm4b:s9+s4] =	stream.linear.scatter [tilespmem:s17], [sflag:$0x4], $0x10, $0x38;
	[tilespmem:$0xF980] =	vst v63  }
0x17: {  	s20 =	sadd.s32 $0x1, s20;
	_ =	swait.ge [sflag:s13], $0x10  }
0x18: {  	p1 =	sne.s32 s20, s11;
	[sflag:s13] =	ssyncset.done $0x0  }
.Ltmp1:
0x19: {  	[sflag:s13] =	ssyncadd.s32 $0xFFFFFFF0;
	(pc) =	sbr.rel @!p1 .LBB2_13-.Ltmp1, $4  }
0x1a: {  	[hbm4b:s10+s4] =	stream.linear.scatter [tilespmem:s18], [sflag:$0x4], $0x10, $0x38;
	[tilespmem:$0xF980] =	vst v63  }
0x1b: {  	_ =	swait.ge [sflag:s13], $0x10  }
0x1c: {  	[sflag:s13] =	ssyncset.done $0x0  }
0x1d: {  	[sflag:s13] =	ssyncadd.s32 $0xFFFFFFF0  }
.LBB2_1:
0x1e: {  	[tilespmem:s4], [sflag:$0x4] =	stream.linear.gather [hbm4b:s1+s4], $0x80, $0x38;
	[tilespmem:$0xF980] =	vst v63  }
0x1f: {  	_ =	swait.ge [sflag:s13], $0x80  }
0x20: {  	[sflag:s13] =	ssyncset.done $0x0  }
0x21: {  	[sflag:s13] =	ssyncadd.s32 $0xFFFFFF80  }
0x22: {  	v7 =	vld [tilespmem:$0x0]  }
0x23: {  	v61 =	vld [tilespmem:$0x10]  }
0x24: {  	v6 =	vld [tilespmem:$0x20]  }
0x25: {  	v55 =	vld [tilespmem:$0x30]  }
0x26: {  	v17 =	vld [tilespmem:$0x40]  }
0x27: {  	v0 =	vld [tilespmem:$0x50]  }
0x28: {  	s21 =	simm.s32 @!p0 $0x0;
	s22 =	simm.s32 @!p0 $0xF080;
	v56 =	vld [tilespmem:$0x60]  }
0x29: {  	v54 =	vld [tilespmem:$0x70];
	[tilespmem:s22], [sflag:$0x3] =	stream.linear.gather @!p0 [hbm4b:s6+s21], $0x800, $0x38  }
0x2a: {  	_ = 	snop  }
0x2b: {  	v58 =	vimm.f32 $-3.000000000e+00;
	[tilespmem:s14], [sflag:$0x1] =	stream.linear.gather [hbm4b:s7+s4], $0x7800, $0x38;
	[tilespmem:$0xF980] =	vst v63  }
0x2c: {  	v59 =	vimm.s32 $0x0;
	[tilespmem:$0xF880] =	vst v58  }
0x2d: {  	[tilespmem:$0xF900] =	vst v59  }
0x2e: {  	[tilespmem:$0x1FF30] =	vst v0  }
0x2f: {  	[tilespmem:$0x1FF40] =	vst v56  }
0x30: {  	[tilespmem:$0x1FF50] =	vst v17  }
.Ltmp2:
0x31: {  	[tilespmem:$0x1FF60] =	vst v6;
	(pc) =	sbr.rel .LBB2_2-.Ltmp2, $4  }
0x32: {  	[tilespmem:$0x1FF70] =	vst v61  }
0x33: {  	[tilespmem:$0x1FF80] =	vst v7  }
0x34: {  	[tilespmem:$0x1FF90] =	vst v55  }
0x35: {  	s21 =	smov.u32 s12;
	s22 =	simm.s32 $0x0;
	[tilespmem:$0x1FFA0] =	vst v54  }
.LBB2_8:
0x36: {  	v0 =	vadd.f32 v9, v34  }
0x37: {  	v1 =	vadd.f32 v2, v36;
	v4 =	vadd.f32 v46, v35  }
0x38: {  	v5 =	vadd.f32 v50, v37;
	v8 =	vadd.f32 v51, v38  }
0x39: {  	v27 =	vadd.f32 v53, v39;
	v13 =	vadd.f32 v52, v40  }
0x3a: {  	v26 =	vld [tilespmem:s24+$0x170];
	v3 =	vmul.f32 v45, v56;
	v17 =	vadd.f32 v18, v32;
	v18 =	vadd.f32 v20, v33  }
0x3b: {  	v6 =	vld [tilespmem:s24+$0x1F0];
	v7 =	vmul.f32 v44, v56;
	v28 =	vadd.f32 v58, v28;
	v21 =	vadd.f32 v21, v29  }
0x3c: {  	v11 =	vmul.f32 v47, v56;
	v54 =	vld [tilespmem:$0x1FFA0];
	v22 =	vadd.f32 v22, v30;
	v23 =	vadd.f32 v23, v31  }
0x3d: {  	v10 =	vld [tilespmem:s24+$0x270];
	v3 =	vadd.f32 v3, v41;
	v7 =	vadd.f32 v7, v42  }
0x3e: {  	v14 =	vld [tilespmem:s24+$0x2F0];
	v11 =	vadd.f32 v11, v43;
	v0 =	vadd.f32 v24, v0  }
0x3f: {  	v16 =	vld [tilespmem:s24+$0x370];
	v1 =	vadd.f32 v25, v1;
	v35 =	vsel vm0, v17, v18;
	v36 =	vsel vm0, v28, v21  }
0x40: {  	v19 =	vld [tilespmem:s24+$0x3F0];
	v37 =	vsel vm0, v22, v23;
	v17 =	vsel vm0, v18, v17;
	v18 =	vsel vm0, v21, v28  }
0x41: {  	v38 =	vsel vm0, v0, v1;
	v12 =	vmul.f32 v49, v54;
	v15 =	vmul.f32 v48, v54  }
0x42: {  	v41 =	vld [tilespmem:$0x1FFF0];
	v0 =	vsel vm0, v1, v0;
	v2 =	vmul.f32 v26, v54;
	v6 =	vmul.f32 v6, v54  }
0x43: {  	v10 =	vmul.f32 v10, v54;
	v14 =	vmul.f32 v14, v54;
	v4 =	vadd.f32 v12, v4  }
0x44: {  	v32 =	vmul.f32 v16, v54;
	v5 =	vadd.f32 v15, v5;
	v2 =	vadd.f32 v2, v8  }
0x45: {  	v33 =	vmul.f32 v19, v54;
	v6 =	vadd.f32 v6, v27;
	v34 =	vadd.f32 v10, v13  }
0x46: {  	v19 =	vsel vm0, v23, v22;
	v3 =	vadd.f32 v14, v3;
	v7 =	vadd.f32 v32, v7  }
0x47: {  	v8 =	vadd.f32 v33, v11;
	v42 =	vperm.xlane v17, v41;
	v43 =	vperm.xlane v18, v41  }
0x48: {  	v44 =	vperm.xlane v19, v41;
	v0 =	vperm.xlane v0, v41;
	v39 =	vsel vm0, v4, v5  }
0x49: {  	v15 =	vsel vm0, v2, v6;
	v16 =	vsel vm0, v34, v3;
	v40 =	vsel vm0, v5, v4  }
0x4a: {  	v2 =	vsel vm0, v6, v2;
	v3 =	vsel vm0, v3, v34;
	v4 =	vadd.f32 v35, v42  }
0x4b: {  	v45 =	vsel vm0, v8, v7;
	v5 =	vadd.f32 v36, v43;
	v6 =	vadd.f32 v37, v44  }
0x4c: {  	v0 =	vadd.f32 v38, v0;
	v1 =	vperm.xlane v40, v41;
	v2 =	vperm.xlane v2, v41  }
0x4d: {  	v7 =	vsel vm0, v7, v8;
	v3 =	vperm.xlane v3, v41;
	v9 =	vperm.xlane v45, v41  }
0x4e: {  	v46 =	vsel vm1, v4, v5;
	v1 =	vadd.f32 v39, v1;
	v2 =	vadd.f32 v15, v2  }
0x4f: {  	v4 =	vsel vm1, v5, v4;
	v3 =	vadd.f32 v16, v3;
	v7 =	vadd.f32 v7, v9  }
0x50: {  	v47 =	vsel vm1, v6, v0;
	v0 =	vsel vm1, v0, v6;
	v4 =	vperm.xlane v4, v63  }
0x51: {  	v0 =	vperm.xlane v0, v63;
	v48 =	vsel vm1, v2, v1;
	v49 =	vsel vm1, v7, v3  }
0x52: {  	v1 =	vsel vm1, v1, v2;
	v50 =	vperm.xlane v48, v63;
	v51 =	vperm.xlane v49, v63  }
0x53: {  	v4 =	vadd.f32 v46, v4;
	v0 =	vadd.f32 v47, v0;
	v3 =	vsel vm1, v3, v7  }
0x54: {  	v1 =	vadd.f32 v1, v50;
	v52 =	vadd.f32 v3, v51;
	_ =	sdelay $0x1  }
0x55: {  	v53 =	vsel vm2, v0, v4;
	v5 =	vsel vm2, v52, v1  }
0x56: {  	v3 =	vperm.xlane v53, v60;
	v5 =	vperm.xlane v5, v60  }
0x57: {  	v0 =	vsel vm2, v4, v0;
	v1 =	vsel vm2, v1, v52  }
0x58: {  	v0 =	vadd.f32 v0, v3;
	v1 =	vadd.f32 v1, v5;
	_ =	sdelay $0x1  }
0x59: {  	v61 =	vld [tilespmem:$0x1FD80];
	v58 =	vsel vm3, v1, v0  }
0x5a: {  	v62 =	vld [tilespmem:$0x1FD90];
	v2 =	vperm.xlane v58, v57  }
0x5b: {  	v0 =	vsel vm3, v0, v1  }
0x5c: {  	v0 =	vadd.f32 v0, v2  }
0x5d: {  	s23 =	sadd.s32 s23, s21;
	v59 =	vlaneseq.u32  }
0x5e: {  	v1 =	vor.u32 s23, v59;
	vm4 =	vgt.f32 v0, v61  }
0x5f: {  	v57 =	vmovc v41;
	v16 =	vsel vm4, v0, v61;
	v17 =	vsel vm4, v1, v62;
	v62 =	vlaneseq.u32  }
.LBB2_9:
0x60: {  	s22 =	sadd.s32 $0x1, s22  }
0x61: {  	p1 =	sne.s32 s22, $0xD  }
.Ltmp3:
0x62: {  	_ = 	snop;
	(pc) =	sbr.rel @!p1 .LBB2_10-.Ltmp3, $4  }
0x63: {  	[tilespmem:$0xF900] =	vst v17;
	v17 =	vld [tilespmem:$0x1FF50]  }
0x64: {  	v6 =	vld [tilespmem:$0x1FF60]  }
0x65: {  	v61 =	vld [tilespmem:$0x1FF70]  }
0x66: {  	[tilespmem:$0xF880] =	vst v16;
	s21 =	sadd.s32 $0xF0, s21;
	v7 =	vld [tilespmem:$0x1FF80]  }
.LBB2_2:
0x67: {  	s23 =	sand.u32 $0x1, s22  }
0x68: {  	p1 =	seq.s32 s23, $0x1  }
.Ltmp4:
0x69: {  	_ = 	snop;
	(pc) =	sbr.rel @p1 .LBB2_6-.Ltmp4, $2  }
0x6a: {  	_ =	sdelay $0x2  }
0x6b: {  	v16 =	vmov v54  }
0x6c: {  	s23 =	sor.u32 $0x1, s22  }
0x6d: {  	p1 =	sgt.u32 s23, $0xC  }
0x6e: {  	s23 =	smul.u32 @!p1 $0x7800, s23  }
0x6f: {  	_ =	swait.ge [sflag:s15], $0x7800  }
0x70: {  	[sflag:s15] =	ssyncset.done $0x0;
	s23 =	sadd.s32 @!p1 s5, s23  }
0x71: {  	[sflag:s15] =	ssyncadd.s32 $0xFFFF8800;
	s23 =	sshrl.u32 @!p1 s23, $0x3  }
0x72: {  	s24 =	simm.s32 @!p1 $0x0;
	s25 =	simm.s32 @!p1 $0x7880;
	s23 =	sadd.s32 @!p1 s2, s23  }
0x73: {  	v56 =	vld [tilespmem:$0x1FF40];
	[tilespmem:s25], [sflag:$0x2] =	stream.linear.gather @!p1 [hbm4b:s23+s24], $0x7800, $0x38  }
0x74: {  	s23 =	simm.s32 $0x480;
	v0 =	vld [tilespmem:$0xF880]  }
0x75: {  	v25 =	vld [tilespmem:s23+$0xFFFFFC70]  }
0x76: {  	v26 =	vld [tilespmem:s23+$0xFFFFFCF0]  }
0x77: {  	v27 =	vld [tilespmem:s23+$0xFFFFFD70]  }
0x78: {  	v28 =	vld [tilespmem:s23+$0xFFFFFDF0]  }
0x79: {  	v29 =	vld [tilespmem:s23+$0xFFFFFE70]  }
0x7a: {  	v59 =	vld [tilespmem:s23+$0xFFFFFEF0]  }
0x7b: {  	v14 =	vld [tilespmem:s23+$0xFFFFFF70]  }
0x7c: {  	v10 =	vld [tilespmem:s23+$0xFFFFFFF0]  }
0x7d: {  	v30 =	vld [tilespmem:s23+$0xFFFFFC60]  }
0x7e: {  	v15 =	vld [tilespmem:s23+$0xFFFFFCE0]  }
0x7f: {  	v13 =	vld [tilespmem:s23+$0xFFFFFD60]  }
0x80: {  	v11 =	vld [tilespmem:s23+$0xFFFFFDE0]  }
0x81: {  	v12 =	vld [tilespmem:s23+$0xFFFFFE60]  }
0x82: {  	v34 =	vld [tilespmem:s23+$0xFFFFFC50]  }
0x83: {  	v32 =	vld [tilespmem:s23+$0xFFFFFCD0]  }
0x84: {  	v33 =	vld [tilespmem:s23+$0xFFFFFD50]  }
0x85: {  	v31 =	vld [tilespmem:s23+$0xFFFFFDD0]  }
0x86: {  	v39 =	vld [tilespmem:s23+$0xFFFFFC40]  }
0x87: {  	v38 =	vld [tilespmem:s23+$0xFFFFFCC0]  }
0x88: {  	v37 =	vld [tilespmem:s23+$0xFFFFFD40]  }
0x89: {  	v35 =	vld [tilespmem:s23+$0xFFFFFDC0]  }
0x8a: {  	v36 =	vld [tilespmem:s23+$0xFFFFFE40]  }
0x8b: {  	v44 =	vld [tilespmem:s23+$0xFFFFFC30]  }
0x8c: {  	v42 =	vld [tilespmem:s23+$0xFFFFFCB0]  }
0x8d: {  	v43 =	vld [tilespmem:s23+$0xFFFFFD30]  }
0x8e: {  	v40 =	vld [tilespmem:s23+$0xFFFFFDB0]  }
0x8f: {  	v41 =	vld [tilespmem:s23+$0xFFFFFE30]  }
0x90: {  	v45 =	vld [tilespmem:s23+$0xFFFFFC20]  }
0x91: {  	v46 =	vld [tilespmem:s23+$0xFFFFFCA0]  }
0x92: {  	v47 =	vld [tilespmem:s23+$0xFFFFFD20]  }
0x93: {  	v48 =	vld [tilespmem:s23+$0xFFFFFDA0]  }
0x94: {  	v49 =	vld [tilespmem:s23+$0xFFFFFE20]  }
0x95: {  	v50 =	vld [tilespmem:s23+$0xFFFFFEA0]  }
0x96: {  	v51 =	vld [tilespmem:s23+$0xFFFFFC00]  }
0x97: {  	v52 =	vld [tilespmem:s23+$0xFFFFFC10]  }
0x98: {  	v53 =	vld [tilespmem:s23+$0xFFFFFC80]  }
0x99: {  	v54 =	vld [tilespmem:s23+$0xFFFFFC90]  }
0x9a: {  	v55 =	vld [tilespmem:s23+$0xFFFFFD00]  }
0x9b: {  	v4 =	vld [tilespmem:s23+$0xFFFFFD80]  }
0x9c: {  	v58 =	vld [tilespmem:s23+$0xFFFFFD90]  }
0x9d: {  	v5 =	vld [tilespmem:s23+$0xFFFFFE00]  }
0x9e: {  	v60 =	vld [tilespmem:s23+$0xFFFFFE10]  }
0x9f: {  	v8 =	vmov v61;
	v61 =	vld [tilespmem:s23+$0xFFFFFE80]  }
0xa0: {  	v9 =	vld [tilespmem:s23+$0xFFFFFE90]  }
0xa1: {  	v63 =	vld [tilespmem:s23+$0xFFFFFF00]  }
0xa2: {  	v2 =	vld [tilespmem:s23+$0xFFFFFF10]  }
0xa3: {  	v3 =	vld [tilespmem:s23+$0xFFFFFF80]  }
0xa4: {  	v1 =	vld [tilespmem:s23+$0xFFFFFF90]  }
0xa5: {  	v18 =	vld [tilespmem:s23+$0x0]  }
0xa6: {  	v19 =	vld [tilespmem:s23+$0x10]  }
0xa7: {  	v22 =	vld [tilespmem:s23+$0x80]  }
0xa8: {  	v21 =	vld [tilespmem:s23+$0x90]  }
0xa9: {  	v23 =	vld [tilespmem:s23+$0x100]  }
0xaa: {  	v20 =	vld [tilespmem:s23+$0x110]  }
0xab: {  	v24 =	vld [tilespmem:s23+$0x180];
	v51 =	vmul.f32 v51, v7;
	v52 =	vmul.f32 v52, v8  }
0xac: {  	[tilespmem:$0x1FF10] =	vst v0;
	v0 =	vld [tilespmem:$0xF900];
	v53 =	vmul.f32 v53, v7;
	v54 =	vmul.f32 v54, v8  }
0xad: {  	v4 =	vmul.f32 v4, v7;
	v58 =	vmul.f32 v58, v8;
	v51 =	vadd.f32 v52, v51;
	v52 =	vld [tilespmem:s23+$0x190]  }
0xae: {  	v5 =	vmul.f32 v5, v7;
	v60 =	vmul.f32 v60, v8;
	v53 =	vadd.f32 v54, v53;
	v54 =	vld [tilespmem:s23+$0x200]  }
0xaf: {  	v61 =	vmul.f32 v61, v7;
	v9 =	vmul.f32 v9, v8;
	v4 =	vadd.f32 v58, v4;
	v58 =	vld [tilespmem:s23+$0x280]  }
0xb0: {  	v63 =	vmul.f32 v63, v7;
	v2 =	vmul.f32 v2, v8;
	v5 =	vadd.f32 v60, v5;
	v60 =	vld [tilespmem:s23+$0x290]  }
0xb1: {  	v3 =	vmul.f32 v3, v7;
	v1 =	vmul.f32 v1, v8;
	v61 =	vadd.f32 v9, v61;
	v9 =	vld [tilespmem:s23+$0x300]  }
0xb2: {  	v18 =	vmul.f32 v18, v7;
	v19 =	vmul.f32 v19, v8;
	v2 =	vadd.f32 v2, v63;
	v63 =	vld [tilespmem:s23+$0x310]  }
0xb3: {  	v22 =	vmul.f32 v22, v7;
	v21 =	vmul.f32 v21, v8;
	v1 =	vadd.f32 v1, v3;
	v3 =	vld [tilespmem:s23+$0x380]  }
0xb4: {  	v23 =	vmul.f32 v23, v7;
	v20 =	vmul.f32 v20, v8;
	v18 =	vadd.f32 v19, v18;
	v19 =	vld [tilespmem:s23+$0x390]  }
0xb5: {  	v45 =	vmul.f32 v45, v6;
	v21 =	vadd.f32 v21, v22;
	v22 =	vld [tilespmem:s23+$0xFFFFFF20]  }
0xb6: {  	v49 =	vmul.f32 v49, v6;
	v20 =	vadd.f32 v20, v23;
	v23 =	vld [tilespmem:s23+$0xFFFFFFA0]  }
0xb7: {  	v46 =	vmul.f32 v46, v6;
	v45 =	vadd.f32 v45, v51;
	v51 =	vld [tilespmem:s23+$0x2A0]  }
0xb8: {  	v24 =	vmul.f32 v24, v7;
	v49 =	vadd.f32 v49, v5;
	v5 =	vld [tilespmem:$0x1FF90]  }
0xb9: {  	v46 =	vadd.f32 v46, v53;
	v53 =	vld [tilespmem:s23+$0x320];
	v52 =	vmul.f32 v52, v8;
	v58 =	vmul.f32 v58, v7  }
0xba: {  	[tilespmem:$0x1FF20] =	vst v0;
	v0 =	vld [tilespmem:s23+$0xFFFFFD10];
	v60 =	vmul.f32 v60, v8;
	v3 =	vmul.f32 v3, v7  }
0xbb: {  	v19 =	vmul.f32 v19, v8;
	v22 =	vmul.f32 v22, v6;
	v24 =	vadd.f32 v52, v24;
	v52 =	vld [tilespmem:s23+$0x20]  }
0xbc: {  	v55 =	vmul.f32 v55, v7;
	v23 =	vmul.f32 v23, v6;
	v58 =	vadd.f32 v60, v58;
	v60 =	vld [tilespmem:s23+$0x120]  }
0xbd: {  	v3 =	vadd.f32 v19, v3;
	v2 =	vadd.f32 v22, v2;
	v22 =	vld [tilespmem:s23+$0xFFFFFEB0];
	v44 =	vmul.f32 v44, v5  }
0xbe: {  	v19 =	vmul.f32 v48, v6;
	v1 =	vadd.f32 v23, v1;
	v23 =	vld [tilespmem:s23+$0xFFFFFF30];
	v42 =	vmul.f32 v42, v5  }
0xbf: {  	v40 =	vmul.f32 v40, v5;
	v0 =	vmul.f32 v0, v8;
	v44 =	vadd.f32 v44, v45;
	v45 =	vld [tilespmem:s23+$0x230]  }
0xc0: {  	v41 =	vmul.f32 v41, v5;
	v19 =	vadd.f32 v19, v4;
	v42 =	vadd.f32 v42, v46;
	v46 =	vld [tilespmem:s23+$0x2B0]  }
0xc1: {  	v47 =	vmul.f32 v47, v6;
	v50 =	vmul.f32 v50, v6;
	v55 =	vadd.f32 v0, v55;
	v0 =	vld [tilespmem:s23+$0x210]  }
0xc2: {  	v19 =	vadd.f32 v40, v19;
	v40 =	vadd.f32 v41, v49;
	v41 =	vld [tilespmem:s23+$0x330]  }
0xc3: {  	v50 =	vadd.f32 v50, v61;
	v47 =	vadd.f32 v47, v55;
	v55 =	vld [tilespmem:s23+$0x3A0];
	v61 =	vmul.f32 v60, v6  }
0xc4: {  	v39 =	vmul.f32 v39, v17;
	v60 =	vld [tilespmem:s23+$0xB0];
	v22 =	vmul.f32 v22, v5  }
0xc5: {  	v9 =	vmul.f32 v9, v7;
	v63 =	vmul.f32 v63, v8;
	v20 =	vadd.f32 v61, v20;
	v61 =	vld [tilespmem:s23+$0x1B0]  }
0xc6: {  	v38 =	vmul.f32 v38, v17;
	v37 =	vmul.f32 v37, v17;
	v22 =	vadd.f32 v22, v50;
	v50 =	vld [tilespmem:s23+$0x3B0]  }
0xc7: {  	v54 =	vmul.f32 v54, v7;
	v0 =	vmul.f32 v0, v8;
	v8 =	vadd.f32 v63, v9;
	v63 =	vld [tilespmem:s23+$0x1A0]  }
0xc8: {  	v35 =	vmul.f32 v35, v17;
	v23 =	vmul.f32 v23, v5;
	v9 =	vld [tilespmem:s23+$0x220]  }
0xc9: {  	v36 =	vmul.f32 v36, v17;
	v52 =	vmul.f32 v52, v6;
	v54 =	vadd.f32 v0, v54;
	v0 =	vld [tilespmem:s23+$0xA0]  }
0xca: {  	v51 =	vmul.f32 v51, v6;
	v2 =	vadd.f32 v23, v2;
	v23 =	vld [tilespmem:s23+$0xFFFFFEC0];
	v55 =	vmul.f32 v55, v6  }
0xcb: {  	v53 =	vmul.f32 v53, v6;
	v43 =	vmul.f32 v43, v5;
	v18 =	vadd.f32 v52, v18;
	v52 =	vld [tilespmem:s23+$0xFFFFFF50]  }
0xcc: {  	v51 =	vadd.f32 v51, v58;
	v3 =	vadd.f32 v55, v3;
	v55 =	vld [tilespmem:s23+$0x240];
	v4 =	vmul.f32 v63, v6  }
0xcd: {  	v39 =	vadd.f32 v39, v44;
	v38 =	vadd.f32 v38, v42;
	v48 =	vmul.f32 v9, v6;
	v9 =	vld [tilespmem:s23+$0x30]  }
0xce: {  	v19 =	vadd.f32 v35, v19;
	v0 =	vmul.f32 v0, v6;
	v24 =	vadd.f32 v4, v24;
	v4 =	vld [tilespmem:s23+$0x130]  }
0xcf: {  	v36 =	vadd.f32 v36, v40;
	v45 =	vmul.f32 v45, v5;
	v48 =	vadd.f32 v48, v54;
	v54 =	vld [tilespmem:s23+$0x1C0]  }
0xd0: {  	v43 =	vadd.f32 v43, v47;
	v61 =	vmul.f32 v61, v5;
	v21 =	vadd.f32 v0, v21;
	v0 =	vld [tilespmem:s23+$0xFFFFFFB0]  }
0xd1: {  	v46 =	vmul.f32 v46, v5;
	v41 =	vmul.f32 v41, v5;
	v45 =	vadd.f32 v45, v48;
	v48 =	vld [tilespmem:s23+$0xC0]  }
0xd2: {  	v53 =	vadd.f32 v53, v8;
	v24 =	vadd.f32 v61, v24;
	v61 =	vld [tilespmem:s23+$0x340];
	v8 =	vmul.f32 v9, v5  }
0xd3: {  	v46 =	vadd.f32 v46, v51;
	v37 =	vadd.f32 v37, v43;
	v9 =	vmul.f32 v60, v5;
	v60 =	vld [tilespmem:s23+$0xFFFFFF40]  }
0xd4: {  	v50 =	vmul.f32 v50, v5;
	v41 =	vadd.f32 v41, v53;
	v18 =	vadd.f32 v8, v18;
	v8 =	vld [tilespmem:s23+$0x40]  }
0xd5: {  	v23 =	vmul.f32 v23, v17;
	v42 =	vmul.f32 v55, v17;
	v21 =	vadd.f32 v9, v21;
	v9 =	vld [tilespmem:s23+$0x140]  }
0xd6: {  	v3 =	vadd.f32 v50, v3;
	v58 =	vmul.f32 v4, v5;
	v44 =	vmul.f32 v54, v17;
	v4 =	vld [tilespmem:$0x1FF30]  }
0xd7: {  	v53 =	vld [tilespmem:s23+$0xFFFFFFD0];
	v22 =	vadd.f32 v23, v22;
	v42 =	vadd.f32 v42, v45;
	v63 =	vmul.f32 v0, v5  }
0xd8: {  	v20 =	vadd.f32 v58, v20;
	v58 =	vld [tilespmem:s23+$0x2C0];
	v48 =	vmul.f32 v48, v17;
	v24 =	vadd.f32 v44, v24  }
0xd9: {  	v40 =	vmul.f32 v61, v17;
	v47 =	vmul.f32 v60, v17;
	v1 =	vadd.f32 v63, v1;
	v63 =	vld [tilespmem:s23+$0xFFFFFFC0]  }
0xda: {  	v21 =	vadd.f32 v48, v21;
	v23 =	vmul.f32 v8, v17;
	v8 =	vld [tilespmem:s23+$0xFFFFFE50];
	v9 =	vmul.f32 v9, v17  }
0xdb: {  	v54 =	vld [tilespmem:s23+$0x50];
	v2 =	vadd.f32 v47, v2;
	v34 =	vmul.f32 v34, v4;
	v32 =	vmul.f32 v32, v4  }
0xdc: {  	v33 =	vmul.f32 v33, v4;
	v31 =	vmul.f32 v31, v4;
	v18 =	vadd.f32 v23, v18;
	v23 =	vld [tilespmem:s23+$0xFFFFFED0]  }
0xdd: {  	v47 =	vadd.f32 v40, v41;
	v61 =	vmul.f32 v53, v4;
	v43 =	vmul.f32 v58, v17;
	v58 =	vld [tilespmem:s23+$0x150]  }
0xde: {  	v20 =	vadd.f32 v9, v20;
	v49 =	vadd.f32 v32, v38;
	v60 =	vmul.f32 v63, v17;
	v63 =	vld [tilespmem:s23+$0x3C0]  }
0xdf: {  	v40 =	vld [tilespmem:s23+$0xD0];
	v50 =	vadd.f32 v33, v37;
	v31 =	vadd.f32 v31, v19;
	v9 =	vmul.f32 v8, v4  }
0xe0: {  	v0 =	vld [tilespmem:s23+$0xE0];
	v43 =	vadd.f32 v43, v46;
	v1 =	vadd.f32 v60, v1;
	v60 =	vmul.f32 v52, v4  }
0xe1: {  	v41 =	vld [tilespmem:s23+$0x1D0];
	v46 =	vadd.f32 v34, v39;
	v23 =	vmul.f32 v23, v4;
	v48 =	vadd.f32 v9, v36  }
0xe2: {  	v19 =	vld [tilespmem:s23+$0x250];
	v34 =	vadd.f32 v60, v2;
	v36 =	vadd.f32 v61, v1;
	v1 =	vmul.f32 v58, v4  }
0xe3: {  	v8 =	vld [tilespmem:s23+$0x2D0];
	v55 =	vmul.f32 v63, v17;
	v63 =	vmul.f32 v54, v4;
	v9 =	vadd.f32 v23, v22  }
0xe4: {  	v2 =	vld [tilespmem:s23+$0x350];
	v22 =	vmul.f32 v40, v4;
	v38 =	vadd.f32 v1, v20;
	v20 =	vmul.f32 v26, v16  }
0xe5: {  	v23 =	vld [tilespmem:s23+$0x3D0];
	v26 =	vmul.f32 v30, v56;
	v30 =	vmul.f32 v12, v56;
	v35 =	vadd.f32 v63, v18  }
0xe6: {  	v58 =	vld [tilespmem:s23+$0xFFFFFEE0];
	v37 =	vadd.f32 v22, v21;
	v18 =	vmul.f32 v25, v16;
	v21 =	vmul.f32 v41, v4  }
0xe7: {  	v60 =	vld [tilespmem:s23+$0xFFFFFFE0];
	v3 =	vadd.f32 v55, v3;
	v22 =	vmul.f32 v19, v4;
	v55 =	vmul.f32 v28, v16  }
0xe8: {  	v61 =	vld [tilespmem:s23+$0x60];
	v28 =	vmul.f32 v13, v56;
	v39 =	vadd.f32 v21, v24;
	v21 =	vmul.f32 v27, v16  }
0xe9: {  	v1 =	vld [tilespmem:s23+$0xFFFFFF60];
	v32 =	vadd.f32 v26, v46;
	v24 =	vmul.f32 v8, v4;
	v2 =	vmul.f32 v2, v4  }
0xea: {  	v40 =	vadd.f32 v22, v42;
	v22 =	vmul.f32 v29, v16;
	v25 =	vmul.f32 v23, v4;
	v4 =	vld [tilespmem:s23+$0x260]  }
0xeb: {  	v27 =	vmul.f32 v15, v56;
	v29 =	vmul.f32 v11, v56;
	v42 =	vadd.f32 v2, v47;
	v2 =	vld [tilespmem:s23+$0x160]  }
0xec: {  	v63 =	vmul.f32 v58, v56;
	v41 =	vadd.f32 v24, v43;
	v43 =	vadd.f32 v25, v3;
	v3 =	vld [tilespmem:s23+$0x1E0]  }
0xed: {  	v45 =	vld [tilespmem:s23+$0x2E0];
	v30 =	vadd.f32 v30, v48;
	v5 =	vmul.f32 v60, v56;
	v46 =	vmul.f32 v61, v56  }
0xee: {  	v44 =	vld [tilespmem:s23+$0x360];
	v28 =	vadd.f32 v28, v50;
	v50 =	vmul.f32 v0, v56;
	v23 =	vmul.f32 v59, v16  }
0xef: {  	v48 =	vld [tilespmem:s23+$0x70];
	v24 =	vmul.f32 v14, v16;
	v33 =	vadd.f32 v27, v49;
	v1 =	vmul.f32 v1, v56  }
0xf0: {  	v29 =	vadd.f32 v29, v31;
	v47 =	vld [tilespmem:s23+$0x3E0];
	v25 =	vmul.f32 v10, v16;
	v52 =	vmul.f32 v4, v56  }
0xf1: {  	s24 =	simm.s32 $0x0;
	s25 =	simm.s32 $0x10;
	v31 =	vadd.f32 v63, v9;
	v49 =	vld [tilespmem:s23+$0xF0];
	v51 =	vmul.f32 v2, v56;
	v53 =	vmul.f32 v3, v56  }
.LBB2_4:
0xf2: {  	v29 =	vadd.f32 v55, v29;
	v27 =	vadd.f32 v46, v35  }
0xf3: {  	v4 =	vld [tilespmem:$0x1FFA0];
	v60 =	vadd.f32 v50, v37;
	v8 =	vadd.f32 v51, v38  }
0xf4: {  	v3 =	vld [tilespmem:s23+$0x170];
	v9 =	vadd.f32 v53, v39;
	v40 =	vadd.f32 v52, v40  }
0xf5: {  	v61 =	vld [tilespmem:s23+$0x1F0];
	v1 =	vadd.f32 v1, v34;
	v2 =	vadd.f32 v5, v36  }
0xf6: {  	v10 =	vld [tilespmem:s23+$0x270];
	v26 =	vmul.f32 v45, v56;
	v63 =	vmul.f32 v44, v56;
	v32 =	vadd.f32 v18, v32  }
0xf7: {  	v13 =	vld [tilespmem:s23+$0x2F0];
	v11 =	vmul.f32 v47, v56;
	v20 =	vadd.f32 v20, v33;
	v30 =	vadd.f32 v22, v30  }
0xf8: {  	v31 =	vadd.f32 v23, v31;
	v12 =	vmul.f32 v48, v4;
	v14 =	vmul.f32 v49, v4  }
0xf9: {  	v15 =	vld [tilespmem:s23+$0x370];
	v3 =	vmul.f32 v3, v4;
	v49 =	vadd.f32 v21, v28;
	v26 =	vadd.f32 v26, v41  }
0xfa: {  	v28 =	vmul.f32 v61, v4;
	v36 =	vadd.f32 v63, v42;
	v43 =	vadd.f32 v11, v43  }
0xfb: {  	v50 =	vmul.f32 v10, v4;
	v1 =	vadd.f32 v24, v1;
	v2 =	vadd.f32 v25, v2  }
0xfc: {  	v25 =	vmul.f32 v13, v4;
	v55 =	vsel vm0, v32, v20;
	v59 =	vsel vm0, v30, v31  }
0xfd: {  	v20 =	vsel vm0, v20, v32;
	v51 =	vadd.f32 v12, v27;
	v34 =	vadd.f32 v14, v60  }
0xfe: {  	v48 =	vld [tilespmem:s23+$0x3F0];
	v27 =	vmul.f32 v15, v4;
	v3 =	vadd.f32 v3, v8;
	v52 =	vadd.f32 v28, v9  }
0xff: {  	v53 =	vadd.f32 v50, v40;
	v58 =	vsel vm0, v49, v29;
	v8 =	vsel vm0, v29, v49  }
0x100: {  	v9 =	vsel vm0, v31, v30;
	v20 =	vperm.xlane v20, v57;
	v54 =	vadd.f32 v25, v26  }
0x101: {  	v60 =	vsel vm0, v1, v2;
	v1 =	vsel vm0, v2, v1;
	v32 =	vperm.xlane v8, v57  }
0x102: {  	v10 =	vperm.xlane v9, v57;
	v36 =	vadd.f32 v27, v36;
	v45 =	vsel vm0, v51, v34  }
0x103: {  	v61 =	vsel vm0, v3, v52;
	v2 =	vsel vm0, v34, v51;
	v28 =	vmul.f32 v48, v4  }
0x104: {  	v3 =	vsel vm0, v52, v3;
	v1 =	vperm.xlane v1, v57;
	v20 =	vadd.f32 v55, v20  }
0x105: {  	v63 =	vsel vm0, v53, v54;
	v33 =	vsel vm0, v54, v53;
	v56 =	vadd.f32 v28, v43  }
0x106: {  	v0 =	vld [tilespmem:$0x1FFD0];
	v2 =	vperm.xlane v2, v57;
	v3 =	vperm.xlane v3, v57;
	v32 =	vadd.f32 v58, v32  }
0x107: {  	s23 =	sadd.s32 $0x800, s23;
	v37 =	vadd.f32 v59, v10;
	v33 =	vperm.xlane v33, v57;
	v11 =	vsel vm0, v56, v36  }
0x108: {  	v18 =	vld [tilespmem:s23+$0xFFFFFC70];
	v1 =	vadd.f32 v60, v1;
	v2 =	vadd.f32 v45, v2;
	v39 =	vperm.xlane v11, v57  }
0x109: {  	v19 =	vld [tilespmem:s23+$0xFFFFFCF0];
	v3 =	vadd.f32 v61, v3;
	v12 =	vsel vm1, v20, v32;
	v36 =	vsel vm0, v36, v56  }
0x10a: {  	v21 =	vld [tilespmem:s23+$0xFFFFFD70];
	v20 =	vsel vm1, v32, v20;
	v33 =	vadd.f32 v63, v33;
	v36 =	vadd.f32 v36, v39  }
0x10b: {  	v22 =	vld [tilespmem:s23+$0xFFFFFDF0];
	v43 =	vsel vm1, v37, v1;
	v1 =	vsel vm1, v1, v37;
	v20 =	vperm.xlane v20, v0  }
0x10c: {  	v23 =	vld [tilespmem:s23+$0xFFFFFE70];
	v13 =	vsel vm1, v3, v2;
	v1 =	vperm.xlane v1, v0;
	v14 =	vsel vm1, v36, v33  }
0x10d: {  	v2 =	vsel vm1, v2, v3;
	v3 =	vperm.xlane v13, v0;
	v15 =	vperm.xlane v14, v0;
	v0 =	vld [tilespmem:$0x1FFE0]  }
0x10e: {  	v24 =	vld [tilespmem:s23+$0xFFFFFEF0];
	v20 =	vadd.f32 v12, v20;
	v1 =	vadd.f32 v43, v1;
	v33 =	vsel vm1, v33, v36  }
0x10f: {  	v35 =	vld [tilespmem:s23+$0xFFFFFF60];
	v2 =	vadd.f32 v2, v3;
	v3 =	vadd.f32 v33, v15  }
0x110: {  	v38 =	vld [tilespmem:s23+$0xFFFFFFE0]  }
0x111: {  	v41 =	vld [tilespmem:s23+$0xFFFFFC50];
	v15 =	vsel vm2, v1, v20;
	v33 =	vsel vm2, v3, v2  }
0x112: {  	v32 =	vperm.xlane v15, v0;
	v33 =	vperm.xlane v33, v0;
	v0 =	vld [tilespmem:$0x1FFC0]  }
0x113: {  	v44 =	vld [tilespmem:s23+$0xFFFFFED0];
	v1 =	vsel vm2, v20, v1;
	v2 =	vsel vm2, v2, v3  }
0x114: {  	v42 =	vld [tilespmem:s23+$0xFFFFFF50];
	v1 =	vadd.f32 v1, v32;
	v2 =	vadd.f32 v2, v33  }
0x115: {  	v7 =	vld [tilespmem:s23+$0xFFFFFDA0]  }
0x116: {  	v6 =	vld [tilespmem:s23+$0xFFFFFE20];
	v20 =	vsel vm3, v2, v1  }
0x117: {  	v20 =	vperm.xlane v20, v0;
	v0 =	vld [tilespmem:$0x1FF10]  }
0x118: {  	v5 =	vld [tilespmem:s23+$0xFFFFFEA0]  }
0x119: {  	v17 =	vld [tilespmem:s23+$0xFFFFFF20];
	v1 =	vsel vm3, v1, v2  }
0x11a: {  	v16 =	vld [tilespmem:s23+$0xFFFFFC00];
	v1 =	vadd.f32 v1, v20  }
0x11b: {  	v29 =	vld [tilespmem:s23+$0xFFFFFD60]  }
0x11c: {  	v30 =	vld [tilespmem:s23+$0xFFFFFDE0];
	vm4 =	vgt.f32 v1, v0  }
0x11d: {  	v31 =	vld [tilespmem:s23+$0xFFFFFE60];
	v0 =	vsel vm4, v1, v0  }
0x11e: {  	[tilespmem:$0x1FF10] =	vst v0;
	v0 =	vld [tilespmem:$0x1FF20]  }
0x11f: {  	v40 =	vld [tilespmem:s23+$0xFFFFFCD0]  }
0x120: {  	v49 =	vld [tilespmem:s23+$0xFFFFFD40]  }
0x121: {  	s26 =	sadd.s32 s24, s21;
	v50 =	vld [tilespmem:s23+$0xFFFFFE40]  }
0x122: {  	v25 =	vld [tilespmem:s23+$0xFFFFFF70];
	v20 =	vor.u32 s26, v62  }
0x123: {  	v26 =	vld [tilespmem:s23+$0xFFFFFFF0];
	v0 =	vsel vm4, v20, v0  }
0x124: {  	v8 =	vld [tilespmem:s23+$0xFFFFFCB0];
	[tilespmem:$0x1FF20] =	vst v0;
	v0 =	vmul.f32 v18, v4  }
0x125: {  	v9 =	vld [tilespmem:$0x1FF40]  }
0x126: {  	v27 =	vld [tilespmem:s23+$0xFFFFFC60];
	[tilespmem:$0x1FE40] =	vst v0;
	v0 =	vmul.f32 v19, v4  }
0x127: {  	v34 =	vld [tilespmem:s23+$0xFFFFFEE0]  }
0x128: {  	v51 =	vld [tilespmem:s23+$0xFFFFFEC0];
	[tilespmem:$0x1FEC0] =	vst v0;
	v0 =	vmul.f32 v21, v4  }
0x129: {  	v52 =	vld [tilespmem:s23+$0xFFFFFF40]  }
0x12a: {  	v55 =	vld [tilespmem:$0x1FF70];
	[tilespmem:$0x1FE30] =	vst v0;
	v0 =	vmul.f32 v23, v4  }
0x12b: {  	v48 =	vld [tilespmem:s23+$0xFFFFFCC0]  }
0x12c: {  	v10 =	vld [tilespmem:s23+$0xFFFFFD30];
	[tilespmem:$0x1FE20] =	vst v0;
	v0 =	vmul.f32 v24, v4  }
0x12d: {  	v58 =	vld [tilespmem:s23+$0xFFFFFDB0]  }
0x12e: {  	v59 =	vld [tilespmem:s23+$0xFFFFFEB0];
	[tilespmem:$0x1FE50] =	vst v0;
	v0 =	vmul.f32 v25, v4  }
0x12f: {  	v54 =	vld [tilespmem:$0x1FF50]  }
0x130: {  	v47 =	vmul.f32 v22, v4;
	[tilespmem:$0x1FE60] =	vst v0;
	v0 =	vmul.f32 v26, v4;
	v4 =	vld [tilespmem:$0x1FF40]  }
0x131: {  	v60 =	vld [tilespmem:$0x1FF40]  }
0x132: {  	v22 =	vld [tilespmem:s23+$0xFFFFFD80]  }
0x133: {  	v28 =	vld [tilespmem:s23+$0xFFFFFCE0]  }
0x134: {  	v45 =	vld [tilespmem:s23+$0xFFFFFE50]  }
0x135: {  	[tilespmem:$0x1FE70] =	vst v0;
	v0 =	vmul.f32 v27, v4;
	v4 =	vld [tilespmem:$0x1FF40]  }
0x136: {  	v61 =	vld [tilespmem:$0x1FF40]  }
0x137: {  	v37 =	vld [tilespmem:s23+$0xFFFFFDD0]  }
0x138: {  	v63 =	vld [tilespmem:s23+$0xFFFFFCA0]  }
0x139: {  	v56 =	vld [tilespmem:$0x1FF40]  }
0x13a: {  	[tilespmem:$0x1FE90] =	vst v0;
	v0 =	vmul.f32 v28, v4;
	v4 =	vld [tilespmem:$0x1FF40]  }
0x13b: {  	v11 =	vld [tilespmem:s23+$0xFFFFFF30]  }
0x13c: {  	v12 =	vld [tilespmem:s23+$0xFFFFFFB0]  }
0x13d: {  	v13 =	vld [tilespmem:s23+$0xFFFFFD20]  }
0x13e: {  	v43 =	vld [tilespmem:s23+$0xFFFFFFD0]  }
0x13f: {  	[tilespmem:$0x1FEA0] =	vst v0;
	v0 =	vmul.f32 v29, v4;
	v4 =	vld [tilespmem:$0x1FF40]  }
0x140: {  	v39 =	vld [tilespmem:s23+$0xFFFFFD50]  }
0x141: {  	v36 =	vld [tilespmem:s23+$0xFFFFFC40]  }
0x142: {  	v14 =	vld [tilespmem:s23+$0xFFFFFF10]  }
0x143: {  	v3 =	vld [tilespmem:s23+$0xFFFFFDC0]  }
0x144: {  	v15 =	vld [tilespmem:s23+$0x290];
	[tilespmem:$0x1FEB0] =	vst v0;
	v0 =	vmul.f32 v30, v4  }
0x145: {  	v32 =	vld [tilespmem:s23+$0xFFFFFFC0]  }
0x146: {  	v33 =	vld [tilespmem:s23+$0xFFFFFC20];
	[tilespmem:$0x1FED0] =	vst v0;
	v0 =	vmul.f32 v31, v9  }
0x147: {  	v2 =	vld [tilespmem:s23+$0xFFFFFC30]  }
0x148: {  	v62 =	vld [tilespmem:s23+$0xFFFFFF80];
	[tilespmem:$0x1FEF0] =	vst v0;
	v0 =	vmul.f32 v34, v56  }
0x149: {  	v1 =	vld [tilespmem:s23+$0xFFFFFE30]  }
0x14a: {  	v20 =	vld [tilespmem:s23+$0xFFFFFC90];
	[tilespmem:$0x1FF00] =	vst v0;
	v0 =	vmul.f32 v35, v60  }
0x14b: {  	v18 =	vld [tilespmem:s23+$0xFFFFFC10]  }
0x14c: {  	[tilespmem:$0x1FE80] =	vst v0;
	v0 =	vmul.f32 v38, v61;
	v61 =	vld [tilespmem:$0x1FF30]  }
0x14d: {  	v19 =	vld [tilespmem:s23+$0xFFFFFC80]  }
0x14e: {  	v21 =	vld [tilespmem:s23+$0xFFFFFD00]  }
0x14f: {  	v23 =	vld [tilespmem:s23+$0xFFFFFD90]  }
0x150: {  	v24 =	vld [tilespmem:s23+$0xFFFFFE00]  }
0x151: {  	v25 =	vld [tilespmem:s23+$0xFFFFFE10];
	[tilespmem:$0x1FEE0] =	vst v0;
	v0 =	vmul.f32 v41, v61  }
0x152: {  	v27 =	vld [tilespmem:s23+$0x10]  }
0x153: {  	v46 =	vmul.f32 v51, v54;
	v60 =	vld [tilespmem:$0x1FF90];
	[tilespmem:$0x1FDA0] =	vst v0;
	v0 =	vmul.f32 v40, v61  }
0x154: {  	v15 =	vmul.f32 v15, v55;
	v20 =	vmul.f32 v20, v55;
	v26 =	vld [tilespmem:s23+$0x0]  }
0x155: {  	v18 =	vmul.f32 v18, v55;
	v4 =	vld [tilespmem:s23+$0xFFFFFFA0];
	[tilespmem:$0x1FDB0] =	vst v0;
	v0 =	vmul.f32 v39, v61  }
0x156: {  	v23 =	vmul.f32 v23, v55;
	v25 =	vmul.f32 v25, v55;
	v9 =	vld [tilespmem:s23+$0x110]  }
0x157: {  	v27 =	vmul.f32 v27, v55;
	v56 =	vld [tilespmem:s23+$0x90];
	[tilespmem:$0x1FDC0] =	vst v0;
	v0 =	vmul.f32 v37, v61  }
0x158: {  	v38 =	vmul.f32 v58, v60;
	v58 =	vld [tilespmem:s23+$0xFFFFFE90];
	v41 =	vmul.f32 v50, v54  }
0x159: {  	v50 =	vmul.f32 v1, v60;
	v1 =	vld [tilespmem:$0x1FF60];
	[tilespmem:$0x1FDD0] =	vst v0;
	v0 =	vmul.f32 v45, v61  }
0x15a: {  	v51 =	vmul.f32 v59, v60;
	v53 =	vmul.f32 v12, v60;
	v12 =	vld [tilespmem:s23+$0x200]  }
0x15b: {  	v59 =	vmul.f32 v14, v55;
	v14 =	vld [tilespmem:s23+$0x280];
	[tilespmem:$0x1FDE0] =	vst v0;
	v0 =	vmul.f32 v44, v61  }
0x15c: {  	v40 =	vmul.f32 v10, v60;
	v10 =	vld [tilespmem:s23+$0x180];
	v39 =	vmul.f32 v36, v54  }
0x15d: {  	v36 =	vmul.f32 v8, v60;
	v8 =	vld [tilespmem:s23+$0x80];
	[tilespmem:$0x1FDF0] =	vst v0;
	v0 =	vmul.f32 v42, v61  }
0x15e: {  	v9 =	vmul.f32 v9, v55;
	v29 =	vmul.f32 v63, v1;
	v63 =	vld [tilespmem:s23+$0xFFFFFF90]  }
0x15f: {  	v56 =	vmul.f32 v56, v55;
	v45 =	vld [tilespmem:s23+$0xFFFFFD10];
	[tilespmem:$0x1FE00] =	vst v0;
	v0 =	vmul.f32 v43, v61  }
0x160: {  	v30 =	vmul.f32 v13, v1;
	v31 =	vmul.f32 v7, v1;
	v7 =	vmov v57;
	v57 =	vld [tilespmem:s23+$0x100]  }
0x161: {  	v35 =	vmul.f32 v17, v1;
	v34 =	vmul.f32 v4, v1;
	[tilespmem:$0x1FE10] =	vst v0;
	v0 =	vld [tilespmem:$0x1FF80]  }
0x162: {  	v37 =	vmul.f32 v2, v60;
	v2 =	vld [tilespmem:s23+$0xFFFFFE80];
	v44 =	vmul.f32 v49, v54  }
0x163: {  	v49 =	vmul.f32 v3, v54;
	v3 =	vld [tilespmem:s23+$0xFFFFFF00];
	v42 =	vmul.f32 v52, v54  }
0x164: {  	v13 =	vld [tilespmem:s23+$0x210];
	v52 =	vmul.f32 v11, v60;
	v45 =	vmul.f32 v45, v55  }
0x165: {  	v4 =	vld [tilespmem:s23+$0x380];
	v43 =	vmul.f32 v32, v54;
	v32 =	vmul.f32 v6, v1  }
0x166: {  	v11 =	vld [tilespmem:s23+$0x190];
	v16 =	vmul.f32 v16, v0;
	v19 =	vmul.f32 v19, v0  }
0x167: {  	v21 =	vmul.f32 v21, v0;
	v6 =	vmul.f32 v2, v0;
	v2 =	vld [tilespmem:s23+$0x300]  }
0x168: {  	v22 =	vmul.f32 v22, v0;
	v17 =	vmul.f32 v3, v0;
	v3 =	vld [tilespmem:s23+$0x310]  }
0x169: {  	v24 =	vmul.f32 v24, v0;
	v16 =	vadd.f32 v18, v16;
	v18 =	vadd.f32 v20, v19;
	v19 =	vld [tilespmem:s23+$0x390]  }
0x16a: {  	v13 =	vmul.f32 v13, v55;
	v20 =	vadd.f32 v45, v21;
	v21 =	vadd.f32 v23, v22;
	v22 =	vld [tilespmem:s23+$0x20]  }
0x16b: {  	v11 =	vmul.f32 v11, v55;
	v26 =	vmul.f32 v26, v0;
	v23 =	vadd.f32 v25, v24;
	v24 =	vld [tilespmem:s23+$0xA0]  }
0x16c: {  	v57 =	vmul.f32 v57, v0;
	v10 =	vmul.f32 v10, v0;
	v45 =	vld [tilespmem:s23+$0x120]  }
0x16d: {  	v12 =	vmul.f32 v12, v0;
	v14 =	vmul.f32 v14, v0;
	v26 =	vadd.f32 v27, v26;
	v27 =	vld [tilespmem:s23+$0x1A0]  }
0x16e: {  	v58 =	vmul.f32 v58, v55;
	v8 =	vmul.f32 v8, v0;
	v10 =	vadd.f32 v11, v10;
	v11 =	vld [tilespmem:s23+$0x220]  }
0x16f: {  	v28 =	vmul.f32 v33, v1;
	v12 =	vadd.f32 v13, v12;
	v13 =	vadd.f32 v15, v14;
	v14 =	vld [tilespmem:s23+$0x2A0]  }
0x170: {  	v33 =	vmul.f32 v5, v1;
	v63 =	vmul.f32 v63, v55;
	v8 =	vadd.f32 v56, v8;
	v56 =	vld [tilespmem:$0x1FF40]  }
0x171: {  	v62 =	vmul.f32 v62, v0;
	v9 =	vadd.f32 v9, v57;
	v57 =	vmovc v7;
	v7 =	vadd.f32 v31, v21;
	v21 =	vld [tilespmem:s23+$0x30]  }
0x172: {  	v5 =	vadd.f32 v58, v6;
	v58 =	vmul.f32 v2, v0;
	v2 =	vmul.f32 v4, v0;
	v0 =	vld [tilespmem:s23+$0x320]  }
0x173: {  	v25 =	vadd.f32 v63, v62;
	v15 =	vmul.f32 v24, v1;
	v24 =	vld [tilespmem:s23+$0x3A0]  }
0x174: {  	v59 =	vadd.f32 v59, v17;
	v6 =	vadd.f32 v32, v23;
	v23 =	vld [tilespmem:s23+$0x130]  }
0x175: {  	v17 =	vadd.f32 v34, v25;
	v34 =	vld [tilespmem:s23+$0x1B0];
	v19 =	vmul.f32 v19, v55;
	v22 =	vmul.f32 v22, v1  }
0x176: {  	v25 =	vld [tilespmem:s23+$0xC0];
	v4 =	vadd.f32 v33, v5;
	v27 =	vmul.f32 v27, v1;
	v11 =	vmul.f32 v11, v1  }
0x177: {  	v5 =	vld [tilespmem:s23+$0xB0];
	v14 =	vmul.f32 v14, v1;
	v2 =	vadd.f32 v19, v2;
	v19 =	vmul.f32 v45, v1  }
0x178: {  	v20 =	vadd.f32 v30, v20;
	v0 =	vmul.f32 v0, v1;
	v24 =	vmul.f32 v24, v1;
	v1 =	vld [tilespmem:s23+$0x330]  }
0x179: {  	v16 =	vadd.f32 v28, v16;
	v3 =	vmul.f32 v3, v55;
	v6 =	vadd.f32 v50, v6;
	v50 =	vld [tilespmem:s23+$0x1C0]  }
0x17a: {  	v20 =	vadd.f32 v40, v20;
	v17 =	vadd.f32 v53, v17;
	v53 =	vld [tilespmem:s23+$0x250]  }
0x17b: {  	v63 =	vadd.f32 v3, v58;
	v4 =	vadd.f32 v51, v4;
	v51 =	vld [tilespmem:s23+$0x240]  }
0x17c: {  	v18 =	vadd.f32 v29, v18;
	v7 =	vadd.f32 v38, v7;
	v58 =	vld [tilespmem:s23+$0x2D0]  }
0x17d: {  	v20 =	vadd.f32 v44, v20;
	v44 =	vld [tilespmem:s23+$0x360];
	v0 =	vadd.f32 v0, v63;
	v1 =	vmul.f32 v1, v60  }
0x17e: {  	v55 =	vmovc v47;
	v47 =	vadd.f32 v37, v16;
	v16 =	vadd.f32 v36, v18;
	v18 =	vmul.f32 v23, v60;
	v23 =	vld [tilespmem:s23+$0x3B0]  }
0x17f: {  	v0 =	vadd.f32 v1, v0;
	v1 =	vld [tilespmem:s23+$0x340]  }
0x180: {  	v7 =	vadd.f32 v49, v7;
	v49 =	vld [tilespmem:s23+$0xF0]  }
0x181: {  	v3 =	vadd.f32 v35, v59;
	v45 =	vld [tilespmem:s23+$0x2B0]  }
0x182: {  	v22 =	vadd.f32 v22, v26;
	v26 =	vld [tilespmem:s23+$0x140];
	v9 =	vadd.f32 v19, v9  }
0x183: {  	v35 =	vadd.f32 v14, v13;
	v3 =	vadd.f32 v52, v3;
	v52 =	vld [tilespmem:s23+$0x2C0]  }
0x184: {  	v9 =	vadd.f32 v18, v9;
	v18 =	vmul.f32 v23, v60;
	v23 =	vld [tilespmem:s23+$0x3C0];
	v1 =	vmul.f32 v1, v54  }
0x185: {  	v48 =	vmul.f32 v48, v54;
	v14 =	vadd.f32 v39, v47;
	v47 =	vld [tilespmem:s23+$0x3E0];
	v2 =	vadd.f32 v24, v2  }
0x186: {  	v0 =	vadd.f32 v1, v0;
	v1 =	vld [tilespmem:s23+$0x350]  }
0x187: {  	v16 =	vadd.f32 v48, v16;
	v48 =	vld [tilespmem:s23+$0x70];
	v2 =	vadd.f32 v18, v2;
	v18 =	vmul.f32 v26, v54  }
0x188: {  	v19 =	vld [tilespmem:s23+$0x230]  }
0x189: {  	v24 =	vld [tilespmem:s23+$0x40];
	v9 =	vadd.f32 v18, v9;
	v18 =	vmul.f32 v23, v54  }
0x18a: {  	v13 =	vmul.f32 v45, v60;
	v45 =	vld [tilespmem:s23+$0x2E0]  }
0x18b: {  	v2 =	vadd.f32 v18, v2;
	v18 =	vld [tilespmem:$0x1FDA0];
	v1 =	vmul.f32 v1, v61  }
0x18c: {  	v8 =	vadd.f32 v15, v8;
	v21 =	vmul.f32 v21, v60;
	v26 =	vld [tilespmem:s23+$0x150]  }
0x18d: {  	v15 =	vmul.f32 v34, v60;
	v3 =	vadd.f32 v42, v3;
	v42 =	vadd.f32 v1, v0;
	v0 =	vld [tilespmem:$0x1FE90]  }
0x18e: {  	v5 =	vmul.f32 v5, v60;
	v19 =	vmul.f32 v19, v60;
	v60 =	vld [tilespmem:s23+$0x260]  }
0x18f: {  	v11 =	vadd.f32 v11, v12;
	v21 =	vadd.f32 v21, v22;
	v22 =	vmul.f32 v24, v54;
	v24 =	vld [tilespmem:s23+$0x50]  }
0x190: {  	v14 =	vadd.f32 v18, v14;
	v18 =	vld [tilespmem:$0x1FDB0]  }
0x191: {  	v11 =	vadd.f32 v19, v11;
	v19 =	vmul.f32 v25, v54;
	v25 =	vld [tilespmem:s23+$0xD0]  }
0x192: {  	v5 =	vadd.f32 v5, v8;
	v32 =	vadd.f32 v0, v14;
	v0 =	vld [tilespmem:$0x1FEA0]  }
0x193: {  	v23 =	vld [tilespmem:s23+$0x3D0]  }
0x194: {  	v5 =	vadd.f32 v19, v5;
	v19 =	vld [tilespmem:s23+$0x1D0]  }
0x195: {  	v21 =	vadd.f32 v22, v21;
	v22 =	vmul.f32 v24, v61;
	v24 =	vld [tilespmem:$0x1FDC0];
	v16 =	vadd.f32 v18, v16  }
0x196: {  	v59 =	vmul.f32 v25, v61;
	v25 =	vld [tilespmem:$0x1FDE0]  }
0x197: {  	v33 =	vadd.f32 v0, v16;
	v0 =	vld [tilespmem:$0x1FEB0]  }
0x198: {  	v63 =	vmul.f32 v23, v61;
	v23 =	vld [tilespmem:$0x1FE50]  }
0x199: {  	v37 =	vadd.f32 v59, v5;
	v5 =	vld [tilespmem:s23+$0x1E0]  }
0x19a: {  	v20 =	vadd.f32 v24, v20;
	v24 =	vld [tilespmem:$0x1FDD0]  }
0x19b: {  	v18 =	vmul.f32 v26, v61;
	v26 =	vld [tilespmem:$0x1FE00]  }
0x19c: {  	v6 =	vadd.f32 v41, v6;
	v28 =	vadd.f32 v0, v20;
	v0 =	vld [tilespmem:$0x1FED0]  }
0x19d: {  	v12 =	vadd.f32 v13, v35;
	v35 =	vadd.f32 v22, v21;
	v22 =	vld [tilespmem:$0x1FE20]  }
0x19e: {  	v10 =	vadd.f32 v27, v10;
	v6 =	vadd.f32 v25, v6;
	v25 =	vld [tilespmem:$0x1FDF0]  }
0x19f: {  	v21 =	vld [tilespmem:$0x1FE30];
	v7 =	vadd.f32 v24, v7  }
0x1a0: {  	v10 =	vadd.f32 v15, v10;
	v8 =	vmul.f32 v50, v54;
	v34 =	vadd.f32 v26, v3;
	v3 =	vld [tilespmem:$0x1FE10]  }
0x1a1: {  	v4 =	vadd.f32 v46, v4;
	v29 =	vadd.f32 v0, v7;
	v0 =	vld [tilespmem:$0x1FEF0]  }
0x1a2: {  	v8 =	vadd.f32 v8, v10;
	v10 =	vmul.f32 v53, v61;
	v53 =	vmul.f32 v5, v56;
	v5 =	vld [tilespmem:$0x1FEE0]  }
0x1a3: {  	v17 =	vadd.f32 v43, v17;
	v4 =	vadd.f32 v25, v4;
	v25 =	vld [tilespmem:s23+$0xE0]  }
0x1a4: {  	v13 =	vmul.f32 v52, v54;
	v24 =	vld [tilespmem:s23+$0x60]  }
0x1a5: {  	v15 =	vmul.f32 v51, v54;
	v36 =	vadd.f32 v3, v17;
	v3 =	vld [tilespmem:s23+$0x160]  }
0x1a6: {  	p1 =	seq.s32 s25, $0xE0;
	v12 =	vadd.f32 v13, v12;
	v13 =	vmul.f32 v58, v61;
	v30 =	vadd.f32 v0, v6;
	v0 =	vld [tilespmem:$0x1FF00]  }
.Ltmp5:
0x1a7: {  	v11 =	vadd.f32 v15, v11;
	v38 =	vadd.f32 v18, v9;
	v18 =	vld [tilespmem:$0x1FE40];
	(pc) =	sbr.rel @!p1 .LBB2_4-.Ltmp5, $4  }
0x1a8: {  	v62 =	vlaneseq.u32;
	v41 =	vadd.f32 v13, v12;
	v1 =	vld [tilespmem:$0x1FE80]  }
0x1a9: {  	v40 =	vadd.f32 v10, v11;
	v19 =	vmul.f32 v19, v61;
	v50 =	vmul.f32 v25, v56;
	v25 =	vld [tilespmem:$0x1FE70]  }
0x1aa: {  	v52 =	vmul.f32 v60, v56;
	v43 =	vadd.f32 v63, v2;
	v46 =	vmul.f32 v24, v56;
	v24 =	vld [tilespmem:$0x1FE60]  }
0x1ab: {  	s24 =	smov.u32 s25;
	s25 =	sadd.s32 $0x10, s25;
	v39 =	vadd.f32 v19, v8;
	v51 =	vmul.f32 v3, v56;
	v20 =	vld [tilespmem:$0x1FEC0];
	v31 =	vadd.f32 v0, v4  }
0x1ac: {  	v26 =	vadd.f32 v5, v36;
	v2 =	vld [tilespmem:s23+$0x170];
	v4 =	vadd.f32 v46, v35  }
0x1ad: {  	v27 =	vadd.f32 v50, v37;
	v6 =	vld [tilespmem:s23+$0x1F0];
	v13 =	vadd.f32 v52, v40  }
0x1ae: {  	v10 =	vld [tilespmem:s23+$0x270];
	v17 =	vadd.f32 v18, v32;
	v28 =	vadd.f32 v21, v28  }
0x1af: {  	v3 =	vmul.f32 v45, v56;
	v54 =	vld [tilespmem:$0x1FFA0];
	v29 =	vadd.f32 v55, v29;
	v22 =	vadd.f32 v22, v30  }
0x1b0: {  	v7 =	vmul.f32 v44, v56;
	v14 =	vld [tilespmem:s23+$0x2F0];
	v0 =	vadd.f32 v1, v34;
	v8 =	vadd.f32 v51, v38  }
0x1b1: {  	v11 =	vmul.f32 v47, v56;
	v16 =	vld [tilespmem:s23+$0x370];
	v9 =	vadd.f32 v53, v39;
	v23 =	vadd.f32 v23, v31  }
0x1b2: {  	v19 =	vld [tilespmem:s23+$0x3F0];
	v3 =	vadd.f32 v3, v41;
	v7 =	vadd.f32 v7, v42  }
0x1b3: {  	v11 =	vadd.f32 v11, v43;
	v1 =	vadd.f32 v25, v26;
	v36 =	vsel vm0, v28, v29  }
0x1b4: {  	v0 =	vadd.f32 v24, v0;
	v12 =	vmul.f32 v48, v54;
	v15 =	vmul.f32 v49, v54  }
0x1b5: {  	v37 =	vsel vm0, v22, v23;
	v2 =	vmul.f32 v2, v54;
	v6 =	vmul.f32 v6, v54  }
0x1b6: {  	v18 =	vadd.f32 v20, v33;
	v10 =	vmul.f32 v10, v54;
	v14 =	vmul.f32 v14, v54  }
0x1b7: {  	v32 =	vmul.f32 v16, v54;
	v33 =	vmul.f32 v19, v54;
	v38 =	vsel vm0, v0, v1  }
0x1b8: {  	v19 =	vsel vm0, v23, v22;
	v0 =	vsel vm0, v1, v0;
	v35 =	vsel vm0, v17, v18  }
0x1b9: {  	v17 =	vsel vm0, v18, v17;
	v4 =	vadd.f32 v12, v4;
	v5 =	vadd.f32 v15, v27  }
0x1ba: {  	v18 =	vsel vm0, v29, v28;
	v2 =	vadd.f32 v2, v8;
	v6 =	vadd.f32 v6, v9  }
0x1bb: {  	v0 =	vperm.xlane v0, v57;
	v34 =	vadd.f32 v10, v13;
	v3 =	vadd.f32 v14, v3  }
0x1bc: {  	v43 =	vperm.xlane v19, v57;
	v7 =	vadd.f32 v32, v7;
	v8 =	vadd.f32 v33, v11  }
0x1bd: {  	v41 =	vperm.xlane v17, v57;
	v42 =	vperm.xlane v18, v57;
	v0 =	vadd.f32 v38, v0  }
0x1be: {  	v39 =	vsel vm0, v4, v5;
	v15 =	vsel vm0, v2, v6;
	v16 =	vsel vm0, v34, v3  }
0x1bf: {  	v40 =	vsel vm0, v5, v4;
	v2 =	vsel vm0, v6, v2;
	v3 =	vsel vm0, v3, v34  }
0x1c0: {  	v63 =	vld [tilespmem:$0x1FFD0];
	v44 =	vsel vm0, v8, v7;
	v4 =	vadd.f32 v35, v41;
	v5 =	vadd.f32 v36, v42  }
0x1c1: {  	v6 =	vadd.f32 v37, v43;
	v1 =	vperm.xlane v40, v57;
	v2 =	vperm.xlane v2, v57  }
0x1c2: {  	v7 =	vsel vm0, v7, v8;
	v3 =	vperm.xlane v3, v57;
	v9 =	vperm.xlane v44, v57  }
0x1c3: {  	v45 =	vsel vm1, v4, v5;
	v1 =	vadd.f32 v39, v1;
	v2 =	vadd.f32 v15, v2  }
0x1c4: {  	v4 =	vsel vm1, v5, v4;
	v3 =	vadd.f32 v16, v3;
	v7 =	vadd.f32 v7, v9  }
0x1c5: {  	v46 =	vsel vm1, v6, v0;
	v0 =	vsel vm1, v0, v6;
	v4 =	vperm.xlane v4, v63  }
0x1c6: {  	v0 =	vperm.xlane v0, v63;
	v47 =	vsel vm1, v2, v1;
	v48 =	vsel vm1, v7, v3  }
0x1c7: {  	v60 =	vld [tilespmem:$0x1FFE0];
	v1 =	vsel vm1, v1, v2;
	v49 =	vperm.xlane v47, v63;
	v50 =	vperm.xlane v48, v63  }
0x1c8: {  	v4 =	vadd.f32 v45, v4;
	v0 =	vadd.f32 v46, v0;
	v3 =	vsel vm1, v3, v7  }
0x1c9: {  	v1 =	vadd.f32 v1, v49;
	v51 =	vadd.f32 v3, v50;
	_ =	sdelay $0x1  }
0x1ca: {  	v52 =	vsel vm2, v0, v4;
	v5 =	vsel vm2, v51, v1  }
0x1cb: {  	v55 =	vld [tilespmem:$0x1FFC0];
	v3 =	vperm.xlane v52, v60;
	v5 =	vperm.xlane v5, v60  }
0x1cc: {  	v0 =	vsel vm2, v4, v0;
	v1 =	vsel vm2, v1, v51  }
0x1cd: {  	v0 =	vadd.f32 v0, v3;
	v1 =	vadd.f32 v1, v5;
	_ =	sdelay $0x1  }
0x1ce: {  	v59 =	vld [tilespmem:$0x1FF10];
	v53 =	vsel vm3, v1, v0  }
0x1cf: {  	v61 =	vld [tilespmem:$0x1FF20];
	v2 =	vperm.xlane v53, v55  }
.Ltmp6:
0x1d0: {  	v0 =	vsel vm3, v0, v1;
	(pc) =	sbr.rel .LBB2_9-.Ltmp6, $4  }
0x1d1: {  	v0 =	vadd.f32 v0, v2  }
0x1d2: {  	s31 =	sadd.s32 s24, s21  }
0x1d3: {  	v58 =	vor.u32 s31, v62;
	vm4 =	vgt.f32 v0, v59  }
0x1d4: {  	v55 =	vld [tilespmem:$0x1FF90];
	v16 =	vsel vm4, v0, v59;
	v17 =	vsel vm4, v58, v61  }
.LBB2_6:
0x1d5: {  	s23 =	smul.u32 $0x7800, s22;
	_ =	sdelay $0x1  }
0x1d6: {  	_ =	swait.ge [sflag:s19], $0x7800;
	s23 =	sadd.s32 s23, s8  }
0x1d7: {  	[sflag:s19] =	ssyncset.done $0x0;
	s23 =	sshrl.u32 s23, $0x3  }
0x1d8: {  	[sflag:s19] =	ssyncadd.s32 $0xFFFF8800;
	s24 =	sadd.s32 s2, s23;
	s23 =	simm.s32 $0x0  }
0x1d9: {  	[tilespmem:s14], [sflag:$0x1] =	stream.linear.gather [hbm4b:s24+s23], $0x7800, $0x38;
	[tilespmem:$0xF980] =	vst v63  }
0x1da: {  	s24 =	simm.s32 $0x7C80;
	v0 =	vld [tilespmem:$0xF880]  }
0x1db: {  	v18 =	vld [tilespmem:s24+$0xFFFFFC70]  }
0x1dc: {  	v20 =	vld [tilespmem:s24+$0xFFFFFCF0]  }
0x1dd: {  	v19 =	vld [tilespmem:s24+$0xFFFFFD70]  }
0x1de: {  	v21 =	vld [tilespmem:s24+$0xFFFFFDF0]  }
0x1df: {  	v22 =	vld [tilespmem:s24+$0xFFFFFE70]  }
0x1e0: {  	v23 =	vld [tilespmem:s24+$0xFFFFFEF0]  }
0x1e1: {  	v24 =	vld [tilespmem:s24+$0xFFFFFF70]  }
0x1e2: {  	v25 =	vld [tilespmem:s24+$0xFFFFFFF0]  }
0x1e3: {  	v30 =	vld [tilespmem:s24+$0xFFFFFC60]  }
0x1e4: {  	v29 =	vld [tilespmem:s24+$0xFFFFFCE0]  }
0x1e5: {  	v28 =	vld [tilespmem:s24+$0xFFFFFD60]  }
0x1e6: {  	v26 =	vld [tilespmem:s24+$0xFFFFFDE0]  }
0x1e7: {  	v27 =	vld [tilespmem:s24+$0xFFFFFE60]  }
0x1e8: {  	v34 =	vld [tilespmem:s24+$0xFFFFFC50]  }
0x1e9: {  	v32 =	vld [tilespmem:s24+$0xFFFFFCD0]  }
0x1ea: {  	v33 =	vld [tilespmem:s24+$0xFFFFFD50]  }
0x1eb: {  	v31 =	vld [tilespmem:s24+$0xFFFFFDD0]  }
0x1ec: {  	v39 =	vld [tilespmem:s24+$0xFFFFFC40]  }
0x1ed: {  	v38 =	vld [tilespmem:s24+$0xFFFFFCC0]  }
0x1ee: {  	v37 =	vld [tilespmem:s24+$0xFFFFFD40]  }
0x1ef: {  	v35 =	vld [tilespmem:s24+$0xFFFFFDC0]  }
0x1f0: {  	v36 =	vld [tilespmem:s24+$0xFFFFFE40]  }
0x1f1: {  	v44 =	vld [tilespmem:s24+$0xFFFFFC30]  }
0x1f2: {  	v42 =	vld [tilespmem:s24+$0xFFFFFCB0]  }
0x1f3: {  	v43 =	vld [tilespmem:s24+$0xFFFFFD30]  }
0x1f4: {  	v40 =	vld [tilespmem:s24+$0xFFFFFDB0]  }
0x1f5: {  	v41 =	vld [tilespmem:s24+$0xFFFFFE30]  }
0x1f6: {  	v1 =	vld [tilespmem:s24+$0xFFFFFCA0]  }
0x1f7: {  	v2 =	vld [tilespmem:s24+$0xFFFFFD20]  }
0x1f8: {  	v3 =	vld [tilespmem:s24+$0xFFFFFDA0]  }
0x1f9: {  	v4 =	vld [tilespmem:s24+$0xFFFFFE20]  }
0x1fa: {  	v5 =	vld [tilespmem:s24+$0xFFFFFEA0]  }
0x1fb: {  	v57 =	vld [tilespmem:s24+$0xFFFFFC00]  }
0x1fc: {  	v58 =	vld [tilespmem:s24+$0xFFFFFC10]  }
0x1fd: {  	v8 =	vld [tilespmem:s24+$0xFFFFFC80]  }
0x1fe: {  	v9 =	vld [tilespmem:s24+$0xFFFFFC90]  }
0x1ff: {  	v10 =	vld [tilespmem:s24+$0xFFFFFD00]  }
0x200: {  	v11 =	vld [tilespmem:s24+$0xFFFFFD10]  }
0x201: {  	v12 =	vld [tilespmem:s24+$0xFFFFFD80]  }
0x202: {  	v13 =	vld [tilespmem:s24+$0xFFFFFD90]  }
0x203: {  	v14 =	vld [tilespmem:s24+$0xFFFFFE00]  }
0x204: {  	v15 =	vld [tilespmem:s24+$0xFFFFFE10]  }
0x205: {  	v45 =	vld [tilespmem:s24+$0xFFFFFE80]  }
0x206: {  	v46 =	vld [tilespmem:s24+$0xFFFFFE90]  }
0x207: {  	v47 =	vld [tilespmem:s24+$0xFFFFFF00]  }
0x208: {  	v48 =	vld [tilespmem:s24+$0xFFFFFF10]  }
0x209: {  	v49 =	vld [tilespmem:s24+$0xFFFFFF80]  }
0x20a: {  	v50 =	vld [tilespmem:s24+$0xFFFFFF90]  }
0x20b: {  	v51 =	vld [tilespmem:s24+$0x0]  }
0x20c: {  	v52 =	vld [tilespmem:s24+$0x10]  }
0x20d: {  	v53 =	vld [tilespmem:s24+$0x80]  }
0x20e: {  	v54 =	vld [tilespmem:s24+$0x90]  }
0x20f: {  	v55 =	vld [tilespmem:s24+$0x100]  }
0x210: {  	v62 =	vmov v7;
	[tilespmem:$0x1FD80] =	vst v0;
	v0 =	vld [tilespmem:$0xF900]  }
0x211: {  	v59 =	vmov v6;
	v6 =	vmul.f32 v57, v62;
	v7 =	vmul.f32 v58, v61;
	v58 =	vld [tilespmem:s24+$0x110]  }
0x212: {  	v8 =	vmul.f32 v8, v62;
	v9 =	vmul.f32 v9, v61;
	v57 =	vld [tilespmem:s24+$0x180]  }
0x213: {  	v10 =	vmul.f32 v10, v62;
	v11 =	vmul.f32 v11, v61;
	v6 =	vadd.f32 v7, v6;
	v7 =	vld [tilespmem:s24+$0x190]  }
0x214: {  	v12 =	vmul.f32 v12, v62;
	v13 =	vmul.f32 v13, v61;
	v8 =	vadd.f32 v9, v8;
	v9 =	vld [tilespmem:s24+$0x200]  }
0x215: {  	v14 =	vmul.f32 v14, v62;
	v15 =	vmul.f32 v15, v61;
	v10 =	vadd.f32 v11, v10;
	v11 =	vld [tilespmem:s24+$0x210]  }
0x216: {  	v45 =	vmul.f32 v45, v62;
	v46 =	vmul.f32 v46, v61;
	v12 =	vadd.f32 v13, v12;
	v13 =	vld [tilespmem:s24+$0x280]  }
0x217: {  	v47 =	vmul.f32 v47, v62;
	v48 =	vmul.f32 v48, v61;
	v14 =	vadd.f32 v15, v14;
	v15 =	vld [tilespmem:s24+$0x290]  }
0x218: {  	v49 =	vmul.f32 v49, v62;
	v50 =	vmul.f32 v50, v61;
	v45 =	vadd.f32 v46, v45;
	v46 =	vld [tilespmem:s24+$0x300]  }
0x219: {  	v51 =	vmul.f32 v51, v62;
	v52 =	vmul.f32 v52, v61;
	v47 =	vadd.f32 v48, v47;
	v48 =	vld [tilespmem:s24+$0x310]  }
0x21a: {  	v53 =	vmul.f32 v53, v62;
	v54 =	vmul.f32 v54, v61;
	v49 =	vadd.f32 v50, v49;
	v50 =	vld [tilespmem:s24+$0x380]  }
0x21b: {  	v1 =	vmul.f32 v1, v59;
	v51 =	vadd.f32 v52, v51;
	v52 =	vld [tilespmem:s24+$0x390]  }
0x21c: {  	v3 =	vmul.f32 v3, v59;
	v53 =	vadd.f32 v54, v53;
	v54 =	vld [tilespmem:s24+$0xFFFFFF20]  }
0x21d: {  	v5 =	vmul.f32 v5, v59;
	v1 =	vadd.f32 v1, v8;
	v8 =	vld [tilespmem:s24+$0x2A0]  }
0x21e: {  	v3 =	vadd.f32 v3, v12;
	v12 =	vld [tilespmem:s24+$0x320]  }
0x21f: {  	v55 =	vmul.f32 v55, v62;
	v5 =	vadd.f32 v5, v45;
	v45 =	vld [tilespmem:s24+$0xFFFFFEB0];
	v58 =	vmul.f32 v58, v61  }
0x220: {  	[tilespmem:$0x1FD90] =	vst v0;
	v0 =	vld [tilespmem:s24+$0xFFFFFC20];
	v57 =	vmul.f32 v57, v62;
	v7 =	vmul.f32 v7, v61  }
0x221: {  	v55 =	vadd.f32 v58, v55;
	v58 =	vld [tilespmem:s24+$0xFFFFFFA0];
	v9 =	vmul.f32 v9, v62;
	v11 =	vmul.f32 v11, v61  }
0x222: {  	v13 =	vmul.f32 v13, v62;
	v15 =	vmul.f32 v15, v61;
	v7 =	vadd.f32 v7, v57;
	v57 =	vld [tilespmem:s24+$0x20]  }
0x223: {  	v46 =	vmul.f32 v46, v62;
	v48 =	vmul.f32 v48, v61;
	v9 =	vadd.f32 v11, v9;
	v11 =	vld [tilespmem:s24+$0xA0]  }
0x224: {  	v50 =	vmul.f32 v50, v62;
	v52 =	vmul.f32 v52, v61;
	v13 =	vadd.f32 v15, v13;
	v15 =	vld [tilespmem:s24+$0x120]  }
0x225: {  	v46 =	vadd.f32 v48, v46;
	v48 =	vld [tilespmem:s24+$0x1A0];
	v12 =	vmul.f32 v12, v59  }
0x226: {  	v2 =	vmul.f32 v2, v59;
	v50 =	vadd.f32 v52, v50;
	v52 =	vld [tilespmem:s24+$0xFFFFFFB0];
	v8 =	vmul.f32 v8, v59  }
0x227: {  	v4 =	vmul.f32 v4, v59;
	v0 =	vmul.f32 v0, v59;
	v12 =	vadd.f32 v12, v46;
	v46 =	vld [tilespmem:s24+$0x1B0]  }
0x228: {  	v39 =	vmul.f32 v39, v17;
	v2 =	vadd.f32 v2, v10;
	v8 =	vadd.f32 v8, v13;
	v13 =	vld [tilespmem:s24+$0x230]  }
0x229: {  	v10 =	vmul.f32 v54, v59;
	v0 =	vadd.f32 v0, v6;
	v6 =	vld [tilespmem:s24+$0x220];
	v62 =	vmul.f32 v58, v59  }
0x22a: {  	v38 =	vmul.f32 v38, v17;
	v58 =	vld [tilespmem:s24+$0x3A0];
	v57 =	vmul.f32 v57, v59  }
0x22b: {  	v10 =	vadd.f32 v10, v47;
	v47 =	vadd.f32 v62, v49;
	v62 =	vld [tilespmem:s24+$0xFFFFFF30];
	v15 =	vmul.f32 v15, v59  }
0x22c: {  	v37 =	vmul.f32 v37, v17;
	v35 =	vmul.f32 v35, v17;
	v49 =	vadd.f32 v57, v51;
	v57 =	vld [tilespmem:s24+$0x30]  }
0x22d: {  	v36 =	vmul.f32 v36, v17;
	v11 =	vmul.f32 v11, v59;
	v15 =	vadd.f32 v15, v55;
	v55 =	vld [tilespmem:$0x1FF90]  }
0x22e: {  	v18 =	vmul.f32 v18, v16;
	v51 =	vld [tilespmem:s24+$0x140];
	v6 =	vmul.f32 v6, v59  }
0x22f: {  	v4 =	vadd.f32 v4, v14;
	v11 =	vadd.f32 v11, v53;
	v53 =	vld [tilespmem:s24+$0x240];
	v14 =	vmul.f32 v58, v59  }
0x230: {  	v20 =	vmul.f32 v20, v16;
	v21 =	vmul.f32 v21, v16;
	v6 =	vadd.f32 v6, v9;
	v9 =	vld [tilespmem:s24+$0xB0]  }
0x231: {  	v22 =	vmul.f32 v22, v16;
	v48 =	vmul.f32 v48, v59;
	v14 =	vadd.f32 v14, v50;
	v50 =	vld [tilespmem:s24+$0xC0]  }
0x232: {  	v58 =	vmul.f32 v44, v55;
	v44 =	vld [tilespmem:s24+$0x130];
	v43 =	vmul.f32 v43, v55  }
0x233: {  	v41 =	vmul.f32 v41, v55;
	v54 =	vmul.f32 v57, v55;
	v57 =	vld [tilespmem:s24+$0x3B0]  }
0x234: {  	v7 =	vadd.f32 v48, v7;
	v42 =	vmul.f32 v42, v55;
	v2 =	vadd.f32 v43, v2;
	v43 =	vld [tilespmem:s24+$0x2B0]  }
0x235: {  	v40 =	vmul.f32 v40, v55;
	v59 =	vmul.f32 v45, v55;
	v4 =	vadd.f32 v41, v4;
	v41 =	vld [tilespmem:s24+$0x330]  }
0x236: {  	v62 =	vmul.f32 v62, v55;
	v52 =	vmul.f32 v52, v55;
	v0 =	vadd.f32 v58, v0;
	v58 =	vld [tilespmem:s24+$0xFFFFFEC0]  }
0x237: {  	v46 =	vmul.f32 v46, v55;
	v1 =	vadd.f32 v42, v1;
	v5 =	vadd.f32 v59, v5;
	v59 =	vld [tilespmem:s24+$0xFFFFFF40]  }
0x238: {  	v13 =	vmul.f32 v13, v55;
	v3 =	vadd.f32 v40, v3;
	v10 =	vadd.f32 v62, v10;
	v62 =	vld [tilespmem:s24+$0xFFFFFFC0]  }
0x239: {  	v23 =	vmul.f32 v23, v16;
	v45 =	vadd.f32 v52, v47;
	v47 =	vadd.f32 v54, v49;
	v49 =	vld [tilespmem:s24+$0x40]  }
0x23a: {  	v7 =	vadd.f32 v46, v7;
	v6 =	vadd.f32 v13, v6;
	v52 =	vld [tilespmem:s24+$0x1C0];
	v9 =	vmul.f32 v9, v55  }
0x23b: {  	v46 =	vld [tilespmem:s24+$0xFFFFFE50];
	v13 =	vmul.f32 v50, v17;
	v0 =	vadd.f32 v39, v0;
	v1 =	vadd.f32 v38, v1  }
0x23c: {  	v50 =	vld [tilespmem:s24+$0xFFFFFF50];
	v2 =	vadd.f32 v37, v2;
	v3 =	vadd.f32 v35, v3;
	v38 =	vmul.f32 v53, v17  }
0x23d: {  	v4 =	vadd.f32 v36, v4;
	v44 =	vmul.f32 v44, v55;
	v42 =	vmul.f32 v57, v55;
	v57 =	vld [tilespmem:s24+$0x2C0]  }
0x23e: {  	v9 =	vadd.f32 v9, v11;
	v40 =	vmul.f32 v58, v17;
	v54 =	vmul.f32 v59, v17;
	v58 =	vld [tilespmem:s24+$0x340]  }
0x23f: {  	v6 =	vadd.f32 v38, v6;
	v11 =	vadd.f32 v44, v15;
	v15 =	vmul.f32 v62, v17;
	v62 =	vld [tilespmem:s24+$0x3C0]  }
0x240: {  	v43 =	vmul.f32 v43, v55;
	v41 =	vmul.f32 v41, v55;
	v10 =	vadd.f32 v54, v10;
	v54 =	vld [tilespmem:$0x1FF30]  }
0x241: {  	v53 =	vld [tilespmem:s24+$0x3D0];
	v14 =	vadd.f32 v42, v14;
	v59 =	vmul.f32 v49, v17;
	v9 =	vadd.f32 v13, v9  }
0x242: {  	v49 =	vld [tilespmem:s24+$0xFFFFFED0];
	v39 =	vmul.f32 v52, v17;
	v8 =	vadd.f32 v43, v8;
	v12 =	vadd.f32 v41, v12  }
0x243: {  	v5 =	vadd.f32 v40, v5;
	v15 =	vadd.f32 v15, v45;
	v41 =	vmul.f32 v51, v17;
	v51 =	vld [tilespmem:s24+$0xFFFFFFD0]  }
0x244: {  	v47 =	vadd.f32 v59, v47;
	v59 =	vld [tilespmem:s24+$0xD0];
	v37 =	vmul.f32 v57, v17;
	v35 =	vmul.f32 v58, v17  }
0x245: {  	v7 =	vadd.f32 v39, v7;
	v57 =	vld [tilespmem:s24+$0x50];
	v58 =	vmul.f32 v62, v17;
	v34 =	vmul.f32 v34, v54  }
0x246: {  	v44 =	vld [tilespmem:s24+$0x360];
	v11 =	vadd.f32 v41, v11;
	v32 =	vmul.f32 v32, v54;
	v33 =	vmul.f32 v33, v54  }
0x247: {  	v41 =	vld [tilespmem:s24+$0x1D0];
	v8 =	vadd.f32 v37, v8;
	v31 =	vmul.f32 v31, v54;
	v40 =	vmul.f32 v46, v54  }
0x248: {  	v62 =	vld [tilespmem:s24+$0x150];
	v12 =	vadd.f32 v35, v12;
	v48 =	vmul.f32 v49, v54;
	v13 =	vmul.f32 v50, v54  }
0x249: {  	v14 =	vadd.f32 v58, v14;
	v49 =	vmul.f32 v51, v54;
	v50 =	vld [tilespmem:s24+$0x2D0];
	v51 =	vmul.f32 v59, v54  }
0x24a: {  	v37 =	vmul.f32 v57, v54;
	v57 =	vld [tilespmem:s24+$0x1E0];
	v0 =	vadd.f32 v34, v0;
	v1 =	vadd.f32 v32, v1  }
0x24b: {  	v58 =	vmul.f32 v19, v16;
	v2 =	vadd.f32 v33, v2;
	v3 =	vadd.f32 v31, v3;
	v31 =	vld [tilespmem:s24+$0x250]  }
0x24c: {  	v59 =	vmul.f32 v28, v56;
	v4 =	vadd.f32 v40, v4;
	v34 =	vadd.f32 v13, v10;
	v10 =	vld [tilespmem:s24+$0x350]  }
0x24d: {  	v36 =	vadd.f32 v49, v15;
	v33 =	vmul.f32 v41, v54;
	v49 =	vld [tilespmem:s24+$0xFFFFFFE0];
	v52 =	vmul.f32 v62, v54  }
0x24e: {  	v35 =	vadd.f32 v37, v47;
	v37 =	vadd.f32 v51, v9;
	v9 =	vld [tilespmem:s24+$0xFFFFFEE0];
	v62 =	vmovc v16;
	v51 =	vmul.f32 v53, v54  }
0x24f: {  	v5 =	vadd.f32 v48, v5;
	v16 =	vld [tilespmem:s24+$0x160];
	v53 =	vmul.f32 v29, v56;
	v24 =	vmul.f32 v24, v62  }
0x250: {  	v25 =	vmul.f32 v25, v62;
	v38 =	vadd.f32 v52, v11;
	v11 =	vld [tilespmem:s24+$0xFFFFFF60];
	v52 =	vmul.f32 v30, v56  }
0x251: {  	v39 =	vadd.f32 v33, v7;
	v48 =	vmul.f32 v31, v54;
	v31 =	vmul.f32 v50, v54;
	v50 =	vld [tilespmem:s24+$0x60]  }
0x252: {  	v62 =	vmul.f32 v26, v56;
	v28 =	vadd.f32 v59, v2;
	v32 =	vadd.f32 v52, v0;
	v0 =	vld [tilespmem:s24+$0x260]  }
0x253: {  	v43 =	vadd.f32 v51, v14;
	v30 =	vmul.f32 v27, v56;
	v41 =	vadd.f32 v31, v8;
	v8 =	vld [tilespmem:s24+$0xE0]  }
0x254: {  	v45 =	vld [tilespmem:s24+$0x2E0];
	v33 =	vadd.f32 v53, v1;
	v29 =	vadd.f32 v62, v3;
	v53 =	vmul.f32 v57, v56  }
0x255: {  	v47 =	vld [tilespmem:s24+$0x3E0];
	v10 =	vmul.f32 v10, v54;
	v2 =	vmul.f32 v49, v56;
	v30 =	vadd.f32 v30, v4  }
0x256: {  	v57 =	vld [tilespmem:$0x1FFC0];
	v1 =	vmul.f32 v9, v56;
	v51 =	vmul.f32 v16, v56;
	v40 =	vadd.f32 v48, v6  }
0x257: {  	v49 =	vld [tilespmem:s24+$0x70];
	v42 =	vadd.f32 v10, v12;
	v9 =	vmul.f32 v11, v56;
	v46 =	vmul.f32 v50, v56  }
0x258: {  	s25 =	simm.s32 $0x10;
	v59 =	vmovc v17;
	v48 =	vld [tilespmem:s24+$0xF0];
	v31 =	vadd.f32 v1, v5;
	v52 =	vmul.f32 v0, v56;
	v50 =	vmul.f32 v8, v56  }
.LBB2_7:
0x259: {  	v1 =	vadd.f32 v2, v36;
	v2 =	vld [tilespmem:s24+$0x170]  }
0x25a: {  	v6 =	vld [tilespmem:s24+$0x1F0]  }
0x25b: {  	v10 =	vld [tilespmem:s24+$0x270]  }
0x25c: {  	v5 =	vadd.f32 v50, v37;
	v37 =	vld [tilespmem:$0x1FFA0]  }
0x25d: {  	v14 =	vld [tilespmem:s24+$0x2F0]  }
0x25e: {  	v26 =	vld [tilespmem:s24+$0x370]  }
0x25f: {  	v27 =	vld [tilespmem:s24+$0x3F0]  }
0x260: {  	s24 =	sadd.s32 $0x800, s24;
	v17 =	vld [tilespmem:$0x1FFF0]  }
0x261: {  	v16 =	vld [tilespmem:s24+$0xFFFFFC70]  }
0x262: {  	v19 =	vld [tilespmem:s24+$0xFFFFFCF0]  }
0x263: {  	v29 =	vadd.f32 v21, v29;
	v21 =	vld [tilespmem:s24+$0xFFFFFD70]  }
0x264: {  	v30 =	vadd.f32 v22, v30;
	v22 =	vld [tilespmem:s24+$0xFFFFFDF0]  }
0x265: {  	v31 =	vadd.f32 v23, v31;
	v23 =	vld [tilespmem:s24+$0xFFFFFE70]  }
0x266: {  	v0 =	vadd.f32 v9, v34;
	v34 =	vld [tilespmem:s24+$0xFFFFFEE0]  }
0x267: {  	v4 =	vadd.f32 v46, v35;
	v35 =	vld [tilespmem:s24+$0xFFFFFF60]  }
0x268: {  	v3 =	vmul.f32 v45, v56;
	v45 =	vld [tilespmem:s24+$0xFFFFFED0]  }
0x269: {  	v46 =	vld [tilespmem:s24+$0xFFFFFF50]  }
0x26a: {  	v11 =	vmul.f32 v47, v56;
	v47 =	vld [tilespmem:s24+$0xFFFFFC40]  }
0x26b: {  	v32 =	vadd.f32 v18, v32;
	v18 =	vld [tilespmem:s24+$0xFFFFFCA0]  }
0x26c: {  	v8 =	vadd.f32 v51, v38;
	v9 =	vadd.f32 v53, v39;
	v36 =	vld [tilespmem:s24+$0xFFFFFEA0]  }
0x26d: {  	v13 =	vadd.f32 v52, v40;
	v0 =	vadd.f32 v24, v0;
	v24 =	vld [tilespmem:s24+$0xFFFFFEF0]  }
0x26e: {  	v7 =	vmul.f32 v44, v56;
	v20 =	vadd.f32 v20, v33;
	v1 =	vadd.f32 v25, v1;
	v25 =	vld [tilespmem:s24+$0xFFFFFF70]  }
0x26f: {  	v3 =	vadd.f32 v3, v41;
	v50 =	vsel vm0, v30, v31;
	v62 =	vsel vm0, v31, v30;
	v30 =	vld [tilespmem:s24+$0xFFFFFDE0]  }
0x270: {  	v11 =	vadd.f32 v11, v43;
	v31 =	vld [tilespmem:s24+$0xFFFFFE60];
	v51 =	vsel vm0, v0, v1;
	v12 =	vmul.f32 v49, v37  }
0x271: {  	v0 =	vsel vm0, v1, v0;
	v2 =	vmul.f32 v2, v37;
	v49 =	vmul.f32 v26, v37;
	v26 =	vld [tilespmem:s24+$0xFFFFFFF0]  }
0x272: {  	v15 =	vmul.f32 v48, v37;
	v48 =	vadd.f32 v58, v28;
	v6 =	vmul.f32 v6, v37;
	v28 =	vld [tilespmem:s24+$0xFFFFFCE0]  }
0x273: {  	v0 =	vperm.xlane v0, v17;
	v2 =	vadd.f32 v2, v8;
	v8 =	vmul.f32 v27, v37;
	v27 =	vld [tilespmem:s24+$0xFFFFFC60]  }
0x274: {  	v10 =	vmul.f32 v10, v37;
	v14 =	vmul.f32 v14, v37;
	v5 =	vadd.f32 v15, v5;
	v15 =	vld [tilespmem:s24+$0xFFFFFE50]  }
0x275: {  	v16 =	vmul.f32 v16, v37;
	v4 =	vadd.f32 v12, v4;
	v0 =	vadd.f32 v51, v0;
	v51 =	vld [tilespmem:s24+$0xFFFFFFC0]  }
0x276: {  	v40 =	vperm.xlane v62, v17;
	v6 =	vadd.f32 v6, v9;
	v3 =	vadd.f32 v14, v3;
	v14 =	vld [tilespmem:s24+$0xFFFFFD10]  }
0x277: {  	v9 =	vadd.f32 v10, v13;
	v58 =	vsel vm0, v29, v48;
	[tilespmem:$0x1FCC0] =	vst v16;
	v16 =	vmul.f32 v19, v37;
	v19 =	vld [tilespmem:s24+$0xFFFFFD20]  }
0x278: {  	v10 =	vsel vm0, v32, v20;
	v20 =	vsel vm0, v20, v32;
	v39 =	vperm.xlane v58, v17;
	v58 =	vld [tilespmem:$0x1FF60]  }
0x279: {  	v38 =	vperm.xlane v20, v17;
	v8 =	vadd.f32 v8, v11;
	v11 =	vsel vm0, v48, v29;
	v29 =	vld [tilespmem:s24+$0xFFFFFD60]  }
0x27a: {  	v53 =	vsel vm0, v2, v6;
	v2 =	vsel vm0, v6, v2;
	v6 =	vadd.f32 v50, v40;
	v50 =	vld [tilespmem:s24+$0xFFFFFF40]  }
0x27b: {  	v52 =	vsel vm0, v4, v5;
	v1 =	vsel vm0, v5, v4;
	v4 =	vadd.f32 v10, v38;
	v10 =	vld [tilespmem:s24+$0xFFFFFFE0]  }
0x27c: {  	v7 =	vadd.f32 v7, v42;
	v5 =	vadd.f32 v11, v39;
	v11 =	vld [tilespmem:s24+$0xFFFFFC50]  }
0x27d: {  	v38 =	vld [tilespmem:s24+$0xFFFFFFA0]  }
0x27e: {  	v7 =	vadd.f32 v49, v7;
	v39 =	vld [tilespmem:s24+$0xFFFFFC00]  }
0x27f: {  	v56 =	vsel vm0, v9, v3;
	v3 =	vsel vm0, v3, v9;
	[tilespmem:$0x1FCA0] =	vst v16;
	v16 =	vmul.f32 v22, v37;
	v22 =	vld [tilespmem:s24+$0x100]  }
0x280: {  	v1 =	vperm.xlane v1, v17;
	v9 =	vsel vm0, v8, v7;
	v7 =	vsel vm0, v7, v8;
	v8 =	vld [tilespmem:s24+$0xFFFFFCD0]  }
0x281: {  	v2 =	vperm.xlane v2, v17;
	v13 =	vsel vm1, v6, v0;
	v0 =	vsel vm1, v0, v6;
	v6 =	vld [tilespmem:s24+$0xFFFFFDD0]  }
0x282: {  	v3 =	vperm.xlane v3, v17;
	v1 =	vadd.f32 v52, v1;
	v52 =	vld [tilespmem:s24+$0xFFFFFD30]  }
0x283: {  	v2 =	vadd.f32 v53, v2;
	v53 =	vld [tilespmem:s24+$0xFFFFFDB0];
	[tilespmem:$0x1FCB0] =	vst v16;
	v16 =	vmul.f32 v23, v37  }
0x284: {  	v3 =	vadd.f32 v56, v3;
	v56 =	vld [tilespmem:s24+$0xFFFFFE30]  }
0x285: {  	v41 =	vsel vm1, v4, v5;
	v4 =	vsel vm1, v5, v4;
	v5 =	vld [tilespmem:s24+$0xFFFFFD80];
	[tilespmem:$0x1FCD0] =	vst v16;
	v16 =	vmul.f32 v24, v37  }
0x286: {  	s26 =	sadd.s32 s23, s21;
	v9 =	vperm.xlane v9, v17;
	v17 =	vlaneseq.u32;
	v23 =	vld [tilespmem:s24+$0x110]  }
0x287: {  	v20 =	vor.u32 s26, v17;
	v17 =	vld [tilespmem:$0x1FD80];
	[tilespmem:$0x1FCE0] =	vst v16;
	v16 =	vmul.f32 v25, v37  }
0x288: {  	v7 =	vadd.f32 v7, v9;
	v9 =	vld [tilespmem:s24+$0xFFFFFD50]  }
0x289: {  	v42 =	vsel vm1, v2, v1;
	v24 =	vld [tilespmem:s24+$0x180];
	[tilespmem:$0x1FD10] =	vst v16;
	v16 =	vmul.f32 v26, v37  }
0x28a: {  	v4 =	vperm.xlane v4, v63;
	v1 =	vsel vm1, v1, v2;
	v2 =	vperm.xlane v42, v63;
	v42 =	vld [tilespmem:s24+$0xFFFFFCC0]  }
0x28b: {  	v0 =	vperm.xlane v0, v63;
	[tilespmem:$0x1FC90] =	vst v16;
	v16 =	vld [tilespmem:$0x1FF40]  }
0x28c: {  	v4 =	vadd.f32 v41, v4;
	v41 =	vmul.f32 v21, v37;
	v21 =	vld [tilespmem:s24+$0x90]  }
0x28d: {  	v0 =	vadd.f32 v13, v0;
	v43 =	vsel vm1, v7, v3;
	v25 =	vld [tilespmem:s24+$0x190]  }
0x28e: {  	v44 =	vperm.xlane v43, v63;
	v43 =	vld [tilespmem:s24+$0xFFFFFD40]  }
0x28f: {  	v12 =	vsel vm2, v0, v4;
	v0 =	vsel vm2, v4, v0;
	v4 =	vld [tilespmem:s24+$0xFFFFFE40]  }
0x290: {  	v40 =	vmov v63;
	v63 =	vld [tilespmem:s24+$0xFFFFFDA0];
	v16 =	vmul.f32 v27, v16  }
0x291: {  	v3 =	vsel vm1, v3, v7;
	v6 =	vmul.f32 v6, v54;
	v37 =	vld [tilespmem:s24+$0xFFFFFF20]  }
0x292: {  	v7 =	vmul.f32 v46, v54;
	v1 =	vadd.f32 v1, v2;
	v2 =	vadd.f32 v3, v44;
	[tilespmem:$0x1FCF0] =	vst v16;
	v16 =	vld [tilespmem:$0x1FF40]  }
0x293: {  	[tilespmem:$0x1FC40] =	vst v6;
	v6 =	vld [tilespmem:s24+$0xFFFFFD00]  }
0x294: {  	v12 =	vperm.xlane v12, v60;
	[tilespmem:$0x1FC70] =	vst v7;
	v7 =	vmul.f32 v18, v58;
	v18 =	vld [tilespmem:s24+$0x0];
	v62 =	vsel vm2, v2, v1  }
0x295: {  	v26 =	vld [tilespmem:s24+$0x200];
	v13 =	vperm.xlane v62, v60  }
0x296: {  	v3 =	vld [tilespmem:s24+$0xFFFFFFD0];
	v0 =	vadd.f32 v0, v12;
	v1 =	vsel vm2, v1, v2  }
0x297: {  	v12 =	vld [tilespmem:s24+$0xFFFFFEC0];
	v48 =	vmul.f32 v42, v59;
	v1 =	vadd.f32 v1, v13;
	v16 =	vmul.f32 v28, v16  }
0x298: {  	v42 =	vmul.f32 v50, v59;
	v50 =	vmul.f32 v56, v55;
	v56 =	vld [tilespmem:s24+$0xFFFFFF00]  }
0x299: {  	v13 =	vsel vm3, v1, v0;
	[tilespmem:$0x1FD00] =	vst v16;
	v16 =	vld [tilespmem:$0x1FF40]  }
0x29a: {  	v2 =	vld [tilespmem:s24+$0xFFFFFDC0];
	v13 =	vperm.xlane v13, v57  }
0x29b: {  	v33 =	vmov v60;
	v60 =	vld [tilespmem:s24+$0xFFFFFC20];
	v0 =	vsel vm3, v0, v1  }
0x29c: {  	v62 =	vld [tilespmem:$0x1FF80];
	v0 =	vadd.f32 v0, v13  }
0x29d: {  	v46 =	vmul.f32 v12, v59;
	v12 =	vld [tilespmem:s24+$0xFFFFFE80]  }
0x29e: {  	v27 =	vld [tilespmem:s24+$0x210];
	vm4 =	vgt.f32 v0, v17;
	v16 =	vmul.f32 v29, v16  }
0x29f: {  	v17 =	vsel vm4, v0, v17;
	v0 =	vld [tilespmem:$0x1FD90]  }
0x2a0: {  	[tilespmem:$0x1FD20] =	vst v16;
	v16 =	vld [tilespmem:$0x1FF40]  }
0x2a1: {  	v1 =	vld [tilespmem:s24+$0xFFFFFC30]  }
0x2a2: {  	v3 =	vmul.f32 v3, v54;
	v49 =	vmul.f32 v2, v59;
	v2 =	vld [tilespmem:s24+$0xFFFFFE00]  }
0x2a3: {  	v32 =	vmov v57;
	v57 =	vld [tilespmem:s24+$0xFFFFFEB0]  }
0x2a4: {  	[tilespmem:$0x1FC80] =	vst v3;
	v3 =	vmul.f32 v60, v58;
	v60 =	vld [tilespmem:s24+$0xFFFFFF80]  }
0x2a5: {  	v13 =	vld [tilespmem:s24+$0xFFFFFCB0];
	v0 =	vsel vm4, v20, v0;
	v16 =	vmul.f32 v30, v16  }
0x2a6: {  	v14 =	vmul.f32 v14, v61;
	v6 =	vmul.f32 v6, v62;
	[tilespmem:$0x1FD90] =	vst v0;
	v0 =	vld [tilespmem:s24+$0xFFFFFF30]  }
0x2a7: {  	[tilespmem:$0x1FD30] =	vst v16;
	v16 =	vld [tilespmem:$0x1FF40]  }
0x2a8: {  	v6 =	vadd.f32 v14, v6;
	v14 =	vld [tilespmem:s24+$0x20]  }
0x2a9: {  	v44 =	vmul.f32 v43, v59;
	v20 =	vld [tilespmem:s24+$0xFFFFFFB0]  }
0x2aa: {  	v43 =	vmul.f32 v51, v59;
	v51 =	vmul.f32 v57, v55;
	v57 =	vld [tilespmem:s24+$0xFFFFFF10]  }
0x2ab: {  	[tilespmem:$0x1FD80] =	vst v17;
	v17 =	vld [tilespmem:s24+$0xFFFFFE20];
	v28 =	vmul.f32 v13, v55;
	v29 =	vmul.f32 v52, v55  }
0x2ac: {  	v13 =	vld [tilespmem:s24+$0xFFFFFE90];
	v52 =	vmul.f32 v0, v55;
	v16 =	vmul.f32 v31, v16  }
0x2ad: {  	v0 =	vld [tilespmem:s24+$0x310];
	v31 =	vmul.f32 v8, v54;
	v8 =	vmul.f32 v9, v54  }
0x2ae: {  	v30 =	vmul.f32 v53, v55;
	v53 =	vmul.f32 v20, v55;
	v20 =	vld [tilespmem:s24+$0x80]  }
0x2af: {  	v9 =	vmul.f32 v63, v58;
	v63 =	vld [tilespmem:s24+$0xFFFFFF90];
	[tilespmem:$0x1FC30] =	vst v8;
	v8 =	vmul.f32 v15, v54  }
0x2b0: {  	[tilespmem:$0x1FD40] =	vst v16;
	v16 =	vld [tilespmem:$0x1FF40]  }
0x2b1: {  	[tilespmem:$0x1FC50] =	vst v8;
	v8 =	vmul.f32 v45, v54;
	v45 =	vmul.f32 v4, v59;
	v4 =	vld [tilespmem:s24+$0xFFFFFE10]  }
0x2b2: {  	v15 =	vmul.f32 v1, v55;
	v55 =	vld [tilespmem:s24+$0x300]  }
0x2b3: {  	v23 =	vmul.f32 v23, v61;
	v1 =	vld [tilespmem:s24+$0x380];
	[tilespmem:$0x1FC60] =	vst v8;
	v8 =	vmul.f32 v19, v58  }
0x2b4: {  	v21 =	vmul.f32 v21, v61;
	v12 =	vmul.f32 v12, v62;
	v19 =	vld [tilespmem:s24+$0x10]  }
0x2b5: {  	v2 =	vmul.f32 v2, v62;
	v16 =	vmul.f32 v34, v16;
	v34 =	vld [tilespmem:s24+$0xFFFFFC10];
	v6 =	vadd.f32 v8, v6  }
0x2b6: {  	v13 =	vmul.f32 v13, v61;
	v8 =	vld [tilespmem:s24+$0x40];
	v4 =	vmul.f32 v4, v61  }
0x2b7: {  	v25 =	vmul.f32 v25, v61;
	v18 =	vmul.f32 v18, v62;
	[tilespmem:$0x1FD60] =	vst v16;
	v16 =	vld [tilespmem:$0x1FF40];
	v6 =	vadd.f32 v29, v6  }
0x2b8: {  	v20 =	vmul.f32 v20, v62;
	v2 =	vadd.f32 v4, v2;
	v4 =	vadd.f32 v13, v12;
	v12 =	vld [tilespmem:s24+$0xA0]  }
0x2b9: {  	v19 =	vmul.f32 v19, v61;
	v13 =	vmul.f32 v55, v62;
	v55 =	vld [tilespmem:$0x1FF90]  }
0x2ba: {  	v22 =	vmul.f32 v22, v62;
	v24 =	vmul.f32 v24, v62;
	v6 =	vadd.f32 v44, v6;
	v44 =	vld [tilespmem:s24+$0x360]  }
0x2bb: {  	v0 =	vmul.f32 v0, v61;
	v18 =	vadd.f32 v19, v18;
	v19 =	vadd.f32 v21, v20;
	v20 =	vld [tilespmem:s24+$0x1A0]  }
0x2bc: {  	v26 =	vmul.f32 v26, v62;
	v27 =	vmul.f32 v27, v61;
	v21 =	vadd.f32 v23, v22;
	v23 =	vld [tilespmem:s24+$0x220]  }
0x2bd: {  	v17 =	vmul.f32 v17, v58;
	v0 =	vadd.f32 v0, v13;
	v13 =	vld [tilespmem:s24+$0x320]  }
0x2be: {  	v57 =	vmul.f32 v57, v61;
	v22 =	vadd.f32 v25, v24;
	v25 =	vadd.f32 v27, v26;
	v27 =	vld [tilespmem:s24+$0x3A0]  }
0x2bf: {  	v39 =	vmul.f32 v39, v62;
	v2 =	vadd.f32 v17, v2;
	v17 =	vld [tilespmem:s24+$0xB0];
	v16 =	vmul.f32 v35, v16  }
0x2c0: {  	v56 =	vmul.f32 v56, v62;
	v34 =	vmul.f32 v34, v61;
	v35 =	vld [tilespmem:s24+$0xFFFFFC90]  }
0x2c1: {  	v36 =	vmul.f32 v36, v58;
	[tilespmem:$0x1FD70] =	vst v16;
	v16 =	vld [tilespmem:$0x1FF40]  }
0x2c2: {  	v14 =	vmul.f32 v14, v58;
	v34 =	vadd.f32 v34, v39;
	v39 =	vadd.f32 v57, v56;
	v57 =	vmovc v32;
	v32 =	vld [tilespmem:s24+$0x120]  }
0x2c3: {  	v4 =	vadd.f32 v36, v4;
	v56 =	vld [tilespmem:$0x1FF40]  }
0x2c4: {  	v14 =	vadd.f32 v14, v18;
	v18 =	vld [tilespmem:s24+$0x1B0]  }
0x2c5: {  	v2 =	vadd.f32 v50, v2;
	v4 =	vadd.f32 v51, v4;
	v50 =	vld [tilespmem:$0x1FC40]  }
0x2c6: {  	v51 =	vld [tilespmem:$0x1FC50];
	v10 =	vmul.f32 v10, v16  }
0x2c7: {  	v4 =	vadd.f32 v46, v4;
	v46 =	vld [tilespmem:s24+$0x1D0]  }
0x2c8: {  	[tilespmem:$0x1FD50] =	vst v10;
	v10 =	vmul.f32 v11, v54;
	v11 =	vld [tilespmem:s24+$0xFFFFFC80]  }
0x2c9: {  	v5 =	vmul.f32 v5, v62;
	v16 =	vld [tilespmem:s24+$0xFFFFFD90]  }
0x2ca: {  	v60 =	vmul.f32 v60, v62;
	v12 =	vmul.f32 v12, v58;
	v2 =	vadd.f32 v45, v2;
	v45 =	vld [tilespmem:s24+$0x2E0]  }
0x2cb: {  	v63 =	vmul.f32 v63, v61;
	v26 =	vmul.f32 v32, v58;
	v54 =	vld [tilespmem:s24+$0x290]  }
0x2cc: {  	v20 =	vmul.f32 v20, v58;
	v12 =	vadd.f32 v12, v19;
	v17 =	vmul.f32 v17, v55;
	[tilespmem:$0x1FC20] =	vst v10;
	v10 =	vld [tilespmem:s24+$0x280]  }
0x2cd: {  	v35 =	vmul.f32 v35, v61;
	v19 =	vadd.f32 v26, v21;
	v21 =	vld [tilespmem:s24+$0x230];
	v11 =	vmul.f32 v11, v62  }
0x2ce: {  	v20 =	vadd.f32 v20, v22;
	v22 =	vmul.f32 v27, v58;
	v27 =	vld [tilespmem:s24+$0x140];
	v16 =	vmul.f32 v16, v61  }
0x2cf: {  	v11 =	vadd.f32 v35, v11;
	v35 =	vld [tilespmem:s24+$0x390]  }
0x2d0: {  	v23 =	vmul.f32 v23, v58;
	v12 =	vadd.f32 v17, v12;
	v17 =	vld [tilespmem:s24+$0x1C0];
	v5 =	vadd.f32 v16, v5  }
0x2d1: {  	v16 =	vmul.f32 v54, v61;
	v54 =	vadd.f32 v63, v60;
	v63 =	vmovc v40;
	v40 =	vld [tilespmem:s24+$0x30];
	v10 =	vmul.f32 v10, v62  }
0x2d2: {  	v23 =	vadd.f32 v23, v25;
	v21 =	vmul.f32 v21, v55;
	v60 =	vmov v33;
	v33 =	vld [tilespmem:s24+$0x130]  }
0x2d3: {  	v47 =	vmul.f32 v47, v59;
	v38 =	vmul.f32 v38, v58;
	v10 =	vadd.f32 v16, v10;
	v16 =	vld [tilespmem:s24+$0x2A0]  }
0x2d4: {  	v1 =	vmul.f32 v1, v62;
	v21 =	vadd.f32 v21, v23;
	v23 =	vld [tilespmem:s24+$0x50];
	v24 =	vmul.f32 v35, v61  }
0x2d5: {  	v37 =	vmul.f32 v37, v58;
	v13 =	vmul.f32 v13, v58;
	v32 =	vadd.f32 v38, v54;
	v54 =	vld [tilespmem:$0x1FF30]  }
0x2d6: {  	v26 =	vmul.f32 v40, v55;
	v40 =	vld [tilespmem:s24+$0x330];
	v1 =	vadd.f32 v24, v1;
	v24 =	vadd.f32 v3, v34  }
0x2d7: {  	v0 =	vadd.f32 v13, v0;
	v5 =	vadd.f32 v9, v5;
	v9 =	vmul.f32 v18, v55;
	v18 =	vld [tilespmem:s24+$0xC0]  }
0x2d8: {  	v11 =	vadd.f32 v7, v11;
	v16 =	vmul.f32 v16, v58;
	v58 =	vmovc v41;
	v41 =	vld [tilespmem:s24+$0x340];
	v3 =	vadd.f32 v15, v24  }
0x2d9: {  	v17 =	vmul.f32 v17, v59;
	v25 =	vadd.f32 v53, v32;
	v9 =	vadd.f32 v9, v20;
	v53 =	vld [tilespmem:s24+$0xE0]  }
0x2da: {  	v5 =	vadd.f32 v30, v5;
	v3 =	vadd.f32 v47, v3;
	v47 =	vld [tilespmem:s24+$0x350]  }
0x2db: {  	v62 =	vadd.f32 v37, v39;
	v9 =	vadd.f32 v17, v9;
	v17 =	vld [tilespmem:s24+$0x250];
	v13 =	vmul.f32 v40, v55  }
0x2dc: {  	v7 =	vadd.f32 v28, v11;
	v11 =	vmul.f32 v33, v55;
	v5 =	vadd.f32 v49, v5;
	v49 =	vld [tilespmem:$0x1FC30]  }
0x2dd: {  	v14 =	vadd.f32 v26, v14;
	v26 =	vld [tilespmem:s24+$0xD0];
	v0 =	vadd.f32 v13, v0;
	v13 =	vmul.f32 v41, v59  }
0x2de: {  	v11 =	vadd.f32 v11, v19;
	v19 =	vld [tilespmem:s24+$0x240];
	v7 =	vadd.f32 v48, v7  }
0x2df: {  	v48 =	vld [tilespmem:$0x1FC20];
	v24 =	vadd.f32 v52, v62;
	v0 =	vadd.f32 v13, v0;
	v62 =	vmul.f32 v47, v54  }
0x2e0: {  	v8 =	vmul.f32 v8, v59;
	v10 =	vadd.f32 v16, v10;
	v16 =	vld [tilespmem:s24+$0x2B0]  }
0x2e1: {  	v24 =	vadd.f32 v42, v24;
	v42 =	vadd.f32 v62, v0;
	v0 =	vld [tilespmem:$0x1FCF0]  }
0x2e2: {  	v8 =	vadd.f32 v8, v14;
	v14 =	vmul.f32 v46, v54;
	v1 =	vadd.f32 v22, v1;
	v22 =	vld [tilespmem:s24+$0x3B0]  }
0x2e3: {  	v52 =	vld [tilespmem:$0x1FC60]  }
0x2e4: {  	v39 =	vadd.f32 v14, v9;
	v9 =	vld [tilespmem:s24+$0x260];
	v3 =	vadd.f32 v48, v3  }
0x2e5: {  	v6 =	vadd.f32 v49, v6;
	v49 =	vld [tilespmem:s24+$0x70];
	v19 =	vmul.f32 v19, v59  }
0x2e6: {  	v32 =	vadd.f32 v0, v3;
	v0 =	vld [tilespmem:$0x1FD00]  }
0x2e7: {  	v19 =	vadd.f32 v19, v21;
	v21 =	vmul.f32 v26, v54;
	v26 =	vld [tilespmem:$0x1FC70]  }
0x2e8: {  	v18 =	vmul.f32 v18, v59;
	v48 =	vld [tilespmem:s24+$0xF0]  }
0x2e9: {  	v7 =	vadd.f32 v31, v7;
	v20 =	vmul.f32 v22, v55;
	v22 =	vld [tilespmem:s24+$0x3C0]  }
0x2ea: {  	v12 =	vadd.f32 v18, v12;
	v4 =	vadd.f32 v52, v4;
	v52 =	vmul.f32 v9, v56;
	v9 =	vld [tilespmem:$0x1FD70]  }
0x2eb: {  	v16 =	vmul.f32 v16, v55;
	v33 =	vadd.f32 v0, v7;
	v0 =	vld [tilespmem:$0x1FD20]  }
0x2ec: {  	v37 =	vadd.f32 v21, v12;
	v21 =	vld [tilespmem:$0x1FCB0]  }
0x2ed: {  	v10 =	vadd.f32 v16, v10;
	v16 =	vld [tilespmem:s24+$0x2C0]  }
0x2ee: {  	v1 =	vadd.f32 v20, v1;
	v20 =	vmul.f32 v27, v59;
	v27 =	vld [tilespmem:s24+$0x150]  }
0x2ef: {  	v47 =	vld [tilespmem:s24+$0x3E0]  }
0x2f0: {  	v28 =	vadd.f32 v0, v6;
	v0 =	vld [tilespmem:$0x1FD30]  }
0x2f1: {  	v11 =	vadd.f32 v20, v11;
	v20 =	vmul.f32 v23, v54;
	v23 =	vld [tilespmem:s24+$0x60]  }
0x2f2: {  	v34 =	vadd.f32 v26, v24;
	v24 =	vld [tilespmem:$0x1FC80]  }
0x2f3: {  	v5 =	vadd.f32 v50, v5;
	v18 =	vmul.f32 v22, v59;
	v22 =	vld [tilespmem:s24+$0x3D0]  }
0x2f4: {  	v35 =	vadd.f32 v20, v8;
	v20 =	vld [tilespmem:$0x1FCA0]  }
0x2f5: {  	v16 =	vmul.f32 v16, v59;
	v29 =	vadd.f32 v0, v5;
	v0 =	vld [tilespmem:$0x1FD40]  }
0x2f6: {  	v25 =	vadd.f32 v43, v25;
	v8 =	vld [tilespmem:s24+$0x1E0]  }
0x2f7: {  	v10 =	vadd.f32 v16, v10;
	v16 =	vld [tilespmem:s24+$0x2D0]  }
0x2f8: {  	v2 =	vadd.f32 v51, v2;
	v36 =	vadd.f32 v24, v25;
	v25 =	vld [tilespmem:$0x1FC90]  }
0x2f9: {  	v1 =	vadd.f32 v18, v1;
	v18 =	vmul.f32 v27, v54;
	v24 =	vld [tilespmem:s24+$0x160]  }
0x2fa: {  	p1 =	sne.s32 s25, $0xE0;
	v30 =	vadd.f32 v0, v2;
	v0 =	vld [tilespmem:$0x1FD60]  }
.Ltmp7:
0x2fb: {  	v17 =	vmul.f32 v17, v54;
	v38 =	vadd.f32 v18, v11;
	v18 =	vld [tilespmem:$0x1FCC0];
	(pc) =	sbr.rel @p1 .LBB2_7-.Ltmp7, $4  }
0x2fc: {  	v46 =	vmul.f32 v23, v56;
	v23 =	vld [tilespmem:$0x1FCE0];
	v11 =	vmul.f32 v22, v54  }
0x2fd: {  	v50 =	vmul.f32 v53, v56;
	v22 =	vld [tilespmem:$0x1FCD0];
	v16 =	vmul.f32 v16, v54  }
0x2fe: {  	v40 =	vadd.f32 v17, v19;
	v43 =	vadd.f32 v11, v1;
	v51 =	vmul.f32 v24, v56;
	v24 =	vld [tilespmem:$0x1FD10]  }
0x2ff: {  	s23 =	smov.u32 s25;
	s25 =	sadd.s32 $0x10, s25;
	v53 =	vmul.f32 v8, v56;
	v41 =	vadd.f32 v16, v10;
	v2 =	vld [tilespmem:$0x1FD50];
	v31 =	vadd.f32 v0, v4  }
.Ltmp8:
0x300: {  	_ = 	snop;
	(pc) =	sbr.rel .LBB2_8-.Ltmp8, $1  }
0x301: {  	_ =	sdelay $0x3  }
.LBB2_10:
.Ltmp9:
0x302: {  	(pc) =	sbr.rel @p0 .LBB2_12-.Ltmp9, $1  }
0x303: {  	_ =	sdelay $0x3  }
0x304: {  	_ =	swait.ge [sflag:s16], $0x800  }
0x305: {  	[sflag:s16] =	ssyncset.done $0x0  }
0x306: {  	[sflag:s16] =	ssyncadd.s32 $0xFFFFF800  }
0x307: {  	v0 =	vld [tilespmem:$0xF080]  }
0x308: {  	v1 =	vld [tilespmem:$0xF090]  }
0x309: {  	v2 =	vld [tilespmem:$0xF0A0]  }
0x30a: {  	v3 =	vld [tilespmem:$0xF0B0]  }
0x30b: {  	v4 =	vld [tilespmem:$0xF0C0]  }
0x30c: {  	v5 =	vld [tilespmem:$0xF0D0]  }
0x30d: {  	v51 =	vmov v6;
	v6 =	vld [tilespmem:$0xF0E0]  }
0x30e: {  	v52 =	vmov v7;
	v7 =	vld [tilespmem:$0xF0F0]  }
0x30f: {  	v8 =	vld [tilespmem:$0xF100]  }
0x310: {  	v9 =	vld [tilespmem:$0xF110]  }
0x311: {  	v10 =	vld [tilespmem:$0xF120]  }
0x312: {  	v11 =	vld [tilespmem:$0xF130]  }
0x313: {  	v12 =	vld [tilespmem:$0xF140]  }
0x314: {  	v13 =	vld [tilespmem:$0xF150]  }
0x315: {  	v14 =	vld [tilespmem:$0xF160]  }
0x316: {  	v15 =	vld [tilespmem:$0xF170]  }
0x317: {  	v16 =	vld [tilespmem:$0xF180]  }
0x318: {  	v18 =	vld [tilespmem:$0xF190]  }
0x319: {  	v20 =	vld [tilespmem:$0xF1A0]  }
0x31a: {  	v23 =	vld [tilespmem:$0xF1B0]  }
0x31b: {  	v24 =	vld [tilespmem:$0xF1C0]  }
0x31c: {  	v25 =	vld [tilespmem:$0xF1D0]  }
0x31d: {  	v26 =	vld [tilespmem:$0xF1E0]  }
0x31e: {  	v27 =	vld [tilespmem:$0xF1F0]  }
0x31f: {  	v28 =	vld [tilespmem:$0xF200]  }
0x320: {  	v29 =	vld [tilespmem:$0xF210]  }
0x321: {  	v30 =	vld [tilespmem:$0xF220]  }
0x322: {  	v31 =	vld [tilespmem:$0xF230]  }
0x323: {  	v32 =	vld [tilespmem:$0xF240]  }
0x324: {  	v33 =	vld [tilespmem:$0xF250]  }
0x325: {  	v34 =	vld [tilespmem:$0xF260]  }
0x326: {  	v35 =	vld [tilespmem:$0xF270]  }
0x327: {  	v36 =	vld [tilespmem:$0xF280]  }
0x328: {  	v37 =	vld [tilespmem:$0xF290]  }
0x329: {  	v38 =	vld [tilespmem:$0xF2A0]  }
0x32a: {  	v39 =	vld [tilespmem:$0xF2B0]  }
0x32b: {  	v40 =	vld [tilespmem:$0xF2C0]  }
0x32c: {  	v41 =	vld [tilespmem:$0xF2D0]  }
0x32d: {  	v42 =	vld [tilespmem:$0xF2E0]  }
0x32e: {  	v50 =	vmov v17;
	v17 =	vld [tilespmem:$0xF2F0]  }
0x32f: {  	v43 =	vld [tilespmem:$0xF300]  }
0x330: {  	v44 =	vld [tilespmem:$0xF310]  }
0x331: {  	v45 =	vld [tilespmem:$0xF320]  }
0x332: {  	v46 =	vld [tilespmem:$0xF330]  }
0x333: {  	v47 =	vld [tilespmem:$0xF340]  }
0x334: {  	v48 =	vld [tilespmem:$0xF360];
	v0 =	vmul.f32 v0, v52;
	v21 =	vmul.f32 v2, v51  }
0x335: {  	v2 =	vld [tilespmem:$0xF350];
	v8 =	vmul.f32 v8, v52;
	v9 =	vmul.f32 v9, v61  }
0x336: {  	v1 =	vmul.f32 v1, v61;
	v22 =	vmul.f32 v3, v55;
	v3 =	vld [tilespmem:$0xF370]  }
0x337: {  	v49 =	vmul.f32 v10, v51;
	v10 =	vld [tilespmem:$0xF380];
	v8 =	vadd.f32 v9, v8  }
0x338: {  	v53 =	vmul.f32 v4, v50;
	v4 =	vld [tilespmem:$0xF390];
	v0 =	vadd.f32 v1, v0  }
0x339: {  	v58 =	vmul.f32 v11, v55;
	v8 =	vadd.f32 v49, v8;
	v49 =	vld [tilespmem:$0x1FF30]  }
0x33a: {  	v11 =	vld [tilespmem:$0xF3A0];
	v19 =	vmul.f32 v12, v50;
	v7 =	vmul.f32 v7, v54;
	v0 =	vadd.f32 v21, v0  }
0x33b: {  	v12 =	vld [tilespmem:$0xF3C0];
	v28 =	vmul.f32 v28, v52;
	v15 =	vmul.f32 v15, v54  }
0x33c: {  	v32 =	vmul.f32 v32, v50;
	v21 =	vld [tilespmem:$0xF3D0];
	v0 =	vadd.f32 v22, v0;
	v8 =	vadd.f32 v58, v8  }
0x33d: {  	v27 =	vmul.f32 v27, v54;
	v45 =	vmul.f32 v45, v51;
	v22 =	vld [tilespmem:$0xF3E0]  }
0x33e: {  	v0 =	vadd.f32 v53, v0;
	v53 =	vadd.f32 v19, v8;
	v19 =	vld [tilespmem:$0xF3F0];
	v59 =	vmul.f32 v5, v49  }
0x33f: {  	v34 =	vmul.f32 v34, v56;
	v8 =	vld [tilespmem:$0xF400];
	v58 =	vmul.f32 v13, v49  }
0x340: {  	v35 =	vmul.f32 v35, v54;
	v1 =	vmul.f32 v6, v56;
	v5 =	vld [tilespmem:$0xF3B0];
	v0 =	vadd.f32 v59, v0  }
0x341: {  	v9 =	vmul.f32 v16, v52;
	v53 =	vadd.f32 v58, v53;
	v58 =	vmul.f32 v14, v56;
	v14 =	vld [tilespmem:$0xF410]  }
0x342: {  	v3 =	vmul.f32 v3, v54;
	v59 =	vmul.f32 v18, v61;
	v18 =	vld [tilespmem:$0xF420];
	v0 =	vadd.f32 v1, v0  }
0x343: {  	v1 =	vadd.f32 v58, v53;
	v53 =	vmul.f32 v29, v61;
	v58 =	vmul.f32 v23, v55;
	v23 =	vld [tilespmem:$0xF430]  }
0x344: {  	v9 =	vadd.f32 v59, v9;
	v59 =	vmul.f32 v20, v51;
	v20 =	vmul.f32 v24, v50;
	v24 =	vld [tilespmem:$0xF460]  }
0x345: {  	v10 =	vmul.f32 v10, v52;
	v4 =	vmul.f32 v4, v61;
	v6 =	vadd.f32 v53, v28;
	v28 =	vld [tilespmem:$0xF440]  }
0x346: {  	v2 =	vmul.f32 v2, v49;
	v9 =	vadd.f32 v59, v9;
	v1 =	vadd.f32 v15, v1;
	v15 =	vld [tilespmem:$0xF450]  }
0x347: {  	v29 =	vmul.f32 v31, v55;
	v0 =	vadd.f32 v7, v0;
	v59 =	vmul.f32 v30, v51;
	v7 =	vld [tilespmem:$0xF480]  }
0x348: {  	v30 =	vmul.f32 v25, v49;
	v53 =	vmul.f32 v26, v56;
	v26 =	vld [tilespmem:$0xF490];
	v9 =	vadd.f32 v58, v9  }
0x349: {  	v25 =	vld [tilespmem:$0xF540];
	v6 =	vadd.f32 v59, v6;
	v58 =	vmul.f32 v33, v49;
	v59 =	vmul.f32 v36, v52  }
0x34a: {  	v36 =	vmul.f32 v37, v61;
	v37 =	vmul.f32 v43, v52;
	v33 =	vld [tilespmem:$0xF4D0]  }
0x34b: {  	v43 =	vmul.f32 v44, v61;
	v44 =	vmul.f32 v38, v51;
	v38 =	vld [tilespmem:$0xF520]  }
0x34c: {  	v19 =	vmul.f32 v19, v54;
	v14 =	vmul.f32 v14, v61;
	v9 =	vadd.f32 v20, v9;
	v20 =	vld [tilespmem:$0xF470]  }
0x34d: {  	v16 =	vsel vm0, v0, v1;
	v0 =	vsel vm0, v1, v0;
	v31 =	vadd.f32 v29, v6;
	v29 =	vld [tilespmem:$0xF4C0]  }
0x34e: {  	v0 =	vperm.xlane v0, v57;
	v24 =	vmul.f32 v24, v56;
	v6 =	vadd.f32 v36, v59;
	v36 =	vld [tilespmem:$0xF4E0]  }
0x34f: {  	v13 =	vadd.f32 v43, v37;
	v59 =	vmul.f32 v40, v50;
	v40 =	vmul.f32 v47, v50;
	v37 =	vld [tilespmem:$0xF510]  }
0x350: {  	v43 =	vmul.f32 v41, v49;
	v41 =	vmul.f32 v5, v55;
	v5 =	vld [tilespmem:$0xF5B0];
	v9 =	vadd.f32 v30, v9  }
0x351: {  	v47 =	vmul.f32 v17, v54;
	v15 =	vmul.f32 v15, v49;
	v1 =	vadd.f32 v32, v31;
	v30 =	vld [tilespmem:$0xF4A0]  }
0x352: {  	v32 =	vld [tilespmem:$0xF4B0];
	v6 =	vadd.f32 v44, v6;
	v9 =	vadd.f32 v53, v9;
	v53 =	vmul.f32 v39, v55  }
0x353: {  	v13 =	vadd.f32 v45, v13;
	v31 =	vld [tilespmem:$0xF4F0];
	v1 =	vadd.f32 v58, v1;
	v58 =	vmul.f32 v46, v55  }
0x354: {  	v45 =	vmul.f32 v42, v56;
	v39 =	vld [tilespmem:$0xF550];
	v9 =	vadd.f32 v27, v9;
	v6 =	vadd.f32 v53, v6  }
0x355: {  	v42 =	vmul.f32 v18, v51;
	v1 =	vadd.f32 v34, v1;
	v34 =	vld [tilespmem:$0xF500];
	v13 =	vadd.f32 v58, v13  }
0x356: {  	v46 =	vmul.f32 v48, v56;
	v53 =	vadd.f32 v4, v10;
	v4 =	vld [tilespmem:$0xF5D0];
	v6 =	vadd.f32 v59, v6  }
0x357: {  	v20 =	vmul.f32 v20, v54;
	v27 =	vld [tilespmem:$0xF530];
	v1 =	vadd.f32 v35, v1;
	v13 =	vadd.f32 v40, v13  }
0x358: {  	v16 =	vadd.f32 v16, v0;
	v5 =	vmul.f32 v5, v55;
	v58 =	vmul.f32 v11, v51;
	v10 =	vld [tilespmem:$0xF590]  }
0x359: {  	v40 =	vld [tilespmem:$0xF560];
	v44 =	vadd.f32 v43, v6;
	v35 =	vsel vm0, v1, v9;
	v2 =	vadd.f32 v2, v13  }
0x35a: {  	v59 =	vmul.f32 v8, v52;
	v8 =	vld [tilespmem:$0xF5E0];
	v1 =	vsel vm0, v9, v1;
	v48 =	vperm.xlane v35, v57  }
0x35b: {  	v13 =	vld [tilespmem:$0xF570];
	v4 =	vmul.f32 v4, v49;
	v0 =	vadd.f32 v45, v44;
	v2 =	vadd.f32 v46, v2  }
0x35c: {  	v6 =	vld [tilespmem:$0xF580];
	v44 =	vmul.f32 v12, v50;
	v46 =	vmul.f32 v23, v55;
	v17 =	vadd.f32 v1, v48  }
0x35d: {  	v9 =	vld [tilespmem:$0xF5A0];
	v1 =	vadd.f32 v14, v59;
	v48 =	vmul.f32 v22, v56;
	v59 =	vmul.f32 v26, v61  }
0x35e: {  	v12 =	vld [tilespmem:$0xF5F0];
	v0 =	vadd.f32 v47, v0;
	v2 =	vadd.f32 v3, v2;
	v47 =	vmul.f32 v21, v49  }
0x35f: {  	v23 =	vld [tilespmem:$0xF640];
	v3 =	vadd.f32 v58, v53;
	v53 =	vmul.f32 v28, v50;
	v58 =	vmul.f32 v7, v52  }
0x360: {  	v14 =	vld [tilespmem:$0xF5C0];
	v28 =	vmul.f32 v34, v52;
	v34 =	vmul.f32 v37, v61  }
0x361: {  	v22 =	vld [tilespmem:$0xF610];
	v37 =	vmul.f32 v30, v51;
	v45 =	vadd.f32 v42, v1;
	v42 =	vmul.f32 v32, v55  }
0x362: {  	v21 =	vld [tilespmem:$0xF600];
	v6 =	vmul.f32 v6, v52;
	v13 =	vmul.f32 v13, v54;
	v35 =	vsel vm0, v2, v0  }
0x363: {  	v30 =	vld [tilespmem:$0xF6A0];
	v0 =	vsel vm0, v0, v2;
	v43 =	vadd.f32 v41, v3;
	v41 =	vmul.f32 v38, v51  }
0x364: {  	v7 =	vld [tilespmem:$0xF6F0];
	v3 =	vadd.f32 v59, v58;
	v58 =	vmul.f32 v40, v56;
	v59 =	vmul.f32 v9, v51  }
0x365: {  	v1 =	vadd.f32 v34, v28;
	v28 =	vld [tilespmem:$0xF650];
	v34 =	vmul.f32 v31, v54;
	v11 =	vperm.xlane v35, v57  }
0x366: {  	v9 =	vld [tilespmem:$0xF6D0];
	v12 =	vmul.f32 v12, v54;
	v2 =	vadd.f32 v44, v43;
	v43 =	vmul.f32 v27, v55  }
0x367: {  	v38 =	vld [tilespmem:$0xF710];
	v3 =	vadd.f32 v37, v3;
	v44 =	vmul.f32 v29, v50;
	v37 =	vmul.f32 v14, v50  }
0x368: {  	v40 =	vld [tilespmem:$0xF720];
	v18 =	vadd.f32 v0, v11;
	v0 =	vadd.f32 v46, v45;
	v45 =	vmul.f32 v25, v50  }
0x369: {  	v35 =	vld [tilespmem:$0xF620];
	v1 =	vadd.f32 v41, v1;
	v46 =	vmul.f32 v33, v49;
	v32 =	vmul.f32 v21, v52  }
0x36a: {  	v27 =	vld [tilespmem:$0xF660];
	v33 =	vmul.f32 v22, v61;
	v7 =	vmul.f32 v7, v54;
	v2 =	vadd.f32 v47, v2  }
0x36b: {  	v41 =	vld [tilespmem:$0xF730];
	v3 =	vadd.f32 v42, v3;
	v1 =	vadd.f32 v43, v1;
	v47 =	vmul.f32 v36, v56  }
0x36c: {  	v11 =	vld [tilespmem:$0xF630];
	v43 =	vmul.f32 v23, v50;
	v0 =	vadd.f32 v53, v0;
	v53 =	vmul.f32 v10, v61  }
0x36d: {  	v25 =	vld [tilespmem:$0xF690];
	v14 =	vmul.f32 v38, v61;
	v9 =	vmul.f32 v9, v49;
	v2 =	vadd.f32 v48, v2  }
0x36e: {  	v36 =	vld [tilespmem:$0xF700];
	v3 =	vadd.f32 v44, v3;
	v1 =	vadd.f32 v45, v1;
	v48 =	vmul.f32 v39, v49  }
0x36f: {  	v22 =	vld [tilespmem:$0xF6E0];
	v35 =	vmul.f32 v35, v51;
	v0 =	vadd.f32 v15, v0;
	v6 =	vadd.f32 v53, v6  }
0x370: {  	v10 =	vld [tilespmem:$0xF6B0];
	v44 =	vmul.f32 v8, v56;
	v15 =	vadd.f32 v33, v32;
	v2 =	vadd.f32 v19, v2  }
0x371: {  	v38 =	vld [tilespmem:$0xF820];
	v45 =	vmul.f32 v28, v49;
	v3 =	vadd.f32 v46, v3;
	v1 =	vadd.f32 v48, v1  }
0x372: {  	v8 =	vld [tilespmem:$0xF750];
	v11 =	vmul.f32 v11, v55;
	v48 =	vmul.f32 v27, v56;
	v0 =	vadd.f32 v24, v0  }
0x373: {  	v53 =	vld [tilespmem:$0xF780];
	v6 =	vadd.f32 v59, v6;
	v39 =	vadd.f32 v35, v15;
	v32 =	vmul.f32 v36, v52  }
0x374: {  	v19 =	vld [tilespmem:$0xF670];
	v35 =	vmul.f32 v40, v51;
	v3 =	vadd.f32 v47, v3;
	v1 =	vadd.f32 v58, v1  }
0x375: {  	v24 =	vld [tilespmem:$0xF680];
	v47 =	vmul.f32 v25, v61;
	v58 =	vmul.f32 v30, v51;
	v0 =	vadd.f32 v20, v0  }
0x376: {  	v33 =	vld [tilespmem:$0xF800];
	v10 =	vmul.f32 v10, v55;
	v5 =	vadd.f32 v5, v6;
	v42 =	vadd.f32 v11, v39  }
0x377: {  	v59 =	vld [tilespmem:$0xF790];
	v6 =	vmul.f32 v41, v55;
	v8 =	vmul.f32 v8, v49;
	v3 =	vadd.f32 v34, v3  }
0x378: {  	v36 =	vld [tilespmem:$0xF7A0];
	v1 =	vadd.f32 v13, v1;
	v39 =	vmul.f32 v53, v52;
	v53 =	vmul.f32 v38, v51  }
0x379: {  	v40 =	vld [tilespmem:$0xF7B0];
	v21 =	vsel vm0, v2, v0;
	v5 =	vadd.f32 v37, v5;
	v0 =	vsel vm0, v0, v2  }
0x37a: {  	v34 =	vld [tilespmem:$0xF810];
	v2 =	vadd.f32 v43, v42;
	v19 =	vmul.f32 v19, v54;
	v46 =	vmul.f32 v24, v52  }
0x37b: {  	v20 =	vld [tilespmem:$0xF6C0];
	v42 =	vmul.f32 v33, v52;
	v23 =	vsel vm0, v3, v1;
	v4 =	vadd.f32 v4, v5  }
0x37c: {  	v25 =	vld [tilespmem:$0xF770];
	v1 =	vsel vm0, v1, v3;
	v3 =	vadd.f32 v14, v32;
	v5 =	vadd.f32 v47, v46  }
0x37d: {  	v11 =	vld [tilespmem:$0xF760];
	v41 =	vmul.f32 v59, v61;
	v59 =	vmul.f32 v22, v56;
	v4 =	vadd.f32 v44, v4  }
0x37e: {  	v43 =	vld [tilespmem:$0xF830];
	v0 =	vperm.xlane v0, v57;
	v2 =	vadd.f32 v45, v2;
	v5 =	vadd.f32 v58, v5  }
0x37f: {  	v13 =	vld [tilespmem:$0xF740];
	v3 =	vadd.f32 v35, v3;
	v4 =	vadd.f32 v12, v4;
	v12 =	vmul.f32 v34, v61  }
0x380: {  	v45 =	vld [tilespmem:$0xF7C0];
	v37 =	vmul.f32 v20, v50;
	v46 =	vadd.f32 v41, v39;
	v5 =	vadd.f32 v10, v5  }
0x381: {  	v38 =	vmul.f32 v25, v54;
	v2 =	vadd.f32 v48, v2;
	v48 =	vld [tilespmem:$0xF840];
	v52 =	vadd.f32 v12, v42  }
0x382: {  	v24 =	vld [tilespmem:$0xF850];
	v47 =	vmul.f32 v36, v51;
	v11 =	vmul.f32 v11, v56;
	v5 =	vadd.f32 v37, v5  }
0x383: {  	v3 =	vadd.f32 v6, v3;
	v58 =	vld [tilespmem:$0xF7D0];
	v26 =	vmul.f32 v43, v55;
	v6 =	vadd.f32 v53, v52  }
0x384: {  	v27 =	vld [tilespmem:$0xF7E0];
	v61 =	vmul.f32 v40, v55;
	v5 =	vadd.f32 v9, v5;
	v9 =	vadd.f32 v47, v46  }
0x385: {  	v29 =	vld [tilespmem:$0xF860];
	v44 =	vmul.f32 v13, v50;
	v28 =	vmul.f32 v45, v50  }
0x386: {  	v31 =	vld [tilespmem:$0xF7F0];
	v30 =	vmul.f32 v48, v50;
	v6 =	vadd.f32 v26, v6;
	v9 =	vadd.f32 v61, v9  }
0x387: {  	v33 =	vld [tilespmem:$0xF870];
	v0 =	vadd.f32 v21, v0;
	v34 =	vmul.f32 v24, v49;
	v3 =	vadd.f32 v44, v3  }
0x388: {  	v32 =	vmul.f32 v58, v49;
	v6 =	vadd.f32 v30, v6;
	v9 =	vadd.f32 v28, v9  }
0x389: {  	v36 =	vmul.f32 v27, v56;
	v3 =	vadd.f32 v8, v3;
	v5 =	vadd.f32 v59, v5  }
0x38a: {  	v37 =	vmul.f32 v29, v56;
	v6 =	vadd.f32 v34, v6;
	v35 =	vadd.f32 v32, v9  }
0x38b: {  	v39 =	vmul.f32 v31, v54;
	v3 =	vadd.f32 v11, v3;
	v5 =	vadd.f32 v7, v5  }
0x38c: {  	v40 =	vmul.f32 v33, v54;
	v6 =	vadd.f32 v37, v6;
	v7 =	vadd.f32 v36, v35  }
0x38d: {  	v1 =	vperm.xlane v1, v57;
	v2 =	vadd.f32 v19, v2;
	v3 =	vadd.f32 v38, v3  }
0x38e: {  	v6 =	vadd.f32 v40, v6;
	v7 =	vadd.f32 v39, v7  }
0x38f: {  	v1 =	vadd.f32 v23, v1;
	v45 =	vsel vm1, v17, v16;
	v41 =	vsel vm0, v2, v4  }
0x390: {  	v42 =	vperm.xlane v41, v57;
	v43 =	vsel vm0, v3, v5;
	v44 =	vsel vm0, v6, v7  }
0x391: {  	v2 =	vsel vm0, v4, v2;
	v4 =	vperm.xlane v43, v57;
	v8 =	vperm.xlane v44, v57  }
0x392: {  	v2 =	vadd.f32 v2, v42;
	v3 =	vsel vm0, v5, v3;
	v46 =	vsel vm0, v7, v6  }
0x393: {  	v50 =	vsel vm1, v0, v18;
	v3 =	vadd.f32 v3, v4;
	v48 =	vadd.f32 v46, v8  }
0x394: {  	v0 =	vsel vm1, v18, v0;
	v47 =	vsel vm1, v16, v17;
	v51 =	vsel vm1, v2, v1  }
0x395: {  	v9 =	vperm.xlane v45, v63;
	v6 =	vperm.xlane v50, v63;
	v8 =	vsel vm1, v48, v3  }
0x396: {  	v1 =	vsel vm1, v1, v2;
	v7 =	vperm.xlane v51, v63;
	v8 =	vperm.xlane v8, v63  }
0x397: {  	v49 =	vadd.f32 v47, v9;
	v0 =	vadd.f32 v0, v6;
	v52 =	vsel vm1, v3, v48  }
0x398: {  	v1 =	vadd.f32 v1, v7;
	v2 =	vadd.f32 v52, v8;
	_ =	sdelay $0x1  }
0x399: {  	v53 =	vsel vm2, v0, v49;
	v54 =	vsel vm2, v2, v1  }
0x39a: {  	v58 =	vld [tilespmem:$0x1FFC0];
	v3 =	vperm.xlane v53, v60;
	v4 =	vperm.xlane v54, v60  }
0x39b: {  	v0 =	vsel vm2, v49, v0;
	v1 =	vsel vm2, v1, v2  }
0x39c: {  	v0 =	vadd.f32 v0, v3;
	v1 =	vadd.f32 v1, v4;
	_ =	sdelay $0x1  }
0x39d: {  	v56 =	vld [tilespmem:$0xF880];
	v55 =	vsel vm3, v1, v0  }
0x39e: {  	v59 =	vld [tilespmem:$0xF900];
	v2 =	vperm.xlane v55, v58  }
0x39f: {  	v61 =	vld [tilespmem:$0x1FFB0];
	v0 =	vsel vm3, v0, v1  }
0x3a0: {  	v0 =	vadd.f32 v0, v2  }
.Ltmp10:
0x3a1: {  	_ = 	snop;
	(pc) =	sbr.rel .LBB2_12-.Ltmp10, $4  }
0x3a2: {  	vm4 =	vgt.f32 v0, v56  }
0x3a3: {  	v0 =	vsel vm4, v0, v56  }
0x3a4: {  	v1 =	vsel vm4, v61, v59;
	[tilespmem:$0xF880] =	vst v0  }
0x3a5: {  	[tilespmem:$0xF900] =	vst v1  }
.LBB2_13:
0x3a6: {  	_ =	sfence.sel $0x180000  }
0x3a7: {  	[bflag:$0x0] =	sbarrier.arrive $0xFFFF  }
0x3a8: {  	p0 =	sne.s32 s0, $0x0;
	_ =	strace $0x90000047  }
0x3a9: {  	s0 =	sadd.s32 @!p0 $0x100000, s3;
	[bflag:$0x2] =	sbarrier.arrive $0xFFFF  }
0x3aa: {  	[sflag:s0] =	ssyncadd.tile.s32 @!p0 $0x1;
	_ =	shalt  }
.Lfunc_end2:
_tile_overlayer_lowered:
.L_overlay_start_2:
0x3ab: {  	(tag) =	ssettag $0x2  }
0x3ac: {  	s0 =	rddreg [dreg:$0x0];
	s2 =	stileid.u32  }
0x3ad: {  	s1 =	rddreg [dreg:$0x1];
	p0 =	sne.s32 s2, $0x0  }
0x3ae: {  	s3 =	rddreg [dreg:$0x2];
	[bflag:$0x3] =	sbarrier.arrive $0xFFFF;
	s2 =	simm.s32 @!p0 $0x1C04  }
0x3af: {  	[timem:s3], [sflag:s2] =	dma.local @!p0 [hbm:s0], s1  }
0x3b0: {  	s0 =	simm.s32 @!p0 $0x4  }
0x3b1: {  	_ =	swait.ge @!p0 [sflag:s0], s1  }
0x3b2: {  	s1 =	ssub.s32 @!p0 $0x0, s1;
	[sflag:s0] =	ssyncset.done @!p0 $0x0  }
0x3b3: {  	[sflag:s0] =	ssyncadd.s32 @!p0 s1  }
0x3b4: {  	[bflag:$0x3] =	sbarrier.arrive $0xFFFF  }
0x3b5: {  	_ =	shalt  }

// kernel: _router.7.cloned.1.call-start
scs
__scs_entry_jumppad:
0x0: {  	(pc) =	sbr.rel $0x88, $3  }
0x1: {  	(tag) =	ssettag $0x0;
	lr =	simm.s32 $0x1  }
0x2: {  	[smem:$0x3F9F] =	sst lr;
	_ =	strace $0xD0000000  }
0x3: {  	_ = 	snop  }
0x4: {  	_ = 	snop  }
0x5: {  	_ = 	snop  }
0x6: {  	_ = 	snop  }
0x7: {  	_ = 	snop  }
__scs_overlays_trampoline_lowered:
0x8: {  	[smem:$0x3FAE] =	sst s0  }
0x9: {  	[smem:$0x3FAF] =	sst s1  }
0xa: {  	[smem:$0x3FB0] =	sst s2  }
0xb: {  	[smem:$0x3FB1] =	sst s3  }
0xc: {  	[smem:$0x3FB2] =	sst s4  }
0xd: {  	[smem:$0x3FB3] =	sst s5  }
0xe: {  	[smem:$0x3FB4] =	sst s6  }
0xf: {  	[smem:$0x3FB5] =	sst s7  }
0x10: {  	[smem:$0x3FB6] =	sst s8  }
0x11: {  	[smem:$0x3FB7] =	sst s9;
	s0 =	simm.s32 @!p0 $0x0  }
0x12: {  	s1 =	sld [smem:$0x3F9D];
	s0 =	simm.s32 @p0 $0x1  }
0x13: {  	[smem:$0x3FB8] =	sst s0;
	s0 =	simm.s32 @!p1 $0x0  }
0x14: {  	s2 =	sld [smem:$0x3F9C];
	s0 =	simm.s32 @p1 $0x1  }
0x15: {  	[smem:$0x3FB9] =	sst s0;
	s0 =	simm.s32 @!p2 $0x0  }
0x16: {  	s3 =	sld [smem:$0x3FDB];
	s0 =	simm.s32 @p2 $0x1  }
0x17: {  	s4 =	simm.s32 $0x1BF5;
	[smem:$0x3FBB] =	sst s0  }
0x18: {  	s0 =	sld [smem:$0x3F9E];
	_ =	swait.ge [sflag:s4], $0x0  }
0x19: {  	s7 =	sld [smem:$0x3F9F]  }
0x1a: {  	s8 =	sadd.s32 $0xFFFFE003, lr  }
0x1b: {  	s9 =	sadd.s32 $0xFFFFFEF7, lr;
	s5 =	simm.s32 $0xFFFFFFFF;
	p2 =	slt.u32 s8, $0xFFFFF086  }
0x1c: {  	p1 =	slt.u32 s9, $0xF7A;
	s5 =	simm.s32 @!p2 $0x0  }
0x1d: {  	s5 =	simm.s32 @p1 $0x1;
	p0 =	seq.s32 s7, s2  }
0x1e: {  	s7 =	smul.u32 @!p0 $0xF7A, s2;
	p2 =	seq.s32 @!p0 s5, $0x0  }
0x1f: {  	s9 =	smul.u32 $0xF7A, s1;
	s8 =	simm.s32 @!p0 $0x1BF5;
	p2 =	por !p2, p0  }
0x20: {  	[sflag:s8] =	ssyncset.s32 @!p0 $0xFFFFF086;
	s6 =	sadd.s32 @!p0 s3, s7;
	s7 =	simm.s32 @!p0 $0x108  }
0x21: {  	s3 =	sadd.s32 s3, s9;
	s6 =	sadd.s32 @!p0 $0x88, s6;
	s7 =	simm.s32 @p2 $0x1082  }
0x22: {  	[simem:s7], [sflag:s8] =	dma.local @!p0 [hbm:s6], $0xF7A  }
0x23: {  	s9 =	sor.u32 $0xD0000000, s2;
	s6 =	simm.s32 $0x108;
	_ =	swait.ge @!p0 [sflag:s8], $0x0  }
0x24: {  	s3 =	sadd.s32 $0x88, s3;
	s6 =	simm.s32 @!p1 $0x1082;
	[sflag:s4] =	ssyncset.s32 $0xFFFFF086  }
0x25: {  	[simem:s6], [sflag:s4] =	dma.local [hbm:s3], $0xF7A  }
0x26: {  	[smem:$0x3F9F] =	sst s1;
	(tag) =	ssettag s2;
	_ =	strace s9  }
0x27: {  	s1 =	sld [smem:$0x3FAF]  }
0x28: {  	s2 =	sld [smem:$0x3FB0]  }
0x29: {  	s4 =	sld [smem:$0x3FB2]  }
0x2a: {  	p0 =	seq.s32 s5, $0x0;
	s5 =	sld [smem:$0x3FB3]  }
0x2b: {  	s6 =	sld [smem:$0x3FB4]  }
0x2c: {  	s7 =	sld [smem:$0x3FB5]  }
0x2d: {  	s3 =	simm.s32 $0x108;
	s8 =	sld [smem:$0x3FB6]  }
0x2e: {  	s3 =	simm.s32 @!p0 $0x1082;
	s9 =	sld [smem:$0x3FB7]  }
0x2f: {  	lr =	sadd.s32 s0, s3;
	s0 =	sld [smem:$0x3FAE]  }
0x30: {  	s3 =	sld [smem:$0x3FB1]  }
0x31: {  	[smem:$0x3FBA] =	sst s10  }
0x32: {  	s10 =	sld [smem:$0x3FB8];
	_ =	sdelay $0x3  }
0x33: {  	p0 =	seq.s32 s10, $0x1;
	s10 =	sld [smem:$0x3FBA];
	_ =	sdelay $0x3  }
0x34: {  	[smem:$0x3FBA] =	sst s10  }
0x35: {  	s10 =	sld [smem:$0x3FB9];
	_ =	sdelay $0x3  }
0x36: {  	p1 =	seq.s32 s10, $0x1;
	s10 =	sld [smem:$0x3FBA];
	_ =	sdelay $0x3  }
0x37: {  	[smem:$0x3FBA] =	sst s10  }
0x38: {  	s10 =	sld [smem:$0x3FBB]  }
0x39: {  	_ = 	snop;
	(pc) =	sbr.ind lr, $3  }
0x3a: {  	_ = 	snop  }
0x3b: {  	_ = 	snop  }
0x3c: {  	p2 =	seq.s32 s10, $0x1;
	s10 =	sld [smem:$0x3FBA]  }
0x3d: {  	_ =	shalt  }
0x3e: {  	_ =	shalt  }
0x3f: {  	_ =	shalt  }
0x40: {  	_ =	shalt  }
0x41: {  	_ =	shalt  }
0x42: {  	_ =	shalt  }
0x43: {  	_ =	shalt  }
0x44: {  	_ =	shalt  }
0x45: {  	_ =	shalt  }
0x46: {  	_ =	shalt  }
0x47: {  	_ =	shalt  }
0x48: {  	_ =	shalt  }
0x49: {  	_ =	shalt  }
0x4a: {  	_ =	shalt  }
0x4b: {  	_ =	shalt  }
0x4c: {  	_ =	shalt  }
0x4d: {  	_ =	shalt  }
0x4e: {  	_ =	shalt  }
0x4f: {  	_ =	shalt  }
0x50: {  	_ =	shalt  }
0x51: {  	_ =	shalt  }
0x52: {  	_ =	shalt  }
0x53: {  	_ =	shalt  }
0x54: {  	_ =	shalt  }
0x55: {  	_ =	shalt  }
0x56: {  	_ =	shalt  }
0x57: {  	_ =	shalt  }
0x58: {  	_ =	shalt  }
0x59: {  	_ =	shalt  }
0x5a: {  	_ =	shalt  }
0x5b: {  	_ =	shalt  }
0x5c: {  	_ =	shalt  }
0x5d: {  	_ =	shalt  }
0x5e: {  	_ =	shalt  }
0x5f: {  	_ =	shalt  }
0x60: {  	_ =	shalt  }
0x61: {  	_ =	shalt  }
0x62: {  	_ =	shalt  }
0x63: {  	_ =	shalt  }
0x64: {  	_ =	shalt  }
0x65: {  	_ =	shalt  }
0x66: {  	_ =	shalt  }
0x67: {  	_ =	shalt  }
0x68: {  	_ =	shalt  }
0x69: {  	_ =	shalt  }
0x6a: {  	_ =	shalt  }
0x6b: {  	_ =	shalt  }
0x6c: {  	_ =	shalt  }
0x6d: {  	_ =	shalt  }
0x6e: {  	_ =	shalt  }
0x6f: {  	_ =	shalt  }
0x70: {  	_ =	shalt  }
0x71: {  	_ =	shalt  }
0x72: {  	_ =	shalt  }
0x73: {  	_ =	shalt  }
0x74: {  	_ =	shalt  }
0x75: {  	_ =	shalt  }
0x76: {  	_ =	shalt  }
0x77: {  	_ =	shalt  }
0x78: {  	_ =	shalt  }
0x79: {  	_ =	shalt  }
0x7a: {  	_ =	shalt  }
0x7b: {  	_ =	shalt  }
0x7c: {  	_ =	shalt  }
0x7d: {  	_ =	shalt  }
0x7e: {  	_ =	shalt  }
0x7f: {  	_ =	shalt  }
0x80: {  	_ =	shalt  }
0x81: {  	_ =	shalt  }
0x82: {  	_ =	shalt  }
0x83: {  	_ =	shalt  }
0x84: {  	_ =	shalt  }
0x85: {  	_ =	shalt  }
0x86: {  	_ =	shalt  }
0x87: {  	_ =	shalt  }
.Lfunc_end0:
.L_simem_size_0:
called_computation.1_lowered:
.L_overlay_start_0:
0x88: {  	s2 =	sld [smem:$0x3FD9]  }
0x89: {  	s3 =	sld [smem:$0x3FFE];
	_ =	sdelay $0x1  }
0x8a: {  	s1 =	srdreg.scid  }
0x8b: {  	s0 =	sand.u32 $0x1, s1  }
0x8c: {  	s17 =	sshll.u32 s0, $0xA;
	s2 =	sadd.s32 s3, s2  }
0x8d: {  	s2 =	sadd.s32 s2, s17  }
0x8e: {  	[smem:$0x3FC6] =	sst s2  }
0x8f: {  	_ = 	snop  }
0x90: {  	s2 =	sld [smem:$0x3FD0];
	(tm) =	ssettm $0x1  }
0x91: {  	s18 =	sld [smem:$0x3FFB];
	_ =	sdelay $0x3  }
0x92: {  	_ =	strace s18  }
0x93: {  	s3 =	sld [smem:$0x3FFC];
	_ =	sdelay $0x3  }
0x94: {  	_ =	strace s3  }
0x95: {  	s3 =	sld [smem:$0x3FFD];
	_ =	sdelay $0x3  }
0x96: {  	_ =	strace s3  }
0x97: {  	_ =	strace $0x8FFFFFFF  }
0x98: {  	s19 =	sld [smem:$0x3FDB];
	_ =	sdelay $0x1  }
0x99: {  	s4 =	simm.s32 $_scs_section_size  }
0x9a: {  	s5 =	simm.s32 $_size__tile_overlayer_lowered;
	s6 =	simm.s32 $_tile_overlayer_lowered  }
0x9b: {  	s22 =	simm.s32 $0x1BFF;
	s21 =	sshll.u32 s6, $0x1;
	s3 =	sadd.s32 s4, s19  }
0x9c: {  	s7 =	simm.s32 $0x0;
	s20 =	sshll.u32 s5, $0x1;
	s5 =	sadd.s32 s21, s3  }
0x9d: {  	[timem:s7], [sflag:s22] =	dma.local [hbm:s5], s20  }
0x9e: {  	_ =	swait.ge [sflag:s22], s20  }
0x9f: {  	s4 =	ssub.s32 $0x0, s20;
	[sflag:s22] =	ssyncset.done $0x0  }
0xa0: {  	[sflag:s22] =	ssyncadd.s32 s4;
	_ =	sdelay $0x1  }
0xa1: {  	s23 =	simm.s32 $0x1B8B  }
0xa2: {  	_ =	swait.ge [sflag:s23], $0x1  }
0xa3: {  	[sflag:s23] =	ssyncset.done $0x0  }
0xa4: {  	s25 =	simm.s32 $0x1B8E;
	s24 =	sld [smem:$0x3FFE];
	[sflag:s23] =	ssyncadd.s32 $0xFFFFFFFF  }
0xa5: {  	s26 =	simm.s32 $execute0_lowered;
	[smem:$0x3FD2] =	sst s25  }
0xa6: {  	s5 =	sshll.u32 s26, $0x1;
	_ =	strace $0x80000049;
	[dreg:$0x1] =	wrdreg $0xFFFFFFFF  }
0xa7: {  	s28 =	simm.s32 $_size_execute0_lowered;
	s3 =	sadd.s32 s3, s5;
	[dreg:$0x0] =	wrdreg $0x0  }
0xa8: {  	s5 =	sshll.u32 s28, $0x1;
	[dreg:$0x2] =	wrdreg s3  }
0xa9: {  	[dreg:$0x3] =	wrdreg s5  }
0xaa: {  	[dreg:$0x4] =	wrdreg $0xC0  }
0xab: {  	_ =	task [dreg:s7], $0x5FFFF  }
0xac: {  	[dreg:$0x1] =	wrdreg $0xFFFFFFFF  }
0xad: {  	[dreg:$0x0] =	wrdreg $0x60  }
0xae: {  	[dreg:$0x2] =	wrdreg s24  }
0xaf: {  	[dreg:$0x3] =	wrdreg s2  }
0xb0: {  	[dreg:$0x4] =	wrdreg $0x9  }
0xb1: {  	_ =	task.clear_ibuf [dreg:s7], $0x5FFFF;
	_ =	strace $0x90000049  }
0xb2: {  	s29 =	simm.s32 $0x9;
	_ =	strace $0x8000004B  }
0xb3: {  	_ =	swait.ge [sflag:s29], $0x1  }
0xb4: {  	[sflag:s29] =	ssyncadd.s32 $0xFFFFFFFF  }
0xb5: {  	_ =	strace $0x9000004B  }
0xb6: {  	_ =	sfence  }
0xb7: {  	s30 =	sld [smem:$0x0];
	_ =	sdelay $0x2  }
0xb8: {  	s31 =	sshll.u32 s1, $0xD;
	s1 =	sshrl.u32 s1, $0x2  }
0xb9: {  	s3 =	sand.u32 $0x4000, s31;
	s1 =	sadd.s32 s1, s30  }
0xba: {  	s0 =	sor.u32 s3, s0;
	s1 =	sshll.u32 s1, $0x11  }
0xbb: {  	s0 =	sor.u32 s1, s0  }
0xbc: {  	s0 =	sadd.s32 $0x8F2B, s0  }
0xbd: {  	[sflag:s0] =	ssyncadd.remote.s32 $0x1  }
0xbe: {  	_ =	sfence.sel $0xFFFF  }
0xbf: {  	[dreg:$0x0] =	wrdreg $0xFFFFFFFF;
	(pc) =	sbr.abs _section_cstart, $3  }
0xc0: {  	[dreg:$0x1] =	wrdreg $0xFFFFFFFF  }
0xc1: {  	_ =	task.clear_ibuf [dreg:s7], $0x2FFFF;
	_ =	strace $0x9FFFFFFF  }
0xc2: {  	(tm) =	ssettm $0x7FFFFFFF  }
0xc3: {  	_ =	shalt  }
tec
execute0_lowered:
.L_overlay_start_1:
0x0: {  	(tag) =	ssettag $0x1  }
0x1: {  	s0 =	srdreg.scid  }
0x2: {  	s8 =	sand.u32 $0x1, s0;
	s0 =	stileid.u32  }
0x3: {  	s3 =	sshll.u32 s0, $0x1;
	s4 =	ssub.s32 $0x0, s8  }
0x4: {  	p0 =	sne.s32 s3, s4  }
.Ltmp0:
0x5: {  	_ = 	snop;
	(pc) =	sbr.rel @p0 .LBB2_4-.Ltmp0, $4  }
0x6: {  	_ = 	snop  }
0x7: {  	s6 =	rddreg [dreg:$0x0]  }
0x8: {  	s2 =	rddreg [dreg:$0x1]  }
0x9: {  	s1 =	rddreg [dreg:$0x2];
	_ =	strace $0x8000004A  }
0xa: {  	s5 =	sadd.s32 $0xC00, s6;
	s4 =	simm.s32 $0x0;
	s3 =	simm.s32 $0x1  }
0xb: {  	[tilespmem:s4], [sflag:$0x1] =	stream.linear.gather [hbm4b:s5+s4], $0x200, $0x38;
	[tilespmem:$0x480] =	vst v63  }
0xc: {  	_ =	swait.ge [sflag:s3], $0x200  }
0xd: {  	[sflag:s3] =	ssyncset.done $0x0  }
0xe: {  	s6 =	sadd.s32 $0xE00, s6;
	s7 =	simm.s32 $0x200;
	[sflag:s3] =	ssyncadd.s32 $0xFFFFFE00  }
0xf: {  	[tilespmem:s7], [sflag:$0x1] =	stream.linear.gather [hbm4b:s6+s4], $0x200, $0x38;
	[tilespmem:$0x480] =	vst v63  }
0x10: {  	_ =	swait.ge [sflag:s3], $0x200  }
0x11: {  	[sflag:s3] =	ssyncset.done $0x0  }
0x12: {  	[sflag:s3] =	ssyncadd.s32 $0xFFFFFE00  }
0x13: {  	v0 =	vld [tilespmem:$0x210]  }
0x14: {  	v1 =	vld [tilespmem:$0x0]  }
0x15: {  	v2 =	vld [tilespmem:$0x10]  }
0x16: {  	v3 =	vld [tilespmem:$0x200];
	_ =	sdelay $0x2  }
0x17: {  	v4 =	vld [tilespmem:$0x220]  }
0x18: {  	v5 =	vld [tilespmem:$0x20]  }
0x19: {  	vm0 =	veq.f32 v2, v1;
	vm1 =	vlt.s32 v0, v3  }
0x1a: {  	vm2 =	vgt.f32 v2, v1;
	vm0 =	vmand vm0, vm1  }
0x1b: {  	v6 =	vld [tilespmem:$0x230];
	vm0 =	vmor vm2, vm0  }
0x1c: {  	v7 =	vld [tilespmem:$0x30];
	v1 =	vsel vm0, v2, v1;
	v0 =	vsel vm0, v0, v3  }
0x1d: {  	vm9 =	veq.f32 v5, v1;
	vm10 =	vlt.s32 v4, v0  }
0x1e: {  	vm11 =	vgt.f32 v5, v1;
	vm0 =	vmand vm9, vm10  }
0x1f: {  	v61 =	vld [tilespmem:$0x240];
	vm0 =	vmor vm11, vm0  }
0x20: {  	v62 =	vld [tilespmem:$0x40];
	v1 =	vsel vm0, v5, v1;
	v0 =	vsel vm0, v4, v0  }
0x21: {  	vm12 =	veq.f32 v7, v1;
	vm13 =	vlt.s32 v6, v0  }
0x22: {  	vm14 =	vgt.f32 v7, v1;
	vm0 =	vmand vm12, vm13  }
0x23: {  	v63 =	vld [tilespmem:$0x250];
	vm0 =	vmor vm14, vm0  }
0x24: {  	v9 =	vld [tilespmem:$0x50];
	v1 =	vsel vm0, v7, v1;
	v0 =	vsel vm0, v6, v0  }
0x25: {  	vm15 =	veq.f32 v62, v1;
	vm4 =	vlt.s32 v61, v0  }
0x26: {  	vm5 =	vgt.f32 v62, v1;
	vm0 =	vmand vm15, vm4  }
0x27: {  	v10 =	vld [tilespmem:$0x260];
	vm0 =	vmor vm5, vm0  }
0x28: {  	v11 =	vld [tilespmem:$0x60];
	v1 =	vsel vm0, v62, v1;
	v0 =	vsel vm0, v61, v0  }
0x29: {  	vm6 =	veq.f32 v9, v1;
	vm7 =	vlt.s32 v63, v0  }
0x2a: {  	vm8 =	vgt.f32 v9, v1;
	vm0 =	vmand vm6, vm7  }
0x2b: {  	v12 =	vld [tilespmem:$0x270];
	vm0 =	vmor vm8, vm0  }
0x2c: {  	v13 =	vld [tilespmem:$0x70];
	v1 =	vsel vm0, v9, v1;
	v0 =	vsel vm0, v63, v0  }
0x2d: {  	vm9 =	veq.f32 v11, v1;
	vm10 =	vlt.s32 v10, v0  }
0x2e: {  	vm11 =	vgt.f32 v11, v1;
	vm0 =	vmand vm9, vm10  }
0x2f: {  	v14 =	vld [tilespmem:$0x280];
	vm0 =	vmor vm11, vm0  }
0x30: {  	v15 =	vld [tilespmem:$0x80];
	v1 =	vsel vm0, v11, v1;
	v0 =	vsel vm0, v10, v0  }
0x31: {  	vm12 =	veq.f32 v13, v1;
	vm13 =	vlt.s32 v12, v0  }
0x32: {  	vm14 =	vgt.f32 v13, v1;
	vm0 =	vmand vm12, vm13  }
0x33: {  	v16 =	vld [tilespmem:$0x290];
	vm0 =	vmor vm14, vm0  }
0x34: {  	v17 =	vld [tilespmem:$0x90];
	v1 =	vsel vm0, v13, v1;
	v0 =	vsel vm0, v12, v0  }
0x35: {  	vm15 =	veq.f32 v15, v1;
	vm4 =	vlt.s32 v14, v0  }
0x36: {  	vm5 =	vgt.f32 v15, v1;
	vm0 =	vmand vm15, vm4  }
0x37: {  	v18 =	vld [tilespmem:$0x2A0];
	vm0 =	vmor vm5, vm0  }
0x38: {  	v19 =	vld [tilespmem:$0xA0];
	v1 =	vsel vm0, v15, v1;
	v0 =	vsel vm0, v14, v0  }
0x39: {  	vm6 =	veq.f32 v17, v1;
	vm7 =	vlt.s32 v16, v0  }
0x3a: {  	vm8 =	vgt.f32 v17, v1;
	vm0 =	vmand vm6, vm7  }
0x3b: {  	v20 =	vld [tilespmem:$0x2B0];
	vm0 =	vmor vm8, vm0  }
0x3c: {  	v21 =	vld [tilespmem:$0xB0];
	v1 =	vsel vm0, v17, v1;
	v0 =	vsel vm0, v16, v0  }
0x3d: {  	vm9 =	veq.f32 v19, v1;
	vm10 =	vlt.s32 v18, v0  }
0x3e: {  	vm11 =	vgt.f32 v19, v1;
	vm0 =	vmand vm9, vm10  }
0x3f: {  	v22 =	vld [tilespmem:$0x2C0];
	vm0 =	vmor vm11, vm0  }
0x40: {  	v23 =	vld [tilespmem:$0xC0];
	v1 =	vsel vm0, v19, v1;
	v0 =	vsel vm0, v18, v0  }
0x41: {  	vm12 =	veq.f32 v21, v1;
	vm13 =	vlt.s32 v20, v0  }
0x42: {  	vm14 =	vgt.f32 v21, v1;
	vm0 =	vmand vm12, vm13  }
0x43: {  	v24 =	vld [tilespmem:$0x2D0];
	vm0 =	vmor vm14, vm0  }
0x44: {  	v25 =	vld [tilespmem:$0xD0];
	v1 =	vsel vm0, v21, v1;
	v0 =	vsel vm0, v20, v0  }
0x45: {  	vm15 =	veq.f32 v23, v1;
	vm4 =	vlt.s32 v22, v0  }
0x46: {  	vm5 =	vgt.f32 v23, v1;
	vm0 =	vmand vm15, vm4  }
0x47: {  	v26 =	vld [tilespmem:$0x2E0];
	vm0 =	vmor vm5, vm0  }
0x48: {  	v27 =	vld [tilespmem:$0xE0];
	v1 =	vsel vm0, v23, v1;
	v0 =	vsel vm0, v22, v0  }
0x49: {  	vm6 =	veq.f32 v25, v1;
	vm7 =	vlt.s32 v24, v0  }
0x4a: {  	vm8 =	vgt.f32 v25, v1;
	vm0 =	vmand vm6, vm7  }
0x4b: {  	v28 =	vld [tilespmem:$0x2F0];
	vm0 =	vmor vm8, vm0  }
0x4c: {  	v29 =	vld [tilespmem:$0xF0];
	v1 =	vsel vm0, v25, v1;
	v0 =	vsel vm0, v24, v0  }
0x4d: {  	vm9 =	veq.f32 v27, v1;
	vm10 =	vlt.s32 v26, v0  }
0x4e: {  	vm11 =	vgt.f32 v27, v1;
	vm0 =	vmand vm9, vm10  }
0x4f: {  	v30 =	vld [tilespmem:$0x300];
	vm0 =	vmor vm11, vm0  }
0x50: {  	v31 =	vld [tilespmem:$0x100];
	v1 =	vsel vm0, v27, v1;
	v0 =	vsel vm0, v26, v0  }
0x51: {  	vm12 =	veq.f32 v29, v1;
	vm13 =	vlt.s32 v28, v0  }
0x52: {  	vm14 =	vgt.f32 v29, v1;
	vm0 =	vmand vm12, vm13  }
0x53: {  	v32 =	vld [tilespmem:$0x310];
	vm0 =	vmor vm14, vm0  }
0x54: {  	v33 =	vld [tilespmem:$0x110];
	v1 =	vsel vm0, v29, v1;
	v0 =	vsel vm0, v28, v0  }
0x55: {  	vm15 =	veq.f32 v31, v1;
	vm4 =	vlt.s32 v30, v0  }
0x56: {  	vm5 =	vgt.f32 v31, v1;
	vm0 =	vmand vm15, vm4  }
0x57: {  	v34 =	vld [tilespmem:$0x320];
	vm0 =	vmor vm5, vm0  }
0x58: {  	v35 =	vld [tilespmem:$0x120];
	v1 =	vsel vm0, v31, v1;
	v0 =	vsel vm0, v30, v0  }
0x59: {  	vm6 =	veq.f32 v33, v1;
	vm7 =	vlt.s32 v32, v0  }
0x5a: {  	vm8 =	vgt.f32 v33, v1;
	vm0 =	vmand vm6, vm7  }
0x5b: {  	v36 =	vld [tilespmem:$0x330];
	vm0 =	vmor vm8, vm0  }
0x5c: {  	v37 =	vld [tilespmem:$0x130];
	v1 =	vsel vm0, v33, v1;
	v0 =	vsel vm0, v32, v0  }
0x5d: {  	vm9 =	veq.f32 v35, v1;
	vm10 =	vlt.s32 v34, v0  }
0x5e: {  	vm11 =	vgt.f32 v35, v1;
	vm0 =	vmand vm9, vm10  }
0x5f: {  	v38 =	vld [tilespmem:$0x340];
	vm0 =	vmor vm11, vm0  }
0x60: {  	v39 =	vld [tilespmem:$0x140];
	v1 =	vsel vm0, v35, v1;
	v0 =	vsel vm0, v34, v0  }
0x61: {  	vm12 =	veq.f32 v37, v1;
	vm13 =	vlt.s32 v36, v0  }
0x62: {  	vm14 =	vgt.f32 v37, v1;
	vm0 =	vmand vm12, vm13  }
0x63: {  	v40 =	vld [tilespmem:$0x350];
	vm0 =	vmor vm14, vm0  }
0x64: {  	v41 =	vld [tilespmem:$0x150];
	v1 =	vsel vm0, v37, v1;
	v0 =	vsel vm0, v36, v0  }
0x65: {  	vm15 =	veq.f32 v39, v1;
	vm4 =	vlt.s32 v38, v0  }
0x66: {  	vm5 =	vgt.f32 v39, v1;
	vm0 =	vmand vm15, vm4  }
0x67: {  	v42 =	vld [tilespmem:$0x360];
	vm0 =	vmor vm5, vm0  }
0x68: {  	v43 =	vld [tilespmem:$0x160];
	v1 =	vsel vm0, v39, v1;
	v0 =	vsel vm0, v38, v0  }
0x69: {  	vm6 =	veq.f32 v41, v1;
	vm7 =	vlt.s32 v40, v0  }
0x6a: {  	vm8 =	vgt.f32 v41, v1;
	vm0 =	vmand vm6, vm7  }
0x6b: {  	v44 =	vld [tilespmem:$0x370];
	vm0 =	vmor vm8, vm0  }
0x6c: {  	v45 =	vld [tilespmem:$0x170];
	v1 =	vsel vm0, v41, v1;
	v0 =	vsel vm0, v40, v0  }
0x6d: {  	vm9 =	veq.f32 v43, v1;
	vm10 =	vlt.s32 v42, v0  }
0x6e: {  	vm11 =	vgt.f32 v43, v1;
	vm0 =	vmand vm9, vm10  }
0x6f: {  	v46 =	vld [tilespmem:$0x380];
	vm0 =	vmor vm11, vm0  }
0x70: {  	v47 =	vld [tilespmem:$0x180];
	v1 =	vsel vm0, v43, v1;
	v0 =	vsel vm0, v42, v0  }
0x71: {  	vm12 =	veq.f32 v45, v1;
	vm13 =	vlt.s32 v44, v0  }
0x72: {  	vm14 =	vgt.f32 v45, v1;
	vm0 =	vmand vm12, vm13  }
0x73: {  	v48 =	vld [tilespmem:$0x390];
	vm0 =	vmor vm14, vm0  }
0x74: {  	v49 =	vld [tilespmem:$0x190];
	v1 =	vsel vm0, v45, v1;
	v0 =	vsel vm0, v44, v0  }
0x75: {  	vm15 =	veq.f32 v47, v1;
	vm4 =	vlt.s32 v46, v0  }
0x76: {  	vm5 =	vgt.f32 v47, v1;
	vm0 =	vmand vm15, vm4  }
0x77: {  	v50 =	vld [tilespmem:$0x3A0];
	vm0 =	vmor vm5, vm0  }
0x78: {  	v51 =	vld [tilespmem:$0x1A0];
	v1 =	vsel vm0, v47, v1;
	v0 =	vsel vm0, v46, v0  }
0x79: {  	vm6 =	veq.f32 v49, v1;
	vm7 =	vlt.s32 v48, v0  }
0x7a: {  	vm8 =	vgt.f32 v49, v1;
	vm0 =	vmand vm6, vm7  }
0x7b: {  	v52 =	vld [tilespmem:$0x3B0];
	vm0 =	vmor vm8, vm0  }
0x7c: {  	v53 =	vld [tilespmem:$0x1B0];
	v1 =	vsel vm0, v49, v1;
	v0 =	vsel vm0, v48, v0  }
0x7d: {  	vm9 =	veq.f32 v51, v1;
	vm10 =	vlt.s32 v50, v0  }
0x7e: {  	vm11 =	vgt.f32 v51, v1;
	vm0 =	vmand vm9, vm10  }
0x7f: {  	v54 =	vld [tilespmem:$0x3C0];
	vm0 =	vmor vm11, vm0  }
0x80: {  	v55 =	vld [tilespmem:$0x1C0];
	v1 =	vsel vm0, v51, v1;
	v0 =	vsel vm0, v50, v0  }
0x81: {  	vm12 =	veq.f32 v53, v1;
	vm13 =	vlt.s32 v52, v0  }
0x82: {  	vm14 =	vgt.f32 v53, v1;
	vm0 =	vmand vm12, vm13  }
0x83: {  	v56 =	vld [tilespmem:$0x3D0];
	vm0 =	vmor vm14, vm0  }
0x84: {  	v57 =	vld [tilespmem:$0x1D0];
	v1 =	vsel vm0, v53, v1;
	v0 =	vsel vm0, v52, v0  }
0x85: {  	vm15 =	veq.f32 v55, v1;
	vm4 =	vlt.s32 v54, v0  }
0x86: {  	vm5 =	vgt.f32 v55, v1;
	vm0 =	vmand vm15, vm4  }
0x87: {  	v58 =	vld [tilespmem:$0x3E0];
	vm0 =	vmor vm5, vm0  }
0x88: {  	v59 =	vld [tilespmem:$0x1E0];
	v1 =	vsel vm0, v55, v1;
	v0 =	vsel vm0, v54, v0  }
0x89: {  	vm6 =	veq.f32 v57, v1;
	vm7 =	vlt.s32 v56, v0  }
0x8a: {  	vm8 =	vgt.f32 v57, v1;
	vm0 =	vmand vm6, vm7  }
0x8b: {  	v60 =	vld [tilespmem:$0x3F0];
	vm0 =	vmor vm8, vm0  }
0x8c: {  	v61 =	vld [tilespmem:$0x1F0];
	v1 =	vsel vm0, v57, v1;
	v0 =	vsel vm0, v56, v0  }
0x8d: {  	vm9 =	veq.f32 v59, v1;
	vm10 =	vlt.s32 v58, v0  }
0x8e: {  	vm11 =	vgt.f32 v59, v1;
	vm0 =	vmand vm9, vm10  }
0x8f: {  	vm0 =	vmor vm11, vm0  }
0x90: {  	v1 =	vsel vm0, v59, v1;
	v0 =	vsel vm0, v58, v0  }
0x91: {  	vm12 =	veq.f32 v61, v1;
	vm13 =	vlt.s32 v60, v0  }
0x92: {  	vm14 =	vgt.f32 v61, v1;
	vm0 =	vmand vm12, vm13  }
0x93: {  	vm0 =	vmor vm14, vm0  }
0x94: {  	v1 =	vsel vm0, v61, v1  }
0x95: {  	(xrf0) =	vmax.scan.msk.f32 $0xffff, v1;
	_ =	sdelay $0x5  }
0x96: {  	v62, _, _ =	vpop (xrf0)  }
0x97: {  	v3 =	vbroadcast v62, $0xF  }
0x98: {  	v0 =	vsel vm0, v60, v0  }
0x99: {  	v0 =	vxor.u32 $0x80000000, v0;
	vm15 =	veq.f32 v1, v3  }
0x9a: {  	v0 =	vnsel vm15, $0xFFFFFFFF, v0  }
0x9b: {  	(xrf0) =	vmin.scan.msk.u32 $0xffff, v0;
	_ =	sdelay $0x5  }
0x9c: {  	v0, _, _ =	vpop (xrf0)  }
0x9d: {  	(v2sf) =	vpush v0, $0xF;
	_ =	sdelay $0x8  }
0x9e: {  	s8 =	ssub.s32 $0x2, s8  }
0x9f: {  	s9 =	sshrl.u32 s8, $0x1  }
0xa0: {  	s8 =	ssub.s32 s8, s9  }
0xa1: {  	s10 =	smax.u32 s8, $0x1  }
0xa2: {  	p0 =	sne.s32 s10, $0x1  }
.Ltmp1:
0xa3: {  	_ = 	snop;
	(pc) =	sbr.rel @!p0 .LBB2_3-.Ltmp1, $4  }
0xa4: {  	s30 =	spop (v2sf)  }
0xa5: {  	s31 =	sxor.u32 $0x80000000, s30  }
0xa6: {  	v63 =	vmov s31  }
0xa7: {  	s8 =	simm.s32 $0x400;
	s9 =	sadd.s32 $0xFFFFFFFF, s10;
	[tilespmem:$0x400] =	vst v63  }
.LBB2_2:
0xa8: {  	[hbm4b:s2+s4] =	stream.linear.scatter [tilespmem:s8], [sflag:$0x1], $0x80, $0x38;
	[tilespmem:$0x480] =	vst v63  }
0xa9: {  	p0 =	sne.s32 s9, $0x1;
	s9 =	sadd.s32 $0xFFFFFFFF, s9;
	_ =	swait.ge [sflag:s3], $0x80  }
0xaa: {  	[sflag:s3] =	ssyncset.done $0x0  }
0xab: {  	[sflag:s3] =	ssyncadd.s32 $0xFFFFFF80  }
0xac: {  	[tilespmem:s4], [sflag:$0x1] =	stream.linear.gather [hbm4b:s5+s4], $0x200, $0x38;
	[tilespmem:$0x480] =	vst v63  }
0xad: {  	_ =	swait.ge [sflag:s3], $0x200  }
0xae: {  	[sflag:s3] =	ssyncset.done $0x0  }
0xaf: {  	[sflag:s3] =	ssyncadd.s32 $0xFFFFFE00  }
0xb0: {  	[tilespmem:s7], [sflag:$0x1] =	stream.linear.gather [hbm4b:s6+s4], $0x200, $0x38;
	[tilespmem:$0x480] =	vst v63  }
0xb1: {  	_ =	swait.ge [sflag:s3], $0x200  }
0xb2: {  	[sflag:s3] =	ssyncset.done $0x0  }
0xb3: {  	[sflag:s3] =	ssyncadd.s32 $0xFFFFFE00  }
0xb4: {  	v0 =	vld [tilespmem:$0x210]  }
0xb5: {  	v1 =	vld [tilespmem:$0x0]  }
0xb6: {  	v2 =	vld [tilespmem:$0x10]  }
0xb7: {  	v3 =	vld [tilespmem:$0x200];
	_ =	sdelay $0x1  }
0xb8: {  	v4 =	vld [tilespmem:$0x220]  }
0xb9: {  	v5 =	vld [tilespmem:$0x20]  }
0xba: {  	vm0 =	vgt.f32 v2, v1;
	vm1 =	veq.f32 v2, v1  }
0xbb: {  	vm2 =	vlt.s32 v0, v3  }
0xbc: {  	vm1 =	vmand vm1, vm2;
	v6 =	vld [tilespmem:$0x230]  }
0xbd: {  	vm0 =	vmor vm0, vm1;
	v7 =	vld [tilespmem:$0x30]  }
0xbe: {  	v1 =	vsel vm0, v2, v1;
	v0 =	vsel vm0, v0, v3  }
0xbf: {  	vm0 =	vgt.f32 v5, v1;
	vm1 =	veq.f32 v5, v1;
	vm2 =	vlt.s32 v4, v0  }
0xc0: {  	vm1 =	vmand vm1, vm2;
	v2 =	vld [tilespmem:$0x240]  }
0xc1: {  	vm0 =	vmor vm0, vm1;
	v3 =	vld [tilespmem:$0x40]  }
0xc2: {  	v1 =	vsel vm0, v5, v1;
	v0 =	vsel vm0, v4, v0  }
0xc3: {  	vm0 =	vgt.f32 v7, v1;
	vm1 =	veq.f32 v7, v1;
	vm2 =	vlt.s32 v6, v0  }
0xc4: {  	vm1 =	vmand vm1, vm2;
	v4 =	vld [tilespmem:$0x250]  }
0xc5: {  	vm0 =	vmor vm0, vm1;
	v5 =	vld [tilespmem:$0x50]  }
0xc6: {  	v1 =	vsel vm0, v7, v1;
	v0 =	vsel vm0, v6, v0  }
0xc7: {  	vm0 =	vgt.f32 v3, v1;
	vm1 =	veq.f32 v3, v1;
	vm2 =	vlt.s32 v2, v0  }
0xc8: {  	vm1 =	vmand vm1, vm2;
	v6 =	vld [tilespmem:$0x260]  }
0xc9: {  	vm0 =	vmor vm0, vm1;
	v7 =	vld [tilespmem:$0x60]  }
0xca: {  	v1 =	vsel vm0, v3, v1;
	v0 =	vsel vm0, v2, v0  }
0xcb: {  	vm0 =	vgt.f32 v5, v1;
	vm1 =	veq.f32 v5, v1;
	vm2 =	vlt.s32 v4, v0  }
0xcc: {  	vm1 =	vmand vm1, vm2;
	v2 =	vld [tilespmem:$0x270]  }
0xcd: {  	vm0 =	vmor vm0, vm1;
	v3 =	vld [tilespmem:$0x70]  }
0xce: {  	v1 =	vsel vm0, v5, v1;
	v0 =	vsel vm0, v4, v0  }
0xcf: {  	vm0 =	vgt.f32 v7, v1;
	vm1 =	veq.f32 v7, v1;
	vm2 =	vlt.s32 v6, v0  }
0xd0: {  	vm1 =	vmand vm1, vm2;
	v4 =	vld [tilespmem:$0x280]  }
0xd1: {  	vm0 =	vmor vm0, vm1;
	v5 =	vld [tilespmem:$0x80]  }
0xd2: {  	v1 =	vsel vm0, v7, v1;
	v0 =	vsel vm0, v6, v0  }
0xd3: {  	vm0 =	vgt.f32 v3, v1;
	vm1 =	veq.f32 v3, v1;
	vm2 =	vlt.s32 v2, v0  }
0xd4: {  	vm1 =	vmand vm1, vm2;
	v6 =	vld [tilespmem:$0x290]  }
0xd5: {  	vm0 =	vmor vm0, vm1;
	v7 =	vld [tilespmem:$0x90]  }
0xd6: {  	v1 =	vsel vm0, v3, v1;
	v0 =	vsel vm0, v2, v0  }
0xd7: {  	vm0 =	vgt.f32 v5, v1;
	vm1 =	veq.f32 v5, v1;
	vm2 =	vlt.s32 v4, v0  }
0xd8: {  	vm1 =	vmand vm1, vm2;
	v2 =	vld [tilespmem:$0x2A0]  }
0xd9: {  	vm0 =	vmor vm0, vm1;
	v3 =	vld [tilespmem:$0xA0]  }
0xda: {  	v1 =	vsel vm0, v5, v1;
	v0 =	vsel vm0, v4, v0  }
0xdb: {  	vm0 =	vgt.f32 v7, v1;
	vm1 =	veq.f32 v7, v1;
	vm2 =	vlt.s32 v6, v0  }
0xdc: {  	vm1 =	vmand vm1, vm2;
	v4 =	vld [tilespmem:$0x2B0]  }
0xdd: {  	vm0 =	vmor vm0, vm1;
	v5 =	vld [tilespmem:$0xB0]  }
0xde: {  	v1 =	vsel vm0, v7, v1;
	v0 =	vsel vm0, v6, v0  }
0xdf: {  	vm0 =	vgt.f32 v3, v1;
	vm1 =	veq.f32 v3, v1;
	vm2 =	vlt.s32 v2, v0  }
0xe0: {  	vm1 =	vmand vm1, vm2;
	v6 =	vld [tilespmem:$0x2C0]  }
0xe1: {  	vm0 =	vmor vm0, vm1;
	v7 =	vld [tilespmem:$0xC0]  }
0xe2: {  	v1 =	vsel vm0, v3, v1;
	v0 =	vsel vm0, v2, v0  }
0xe3: {  	vm0 =	vgt.f32 v5, v1;
	vm1 =	veq.f32 v5, v1;
	vm2 =	vlt.s32 v4, v0  }
0xe4: {  	vm1 =	vmand vm1, vm2;
	v2 =	vld [tilespmem:$0x2D0]  }
0xe5: {  	vm0 =	vmor vm0, vm1;
	v3 =	vld [tilespmem:$0xD0]  }
0xe6: {  	v1 =	vsel vm0, v5, v1;
	v0 =	vsel vm0, v4, v0  }
0xe7: {  	vm0 =	vgt.f32 v7, v1;
	vm1 =	veq.f32 v7, v1;
	vm2 =	vlt.s32 v6, v0  }
0xe8: {  	vm1 =	vmand vm1, vm2;
	v4 =	vld [tilespmem:$0x2E0]  }
0xe9: {  	vm0 =	vmor vm0, vm1;
	v5 =	vld [tilespmem:$0xE0]  }
0xea: {  	v1 =	vsel vm0, v7, v1;
	v0 =	vsel vm0, v6, v0  }
0xeb: {  	vm0 =	vgt.f32 v3, v1;
	vm1 =	veq.f32 v3, v1;
	vm2 =	vlt.s32 v2, v0  }
0xec: {  	vm1 =	vmand vm1, vm2;
	v6 =	vld [tilespmem:$0x2F0]  }
0xed: {  	vm0 =	vmor vm0, vm1;
	v7 =	vld [tilespmem:$0xF0]  }
0xee: {  	v1 =	vsel vm0, v3, v1;
	v0 =	vsel vm0, v2, v0  }
0xef: {  	vm0 =	vgt.f32 v5, v1;
	vm1 =	veq.f32 v5, v1;
	vm2 =	vlt.s32 v4, v0  }
0xf0: {  	vm1 =	vmand vm1, vm2;
	v2 =	vld [tilespmem:$0x300]  }
0xf1: {  	vm0 =	vmor vm0, vm1;
	v3 =	vld [tilespmem:$0x100]  }
0xf2: {  	v1 =	vsel vm0, v5, v1;
	v0 =	vsel vm0, v4, v0  }
0xf3: {  	vm0 =	vgt.f32 v7, v1;
	vm1 =	veq.f32 v7, v1;
	vm2 =	vlt.s32 v6, v0  }
0xf4: {  	vm1 =	vmand vm1, vm2;
	v4 =	vld [tilespmem:$0x310]  }
0xf5: {  	vm0 =	vmor vm0, vm1;
	v5 =	vld [tilespmem:$0x110]  }
0xf6: {  	v1 =	vsel vm0, v7, v1;
	v0 =	vsel vm0, v6, v0  }
0xf7: {  	vm0 =	vgt.f32 v3, v1;
	vm1 =	veq.f32 v3, v1;
	vm2 =	vlt.s32 v2, v0  }
0xf8: {  	vm1 =	vmand vm1, vm2;
	v6 =	vld [tilespmem:$0x320]  }
0xf9: {  	vm0 =	vmor vm0, vm1;
	v7 =	vld [tilespmem:$0x120]  }
0xfa: {  	v1 =	vsel vm0, v3, v1;
	v0 =	vsel vm0, v2, v0  }
0xfb: {  	vm0 =	vgt.f32 v5, v1;
	vm1 =	veq.f32 v5, v1;
	vm2 =	vlt.s32 v4, v0  }
0xfc: {  	vm1 =	vmand vm1, vm2;
	v2 =	vld [tilespmem:$0x330]  }
0xfd: {  	vm0 =	vmor vm0, vm1;
	v3 =	vld [tilespmem:$0x130]  }
0xfe: {  	v1 =	vsel vm0, v5, v1;
	v0 =	vsel vm0, v4, v0  }
0xff: {  	vm0 =	vgt.f32 v7, v1;
	vm1 =	veq.f32 v7, v1;
	vm2 =	vlt.s32 v6, v0  }
0x100: {  	vm1 =	vmand vm1, vm2;
	v4 =	vld [tilespmem:$0x340]  }
0x101: {  	vm0 =	vmor vm0, vm1;
	v5 =	vld [tilespmem:$0x140]  }
0x102: {  	v1 =	vsel vm0, v7, v1;
	v0 =	vsel vm0, v6, v0  }
0x103: {  	vm0 =	vgt.f32 v3, v1;
	vm1 =	veq.f32 v3, v1;
	vm2 =	vlt.s32 v2, v0  }
0x104: {  	vm1 =	vmand vm1, vm2;
	v6 =	vld [tilespmem:$0x350]  }
0x105: {  	vm0 =	vmor vm0, vm1;
	v7 =	vld [tilespmem:$0x150]  }
0x106: {  	v1 =	vsel vm0, v3, v1;
	v0 =	vsel vm0, v2, v0  }
0x107: {  	vm0 =	vgt.f32 v5, v1;
	vm1 =	veq.f32 v5, v1;
	vm2 =	vlt.s32 v4, v0  }
0x108: {  	vm1 =	vmand vm1, vm2;
	v2 =	vld [tilespmem:$0x360]  }
0x109: {  	vm0 =	vmor vm0, vm1;
	v3 =	vld [tilespmem:$0x160]  }
0x10a: {  	v1 =	vsel vm0, v5, v1;
	v0 =	vsel vm0, v4, v0  }
0x10b: {  	vm0 =	vgt.f32 v7, v1;
	vm1 =	veq.f32 v7, v1;
	vm2 =	vlt.s32 v6, v0  }
0x10c: {  	vm1 =	vmand vm1, vm2;
	v4 =	vld [tilespmem:$0x370]  }
0x10d: {  	vm0 =	vmor vm0, vm1;
	v5 =	vld [tilespmem:$0x170]  }
0x10e: {  	v1 =	vsel vm0, v7, v1;
	v0 =	vsel vm0, v6, v0  }
0x10f: {  	vm0 =	vgt.f32 v3, v1;
	vm1 =	veq.f32 v3, v1;
	vm2 =	vlt.s32 v2, v0  }
0x110: {  	vm1 =	vmand vm1, vm2;
	v6 =	vld [tilespmem:$0x380]  }
0x111: {  	vm0 =	vmor vm0, vm1;
	v7 =	vld [tilespmem:$0x180]  }
0x112: {  	v1 =	vsel vm0, v3, v1;
	v0 =	vsel vm0, v2, v0  }
0x113: {  	vm0 =	vgt.f32 v5, v1;
	vm1 =	veq.f32 v5, v1;
	vm2 =	vlt.s32 v4, v0  }
0x114: {  	vm1 =	vmand vm1, vm2;
	v2 =	vld [tilespmem:$0x390]  }
0x115: {  	vm0 =	vmor vm0, vm1;
	v3 =	vld [tilespmem:$0x190]  }
0x116: {  	v1 =	vsel vm0, v5, v1;
	v0 =	vsel vm0, v4, v0  }
0x117: {  	vm0 =	vgt.f32 v7, v1;
	vm1 =	veq.f32 v7, v1;
	vm2 =	vlt.s32 v6, v0  }
0x118: {  	vm1 =	vmand vm1, vm2;
	v4 =	vld [tilespmem:$0x3A0]  }
0x119: {  	vm0 =	vmor vm0, vm1;
	v5 =	vld [tilespmem:$0x1A0]  }
0x11a: {  	v1 =	vsel vm0, v7, v1;
	v0 =	vsel vm0, v6, v0  }
0x11b: {  	vm0 =	vgt.f32 v3, v1;
	vm1 =	veq.f32 v3, v1;
	vm2 =	vlt.s32 v2, v0  }
0x11c: {  	vm1 =	vmand vm1, vm2;
	v6 =	vld [tilespmem:$0x3B0]  }
0x11d: {  	vm0 =	vmor vm0, vm1;
	v7 =	vld [tilespmem:$0x1B0]  }
0x11e: {  	v1 =	vsel vm0, v3, v1;
	v0 =	vsel vm0, v2, v0  }
0x11f: {  	vm0 =	vgt.f32 v5, v1;
	vm1 =	veq.f32 v5, v1;
	vm2 =	vlt.s32 v4, v0  }
0x120: {  	vm1 =	vmand vm1, vm2;
	v2 =	vld [tilespmem:$0x3C0]  }
0x121: {  	vm0 =	vmor vm0, vm1;
	v3 =	vld [tilespmem:$0x1C0]  }
0x122: {  	v1 =	vsel vm0, v5, v1;
	v0 =	vsel vm0, v4, v0  }
0x123: {  	vm0 =	vgt.f32 v7, v1;
	vm1 =	veq.f32 v7, v1;
	vm2 =	vlt.s32 v6, v0  }
0x124: {  	vm1 =	vmand vm1, vm2;
	v4 =	vld [tilespmem:$0x3D0]  }
0x125: {  	vm0 =	vmor vm0, vm1;
	v5 =	vld [tilespmem:$0x1D0]  }
0x126: {  	v1 =	vsel vm0, v7, v1;
	v0 =	vsel vm0, v6, v0  }
0x127: {  	vm0 =	vgt.f32 v3, v1;
	vm1 =	veq.f32 v3, v1;
	vm2 =	vlt.s32 v2, v0  }
0x128: {  	vm1 =	vmand vm1, vm2;
	v6 =	vld [tilespmem:$0x3E0]  }
0x129: {  	vm0 =	vmor vm0, vm1;
	v7 =	vld [tilespmem:$0x1E0]  }
0x12a: {  	v1 =	vsel vm0, v3, v1;
	v0 =	vsel vm0, v2, v0  }
0x12b: {  	vm0 =	vgt.f32 v5, v1;
	vm1 =	veq.f32 v5, v1;
	vm2 =	vlt.s32 v4, v0  }
0x12c: {  	vm1 =	vmand vm1, vm2;
	v2 =	vld [tilespmem:$0x3F0]  }
0x12d: {  	vm0 =	vmor vm0, vm1;
	v3 =	vld [tilespmem:$0x1F0]  }
0x12e: {  	v1 =	vsel vm0, v5, v1;
	v0 =	vsel vm0, v4, v0  }
0x12f: {  	vm0 =	vgt.f32 v7, v1;
	vm1 =	veq.f32 v7, v1;
	vm2 =	vlt.s32 v6, v0  }
0x130: {  	vm1 =	vmand vm1, vm2  }
0x131: {  	vm0 =	vmor vm0, vm1  }
0x132: {  	v1 =	vsel vm0, v7, v1;
	v0 =	vsel vm0, v6, v0  }
0x133: {  	vm0 =	vgt.f32 v3, v1;
	vm1 =	veq.f32 v3, v1;
	vm2 =	vlt.s32 v2, v0  }
0x134: {  	vm1 =	vmand vm1, vm2  }
0x135: {  	vm0 =	vmor vm0, vm1  }
0x136: {  	v1 =	vsel vm0, v3, v1;
	v0 =	vsel vm0, v2, v0  }
0x137: {  	(xrf0) =	vmax.scan.msk.f32 $0xffff, v1;
	_ =	sdelay $0x5  }
0x138: {  	v2, _, _ =	vpop (xrf0)  }
0x139: {  	v2 =	vbroadcast v2, $0xF  }
0x13a: {  	v0 =	vxor.u32 $0x80000000, v0  }
0x13b: {  	vm0 =	veq.f32 v1, v2  }
0x13c: {  	v0 =	vnsel vm0, $0xFFFFFFFF, v0  }
0x13d: {  	(xrf0) =	vmin.scan.msk.u32 $0xffff, v0;
	_ =	sdelay $0x5  }
0x13e: {  	v0, _, _ =	vpop (xrf0)  }
0x13f: {  	(v2sf) =	vpush v0, $0xF;
	_ =	sdelay $0xd  }
.Ltmp2:
0x140: {  	(pc) =	sbr.rel @p0 .LBB2_2-.Ltmp2, $4  }
0x141: {  	s10 =	spop (v2sf)  }
0x142: {  	s10 =	sxor.u32 $0x80000000, s10  }
0x143: {  	v0 =	vmov s10  }
0x144: {  	[tilespmem:$0x400] =	vst v0  }
.LBB2_3:
0x145: {  	[hbm4b:s2+s4] =	stream.linear.scatter [tilespmem:s8], [sflag:$0x1], $0x80, $0x38;
	[tilespmem:$0x480] =	vst v63  }
0x146: {  	_ =	swait.ge [sflag:s3], $0x80  }
0x147: {  	[sflag:s3] =	ssyncset.done $0x0  }
0x148: {  	[sflag:s3] =	ssyncadd.s32 $0xFFFFFF80  }
.LBB2_4:
0x149: {  	_ =	sfence.sel $0x180000  }
0x14a: {  	[bflag:$0x0] =	sbarrier.arrive $0xFFFF  }
0x14b: {  	p0 =	sne.s32 s0, $0x0;
	_ =	strace $0x9000004A  }
0x14c: {  	s0 =	sadd.s32 @!p0 $0x100000, s1;
	[bflag:$0x2] =	sbarrier.arrive $0xFFFF  }
0x14d: {  	[sflag:s0] =	ssyncadd.tile.s32 @!p0 $0x1;
	_ =	shalt  }
.Lfunc_end2:
_tile_overlayer_lowered:
.L_overlay_start_2:
0x14e: {  	(tag) =	ssettag $0x2  }
0x14f: {  	s0 =	rddreg [dreg:$0x0];
	s2 =	stileid.u32  }
0x150: {  	s1 =	rddreg [dreg:$0x1];
	p0 =	sne.s32 s2, $0x0  }
0x151: {  	s3 =	rddreg [dreg:$0x2];
	[bflag:$0x3] =	sbarrier.arrive $0xFFFF;
	s2 =	simm.s32 @!p0 $0x1C01  }
0x152: {  	[timem:s3], [sflag:s2] =	dma.local @!p0 [hbm:s0], s1  }
0x153: {  	s0 =	simm.s32 @!p0 $0x1  }
0x154: {  	_ =	swait.ge @!p0 [sflag:s0], s1  }
0x155: {  	s1 =	ssub.s32 @!p0 $0x0, s1;
	[sflag:s0] =	ssyncset.done @!p0 $0x0  }
0x156: {  	[sflag:s0] =	ssyncadd.s32 @!p0 s1  }
0x157: {  	[bflag:$0x3] =	sbarrier.arrive $0xFFFF  }
0x158: {  	_ =	shalt  }

</sc_bundles>
